<compile_context>
chip_gen: v7x
topology: tpu7x:2x2x1
jax: 0.10.2.dev20260603
libtpu: 0.0.44.dev20260713+nightly
codegen_flags: <defaults>
</compile_context>

<pallas_src>
import functools
import math

import jax
import jax.numpy as jnp
from jax import lax
from jax.experimental import pallas as pl
from jax.experimental.pallas import tpu as pltpu
from jax.experimental.pallas import tpu_sc as plsc

NC = 2
NS = 16
NW = NC * NS
LANES = 16
CHUNK = 128


@functools.lru_cache(maxsize=None)
def _build(B, D):
    assert B % (NW * CHUNK) == 0 and D % LANES == 0
    b_per_w = B // NW
    n_chunks = b_per_w // CHUNK
    groups = CHUNK // LANES
    dvecs = D // LANES
    logc = -0.5 * D * math.log(2.0 * math.pi)
    mesh = plsc.VectorSubcoreMesh(
        core_axis_name="c", subcore_axis_name="s", num_cores=NC, num_subcores=NS
    )

    @functools.partial(
        pl.kernel,
        mesh=mesh,
        out_type=(
            jax.ShapeDtypeStruct((B, D), jnp.float32),
            jax.ShapeDtypeStruct((B // LANES, LANES), jnp.float32),
        ),
        scratch_types=[
            pltpu.VMEM((n_chunks, CHUNK), jnp.int32),
            pltpu.VMEM((CHUNK, D), jnp.float32),
            pltpu.VMEM((CHUNK, D), jnp.float32),
            pltpu.VMEM((CHUNK, D), jnp.float32),
            pltpu.VMEM((CHUNK, D), jnp.float32),
            pltpu.VMEM((b_per_w // LANES, LANES), jnp.float32),
            pltpu.SemaphoreType.DMA,
            pltpu.SemaphoreType.DMA,
            pltpu.SemaphoreType.DMA,
        ],
        compiler_params=pltpu.CompilerParams(needs_layout_passes=False),
    )
    def sc_kernel(y_hbm, loc_hbm, ls_hbm, eps_hbm, z_hbm, lp_hbm,
                  idx_v, loc_v, ls_v, eps_v, z_v, lp_v, sem0, sem1, sem2):
        wid = lax.axis_index("s") * NC + lax.axis_index("c")
        base = wid * b_per_w
        lane = lax.broadcasted_iota(jnp.int32, (LANES,), 0)

        pltpu.sync_copy(y_hbm.at[pl.ds(wid * n_chunks, n_chunks)], idx_v)

        def chunk_body(c, carry):
            row0 = base + c * CHUNK
            cp_loc = pltpu.async_copy(loc_hbm.at[idx_v.at[c]], loc_v, sem0)
            cp_ls = pltpu.async_copy(ls_hbm.at[idx_v.at[c]], ls_v, sem1)
            cp_eps = pltpu.async_copy(eps_hbm.at[pl.ds(row0, CHUNK)], eps_v, sem2)
            cp_loc.wait()
            cp_ls.wait()
            cp_eps.wait()

            def group_body(g, carry2):
                rbase = g * LANES
                lp_vec = jnp.zeros((LANES,), jnp.float32)
                for k in range(LANES):
                    r = rbase + k
                    acc = None
                    for j in range(dvecs):
                        sl = pl.ds(j * LANES, LANES)
                        ls = ls_v[r, sl]
                        e = eps_v[r, sl]
                        lc = loc_v[r, sl]
                        z_v[r, sl] = lc + jnp.exp(ls) * e
                        t = ls + 0.5 * (e * e)
                        acc = t if acc is None else acc + t
                    lp = logc - jnp.sum(acc)
                    lp_vec = jnp.where(lane == k, lp, lp_vec)
                lp_v[c * groups + g, :] = lp_vec
                return carry2

            lax.fori_loop(0, groups, group_body, 0, unroll=False)
            pltpu.sync_copy(z_v, z_hbm.at[pl.ds(row0, CHUNK)])
            return carry

        lax.fori_loop(0, n_chunks, chunk_body, 0, unroll=False)
        pltpu.sync_copy(lp_v, lp_hbm.at[pl.ds(wid * (b_per_w // LANES), b_per_w // LANES)])

    return sc_kernel


@functools.lru_cache(maxsize=None)
def _eps_const(B, D):
    return jax.random.normal(jax.random.key(42), (B, D), dtype=jnp.float32)


def kernel(num_samples, y, loc, log_scale):
    D = loc.shape[0]
    B = y.shape[0]
    loc_t = loc.T
    ls_t = log_scale.T
    eps = _eps_const(B, D)
    y2 = y.reshape(B // CHUNK, CHUNK)
    z, lp = _build(B, D)(y2, loc_t, ls_t, eps)
    return z, lp.reshape(B)

# --- scband reference (transcript-rebuilt; emitter-appended) ---
"""Pipeline reference for scband-class-cond-diag-gaussian-26499948216788 (READ-ONLY COPY).

The authoritative reference and input builder live on the scoring server;
editing this copy changes nothing except your own understanding.
"""

import jax, jax.numpy as jnp
import numpy as np

SHAPE = (128,)
NUM_CLASSES = 1000
BATCH = 16384


def setup_inputs(seed: int = 0) -> dict:
    key = jax.random.key(seed)
    k1, k2, k3 = jax.random.split(key, 3)
    y = jax.random.randint(k1, (BATCH,), 0, NUM_CLASSES, dtype=jnp.int32)
    # learned parameters: loc and log_scale, shape (*SHAPE, num_classes)
    loc = jax.random.normal(k2, SHAPE + (NUM_CLASSES,), dtype=jnp.float32) * 0.02
    log_scale = jax.random.normal(k3, SHAPE + (NUM_CLASSES,), dtype=jnp.float32) * 0.02
    return {"num_samples": BATCH, "y": y, "loc": loc, "log_scale": log_scale}


def reference(num_samples, y, loc, log_scale):
    num_classes = loc.shape[-1]
    n_dim = loc.ndim - 1  # = len(shape)
    num_samples = y.shape[0]
    # one-hot: (num_classes, num_samples), scatter-overwrite
    y_onehot = jnp.zeros((num_classes, num_samples), dtype=loc.dtype)
    y_onehot = y_onehot.at[y, jnp.arange(num_samples)].set(1.0)
    # deterministic eps (module samples internally; fixed key for reproducibility)
    eps = jax.random.normal(jax.random.key(42), (num_samples,) + loc.shape[:-1], dtype=loc.dtype)
    # class-conditional gather via one-hot matmul (faithful to torch `@`)
    perm = tuple([n_dim] + list(range(n_dim)))
    loc_b = jnp.transpose(loc @ y_onehot, perm)
    log_scale_b = jnp.transpose(log_scale @ y_onehot, perm)
    z = loc_b + jnp.exp(log_scale_b) * eps
    d = float(np.prod(loc.shape[:-1]))
    log_p = -0.5 * d * np.log(2 * np.pi) - jnp.sum(
        log_scale_b + 0.5 * jnp.power(eps, 2), axis=tuple(range(1, n_dim + 1))
    )
    return (z, log_p)

if __name__ == "__main__":
    import jax
    _d = setup_inputs()
    print(jax.jit(kernel)(*tuple(_d.values())))

</pallas_src>

<mosaic_0001>
#map = affine_map<(d0, d1) -> (0, 0)>
module attributes {stable_mosaic.version = 14 : i64} {
  func.func @sc_kernel(%arg0: i32, %arg1: i32, %arg2: memref<128x128xi32, #tpu.memory_space<hbm>>, %arg3: memref<1000x128xf32, #tpu.memory_space<hbm>>, %arg4: memref<1000x128xf32, #tpu.memory_space<hbm>>, %arg5: memref<16384x128xf32, #tpu.memory_space<hbm>>, %arg6: memref<16384x128xf32, #tpu.memory_space<hbm>>, %arg7: memref<1024x16xf32, #tpu.memory_space<hbm>>, %arg8: memref<4x128xi32, #tpu.memory_space<vmem>>, %arg9: memref<128x128xf32, #tpu.memory_space<vmem>>, %arg10: memref<128x128xf32, #tpu.memory_space<vmem>>, %arg11: memref<128x128xf32, #tpu.memory_space<vmem>>, %arg12: memref<128x128xf32, #tpu.memory_space<vmem>>, %arg13: memref<32x16xf32, #tpu.memory_space<vmem>>, %arg14: memref<!tpu.dma_semaphore, #tpu.memory_space<semaphore_mem>>, %arg15: memref<!tpu.dma_semaphore, #tpu.memory_space<semaphore_mem>>, %arg16: memref<!tpu.dma_semaphore, #tpu.memory_space<semaphore_mem>>) attributes {dimension_semantics = [#tpu.dimension_semantics<core_parallel>, #tpu.dimension_semantics<subcore_parallel>], iteration_bounds = array<i64: 2, 16>, scalar_prefetch = 0 : i64, scratch_operands = 9 : i64, tpu.core_type = #tpu.core_type<sc_vector_subcore>, window_params = [{transform_indices = #map}, {transform_indices = #map}, {transform_indices = #map}, {transform_indices = #map}, {transform_indices = #map}, {transform_indices = #map}]} {
    %mul3A = arith.constant 2 : i32
    %mul3A_0 = arith.muli %arg1, %mul3A : i32
    %add3A = arith.addi %mul3A_0, %arg0 : i32
    %mul3A_1 = arith.constant 512 : i32
    %mul3A_2 = arith.muli %add3A, %mul3A_1 : i32
    %iota3A = tpu.iota {dimensions = array<i32: 0>} : vector<16xi32>
    %mul3A_3 = arith.constant 4 : i32
    %mul3A_4 = arith.muli %add3A, %mul3A_3 : i32
    "tpu.region"() ({
      %run_scoped3A = tpu.sem_alloc : memref<!tpu.dma_semaphore, #tpu.memory_space<semaphore_mem>>
      %dma_start3A = arith.constant 0 : i32
      %dma_start3A_12 = tpu.memref_slice %arg2[%mul3A_4, %dma_start3A] : memref<128x128xi32, #tpu.memory_space<hbm>> -> memref<4x128xi32, #tpu.memory_space<hbm>>
      %dma_start3A_13 = arith.constant 0 : i32
      %dma_start3A_14 = tpu.memref_slice %arg2[%mul3A_4, %dma_start3A_13] : memref<128x128xi32, #tpu.memory_space<hbm>> -> memref<4x128xi32, #tpu.memory_space<hbm>>
      tpu.enqueue_dma source(%dma_start3A_14 : memref<4x128xi32, #tpu.memory_space<hbm>>) target(%arg8 : memref<4x128xi32, #tpu.memory_space<vmem>>) target_semaphore(%run_scoped3A : memref<!tpu.dma_semaphore, #tpu.memory_space<semaphore_mem>>)
      %dma_wait3A = arith.constant 0 : i32
      %dma_wait3A_15 = tpu.memref_slice %arg2[%mul3A_4, %dma_wait3A] : memref<128x128xi32, #tpu.memory_space<hbm>> -> memref<4x128xi32, #tpu.memory_space<hbm>>
      %dma_wait3A_16 = arith.constant 0 : i32
      %dma_wait3A_17 = tpu.memref_slice %arg2[%mul3A_4, %dma_wait3A_16] : memref<128x128xi32, #tpu.memory_space<hbm>> -> memref<4x128xi32, #tpu.memory_space<hbm>>
      tpu.wait_dma2 semaphore(%run_scoped3A : memref<!tpu.dma_semaphore, #tpu.memory_space<semaphore_mem>>) src(%dma_wait3A_17 : memref<4x128xi32, #tpu.memory_space<hbm>>) dst(%arg8 : memref<4x128xi32, #tpu.memory_space<vmem>>)
      tpu.yield
    }) : () -> ()
    %scan3A = arith.constant 0 : i32
    %scan3A_5 = arith.constant 0 : i32
    %scan3A_6 = arith.constant 4 : i32
    %scan3A_7 = arith.addi %scan3A_5, %scan3A_6 : i32
    %scan3A_8 = arith.constant 1 : i32
    scf.for %scan3A_12 = %scan3A_5 to %scan3A_7 step %scan3A_8  : i32 {
      %mul3A_13 = arith.constant 128 : i32
      %mul3A_14 = arith.muli %scan3A_12, %mul3A_13 : i32
      %add3A_15 = arith.addi %mul3A_2, %mul3A_14 : i32
      %dma_start3A = arith.constant 0 : i32
      %dma_start3A_16 = tpu.memref_slice %arg8[%scan3A_12, %dma_start3A] : memref<4x128xi32, #tpu.memory_space<vmem>> -> memref<1x128xi32, #tpu.memory_space<vmem>>
      %dma_start3A_17 = tpu.memref_squeeze %dma_start3A_16 : memref<1x128xi32, #tpu.memory_space<vmem>> -> memref<128xi32, #tpu.memory_space<vmem>>
      %dma_start3A_18 = arith.constant 0 : i32
      %dma_start3A_19 = arith.constant 0 : i32
      %dma_start3A_20 = tpu.memref_slice %arg3[%dma_start3A_18, %dma_start3A_19] : memref<1000x128xf32, #tpu.memory_space<hbm>> -> memref<1000x128xf32, #tpu.memory_space<hbm>>
      tpu.enqueue_indirect_dma source(%dma_start3A_20 : memref<1000x128xf32, #tpu.memory_space<hbm>>) target(%arg9 : memref<128x128xf32, #tpu.memory_space<vmem>>) offsets(%dma_start3A_17 : memref<128xi32, #tpu.memory_space<vmem>>) semaphore(%arg14 : memref<!tpu.dma_semaphore, #tpu.memory_space<semaphore_mem>>)
      %dma_start3A_21 = arith.constant 0 : i32
      %dma_start3A_22 = tpu.memref_slice %arg8[%scan3A_12, %dma_start3A_21] : memref<4x128xi32, #tpu.memory_space<vmem>> -> memref<1x128xi32, #tpu.memory_space<vmem>>
      %dma_start3A_23 = tpu.memref_squeeze %dma_start3A_22 : memref<1x128xi32, #tpu.memory_space<vmem>> -> memref<128xi32, #tpu.memory_space<vmem>>
      %dma_start3A_24 = arith.constant 0 : i32
      %dma_start3A_25 = arith.constant 0 : i32
      %dma_start3A_26 = tpu.memref_slice %arg4[%dma_start3A_24, %dma_start3A_25] : memref<1000x128xf32, #tpu.memory_space<hbm>> -> memref<1000x128xf32, #tpu.memory_space<hbm>>
      tpu.enqueue_indirect_dma source(%dma_start3A_26 : memref<1000x128xf32, #tpu.memory_space<hbm>>) target(%arg10 : memref<128x128xf32, #tpu.memory_space<vmem>>) offsets(%dma_start3A_23 : memref<128xi32, #tpu.memory_space<vmem>>) semaphore(%arg15 : memref<!tpu.dma_semaphore, #tpu.memory_space<semaphore_mem>>)
      %dma_start3A_27 = arith.constant 0 : i32
      %dma_start3A_28 = tpu.memref_slice %arg5[%add3A_15, %dma_start3A_27] : memref<16384x128xf32, #tpu.memory_space<hbm>> -> memref<128x128xf32, #tpu.memory_space<hbm>>
      %dma_start3A_29 = arith.constant 0 : i32
      %dma_start3A_30 = tpu.memref_slice %arg5[%add3A_15, %dma_start3A_29] : memref<16384x128xf32, #tpu.memory_space<hbm>> -> memref<128x128xf32, #tpu.memory_space<hbm>>
      tpu.enqueue_dma source(%dma_start3A_30 : memref<128x128xf32, #tpu.memory_space<hbm>>) target(%arg11 : memref<128x128xf32, #tpu.memory_space<vmem>>) target_semaphore(%arg16 : memref<!tpu.dma_semaphore, #tpu.memory_space<semaphore_mem>>)
      %dma_wait3A = arith.constant 0 : i32
      %dma_wait3A_31 = tpu.memref_slice %arg8[%scan3A_12, %dma_wait3A] : memref<4x128xi32, #tpu.memory_space<vmem>> -> memref<1x128xi32, #tpu.memory_space<vmem>>
      %dma_wait3A_32 = tpu.memref_squeeze %dma_wait3A_31 : memref<1x128xi32, #tpu.memory_space<vmem>> -> memref<128xi32, #tpu.memory_space<vmem>>
      %dma_wait3A_33 = arith.constant 0 : i32
      %dma_wait3A_34 = arith.constant 0 : i32
      %dma_wait3A_35 = tpu.memref_slice %arg3[%dma_wait3A_33, %dma_wait3A_34] : memref<1000x128xf32, #tpu.memory_space<hbm>> -> memref<1000x128xf32, #tpu.memory_space<hbm>>
      tpu.wait_indirect_dma semaphore(%arg14 : memref<!tpu.dma_semaphore, #tpu.memory_space<semaphore_mem>>) src(%dma_wait3A_35 : memref<1000x128xf32, #tpu.memory_space<hbm>>) dst(%arg9 : memref<128x128xf32, #tpu.memory_space<vmem>>)
      %dma_wait3A_36 = arith.constant 0 : i32
      %dma_wait3A_37 = tpu.memref_slice %arg8[%scan3A_12, %dma_wait3A_36] : memref<4x128xi32, #tpu.memory_space<vmem>> -> memref<1x128xi32, #tpu.memory_space<vmem>>
      %dma_wait3A_38 = tpu.memref_squeeze %dma_wait3A_37 : memref<1x128xi32, #tpu.memory_space<vmem>> -> memref<128xi32, #tpu.memory_space<vmem>>
      %dma_wait3A_39 = arith.constant 0 : i32
      %dma_wait3A_40 = arith.constant 0 : i32
      %dma_wait3A_41 = tpu.memref_slice %arg4[%dma_wait3A_39, %dma_wait3A_40] : memref<1000x128xf32, #tpu.memory_space<hbm>> -> memref<1000x128xf32, #tpu.memory_space<hbm>>
      tpu.wait_indirect_dma semaphore(%arg15 : memref<!tpu.dma_semaphore, #tpu.memory_space<semaphore_mem>>) src(%dma_wait3A_41 : memref<1000x128xf32, #tpu.memory_space<hbm>>) dst(%arg10 : memref<128x128xf32, #tpu.memory_space<vmem>>)
      %dma_wait3A_42 = arith.constant 0 : i32
      %dma_wait3A_43 = tpu.memref_slice %arg5[%add3A_15, %dma_wait3A_42] : memref<16384x128xf32, #tpu.memory_space<hbm>> -> memref<128x128xf32, #tpu.memory_space<hbm>>
      %dma_wait3A_44 = arith.constant 0 : i32
      %dma_wait3A_45 = tpu.memref_slice %arg5[%add3A_15, %dma_wait3A_44] : memref<16384x128xf32, #tpu.memory_space<hbm>> -> memref<128x128xf32, #tpu.memory_space<hbm>>
      tpu.wait_dma2 semaphore(%arg16 : memref<!tpu.dma_semaphore, #tpu.memory_space<semaphore_mem>>) src(%dma_wait3A_45 : memref<128x128xf32, #tpu.memory_space<hbm>>) dst(%arg11 : memref<128x128xf32, #tpu.memory_space<vmem>>)
      %scan3A_46 = arith.constant 0 : i32
      %scan3A_47 = arith.constant 0 : i32
      %scan3A_48 = arith.constant 8 : i32
      %scan3A_49 = arith.addi %scan3A_47, %scan3A_48 : i32
      %scan3A_50 = arith.constant 1 : i32
      scf.for %scan3A_52 = %scan3A_47 to %scan3A_49 step %scan3A_50  : i32 {
        %mul3A_53 = arith.constant 16 : i32
        %mul3A_54 = arith.muli %scan3A_52, %mul3A_53 : i32
        %broadcast_in_dim3A = arith.constant 0.000000e+00 : f32
        %broadcast_in_dim3A_55 = vector.broadcast %broadcast_in_dim3A : f32 to vector<16xf32>
        %add3A_56 = arith.constant 0 : i32
        %add3A_57 = arith.addi %mul3A_54, %add3A_56 : i32
        %get3A = arith.index_cast %add3A_57 : i32 to index
        %get3A_58 = arith.constant 0 : index
        %get3A_59 = tpu.vector_load %arg10[%get3A, %get3A_58] {strides = array<i32>} : memref<128x128xf32, #tpu.memory_space<vmem>>, vector<16xf32>,
        %get3A_60 = arith.index_cast %add3A_57 : i32 to index
        %get3A_61 = arith.constant 0 : index
        %get3A_62 = tpu.vector_load %arg11[%get3A_60, %get3A_61] {strides = array<i32>} : memref<128x128xf32, #tpu.memory_space<vmem>>, vector<16xf32>,
        %get3A_63 = arith.index_cast %add3A_57 : i32 to index
        %get3A_64 = arith.constant 0 : index
        %get3A_65 = tpu.vector_load %arg9[%get3A_63, %get3A_64] {strides = array<i32>} : memref<128x128xf32, #tpu.memory_space<vmem>>, vector<16xf32>,
        %exp3A = math.exp %get3A_59 : vector<16xf32>
        %mul3A_66 = arith.mulf %exp3A, %get3A_62 : vector<16xf32>
        %add3A_67 = arith.addf %get3A_65, %mul3A_66 : vector<16xf32>
        %swap3A = arith.index_cast %add3A_57 : i32 to index
        %swap3A_68 = arith.constant 0 : index
        %swap3A_69 = tpu.vector_load %arg12[%swap3A, %swap3A_68] {strides = array<i32>} : memref<128x128xf32, #tpu.memory_space<vmem>>, vector<16xf32>,
        tpu.vector_store %arg12[%swap3A, %swap3A_68], %add3A_67 {strides = array<i32>} : memref<128x128xf32, #tpu.memory_space<vmem>>, vector<16xf32>,
        %mul3A_70 = arith.mulf %get3A_62, %get3A_62 : vector<16xf32>
        %mul3A_71 = arith.constant 5.000000e-01 : f32
        %mul3A_72 = vector.broadcast %mul3A_71 : f32 to vector<16xf32>
        %mul3A_73 = arith.mulf %mul3A_72, %mul3A_70 : vector<16xf32>
        %add3A_74 = arith.addf %get3A_59, %mul3A_73 : vector<16xf32>
        %get3A_75 = arith.index_cast %add3A_57 : i32 to index
        %get3A_76 = arith.constant 16 : index
        %get3A_77 = tpu.vector_load %arg10[%get3A_75, %get3A_76] {strides = array<i32>} : memref<128x128xf32, #tpu.memory_space<vmem>>, vector<16xf32>,
        %get3A_78 = arith.index_cast %add3A_57 : i32 to index
        %get3A_79 = arith.constant 16 : index
        %get3A_80 = tpu.vector_load %arg11[%get3A_78, %get3A_79] {strides = array<i32>} : memref<128x128xf32, #tpu.memory_space<vmem>>, vector<16xf32>,
        %get3A_81 = arith.index_cast %add3A_57 : i32 to index
        %get3A_82 = arith.constant 16 : index
        %get3A_83 = tpu.vector_load %arg9[%get3A_81, %get3A_82] {strides = array<i32>} : memref<128x128xf32, #tpu.memory_space<vmem>>, vector<16xf32>,
        %exp3A_84 = math.exp %get3A_77 : vector<16xf32>
        %mul3A_85 = arith.mulf %exp3A_84, %get3A_80 : vector<16xf32>
        %add3A_86 = arith.addf %get3A_83, %mul3A_85 : vector<16xf32>
        %swap3A_87 = arith.index_cast %add3A_57 : i32 to index
        %swap3A_88 = arith.constant 16 : index
        %swap3A_89 = tpu.vector_load %arg12[%swap3A_87, %swap3A_88] {strides = array<i32>} : memref<128x128xf32, #tpu.memory_space<vmem>>, vector<16xf32>,
        tpu.vector_store %arg12[%swap3A_87, %swap3A_88], %add3A_86 {strides = array<i32>} : memref<128x128xf32, #tpu.memory_space<vmem>>, vector<16xf32>,
        %mul3A_90 = arith.mulf %get3A_80, %get3A_80 : vector<16xf32>
        %mul3A_91 = arith.constant 5.000000e-01 : f32
        %mul3A_92 = vector.broadcast %mul3A_91 : f32 to vector<16xf32>
        %mul3A_93 = arith.mulf %mul3A_92, %mul3A_90 : vector<16xf32>
        %add3A_94 = arith.addf %get3A_77, %mul3A_93 : vector<16xf32>
        %add3A_95 = arith.addf %add3A_74, %add3A_94 : vector<16xf32>
        %get3A_96 = arith.index_cast %add3A_57 : i32 to index
        %get3A_97 = arith.constant 32 : index
        %get3A_98 = tpu.vector_load %arg10[%get3A_96, %get3A_97] {strides = array<i32>} : memref<128x128xf32, #tpu.memory_space<vmem>>, vector<16xf32>,
        %get3A_99 = arith.index_cast %add3A_57 : i32 to index
        %get3A_100 = arith.constant 32 : index
        %get3A_101 = tpu.vector_load %arg11[%get3A_99, %get3A_100] {strides = array<i32>} : memref<128x128xf32, #tpu.memory_space<vmem>>, vector<16xf32>,
        %get3A_102 = arith.index_cast %add3A_57 : i32 to index
        %get3A_103 = arith.constant 32 : index
        %get3A_104 = tpu.vector_load %arg9[%get3A_102, %get3A_103] {strides = array<i32>} : memref<128x128xf32, #tpu.memory_space<vmem>>, vector<16xf32>,
        %exp3A_105 = math.exp %get3A_98 : vector<16xf32>
        %mul3A_106 = arith.mulf %exp3A_105, %get3A_101 : vector<16xf32>
        %add3A_107 = arith.addf %get3A_104, %mul3A_106 : vector<16xf32>
        %swap3A_108 = arith.index_cast %add3A_57 : i32 to index
        %swap3A_109 = arith.constant 32 : index
        %swap3A_110 = tpu.vector_load %arg12[%swap3A_108, %swap3A_109] {strides = array<i32>} : memref<128x128xf32, #tpu.memory_space<vmem>>, vector<16xf32>,
        tpu.vector_store %arg12[%swap3A_108, %swap3A_109], %add3A_107 {strides = array<i32>} : memref<128x128xf32, #tpu.memory_space<vmem>>, vector<16xf32>,
        %mul3A_111 = arith.mulf %get3A_101, %get3A_101 : vector<16xf32>
        %mul3A_112 = arith.constant 5.000000e-01 : f32
        %mul3A_113 = vector.broadcast %mul3A_112 : f32 to vector<16xf32>
        %mul3A_114 = arith.mulf %mul3A_113, %mul3A_111 : vector<16xf32>
        %add3A_115 = arith.addf %get3A_98, %mul3A_114 : vector<16xf32>
        %add3A_116 = arith.addf %add3A_95, %add3A_115 : vector<16xf32>
        %get3A_117 = arith.index_cast %add3A_57 : i32 to index
        %get3A_118 = arith.constant 48 : index
        %get3A_119 = tpu.vector_load %arg10[%get3A_117, %get3A_118] {strides = array<i32>} : memref<128x128xf32, #tpu.memory_space<vmem>>, vector<16xf32>,
        %get3A_120 = arith.index_cast %add3A_57 : i32 to index
        %get3A_121 = arith.constant 48 : index
        %get3A_122 = tpu.vector_load %arg11[%get3A_120, %get3A_121] {strides = array<i32>} : memref<128x128xf32, #tpu.memory_space<vmem>>, vector<16xf32>,
        %get3A_123 = arith.index_cast %add3A_57 : i32 to index
        %get3A_124 = arith.constant 48 : index
        %get3A_125 = tpu.vector_load %arg9[%get3A_123, %get3A_124] {strides = array<i32>} : memref<128x128xf32, #tpu.memory_space<vmem>>, vector<16xf32>,
        %exp3A_126 = math.exp %get3A_119 : vector<16xf32>
        %mul3A_127 = arith.mulf %exp3A_126, %get3A_122 : vector<16xf32>
        %add3A_128 = arith.addf %get3A_125, %mul3A_127 : vector<16xf32>
        %swap3A_129 = arith.index_cast %add3A_57 : i32 to index
        %swap3A_130 = arith.constant 48 : index
        %swap3A_131 = tpu.vector_load %arg12[%swap3A_129, %swap3A_130] {strides = array<i32>} : memref<128x128xf32, #tpu.memory_space<vmem>>, vector<16xf32>,
        tpu.vector_store %arg12[%swap3A_129, %swap3A_130], %add3A_128 {strides = array<i32>} : memref<128x128xf32, #tpu.memory_space<vmem>>, vector<16xf32>,
        %mul3A_132 = arith.mulf %get3A_122, %get3A_122 : vector<16xf32>
        %mul3A_133 = arith.constant 5.000000e-01 : f32
        %mul3A_134 = vector.broadcast %mul3A_133 : f32 to vector<16xf32>
        %mul3A_135 = arith.mulf %mul3A_134, %mul3A_132 : vector<16xf32>
        %add3A_136 = arith.addf %get3A_119, %mul3A_135 : vector<16xf32>
        %add3A_137 = arith.addf %add3A_116, %add3A_136 : vector<16xf32>
        %get3A_138 = arith.index_cast %add3A_57 : i32 to index
        %get3A_139 = arith.constant 64 : index
        %get3A_140 = tpu.vector_load %arg10[%get3A_138, %get3A_139] {strides = array<i32>} : memref<128x128xf32, #tpu.memory_space<vmem>>, vector<16xf32>,
        %get3A_141 = arith.index_cast %add3A_57 : i32 to index
        %get3A_142 = arith.constant 64 : index
        %get3A_143 = tpu.vector_load %arg11[%get3A_141, %get3A_142] {strides = array<i32>} : memref<128x128xf32, #tpu.memory_space<vmem>>, vector<16xf32>,
        %get3A_144 = arith.index_cast %add3A_57 : i32 to index
        %get3A_145 = arith.constant 64 : index
        %get3A_146 = tpu.vector_load %arg9[%get3A_144, %get3A_145] {strides = array<i32>} : memref<128x128xf32, #tpu.memory_space<vmem>>, vector<16xf32>,
        %exp3A_147 = math.exp %get3A_140 : vector<16xf32>
        %mul3A_148 = arith.mulf %exp3A_147, %get3A_143 : vector<16xf32>
        %add3A_149 = arith.addf %get3A_146, %mul3A_148 : vector<16xf32>
        %swap3A_150 = arith.index_cast %add3A_57 : i32 to index
        %swap3A_151 = arith.constant 64 : index
        %swap3A_152 = tpu.vector_load %arg12[%swap3A_150, %swap3A_151] {strides = array<i32>} : memref<128x128xf32, #tpu.memory_space<vmem>>, vector<16xf32>,
        tpu.vector_store %arg12[%swap3A_150, %swap3A_151], %add3A_149 {strides = array<i32>} : memref<128x128xf32, #tpu.memory_space<vmem>>, vector<16xf32>,
        %mul3A_153 = arith.mulf %get3A_143, %get3A_143 : vector<16xf32>
        %mul3A_154 = arith.constant 5.000000e-01 : f32
        %mul3A_155 = vector.broadcast %mul3A_154 : f32 to vector<16xf32>
        %mul3A_156 = arith.mulf %mul3A_155, %mul3A_153 : vector<16xf32>
        %add3A_157 = arith.addf %get3A_140, %mul3A_156 : vector<16xf32>
        %add3A_158 = arith.addf %add3A_137, %add3A_157 : vector<16xf32>
        %get3A_159 = arith.index_cast %add3A_57 : i32 to index
        %get3A_160 = arith.constant 80 : index
        %get3A_161 = tpu.vector_load %arg10[%get3A_159, %get3A_160] {strides = array<i32>} : memref<128x128xf32, #tpu.memory_space<vmem>>, vector<16xf32>,
        %get3A_162 = arith.index_cast %add3A_57 : i32 to index
        %get3A_163 = arith.constant 80 : index
        %get3A_164 = tpu.vector_load %arg11[%get3A_162, %get3A_163] {strides = array<i32>} : memref<128x128xf32, #tpu.memory_space<vmem>>, vector<16xf32>,
        %get3A_165 = arith.index_cast %add3A_57 : i32 to index
        %get3A_166 = arith.constant 80 : index
        %get3A_167 = tpu.vector_load %arg9[%get3A_165, %get3A_166] {strides = array<i32>} : memref<128x128xf32, #tpu.memory_space<vmem>>, vector<16xf32>,
        %exp3A_168 = math.exp %get3A_161 : vector<16xf32>
        %mul3A_169 = arith.mulf %exp3A_168, %get3A_164 : vector<16xf32>
        %add3A_170 = arith.addf %get3A_167, %mul3A_169 : vector<16xf32>
        %swap3A_171 = arith.index_cast %add3A_57 : i32 to index
        %swap3A_172 = arith.constant 80 : index
        %swap3A_173 = tpu.vector_load %arg12[%swap3A_171, %swap3A_172] {strides = array<i32>} : memref<128x128xf32, #tpu.memory_space<vmem>>, vector<16xf32>,
        tpu.vector_store %arg12[%swap3A_171, %swap3A_172], %add3A_170 {strides = array<i32>} : memref<128x128xf32, #tpu.memory_space<vmem>>, vector<16xf32>,
        %mul3A_174 = arith.mulf %get3A_164, %get3A_164 : vector<16xf32>
        %mul3A_175 = arith.constant 5.000000e-01 : f32
        %mul3A_176 = vector.broadcast %mul3A_175 : f32 to vector<16xf32>
        %mul3A_177 = arith.mulf %mul3A_176, %mul3A_174 : vector<16xf32>
        %add3A_178 = arith.addf %get3A_161, %mul3A_177 : vector<16xf32>
        %add3A_179 = arith.addf %add3A_158, %add3A_178 : vector<16xf32>
        %get3A_180 = arith.index_cast %add3A_57 : i32 to index
        %get3A_181 = arith.constant 96 : index
        %get3A_182 = tpu.vector_load %arg10[%get3A_180, %get3A_181] {strides = array<i32>} : memref<128x128xf32, #tpu.memory_space<vmem>>, vector<16xf32>,
        %get3A_183 = arith.index_cast %add3A_57 : i32 to index
        %get3A_184 = arith.constant 96 : index
        %get3A_185 = tpu.vector_load %arg11[%get3A_183, %get3A_184] {strides = array<i32>} : memref<128x128xf32, #tpu.memory_space<vmem>>, vector<16xf32>,
        %get3A_186 = arith.index_cast %add3A_57 : i32 to index
        %get3A_187 = arith.constant 96 : index
        %get3A_188 = tpu.vector_load %arg9[%get3A_186, %get3A_187] {strides = array<i32>} : memref<128x128xf32, #tpu.memory_space<vmem>>, vector<16xf32>,
        %exp3A_189 = math.exp %get3A_182 : vector<16xf32>
        %mul3A_190 = arith.mulf %exp3A_189, %get3A_185 : vector<16xf32>
        %add3A_191 = arith.addf %get3A_188, %mul3A_190 : vector<16xf32>
        %swap3A_192 = arith.index_cast %add3A_57 : i32 to index
        %swap3A_193 = arith.constant 96 : index
        %swap3A_194 = tpu.vector_load %arg12[%swap3A_192, %swap3A_193] {strides = array<i32>} : memref<128x128xf32, #tpu.memory_space<vmem>>, vector<16xf32>,
        tpu.vector_store %arg12[%swap3A_192, %swap3A_193], %add3A_191 {strides = array<i32>} : memref<128x128xf32, #tpu.memory_space<vmem>>, vector<16xf32>,
        %mul3A_195 = arith.mulf %get3A_185, %get3A_185 : vector<16xf32>
        %mul3A_196 = arith.constant 5.000000e-01 : f32
        %mul3A_197 = vector.broadcast %mul3A_196 : f32 to vector<16xf32>
        %mul3A_198 = arith.mulf %mul3A_197, %mul3A_195 : vector<16xf32>
        %add3A_199 = arith.addf %get3A_182, %mul3A_198 : vector<16xf32>
        %add3A_200 = arith.addf %add3A_179, %add3A_199 : vector<16xf32>
        %get3A_201 = arith.index_cast %add3A_57 : i32 to index
        %get3A_202 = arith.constant 112 : index
        %get3A_203 = tpu.vector_load %arg10[%get3A_201, %get3A_202] {strides = array<i32>} : memref<128x128xf32, #tpu.memory_space<vmem>>, vector<16xf32>,
        %get3A_204 = arith.index_cast %add3A_57 : i32 to index
        %get3A_205 = arith.constant 112 : index
        %get3A_206 = tpu.vector_load %arg11[%get3A_204, %get3A_205] {strides = array<i32>} : memref<128x128xf32, #tpu.memory_space<vmem>>, vector<16xf32>,
        %get3A_207 = arith.index_cast %add3A_57 : i32 to index
        %get3A_208 = arith.constant 112 : index
        %get3A_209 = tpu.vector_load %arg9[%get3A_207, %get3A_208] {strides = array<i32>} : memref<128x128xf32, #tpu.memory_space<vmem>>, vector<16xf32>,
        %exp3A_210 = math.exp %get3A_203 : vector<16xf32>
        %mul3A_211 = arith.mulf %exp3A_210, %get3A_206 : vector<16xf32>
        %add3A_212 = arith.addf %get3A_209, %mul3A_211 : vector<16xf32>
        %swap3A_213 = arith.index_cast %add3A_57 : i32 to index
        %swap3A_214 = arith.constant 112 : index
        %swap3A_215 = tpu.vector_load %arg12[%swap3A_213, %swap3A_214] {strides = array<i32>} : memref<128x128xf32, #tpu.memory_space<vmem>>, vector<16xf32>,
        tpu.vector_store %arg12[%swap3A_213, %swap3A_214], %add3A_212 {strides = array<i32>} : memref<128x128xf32, #tpu.memory_space<vmem>>, vector<16xf32>,
        %mul3A_216 = arith.mulf %get3A_206, %get3A_206 : vector<16xf32>
        %mul3A_217 = arith.constant 5.000000e-01 : f32
        %mul3A_218 = vector.broadcast %mul3A_217 : f32 to vector<16xf32>
        %mul3A_219 = arith.mulf %mul3A_218, %mul3A_216 : vector<16xf32>
        %add3A_220 = arith.addf %get3A_203, %mul3A_219 : vector<16xf32>
        %add3A_221 = arith.addf %add3A_200, %add3A_220 : vector<16xf32>
        %reduce_sum3A = arith.constant true
        %reduce_sum3A_222 = vector.broadcast %reduce_sum3A : i1 to vector<16xi1>
        %reduce_sum3A_223 = tpu.scan <sum>, %add3A_221 masked %reduce_sum3A_222 : vector<16xf32>, vector<16xi1> -> vector<16xf32>
        %reduce_sum3A_224 = vector.extract %reduce_sum3A_223[15] : f32 from vector<16xf32>
        %sub3A = arith.constant -117.62413 : f32
        %sub3A_225 = arith.subf %sub3A, %reduce_sum3A_224 : f32
        %eq3A = arith.constant 0 : i32
        %eq3A_226 = vector.broadcast %eq3A : i32 to vector<16xi32>
        %eq3A_227 = arith.cmpi eq, %iota3A, %eq3A_226 : vector<16xi32>
        %broadcast_in_dim3A_228 = vector.broadcast %sub3A_225 : f32 to vector<16xf32>
        %select_n3A = arith.select %eq3A_227, %broadcast_in_dim3A_228, %broadcast_in_dim3A_55 : vector<16xi1>, vector<16xf32>
        %add3A_229 = arith.constant 1 : i32
        %add3A_230 = arith.addi %mul3A_54, %add3A_229 : i32
        %get3A_231 = arith.index_cast %add3A_230 : i32 to index
        %get3A_232 = arith.constant 0 : index
        %get3A_233 = tpu.vector_load %arg10[%get3A_231, %get3A_232] {strides = array<i32>} : memref<128x128xf32, #tpu.memory_space<vmem>>, vector<16xf32>,
        %get3A_234 = arith.index_cast %add3A_230 : i32 to index
        %get3A_235 = arith.constant 0 : index
        %get3A_236 = tpu.vector_load %arg11[%get3A_234, %get3A_235] {strides = array<i32>} : memref<128x128xf32, #tpu.memory_space<vmem>>, vector<16xf32>,
        %get3A_237 = arith.index_cast %add3A_230 : i32 to index
        %get3A_238 = arith.constant 0 : index
        %get3A_239 = tpu.vector_load %arg9[%get3A_237, %get3A_238] {strides = array<i32>} : memref<128x128xf32, #tpu.memory_space<vmem>>, vector<16xf32>,
        %exp3A_240 = math.exp %get3A_233 : vector<16xf32>
        %mul3A_241 = arith.mulf %exp3A_240, %get3A_236 : vector<16xf32>
        %add3A_242 = arith.addf %get3A_239, %mul3A_241 : vector<16xf32>
        %swap3A_243 = arith.index_cast %add3A_230 : i32 to index
        %swap3A_244 = arith.constant 0 : index
        %swap3A_245 = tpu.vector_load %arg12[%swap3A_243, %swap3A_244] {strides = array<i32>} : memref<128x128xf32, #tpu.memory_space<vmem>>, vector<16xf32>,
        tpu.vector_store %arg12[%swap3A_243, %swap3A_244], %add3A_242 {strides = array<i32>} : memref<128x128xf32, #tpu.memory_space<vmem>>, vector<16xf32>,
        %mul3A_246 = arith.mulf %get3A_236, %get3A_236 : vector<16xf32>
        %mul3A_247 = arith.constant 5.000000e-01 : f32
        %mul3A_248 = vector.broadcast %mul3A_247 : f32 to vector<16xf32>
        %mul3A_249 = arith.mulf %mul3A_248, %mul3A_246 : vector<16xf32>
        %add3A_250 = arith.addf %get3A_233, %mul3A_249 : vector<16xf32>
        %get3A_251 = arith.index_cast %add3A_230 : i32 to index
        %get3A_252 = arith.constant 16 : index
        %get3A_253 = tpu.vector_load %arg10[%get3A_251, %get3A_252] {strides = array<i32>} : memref<128x128xf32, #tpu.memory_space<vmem>>, vector<16xf32>,
        %get3A_254 = arith.index_cast %add3A_230 : i32 to index
        %get3A_255 = arith.constant 16 : index
        %get3A_256 = tpu.vector_load %arg11[%get3A_254, %get3A_255] {strides = array<i32>} : memref<128x128xf32, #tpu.memory_space<vmem>>, vector<16xf32>,
        %get3A_257 = arith.index_cast %add3A_230 : i32 to index
        %get3A_258 = arith.constant 16 : index
        %get3A_259 = tpu.vector_load %arg9[%get3A_257, %get3A_258] {strides = array<i32>} : memref<128x128xf32, #tpu.memory_space<vmem>>, vector<16xf32>,
        %exp3A_260 = math.exp %get3A_253 : vector<16xf32>
        %mul3A_261 = arith.mulf %exp3A_260, %get3A_256 : vector<16xf32>
        %add3A_262 = arith.addf %get3A_259, %mul3A_261 : vector<16xf32>
        %swap3A_263 = arith.index_cast %add3A_230 : i32 to index
        %swap3A_264 = arith.constant 16 : index
        %swap3A_265 = tpu.vector_load %arg12[%swap3A_263, %swap3A_264] {strides = array<i32>} : memref<128x128xf32, #tpu.memory_space<vmem>>, vector<16xf32>,
        tpu.vector_store %arg12[%swap3A_263, %swap3A_264], %add3A_262 {strides = array<i32>} : memref<128x128xf32, #tpu.memory_space<vmem>>, vector<16xf32>,
        %mul3A_266 = arith.mulf %get3A_256, %get3A_256 : vector<16xf32>
        %mul3A_267 = arith.constant 5.000000e-01 : f32
        %mul3A_268 = vector.broadcast %mul3A_267 : f32 to vector<16xf32>
        %mul3A_269 = arith.mulf %mul3A_268, %mul3A_266 : vector<16xf32>
        %add3A_270 = arith.addf %get3A_253, %mul3A_269 : vector<16xf32>
        %add3A_271 = arith.addf %add3A_250, %add3A_270 : vector<16xf32>
        %get3A_272 = arith.index_cast %add3A_230 : i32 to index
        %get3A_273 = arith.constant 32 : index
        %get3A_274 = tpu.vector_load %arg10[%get3A_272, %get3A_273] {strides = array<i32>} : memref<128x128xf32, #tpu.memory_space<vmem>>, vector<16xf32>,
        %get3A_275 = arith.index_cast %add3A_230 : i32 to index
        %get3A_276 = arith.constant 32 : index
        %get3A_277 = tpu.vector_load %arg11[%get3A_275, %get3A_276] {strides = array<i32>} : memref<128x128xf32, #tpu.memory_space<vmem>>, vector<16xf32>,
        %get3A_278 = arith.index_cast %add3A_230 : i32 to index
        %get3A_279 = arith.constant 32 : index
        %get3A_280 = tpu.vector_load %arg9[%get3A_278, %get3A_279] {strides = array<i32>} : memref<128x128xf32, #tpu.memory_space<vmem>>, vector<16xf32>,
        %exp3A_281 = math.exp %get3A_274 : vector<16xf32>
        %mul3A_282 = arith.mulf %exp3A_281, %get3A_277 : vector<16xf32>
        %add3A_283 = arith.addf %get3A_280, %mul3A_282 : vector<16xf32>
        %swap3A_284 = arith.index_cast %add3A_230 : i32 to index
        %swap3A_285 = arith.constant 32 : index
        %swap3A_286 = tpu.vector_load %arg12[%swap3A_284, %swap3A_285] {strides = array<i32>} : memref<128x128xf32, #tpu.memory_space<vmem>>, vector<16xf32>,
        tpu.vector_store %arg12[%swap3A_284, %swap3A_285], %add3A_283 {strides = array<i32>} : memref<128x128xf32, #tpu.memory_space<vmem>>, vector<16xf32>,
        %mul3A_287 = arith.mulf %get3A_277, %get3A_277 : vector<16xf32>
        %mul3A_288 = arith.constant 5.000000e-01 : f32
        %mul3A_289 = vector.broadcast %mul3A_288 : f32 to vector<16xf32>
        %mul3A_290 = arith.mulf %mul3A_289, %mul3A_287 : vector<16xf32>
        %add3A_291 = arith.addf %get3A_274, %mul3A_290 : vector<16xf32>
        %add3A_292 = arith.addf %add3A_271, %add3A_291 : vector<16xf32>
        %get3A_293 = arith.index_cast %add3A_230 : i32 to index
        %get3A_294 = arith.constant 48 : index
        %get3A_295 = tpu.vector_load %arg10[%get3A_293, %get3A_294] {strides = array<i32>} : memref<128x128xf32, #tpu.memory_space<vmem>>, vector<16xf32>,
        %get3A_296 = arith.index_cast %add3A_230 : i32 to index
        %get3A_297 = arith.constant 48 : index
        %get3A_298 = tpu.vector_load %arg11[%get3A_296, %get3A_297] {strides = array<i32>} : memref<128x128xf32, #tpu.memory_space<vmem>>, vector<16xf32>,
        %get3A_299 = arith.index_cast %add3A_230 : i32 to index
        %get3A_300 = arith.constant 48 : index
        %get3A_301 = tpu.vector_load %arg9[%get3A_299, %get3A_300] {strides = array<i32>} : memref<128x128xf32, #tpu.memory_space<vmem>>, vector<16xf32>,
        %exp3A_302 = math.exp %get3A_295 : vector<16xf32>
        %mul3A_303 = arith.mulf %exp3A_302, %get3A_298 : vector<16xf32>
        %add3A_304 = arith.addf %get3A_301, %mul3A_303 : vector<16xf32>
        %swap3A_305 = arith.index_cast %add3A_230 : i32 to index
        %swap3A_306 = arith.constant 48 : index
        %swap3A_307 = tpu.vector_load %arg12[%swap3A_305, %swap3A_306] {strides = array<i32>} : memref<128x128xf32, #tpu.memory_space<vmem>>, vector<16xf32>,
        tpu.vector_store %arg12[%swap3A_305, %swap3A_306], %add3A_304 {strides = array<i32>} : memref<128x128xf32, #tpu.memory_space<vmem>>, vector<16xf32>,
        %mul3A_308 = arith.mulf %get3A_298, %get3A_298 : vector<16xf32>
        %mul3A_309 = arith.constant 5.000000e-01 : f32
        %mul3A_310 = vector.broadcast %mul3A_309 : f32 to vector<16xf32>
        %mul3A_311 = arith.mulf %mul3A_310, %mul3A_308 : vector<16xf32>
        %add3A_312 = arith.addf %get3A_295, %mul3A_311 : vector<16xf32>
        %add3A_313 = arith.addf %add3A_292, %add3A_312 : vector<16xf32>
        %get3A_314 = arith.index_cast %add3A_230 : i32 to index
        %get3A_315 = arith.constant 64 : index
        %get3A_316 = tpu.vector_load %arg10[%get3A_314, %get3A_315] {strides = array<i32>} : memref<128x128xf32, #tpu.memory_space<vmem>>, vector<16xf32>,
        %get3A_317 = arith.index_cast %add3A_230 : i32 to index
        %get3A_318 = arith.constant 64 : index
        %get3A_319 = tpu.vector_load %arg11[%get3A_317, %get3A_318] {strides = array<i32>} : memref<128x128xf32, #tpu.memory_space<vmem>>, vector<16xf32>,
        %get3A_320 = arith.index_cast %add3A_230 : i32 to index
        %get3A_321 = arith.constant 64 : index
        %get3A_322 = tpu.vector_load %arg9[%get3A_320, %get3A_321] {strides = array<i32>} : memref<128x128xf32, #tpu.memory_space<vmem>>, vector<16xf32>,
        %exp3A_323 = math.exp %get3A_316 : vector<16xf32>
        %mul3A_324 = arith.mulf %exp3A_323, %get3A_319 : vector<16xf32>
        %add3A_325 = arith.addf %get3A_322, %mul3A_324 : vector<16xf32>
        %swap3A_326 = arith.index_cast %add3A_230 : i32 to index
        %swap3A_327 = arith.constant 64 : index
        %swap3A_328 = tpu.vector_load %arg12[%swap3A_326, %swap3A_327] {strides = array<i32>} : memref<128x128xf32, #tpu.memory_space<vmem>>, vector<16xf32>,
        tpu.vector_store %arg12[%swap3A_326, %swap3A_327], %add3A_325 {strides = array<i32>} : memref<128x128xf32, #tpu.memory_space<vmem>>, vector<16xf32>,
        %mul3A_329 = arith.mulf %get3A_319, %get3A_319 : vector<16xf32>
        %mul3A_330 = arith.constant 5.000000e-01 : f32
        %mul3A_331 = vector.broadcast %mul3A_330 : f32 to vector<16xf32>
        %mul3A_332 = arith.mulf %mul3A_331, %mul3A_329 : vector<16xf32>
        %add3A_333 = arith.addf %get3A_316, %mul3A_332 : vector<16xf32>
        %add3A_334 = arith.addf %add3A_313, %add3A_333 : vector<16xf32>
        %get3A_335 = arith.index_cast %add3A_230 : i32 to index
        %get3A_336 = arith.constant 80 : index
        %get3A_337 = tpu.vector_load %arg10[%get3A_335, %get3A_336] {strides = array<i32>} : memref<128x128xf32, #tpu.memory_space<vmem>>, vector<16xf32>,
        %get3A_338 = arith.index_cast %add3A_230 : i32 to index
        %get3A_339 = arith.constant 80 : index
        %get3A_340 = tpu.vector_load %arg11[%get3A_338, %get3A_339] {strides = array<i32>} : memref<128x128xf32, #tpu.memory_space<vmem>>, vector<16xf32>,
        %get3A_341 = arith.index_cast %add3A_230 : i32 to index
        %get3A_342 = arith.constant 80 : index
        %get3A_343 = tpu.vector_load %arg9[%get3A_341, %get3A_342] {strides = array<i32>} : memref<128x128xf32, #tpu.memory_space<vmem>>, vector<16xf32>,
        %exp3A_344 = math.exp %get3A_337 : vector<16xf32>
        %mul3A_345 = arith.mulf %exp3A_344, %get3A_340 : vector<16xf32>
        %add3A_346 = arith.addf %get3A_343, %mul3A_345 : vector<16xf32>
        %swap3A_347 = arith.index_cast %add3A_230 : i32 to index
        %swap3A_348 = arith.constant 80 : index
        %swap3A_349 = tpu.vector_load %arg12[%swap3A_347, %swap3A_348] {strides = array<i32>} : memref<128x128xf32, #tpu.memory_space<vmem>>, vector<16xf32>,
        tpu.vector_store %arg12[%swap3A_347, %swap3A_348], %add3A_346 {strides = array<i32>} : memref<128x128xf32, #tpu.memory_space<vmem>>, vector<16xf32>,
        %mul3A_350 = arith.mulf %get3A_340, %get3A_340 : vector<16xf32>
        %mul3A_351 = arith.constant 5.000000e-01 : f32
        %mul3A_352 = vector.broadcast %mul3A_351 : f32 to vector<16xf32>
        %mul3A_353 = arith.mulf %mul3A_352, %mul3A_350 : vector<16xf32>
        %add3A_354 = arith.addf %get3A_337, %mul3A_353 : vector<16xf32>
        %add3A_355 = arith.addf %add3A_334, %add3A_354 : vector<16xf32>
        %get3A_356 = arith.index_cast %add3A_230 : i32 to index
        %get3A_357 = arith.constant 96 : index
        %get3A_358 = tpu.vector_load %arg10[%get3A_356, %get3A_357] {strides = array<i32>} : memref<128x128xf32, #tpu.memory_space<vmem>>, vector<16xf32>,
        %get3A_359 = arith.index_cast %add3A_230 : i32 to index
        %get3A_360 = arith.constant 96 : index
        %get3A_361 = tpu.vector_load %arg11[%get3A_359, %get3A_360] {strides = array<i32>} : memref<128x128xf32, #tpu.memory_space<vmem>>, vector<16xf32>,
        %get3A_362 = arith.index_cast %add3A_230 : i32 to index
        %get3A_363 = arith.constant 96 : index
        %get3A_364 = tpu.vector_load %arg9[%get3A_362, %get3A_363] {strides = array<i32>} : memref<128x128xf32, #tpu.memory_space<vmem>>, vector<16xf32>,
        %exp3A_365 = math.exp %get3A_358 : vector<16xf32>
        %mul3A_366 = arith.mulf %exp3A_365, %get3A_361 : vector<16xf32>
        %add3A_367 = arith.addf %get3A_364, %mul3A_366 : vector<16xf32>
        %swap3A_368 = arith.index_cast %add3A_230 : i32 to index
        %swap3A_369 = arith.constant 96 : index
        %swap3A_370 = tpu.vector_load %arg12[%swap3A_368, %swap3A_369] {strides = array<i32>} : memref<128x128xf32, #tpu.memory_space<vmem>>, vector<16xf32>,
        tpu.vector_store %arg12[%swap3A_368, %swap3A_369], %add3A_367 {strides = array<i32>} : memref<128x128xf32, #tpu.memory_space<vmem>>, vector<16xf32>,
        %mul3A_371 = arith.mulf %get3A_361, %get3A_361 : vector<16xf32>
        %mul3A_372 = arith.constant 5.000000e-01 : f32
        %mul3A_373 = vector.broadcast %mul3A_372 : f32 to vector<16xf32>
        %mul3A_374 = arith.mulf %mul3A_373, %mul3A_371 : vector<16xf32>
        %add3A_375 = arith.addf %get3A_358, %mul3A_374 : vector<16xf32>
        %add3A_376 = arith.addf %add3A_355, %add3A_375 : vector<16xf32>
        %get3A_377 = arith.index_cast %add3A_230 : i32 to index
        %get3A_378 = arith.constant 112 : index
        %get3A_379 = tpu.vector_load %arg10[%get3A_377, %get3A_378] {strides = array<i32>} : memref<128x128xf32, #tpu.memory_space<vmem>>, vector<16xf32>,
        %get3A_380 = arith.index_cast %add3A_230 : i32 to index
        %get3A_381 = arith.constant 112 : index
        %get3A_382 = tpu.vector_load %arg11[%get3A_380, %get3A_381] {strides = array<i32>} : memref<128x128xf32, #tpu.memory_space<vmem>>, vector<16xf32>,
        %get3A_383 = arith.index_cast %add3A_230 : i32 to index
        %get3A_384 = arith.constant 112 : index
        %get3A_385 = tpu.vector_load %arg9[%get3A_383, %get3A_384] {strides = array<i32>} : memref<128x128xf32, #tpu.memory_space<vmem>>, vector<16xf32>,
        %exp3A_386 = math.exp %get3A_379 : vector<16xf32>
        %mul3A_387 = arith.mulf %exp3A_386, %get3A_382 : vector<16xf32>
        %add3A_388 = arith.addf %get3A_385, %mul3A_387 : vector<16xf32>
        %swap3A_389 = arith.index_cast %add3A_230 : i32 to index
        %swap3A_390 = arith.constant 112 : index
        %swap3A_391 = tpu.vector_load %arg12[%swap3A_389, %swap3A_390] {strides = array<i32>} : memref<128x128xf32, #tpu.memory_space<vmem>>, vector<16xf32>,
        tpu.vector_store %arg12[%swap3A_389, %swap3A_390], %add3A_388 {strides = array<i32>} : memref<128x128xf32, #tpu.memory_space<vmem>>, vector<16xf32>,
        %mul3A_392 = arith.mulf %get3A_382, %get3A_382 : vector<16xf32>
        %mul3A_393 = arith.constant 5.000000e-01 : f32
        %mul3A_394 = vector.broadcast %mul3A_393 : f32 to vector<16xf32>
        %mul3A_395 = arith.mulf %mul3A_394, %mul3A_392 : vector<16xf32>
        %add3A_396 = arith.addf %get3A_379, %mul3A_395 : vector<16xf32>
        %add3A_397 = arith.addf %add3A_376, %add3A_396 : vector<16xf32>
        %reduce_sum3A_398 = arith.constant true
        %reduce_sum3A_399 = vector.broadcast %reduce_sum3A_398 : i1 to vector<16xi1>
        %reduce_sum3A_400 = tpu.scan <sum>, %add3A_397 masked %reduce_sum3A_399 : vector<16xf32>, vector<16xi1> -> vector<16xf32>
        %reduce_sum3A_401 = vector.extract %reduce_sum3A_400[15] : f32 from vector<16xf32>
        %sub3A_402 = arith.constant -117.62413 : f32
        %sub3A_403 = arith.subf %sub3A_402, %reduce_sum3A_401 : f32
        %eq3A_404 = arith.constant 1 : i32
        %eq3A_405 = vector.broadcast %eq3A_404 : i32 to vector<16xi32>
        %eq3A_406 = arith.cmpi eq, %iota3A, %eq3A_405 : vector<16xi32>
        %broadcast_in_dim3A_407 = vector.broadcast %sub3A_403 : f32 to vector<16xf32>
        %select_n3A_408 = arith.select %eq3A_406, %broadcast_in_dim3A_407, %select_n3A : vector<16xi1>, vector<16xf32>
        %add3A_409 = arith.constant 2 : i32
        %add3A_410 = arith.addi %mul3A_54, %add3A_409 : i32
        %get3A_411 = arith.index_cast %add3A_410 : i32 to index
        %get3A_412 = arith.constant 0 : index
        %get3A_413 = tpu.vector_load %arg10[%get3A_411, %get3A_412] {strides = array<i32>} : memref<128x128xf32, #tpu.memory_space<vmem>>, vector<16xf32>,
        %get3A_414 = arith.index_cast %add3A_410 : i32 to index
        %get3A_415 = arith.constant 0 : index
        %get3A_416 = tpu.vector_load %arg11[%get3A_414, %get3A_415] {strides = array<i32>} : memref<128x128xf32, #tpu.memory_space<vmem>>, vector<16xf32>,
        %get3A_417 = arith.index_cast %add3A_410 : i32 to index
        %get3A_418 = arith.constant 0 : index
        %get3A_419 = tpu.vector_load %arg9[%get3A_417, %get3A_418] {strides = array<i32>} : memref<128x128xf32, #tpu.memory_space<vmem>>, vector<16xf32>,
        %exp3A_420 = math.exp %get3A_413 : vector<16xf32>
        %mul3A_421 = arith.mulf %exp3A_420, %get3A_416 : vector<16xf32>
        %add3A_422 = arith.addf %get3A_419, %mul3A_421 : vector<16xf32>
        %swap3A_423 = arith.index_cast %add3A_410 : i32 to index
        %swap3A_424 = arith.constant 0 : index
        %swap3A_425 = tpu.vector_load %arg12[%swap3A_423, %swap3A_424] {strides = array<i32>} : memref<128x128xf32, #tpu.memory_space<vmem>>, vector<16xf32>,
        tpu.vector_store %arg12[%swap3A_423, %swap3A_424], %add3A_422 {strides = array<i32>} : memref<128x128xf32, #tpu.memory_space<vmem>>, vector<16xf32>,
        %mul3A_426 = arith.mulf %get3A_416, %get3A_416 : vector<16xf32>
        %mul3A_427 = arith.constant 5.000000e-01 : f32
        %mul3A_428 = vector.broadcast %mul3A_427 : f32 to vector<16xf32>
        %mul3A_429 = arith.mulf %mul3A_428, %mul3A_426 : vector<16xf32>
        %add3A_430 = arith.addf %get3A_413, %mul3A_429 : vector<16xf32>
        %get3A_431 = arith.index_cast %add3A_410 : i32 to index
        %get3A_432 = arith.constant 16 : index
        %get3A_433 = tpu.vector_load %arg10[%get3A_431, %get3A_432] {strides = array<i32>} : memref<128x128xf32, #tpu.memory_space<vmem>>, vector<16xf32>,
        %get3A_434 = arith.index_cast %add3A_410 : i32 to index
        %get3A_435 = arith.constant 16 : index
        %get3A_436 = tpu.vector_load %arg11[%get3A_434, %get3A_435] {strides = array<i32>} : memref<128x128xf32, #tpu.memory_space<vmem>>, vector<16xf32>,
        %get3A_437 = arith.index_cast %add3A_410 : i32 to index
        %get3A_438 = arith.constant 16 : index
        %get3A_439 = tpu.vector_load %arg9[%get3A_437, %get3A_438] {strides = array<i32>} : memref<128x128xf32, #tpu.memory_space<vmem>>, vector<16xf32>,
        %exp3A_440 = math.exp %get3A_433 : vector<16xf32>
        %mul3A_441 = arith.mulf %exp3A_440, %get3A_436 : vector<16xf32>
        %add3A_442 = arith.addf %get3A_439, %mul3A_441 : vector<16xf32>
        %swap3A_443 = arith.index_cast %add3A_410 : i32 to index
        %swap3A_444 = arith.constant 16 : index
        %swap3A_445 = tpu.vector_load %arg12[%swap3A_443, %swap3A_444] {strides = array<i32>} : memref<128x128xf32, #tpu.memory_space<vmem>>, vector<16xf32>,
        tpu.vector_store %arg12[%swap3A_443, %swap3A_444], %add3A_442 {strides = array<i32>} : memref<128x128xf32, #tpu.memory_space<vmem>>, vector<16xf32>,
        %mul3A_446 = arith.mulf %get3A_436, %get3A_436 : vector<16xf32>
        %mul3A_447 = arith.constant 5.000000e-01 : f32
        %mul3A_448 = vector.broadcast %mul3A_447 : f32 to vector<16xf32>
        %mul3A_449 = arith.mulf %mul3A_448, %mul3A_446 : vector<16xf32>
        %add3A_450 = arith.addf %get3A_433, %mul3A_449 : vector<16xf32>
        %add3A_451 = arith.addf %add3A_430, %add3A_450 : vector<16xf32>
        %get3A_452 = arith.index_cast %add3A_410 : i32 to index
        %get3A_453 = arith.constant 32 : index
        %get3A_454 = tpu.vector_load %arg10[%get3A_452, %get3A_453] {strides = array<i32>} : memref<128x128xf32, #tpu.memory_space<vmem>>, vector<16xf32>,
        %get3A_455 = arith.index_cast %add3A_410 : i32 to index
        %get3A_456 = arith.constant 32 : index
        %get3A_457 = tpu.vector_load %arg11[%get3A_455, %get3A_456] {strides = array<i32>} : memref<128x128xf32, #tpu.memory_space<vmem>>, vector<16xf32>,
        %get3A_458 = arith.index_cast %add3A_410 : i32 to index
        %get3A_459 = arith.constant 32 : index
        %get3A_460 = tpu.vector_load %arg9[%get3A_458, %get3A_459] {strides = array<i32>} : memref<128x128xf32, #tpu.memory_space<vmem>>, vector<16xf32>,
        %exp3A_461 = math.exp %get3A_454 : vector<16xf32>
        %mul3A_462 = arith.mulf %exp3A_461, %get3A_457 : vector<16xf32>
        %add3A_463 = arith.addf %get3A_460, %mul3A_462 : vector<16xf32>
        %swap3A_464 = arith.index_cast %add3A_410 : i32 to index
        %swap3A_465 = arith.constant 32 : index
        %swap3A_466 = tpu.vector_load %arg12[%swap3A_464, %swap3A_465] {strides = array<i32>} : memref<128x128xf32, #tpu.memory_space<vmem>>, vector<16xf32>,
        tpu.vector_store %arg12[%swap3A_464, %swap3A_465], %add3A_463 {strides = array<i32>} : memref<128x128xf32, #tpu.memory_space<vmem>>, vector<16xf32>,
        %mul3A_467 = arith.mulf %get3A_457, %get3A_457 : vector<16xf32>
        %mul3A_468 = arith.constant 5.000000e-01 : f32
        %mul3A_469 = vector.broadcast %mul3A_468 : f32 to vector<16xf32>
        %mul3A_470 = arith.mulf %mul3A_469, %mul3A_467 : vector<16xf32>
        %add3A_471 = arith.addf %get3A_454, %mul3A_470 : vector<16xf32>
        %add3A_472 = arith.addf %add3A_451, %add3A_471 : vector<16xf32>
        %get3A_473 = arith.index_cast %add3A_410 : i32 to index
        %get3A_474 = arith.constant 48 : index
        %get3A_475 = tpu.vector_load %arg10[%get3A_473, %get3A_474] {strides = array<i32>} : memref<128x128xf32, #tpu.memory_space<vmem>>, vector<16xf32>,
        %get3A_476 = arith.index_cast %add3A_410 : i32 to index
        %get3A_477 = arith.constant 48 : index
        %get3A_478 = tpu.vector_load %arg11[%get3A_476, %get3A_477] {strides = array<i32>} : memref<128x128xf32, #tpu.memory_space<vmem>>, vector<16xf32>,
        %get3A_479 = arith.index_cast %add3A_410 : i32 to index
        %get3A_480 = arith.constant 48 : index
        %get3A_481 = tpu.vector_load %arg9[%get3A_479, %get3A_480] {strides = array<i32>} : memref<128x128xf32, #tpu.memory_space<vmem>>, vector<16xf32>,
        %exp3A_482 = math.exp %get3A_475 : vector<16xf32>
        %mul3A_483 = arith.mulf %exp3A_482, %get3A_478 : vector<16xf32>
        %add3A_484 = arith.addf %get3A_481, %mul3A_483 : vector<16xf32>
        %swap3A_485 = arith.index_cast %add3A_410 : i32 to index
        %swap3A_486 = arith.constant 48 : index
        %swap3A_487 = tpu.vector_load %arg12[%swap3A_485, %swap3A_486] {strides = array<i32>} : memref<128x128xf32, #tpu.memory_space<vmem>>, vector<16xf32>,
        tpu.vector_store %arg12[%swap3A_485, %swap3A_486], %add3A_484 {strides = array<i32>} : memref<128x128xf32, #tpu.memory_space<vmem>>, vector<16xf32>,
        %mul3A_488 = arith.mulf %get3A_478, %get3A_478 : vector<16xf32>
        %mul3A_489 = arith.constant 5.000000e-01 : f32
        %mul3A_490 = vector.broadcast %mul3A_489 : f32 to vector<16xf32>
        %mul3A_491 = arith.mulf %mul3A_490, %mul3A_488 : vector<16xf32>
        %add3A_492 = arith.addf %get3A_475, %mul3A_491 : vector<16xf32>
        %add3A_493 = arith.addf %add3A_472, %add3A_492 : vector<16xf32>
        %get3A_494 = arith.index_cast %add3A_410 : i32 to index
        %get3A_495 = arith.constant 64 : index
        %get3A_496 = tpu.vector_load %arg10[%get3A_494, %get3A_495] {strides = array<i32>} : memref<128x128xf32, #tpu.memory_space<vmem>>, vector<16xf32>,
        %get3A_497 = arith.index_cast %add3A_410 : i32 to index
        %get3A_498 = arith.constant 64 : index
        %get3A_499 = tpu.vector_load %arg11[%get3A_497, %get3A_498] {strides = array<i32>} : memref<128x128xf32, #tpu.memory_space<vmem>>, vector<16xf32>,
        %get3A_500 = arith.index_cast %add3A_410 : i32 to index
        %get3A_501 = arith.constant 64 : index
        %get3A_502 = tpu.vector_load %arg9[%get3A_500, %get3A_501] {strides = array<i32>} : memref<128x128xf32, #tpu.memory_space<vmem>>, vector<16xf32>,
        %exp3A_503 = math.exp %get3A_496 : vector<16xf32>
        %mul3A_504 = arith.mulf %exp3A_503, %get3A_499 : vector<16xf32>
        %add3A_505 = arith.addf %get3A_502, %mul3A_504 : vector<16xf32>
        %swap3A_506 = arith.index_cast %add3A_410 : i32 to index
        %swap3A_507 = arith.constant 64 : index
        %swap3A_508 = tpu.vector_load %arg12[%swap3A_506, %swap3A_507] {strides = array<i32>} : memref<128x128xf32, #tpu.memory_space<vmem>>, vector<16xf32>,
        tpu.vector_store %arg12[%swap3A_506, %swap3A_507], %add3A_505 {strides = array<i32>} : memref<128x128xf32, #tpu.memory_space<vmem>>, vector<16xf32>,
        %mul3A_509 = arith.mulf %get3A_499, %get3A_499 : vector<16xf32>
        %mul3A_510 = arith.constant 5.000000e-01 : f32
        %mul3A_511 = vector.broadcast %mul3A_510 : f32 to vector<16xf32>
        %mul3A_512 = arith.mulf %mul3A_511, %mul3A_509 : vector<16xf32>
        %add3A_513 = arith.addf %get3A_496, %mul3A_512 : vector<16xf32>
        %add3A_514 = arith.addf %add3A_493, %add3A_513 : vector<16xf32>
        %get3A_515 = arith.index_cast %add3A_410 : i32 to index
        %get3A_516 = arith.constant 80 : index
        %get3A_517 = tpu.vector_load %arg10[%get3A_515, %get3A_516] {strides = array<i32>} : memref<128x128xf32, #tpu.memory_space<vmem>>, vector<16xf32>,
        %get3A_518 = arith.index_cast %add3A_410 : i32 to index
        %get3A_519 = arith.constant 80 : index
        %get3A_520 = tpu.vector_load %arg11[%get3A_518, %get3A_519] {strides = array<i32>} : memref<128x128xf32, #tpu.memory_space<vmem>>, vector<16xf32>,
        %get3A_521 = arith.index_cast %add3A_410 : i32 to index
        %get3A_522 = arith.constant 80 : index
        %get3A_523 = tpu.vector_load %arg9[%get3A_521, %get3A_522] {strides = array<i32>} : memref<128x128xf32, #tpu.memory_space<vmem>>, vector<16xf32>,
        %exp3A_524 = math.exp %get3A_517 : vector<16xf32>
        %mul3A_525 = arith.mulf %exp3A_524, %get3A_520 : vector<16xf32>
        %add3A_526 = arith.addf %get3A_523, %mul3A_525 : vector<16xf32>
        %swap3A_527 = arith.index_cast %add3A_410 : i32 to index
        %swap3A_528 = arith.constant 80 : index
        %swap3A_529 = tpu.vector_load %arg12[%swap3A_527, %swap3A_528] {strides = array<i32>} : memref<128x128xf32, #tpu.memory_space<vmem>>, vector<16xf32>,
        tpu.vector_store %arg12[%swap3A_527, %swap3A_528], %add3A_526 {strides = array<i32>} : memref<128x128xf32, #tpu.memory_space<vmem>>, vector<16xf32>,
        %mul3A_530 = arith.mulf %get3A_520, %get3A_520 : vector<16xf32>
        %mul3A_531 = arith.constant 5.000000e-01 : f32
        %mul3A_532 = vector.broadcast %mul3A_531 : f32 to vector<16xf32>
        %mul3A_533 = arith.mulf %mul3A_532, %mul3A_530 : vector<16xf32>
        %add3A_534 = arith.addf %get3A_517, %mul3A_533 : vector<16xf32>
        %add3A_535 = arith.addf %add3A_514, %add3A_534 : vector<16xf32>
        %get3A_536 = arith.index_cast %add3A_410 : i32 to index
        %get3A_537 = arith.constant 96 : index
        %get3A_538 = tpu.vector_load %arg10[%get3A_536, %get3A_537] {strides = array<i32>} : memref<128x128xf32, #tpu.memory_space<vmem>>, vector<16xf32>,
        %get3A_539 = arith.index_cast %add3A_410 : i32 to index
        %get3A_540 = arith.constant 96 : index
        %get3A_541 = tpu.vector_load %arg11[%get3A_539, %get3A_540] {strides = array<i32>} : memref<128x128xf32, #tpu.memory_space<vmem>>, vector<16xf32>,
        %get3A_542 = arith.index_cast %add3A_410 : i32 to index
        %get3A_543 = arith.constant 96 : index
        %get3A_544 = tpu.vector_load %arg9[%get3A_542, %get3A_543] {strides = array<i32>} : memref<128x128xf32, #tpu.memory_space<vmem>>, vector<16xf32>,
        %exp3A_545 = math.exp %get3A_538 : vector<16xf32>
        %mul3A_546 = arith.mulf %exp3A_545, %get3A_541 : vector<16xf32>
        %add3A_547 = arith.addf %get3A_544, %mul3A_546 : vector<16xf32>
        %swap3A_548 = arith.index_cast %add3A_410 : i32 to index
        %swap3A_549 = arith.constant 96 : index
        %swap3A_550 = tpu.vector_load %arg12[%swap3A_548, %swap3A_549] {strides = array<i32>} : memref<128x128xf32, #tpu.memory_space<vmem>>, vector<16xf32>,
        tpu.vector_store %arg12[%swap3A_548, %swap3A_549], %add3A_547 {strides = array<i32>} : memref<128x128xf32, #tpu.memory_space<vmem>>, vector<16xf32>,
        %mul3A_551 = arith.mulf %get3A_541, %get3A_541 : vector<16xf32>
        %mul3A_552 = arith.constant 5.000000e-01 : f32
        %mul3A_553 = vector.broadcast %mul3A_552 : f32 to vector<16xf32>
        %mul3A_554 = arith.mulf %mul3A_553, %mul3A_551 : vector<16xf32>
        %add3A_555 = arith.addf %get3A_538, %mul3A_554 : vector<16xf32>
        %add3A_556 = arith.addf %add3A_535, %add3A_555 : vector<16xf32>
        %get3A_557 = arith.index_cast %add3A_410 : i32 to index
        %get3A_558 = arith.constant 112 : index
        %get3A_559 = tpu.vector_load %arg10[%get3A_557, %get3A_558] {strides = array<i32>} : memref<128x128xf32, #tpu.memory_space<vmem>>, vector<16xf32>,
        %get3A_560 = arith.index_cast %add3A_410 : i32 to index
        %get3A_561 = arith.constant 112 : index
        %get3A_562 = tpu.vector_load %arg11[%get3A_560, %get3A_561] {strides = array<i32>} : memref<128x128xf32, #tpu.memory_space<vmem>>, vector<16xf32>,
        %get3A_563 = arith.index_cast %add3A_410 : i32 to index
        %get3A_564 = arith.constant 112 : index
        %get3A_565 = tpu.vector_load %arg9[%get3A_563, %get3A_564] {strides = array<i32>} : memref<128x128xf32, #tpu.memory_space<vmem>>, vector<16xf32>,
        %exp3A_566 = math.exp %get3A_559 : vector<16xf32>
        %mul3A_567 = arith.mulf %exp3A_566, %get3A_562 : vector<16xf32>
        %add3A_568 = arith.addf %get3A_565, %mul3A_567 : vector<16xf32>
        %swap3A_569 = arith.index_cast %add3A_410 : i32 to index
        %swap3A_570 = arith.constant 112 : index
        %swap3A_571 = tpu.vector_load %arg12[%swap3A_569, %swap3A_570] {strides = array<i32>} : memref<128x128xf32, #tpu.memory_space<vmem>>, vector<16xf32>,
        tpu.vector_store %arg12[%swap3A_569, %swap3A_570], %add3A_568 {strides = array<i32>} : memref<128x128xf32, #tpu.memory_space<vmem>>, vector<16xf32>,
        %mul3A_572 = arith.mulf %get3A_562, %get3A_562 : vector<16xf32>
        %mul3A_573 = arith.constant 5.000000e-01 : f32
        %mul3A_574 = vector.broadcast %mul3A_573 : f32 to vector<16xf32>
        %mul3A_575 = arith.mulf %mul3A_574, %mul3A_572 : vector<16xf32>
        %add3A_576 = arith.addf %get3A_559, %mul3A_575 : vector<16xf32>
        %add3A_577 = arith.addf %add3A_556, %add3A_576 : vector<16xf32>
        %reduce_sum3A_578 = arith.constant true
        %reduce_sum3A_579 = vector.broadcast %reduce_sum3A_578 : i1 to vector<16xi1>
        %reduce_sum3A_580 = tpu.scan <sum>, %add3A_577 masked %reduce_sum3A_579 : vector<16xf32>, vector<16xi1> -> vector<16xf32>
        %reduce_sum3A_581 = vector.extract %reduce_sum3A_580[15] : f32 from vector<16xf32>
        %sub3A_582 = arith.constant -117.62413 : f32
        %sub3A_583 = arith.subf %sub3A_582, %reduce_sum3A_581 : f32
        %eq3A_584 = arith.constant 2 : i32
        %eq3A_585 = vector.broadcast %eq3A_584 : i32 to vector<16xi32>
        %eq3A_586 = arith.cmpi eq, %iota3A, %eq3A_585 : vector<16xi32>
        %broadcast_in_dim3A_587 = vector.broadcast %sub3A_583 : f32 to vector<16xf32>
        %select_n3A_588 = arith.select %eq3A_586, %broadcast_in_dim3A_587, %select_n3A_408 : vector<16xi1>, vector<16xf32>
        %add3A_589 = arith.constant 3 : i32
        %add3A_590 = arith.addi %mul3A_54, %add3A_589 : i32
        %get3A_591 = arith.index_cast %add3A_590 : i32 to index
        %get3A_592 = arith.constant 0 : index
        %get3A_593 = tpu.vector_load %arg10[%get3A_591, %get3A_592] {strides = array<i32>} : memref<128x128xf32, #tpu.memory_space<vmem>>, vector<16xf32>,
        %get3A_594 = arith.index_cast %add3A_590 : i32 to index
        %get3A_595 = arith.constant 0 : index
        %get3A_596 = tpu.vector_load %arg11[%get3A_594, %get3A_595] {strides = array<i32>} : memref<128x128xf32, #tpu.memory_space<vmem>>, vector<16xf32>,
        %get3A_597 = arith.index_cast %add3A_590 : i32 to index
        %get3A_598 = arith.constant 0 : index
        %get3A_599 = tpu.vector_load %arg9[%get3A_597, %get3A_598] {strides = array<i32>} : memref<128x128xf32, #tpu.memory_space<vmem>>, vector<16xf32>,
        %exp3A_600 = math.exp %get3A_593 : vector<16xf32>
        %mul3A_601 = arith.mulf %exp3A_600, %get3A_596 : vector<16xf32>
        %add3A_602 = arith.addf %get3A_599, %mul3A_601 : vector<16xf32>
        %swap3A_603 = arith.index_cast %add3A_590 : i32 to index
        %swap3A_604 = arith.constant 0 : index
        %swap3A_605 = tpu.vector_load %arg12[%swap3A_603, %swap3A_604] {strides = array<i32>} : memref<128x128xf32, #tpu.memory_space<vmem>>, vector<16xf32>,
        tpu.vector_store %arg12[%swap3A_603, %swap3A_604], %add3A_602 {strides = array<i32>} : memref<128x128xf32, #tpu.memory_space<vmem>>, vector<16xf32>,
        %mul3A_606 = arith.mulf %get3A_596, %get3A_596 : vector<16xf32>
        %mul3A_607 = arith.constant 5.000000e-01 : f32
        %mul3A_608 = vector.broadcast %mul3A_607 : f32 to vector<16xf32>
        %mul3A_609 = arith.mulf %mul3A_608, %mul3A_606 : vector<16xf32>
        %add3A_610 = arith.addf %get3A_593, %mul3A_609 : vector<16xf32>
        %get3A_611 = arith.index_cast %add3A_590 : i32 to index
        %get3A_612 = arith.constant 16 : index
        %get3A_613 = tpu.vector_load %arg10[%get3A_611, %get3A_612] {strides = array<i32>} : memref<128x128xf32, #tpu.memory_space<vmem>>, vector<16xf32>,
        %get3A_614 = arith.index_cast %add3A_590 : i32 to index
        %get3A_615 = arith.constant 16 : index
        %get3A_616 = tpu.vector_load %arg11[%get3A_614, %get3A_615] {strides = array<i32>} : memref<128x128xf32, #tpu.memory_space<vmem>>, vector<16xf32>,
        %get3A_617 = arith.index_cast %add3A_590 : i32 to index
        %get3A_618 = arith.constant 16 : index
        %get3A_619 = tpu.vector_load %arg9[%get3A_617, %get3A_618] {strides = array<i32>} : memref<128x128xf32, #tpu.memory_space<vmem>>, vector<16xf32>,
        %exp3A_620 = math.exp %get3A_613 : vector<16xf32>
        %mul3A_621 = arith.mulf %exp3A_620, %get3A_616 : vector<16xf32>
        %add3A_622 = arith.addf %get3A_619, %mul3A_621 : vector<16xf32>
        %swap3A_623 = arith.index_cast %add3A_590 : i32 to index
        %swap3A_624 = arith.constant 16 : index
        %swap3A_625 = tpu.vector_load %arg12[%swap3A_623, %swap3A_624] {strides = array<i32>} : memref<128x128xf32, #tpu.memory_space<vmem>>, vector<16xf32>,
        tpu.vector_store %arg12[%swap3A_623, %swap3A_624], %add3A_622 {strides = array<i32>} : memref<128x128xf32, #tpu.memory_space<vmem>>, vector<16xf32>,
        %mul3A_626 = arith.mulf %get3A_616, %get3A_616 : vector<16xf32>
        %mul3A_627 = arith.constant 5.000000e-01 : f32
        %mul3A_628 = vector.broadcast %mul3A_627 : f32 to vector<16xf32>
        %mul3A_629 = arith.mulf %mul3A_628, %mul3A_626 : vector<16xf32>
        %add3A_630 = arith.addf %get3A_613, %mul3A_629 : vector<16xf32>
        %add3A_631 = arith.addf %add3A_610, %add3A_630 : vector<16xf32>
        %get3A_632 = arith.index_cast %add3A_590 : i32 to index
        %get3A_633 = arith.constant 32 : index
        %get3A_634 = tpu.vector_load %arg10[%get3A_632, %get3A_633] {strides = array<i32>} : memref<128x128xf32, #tpu.memory_space<vmem>>, vector<16xf32>,
        %get3A_635 = arith.index_cast %add3A_590 : i32 to index
        %get3A_636 = arith.constant 32 : index
        %get3A_637 = tpu.vector_load %arg11[%get3A_635, %get3A_636] {strides = array<i32>} : memref<128x128xf32, #tpu.memory_space<vmem>>, vector<16xf32>,
        %get3A_638 = arith.index_cast %add3A_590 : i32 to index
        %get3A_639 = arith.constant 32 : index
        %get3A_640 = tpu.vector_load %arg9[%get3A_638, %get3A_639] {strides = array<i32>} : memref<128x128xf32, #tpu.memory_space<vmem>>, vector<16xf32>,
        %exp3A_641 = math.exp %get3A_634 : vector<16xf32>
        %mul3A_642 = arith.mulf %exp3A_641, %get3A_637 : vector<16xf32>
        %add3A_643 = arith.addf %get3A_640, %mul3A_642 : vector<16xf32>
        %swap3A_644 = arith.index_cast %add3A_590 : i32 to index
        %swap3A_645 = arith.constant 32 : index
        %swap3A_646 = tpu.vector_load %arg12[%swap3A_644, %swap3A_645] {strides = array<i32>} : memref<128x128xf32, #tpu.memory_space<vmem>>, vector<16xf32>,
        tpu.vector_store %arg12[%swap3A_644, %swap3A_645], %add3A_643 {strides = array<i32>} : memref<128x128xf32, #tpu.memory_space<vmem>>, vector<16xf32>,
        %mul3A_647 = arith.mulf %get3A_637, %get3A_637 : vector<16xf32>
        %mul3A_648 = arith.constant 5.000000e-01 : f32
        %mul3A_649 = vector.broadcast %mul3A_648 : f32 to vector<16xf32>
        %mul3A_650 = arith.mulf %mul3A_649, %mul3A_647 : vector<16xf32>
        %add3A_651 = arith.addf %get3A_634, %mul3A_650 : vector<16xf32>
        %add3A_652 = arith.addf %add3A_631, %add3A_651 : vector<16xf32>
        %get3A_653 = arith.index_cast %add3A_590 : i32 to index
        %get3A_654 = arith.constant 48 : index
        %get3A_655 = tpu.vector_load %arg10[%get3A_653, %get3A_654] {strides = array<i32>} : memref<128x128xf32, #tpu.memory_space<vmem>>, vector<16xf32>,
        %get3A_656 = arith.index_cast %add3A_590 : i32 to index
        %get3A_657 = arith.constant 48 : index
        %get3A_658 = tpu.vector_load %arg11[%get3A_656, %get3A_657] {strides = array<i32>} : memref<128x128xf32, #tpu.memory_space<vmem>>, vector<16xf32>,
        %get3A_659 = arith.index_cast %add3A_590 : i32 to index
        %get3A_660 = arith.constant 48 : index
        %get3A_661 = tpu.vector_load %arg9[%get3A_659, %get3A_660] {strides = array<i32>} : memref<128x128xf32, #tpu.memory_space<vmem>>, vector<16xf32>,
        %exp3A_662 = math.exp %get3A_655 : vector<16xf32>
        %mul3A_663 = arith.mulf %exp3A_662, %get3A_658 : vector<16xf32>
        %add3A_664 = arith.addf %get3A_661, %mul3A_663 : vector<16xf32>
        %swap3A_665 = arith.index_cast %add3A_590 : i32 to index
        %swap3A_666 = arith.constant 48 : index
        %swap3A_667 = tpu.vector_load %arg12[%swap3A_665, %swap3A_666] {strides = array<i32>} : memref<128x128xf32, #tpu.memory_space<vmem>>, vector<16xf32>,
        tpu.vector_store %arg12[%swap3A_665, %swap3A_666], %add3A_664 {strides = array<i32>} : memref<128x128xf32, #tpu.memory_space<vmem>>, vector<16xf32>,
        %mul3A_668 = arith.mulf %get3A_658, %get3A_658 : vector<16xf32>
        %mul3A_669 = arith.constant 5.000000e-01 : f32
        %mul3A_670 = vector.broadcast %mul3A_669 : f32 to vector<16xf32>
        %mul3A_671 = arith.mulf %mul3A_670, %mul3A_668 : vector<16xf32>
        %add3A_672 = arith.addf %get3A_655, %mul3A_671 : vector<16xf32>
        %add3A_673 = arith.addf %add3A_652, %add3A_672 : vector<16xf32>
        %get3A_674 = arith.index_cast %add3A_590 : i32 to index
        %get3A_675 = arith.constant 64 : index
        %get3A_676 = tpu.vector_load %arg10[%get3A_674, %get3A_675] {strides = array<i32>} : memref<128x128xf32, #tpu.memory_space<vmem>>, vector<16xf32>,
        %get3A_677 = arith.index_cast %add3A_590 : i32 to index
        %get3A_678 = arith.constant 64 : index
        %get3A_679 = tpu.vector_load %arg11[%get3A_677, %get3A_678] {strides = array<i32>} : memref<128x128xf32, #tpu.memory_space<vmem>>, vector<16xf32>,
        %get3A_680 = arith.index_cast %add3A_590 : i32 to index
        %get3A_681 = arith.constant 64 : index
        %get3A_682 = tpu.vector_load %arg9[%get3A_680, %get3A_681] {strides = array<i32>} : memref<128x128xf32, #tpu.memory_space<vmem>>, vector<16xf32>,
        %exp3A_683 = math.exp %get3A_676 : vector<16xf32>
        %mul3A_684 = arith.mulf %exp3A_683, %get3A_679 : vector<16xf32>
        %add3A_685 = arith.addf %get3A_682, %mul3A_684 : vector<16xf32>
        %swap3A_686 = arith.index_cast %add3A_590 : i32 to index
        %swap3A_687 = arith.constant 64 : index
        %swap3A_688 = tpu.vector_load %arg12[%swap3A_686, %swap3A_687] {strides = array<i32>} : memref<128x128xf32, #tpu.memory_space<vmem>>, vector<16xf32>,
        tpu.vector_store %arg12[%swap3A_686, %swap3A_687], %add3A_685 {strides = array<i32>} : memref<128x128xf32, #tpu.memory_space<vmem>>, vector<16xf32>,
        %mul3A_689 = arith.mulf %get3A_679, %get3A_679 : vector<16xf32>
        %mul3A_690 = arith.constant 5.000000e-01 : f32
        %mul3A_691 = vector.broadcast %mul3A_690 : f32 to vector<16xf32>
        %mul3A_692 = arith.mulf %mul3A_691, %mul3A_689 : vector<16xf32>
        %add3A_693 = arith.addf %get3A_676, %mul3A_692 : vector<16xf32>
        %add3A_694 = arith.addf %add3A_673, %add3A_693 : vector<16xf32>
        %get3A_695 = arith.index_cast %add3A_590 : i32 to index
        %get3A_696 = arith.constant 80 : index
        %get3A_697 = tpu.vector_load %arg10[%get3A_695, %get3A_696] {strides = array<i32>} : memref<128x128xf32, #tpu.memory_space<vmem>>, vector<16xf32>,
        %get3A_698 = arith.index_cast %add3A_590 : i32 to index
        %get3A_699 = arith.constant 80 : index
        %get3A_700 = tpu.vector_load %arg11[%get3A_698, %get3A_699] {strides = array<i32>} : memref<128x128xf32, #tpu.memory_space<vmem>>, vector<16xf32>,
        %get3A_701 = arith.index_cast %add3A_590 : i32 to index
        %get3A_702 = arith.constant 80 : index
        %get3A_703 = tpu.vector_load %arg9[%get3A_701, %get3A_702] {strides = array<i32>} : memref<128x128xf32, #tpu.memory_space<vmem>>, vector<16xf32>,
        %exp3A_704 = math.exp %get3A_697 : vector<16xf32>
        %mul3A_705 = arith.mulf %exp3A_704, %get3A_700 : vector<16xf32>
        %add3A_706 = arith.addf %get3A_703, %mul3A_705 : vector<16xf32>
        %swap3A_707 = arith.index_cast %add3A_590 : i32 to index
        %swap3A_708 = arith.constant 80 : index
        %swap3A_709 = tpu.vector_load %arg12[%swap3A_707, %swap3A_708] {strides = array<i32>} : memref<128x128xf32, #tpu.memory_space<vmem>>, vector<16xf32>,
        tpu.vector_store %arg12[%swap3A_707, %swap3A_708], %add3A_706 {strides = array<i32>} : memref<128x128xf32, #tpu.memory_space<vmem>>, vector<16xf32>,
        %mul3A_710 = arith.mulf %get3A_700, %get3A_700 : vector<16xf32>
        %mul3A_711 = arith.constant 5.000000e-01 : f32
        %mul3A_712 = vector.broadcast %mul3A_711 : f32 to vector<16xf32>
        %mul3A_713 = arith.mulf %mul3A_712, %mul3A_710 : vector<16xf32>
        %add3A_714 = arith.addf %get3A_697, %mul3A_713 : vector<16xf32>
        %add3A_715 = arith.addf %add3A_694, %add3A_714 : vector<16xf32>
        %get3A_716 = arith.index_cast %add3A_590 : i32 to index
        %get3A_717 = arith.constant 96 : index
        %get3A_718 = tpu.vector_load %arg10[%get3A_716, %get3A_717] {strides = array<i32>} : memref<128x128xf32, #tpu.memory_space<vmem>>, vector<16xf32>,
        %get3A_719 = arith.index_cast %add3A_590 : i32 to index
        %get3A_720 = arith.constant 96 : index
        %get3A_721 = tpu.vector_load %arg11[%get3A_719, %get3A_720] {strides = array<i32>} : memref<128x128xf32, #tpu.memory_space<vmem>>, vector<16xf32>,
        %get3A_722 = arith.index_cast %add3A_590 : i32 to index
        %get3A_723 = arith.constant 96 : index
        %get3A_724 = tpu.vector_load %arg9[%get3A_722, %get3A_723] {strides = array<i32>} : memref<128x128xf32, #tpu.memory_space<vmem>>, vector<16xf32>,
        %exp3A_725 = math.exp %get3A_718 : vector<16xf32>
        %mul3A_726 = arith.mulf %exp3A_725, %get3A_721 : vector<16xf32>
        %add3A_727 = arith.addf %get3A_724, %mul3A_726 : vector<16xf32>
        %swap3A_728 = arith.index_cast %add3A_590 : i32 to index
        %swap3A_729 = arith.constant 96 : index
        %swap3A_730 = tpu.vector_load %arg12[%swap3A_728, %swap3A_729] {strides = array<i32>} : memref<128x128xf32, #tpu.memory_space<vmem>>, vector<16xf32>,
        tpu.vector_store %arg12[%swap3A_728, %swap3A_729], %add3A_727 {strides = array<i32>} : memref<128x128xf32, #tpu.memory_space<vmem>>, vector<16xf32>,
        %mul3A_731 = arith.mulf %get3A_721, %get3A_721 : vector<16xf32>
        %mul3A_732 = arith.constant 5.000000e-01 : f32
        %mul3A_733 = vector.broadcast %mul3A_732 : f32 to vector<16xf32>
        %mul3A_734 = arith.mulf %mul3A_733, %mul3A_731 : vector<16xf32>
        %add3A_735 = arith.addf %get3A_718, %mul3A_734 : vector<16xf32>
        %add3A_736 = arith.addf %add3A_715, %add3A_735 : vector<16xf32>
        %get3A_737 = arith.index_cast %add3A_590 : i32 to index
        %get3A_738 = arith.constant 112 : index
        %get3A_739 = tpu.vector_load %arg10[%get3A_737, %get3A_738] {strides = array<i32>} : memref<128x128xf32, #tpu.memory_space<vmem>>, vector<16xf32>,
        %get3A_740 = arith.index_cast %add3A_590 : i32 to index
        %get3A_741 = arith.constant 112 : index
        %get3A_742 = tpu.vector_load %arg11[%get3A_740, %get3A_741] {strides = array<i32>} : memref<128x128xf32, #tpu.memory_space<vmem>>, vector<16xf32>,
        %get3A_743 = arith.index_cast %add3A_590 : i32 to index
        %get3A_744 = arith.constant 112 : index
        %get3A_745 = tpu.vector_load %arg9[%get3A_743, %get3A_744] {strides = array<i32>} : memref<128x128xf32, #tpu.memory_space<vmem>>, vector<16xf32>,
        %exp3A_746 = math.exp %get3A_739 : vector<16xf32>
        %mul3A_747 = arith.mulf %exp3A_746, %get3A_742 : vector<16xf32>
        %add3A_748 = arith.addf %get3A_745, %mul3A_747 : vector<16xf32>
        %swap3A_749 = arith.index_cast %add3A_590 : i32 to index
        %swap3A_750 = arith.constant 112 : index
        %swap3A_751 = tpu.vector_load %arg12[%swap3A_749, %swap3A_750] {strides = array<i32>} : memref<128x128xf32, #tpu.memory_space<vmem>>, vector<16xf32>,
        tpu.vector_store %arg12[%swap3A_749, %swap3A_750], %add3A_748 {strides = array<i32>} : memref<128x128xf32, #tpu.memory_space<vmem>>, vector<16xf32>,
        %mul3A_752 = arith.mulf %get3A_742, %get3A_742 : vector<16xf32>
        %mul3A_753 = arith.constant 5.000000e-01 : f32
        %mul3A_754 = vector.broadcast %mul3A_753 : f32 to vector<16xf32>
        %mul3A_755 = arith.mulf %mul3A_754, %mul3A_752 : vector<16xf32>
        %add3A_756 = arith.addf %get3A_739, %mul3A_755 : vector<16xf32>
        %add3A_757 = arith.addf %add3A_736, %add3A_756 : vector<16xf32>
        %reduce_sum3A_758 = arith.constant true
        %reduce_sum3A_759 = vector.broadcast %reduce_sum3A_758 : i1 to vector<16xi1>
        %reduce_sum3A_760 = tpu.scan <sum>, %add3A_757 masked %reduce_sum3A_759 : vector<16xf32>, vector<16xi1> -> vector<16xf32>
        %reduce_sum3A_761 = vector.extract %reduce_sum3A_760[15] : f32 from vector<16xf32>
        %sub3A_762 = arith.constant -117.62413 : f32
        %sub3A_763 = arith.subf %sub3A_762, %reduce_sum3A_761 : f32
        %eq3A_764 = arith.constant 3 : i32
        %eq3A_765 = vector.broadcast %eq3A_764 : i32 to vector<16xi32>
        %eq3A_766 = arith.cmpi eq, %iota3A, %eq3A_765 : vector<16xi32>
        %broadcast_in_dim3A_767 = vector.broadcast %sub3A_763 : f32 to vector<16xf32>
        %select_n3A_768 = arith.select %eq3A_766, %broadcast_in_dim3A_767, %select_n3A_588 : vector<16xi1>, vector<16xf32>
        %add3A_769 = arith.constant 4 : i32
        %add3A_770 = arith.addi %mul3A_54, %add3A_769 : i32
        %get3A_771 = arith.index_cast %add3A_770 : i32 to index
        %get3A_772 = arith.constant 0 : index
        %get3A_773 = tpu.vector_load %arg10[%get3A_771, %get3A_772] {strides = array<i32>} : memref<128x128xf32, #tpu.memory_space<vmem>>, vector<16xf32>,
        %get3A_774 = arith.index_cast %add3A_770 : i32 to index
        %get3A_775 = arith.constant 0 : index
        %get3A_776 = tpu.vector_load %arg11[%get3A_774, %get3A_775] {strides = array<i32>} : memref<128x128xf32, #tpu.memory_space<vmem>>, vector<16xf32>,
        %get3A_777 = arith.index_cast %add3A_770 : i32 to index
        %get3A_778 = arith.constant 0 : index
        %get3A_779 = tpu.vector_load %arg9[%get3A_777, %get3A_778] {strides = array<i32>} : memref<128x128xf32, #tpu.memory_space<vmem>>, vector<16xf32>,
        %exp3A_780 = math.exp %get3A_773 : vector<16xf32>
        %mul3A_781 = arith.mulf %exp3A_780, %get3A_776 : vector<16xf32>
        %add3A_782 = arith.addf %get3A_779, %mul3A_781 : vector<16xf32>
        %swap3A_783 = arith.index_cast %add3A_770 : i32 to index
        %swap3A_784 = arith.constant 0 : index
        %swap3A_785 = tpu.vector_load %arg12[%swap3A_783, %swap3A_784] {strides = array<i32>} : memref<128x128xf32, #tpu.memory_space<vmem>>, vector<16xf32>,
        tpu.vector_store %arg12[%swap3A_783, %swap3A_784], %add3A_782 {strides = array<i32>} : memref<128x128xf32, #tpu.memory_space<vmem>>, vector<16xf32>,
        %mul3A_786 = arith.mulf %get3A_776, %get3A_776 : vector<16xf32>
        %mul3A_787 = arith.constant 5.000000e-01 : f32
        %mul3A_788 = vector.broadcast %mul3A_787 : f32 to vector<16xf32>
        %mul3A_789 = arith.mulf %mul3A_788, %mul3A_786 : vector<16xf32>
        %add3A_790 = arith.addf %get3A_773, %mul3A_789 : vector<16xf32>
        %get3A_791 = arith.index_cast %add3A_770 : i32 to index
        %get3A_792 = arith.constant 16 : index
        %get3A_793 = tpu.vector_load %arg10[%get3A_791, %get3A_792] {strides = array<i32>} : memref<128x128xf32, #tpu.memory_space<vmem>>, vector<16xf32>,
        %get3A_794 = arith.index_cast %add3A_770 : i32 to index
        %get3A_795 = arith.constant 16 : index
        %get3A_796 = tpu.vector_load %arg11[%get3A_794, %get3A_795] {strides = array<i32>} : memref<128x128xf32, #tpu.memory_space<vmem>>, vector<16xf32>,
        %get3A_797 = arith.index_cast %add3A_770 : i32 to index
        %get3A_798 = arith.constant 16 : index
        %get3A_799 = tpu.vector_load %arg9[%get3A_797, %get3A_798] {strides = array<i32>} : memref<128x128xf32, #tpu.memory_space<vmem>>, vector<16xf32>,
        %exp3A_800 = math.exp %get3A_793 : vector<16xf32>
        %mul3A_801 = arith.mulf %exp3A_800, %get3A_796 : vector<16xf32>
        %add3A_802 = arith.addf %get3A_799, %mul3A_801 : vector<16xf32>
        %swap3A_803 = arith.index_cast %add3A_770 : i32 to index
        %swap3A_804 = arith.constant 16 : index
        %swap3A_805 = tpu.vector_load %arg12[%swap3A_803, %swap3A_804] {strides = array<i32>} : memref<128x128xf32, #tpu.memory_space<vmem>>, vector<16xf32>,
        tpu.vector_store %arg12[%swap3A_803, %swap3A_804], %add3A_802 {strides = array<i32>} : memref<128x128xf32, #tpu.memory_space<vmem>>, vector<16xf32>,
        %mul3A_806 = arith.mulf %get3A_796, %get3A_796 : vector<16xf32>
        %mul3A_807 = arith.constant 5.000000e-01 : f32
        %mul3A_808 = vector.broadcast %mul3A_807 : f32 to vector<16xf32>
        %mul3A_809 = arith.mulf %mul3A_808, %mul3A_806 : vector<16xf32>
        %add3A_810 = arith.addf %get3A_793, %mul3A_809 : vector<16xf32>
        %add3A_811 = arith.addf %add3A_790, %add3A_810 : vector<16xf32>
        %get3A_812 = arith.index_cast %add3A_770 : i32 to index
        %get3A_813 = arith.constant 32 : index
        %get3A_814 = tpu.vector_load %arg10[%get3A_812, %get3A_813] {strides = array<i32>} : memref<128x128xf32, #tpu.memory_space<vmem>>, vector<16xf32>,
        %get3A_815 = arith.index_cast %add3A_770 : i32 to index
        %get3A_816 = arith.constant 32 : index
        %get3A_817 = tpu.vector_load %arg11[%get3A_815, %get3A_816] {strides = array<i32>} : memref<128x128xf32, #tpu.memory_space<vmem>>, vector<16xf32>,
        %get3A_818 = arith.index_cast %add3A_770 : i32 to index
        %get3A_819 = arith.constant 32 : index
        %get3A_820 = tpu.vector_load %arg9[%get3A_818, %get3A_819] {strides = array<i32>} : memref<128x128xf32, #tpu.memory_space<vmem>>, vector<16xf32>,
        %exp3A_821 = math.exp %get3A_814 : vector<16xf32>
        %mul3A_822 = arith.mulf %exp3A_821, %get3A_817 : vector<16xf32>
        %add3A_823 = arith.addf %get3A_820, %mul3A_822 : vector<16xf32>
        %swap3A_824 = arith.index_cast %add3A_770 : i32 to index
        %swap3A_825 = arith.constant 32 : index
        %swap3A_826 = tpu.vector_load %arg12[%swap3A_824, %swap3A_825] {strides = array<i32>} : memref<128x128xf32, #tpu.memory_space<vmem>>, vector<16xf32>,
        tpu.vector_store %arg12[%swap3A_824, %swap3A_825], %add3A_823 {strides = array<i32>} : memref<128x128xf32, #tpu.memory_space<vmem>>, vector<16xf32>,
        %mul3A_827 = arith.mulf %get3A_817, %get3A_817 : vector<16xf32>
        %mul3A_828 = arith.constant 5.000000e-01 : f32
        %mul3A_829 = vector.broadcast %mul3A_828 : f32 to vector<16xf32>
        %mul3A_830 = arith.mulf %mul3A_829, %mul3A_827 : vector<16xf32>
        %add3A_831 = arith.addf %get3A_814, %mul3A_830 : vector<16xf32>
        %add3A_832 = arith.addf %add3A_811, %add3A_831 : vector<16xf32>
        %get3A_833 = arith.index_cast %add3A_770 : i32 to index
        %get3A_834 = arith.constant 48 : index
        %get3A_835 = tpu.vector_load %arg10[%get3A_833, %get3A_834] {strides = array<i32>} : memref<128x128xf32, #tpu.memory_space<vmem>>, vector<16xf32>,
        %get3A_836 = arith.index_cast %add3A_770 : i32 to index
        %get3A_837 = arith.constant 48 : index
        %get3A_838 = tpu.vector_load %arg11[%get3A_836, %get3A_837] {strides = array<i32>} : memref<128x128xf32, #tpu.memory_space<vmem>>, vector<16xf32>,
        %get3A_839 = arith.index_cast %add3A_770 : i32 to index
        %get3A_840 = arith.constant 48 : index
        %get3A_841 = tpu.vector_load %arg9[%get3A_839, %get3A_840] {strides = array<i32>} : memref<128x128xf32, #tpu.memory_space<vmem>>, vector<16xf32>,
        %exp3A_842 = math.exp %get3A_835 : vector<16xf32>
        %mul3A_843 = arith.mulf %exp3A_842, %get3A_838 : vector<16xf32>
        %add3A_844 = arith.addf %get3A_841, %mul3A_843 : vector<16xf32>
        %swap3A_845 = arith.index_cast %add3A_770 : i32 to index
        %swap3A_846 = arith.constant 48 : index
        %swap3A_847 = tpu.vector_load %arg12[%swap3A_845, %swap3A_846] {strides = array<i32>} : memref<128x128xf32, #tpu.memory_space<vmem>>, vector<16xf32>,
        tpu.vector_store %arg12[%swap3A_845, %swap3A_846], %add3A_844 {strides = array<i32>} : memref<128x128xf32, #tpu.memory_space<vmem>>, vector<16xf32>,
        %mul3A_848 = arith.mulf %get3A_838, %get3A_838 : vector<16xf32>
        %mul3A_849 = arith.constant 5.000000e-01 : f32
        %mul3A_850 = vector.broadcast %mul3A_849 : f32 to vector<16xf32>
        %mul3A_851 = arith.mulf %mul3A_850, %mul3A_848 : vector<16xf32>
        %add3A_852 = arith.addf %get3A_835, %mul3A_851 : vector<16xf32>
        %add3A_853 = arith.addf %add3A_832, %add3A_852 : vector<16xf32>
        %get3A_854 = arith.index_cast %add3A_770 : i32 to index
        %get3A_855 = arith.constant 64 : index
        %get3A_856 = tpu.vector_load %arg10[%get3A_854, %get3A_855] {strides = array<i32>} : memref<128x128xf32, #tpu.memory_space<vmem>>, vector<16xf32>,
        %get3A_857 = arith.index_cast %add3A_770 : i32 to index
        %get3A_858 = arith.constant 64 : index
        %get3A_859 = tpu.vector_load %arg11[%get3A_857, %get3A_858] {strides = array<i32>} : memref<128x128xf32, #tpu.memory_space<vmem>>, vector<16xf32>,
        %get3A_860 = arith.index_cast %add3A_770 : i32 to index
        %get3A_861 = arith.constant 64 : index
        %get3A_862 = tpu.vector_load %arg9[%get3A_860, %get3A_861] {strides = array<i32>} : memref<128x128xf32, #tpu.memory_space<vmem>>, vector<16xf32>,
        %exp3A_863 = math.exp %get3A_856 : vector<16xf32>
        %mul3A_864 = arith.mulf %exp3A_863, %get3A_859 : vector<16xf32>
        %add3A_865 = arith.addf %get3A_862, %mul3A_864 : vector<16xf32>
        %swap3A_866 = arith.index_cast %add3A_770 : i32 to index
        %swap3A_867 = arith.constant 64 : index
        %swap3A_868 = tpu.vector_load %arg12[%swap3A_866, %swap3A_867] {strides = array<i32>} : memref<128x128xf32, #tpu.memory_space<vmem>>, vector<16xf32>,
        tpu.vector_store %arg12[%swap3A_866, %swap3A_867], %add3A_865 {strides = array<i32>} : memref<128x128xf32, #tpu.memory_space<vmem>>, vector<16xf32>,
        %mul3A_869 = arith.mulf %get3A_859, %get3A_859 : vector<16xf32>
        %mul3A_870 = arith.constant 5.000000e-01 : f32
        %mul3A_871 = vector.broadcast %mul3A_870 : f32 to vector<16xf32>
        %mul3A_872 = arith.mulf %mul3A_871, %mul3A_869 : vector<16xf32>
        %add3A_873 = arith.addf %get3A_856, %mul3A_872 : vector<16xf32>
        %add3A_874 = arith.addf %add3A_853, %add3A_873 : vector<16xf32>
        %get3A_875 = arith.index_cast %add3A_770 : i32 to index
        %get3A_876 = arith.constant 80 : index
        %get3A_877 = tpu.vector_load %arg10[%get3A_875, %get3A_876] {strides = array<i32>} : memref<128x128xf32, #tpu.memory_space<vmem>>, vector<16xf32>,
        %get3A_878 = arith.index_cast %add3A_770 : i32 to index
        %get3A_879 = arith.constant 80 : index
        %get3A_880 = tpu.vector_load %arg11[%get3A_878, %get3A_879] {strides = array<i32>} : memref<128x128xf32, #tpu.memory_space<vmem>>, vector<16xf32>,
        %get3A_881 = arith.index_cast %add3A_770 : i32 to index
        %get3A_882 = arith.constant 80 : index
        %get3A_883 = tpu.vector_load %arg9[%get3A_881, %get3A_882] {strides = array<i32>} : memref<128x128xf32, #tpu.memory_space<vmem>>, vector<16xf32>,
        %exp3A_884 = math.exp %get3A_877 : vector<16xf32>
        %mul3A_885 = arith.mulf %exp3A_884, %get3A_880 : vector<16xf32>
        %add3A_886 = arith.addf %get3A_883, %mul3A_885 : vector<16xf32>
        %swap3A_887 = arith.index_cast %add3A_770 : i32 to index
        %swap3A_888 = arith.constant 80 : index
        %swap3A_889 = tpu.vector_load %arg12[%swap3A_887, %swap3A_888] {strides = array<i32>} : memref<128x128xf32, #tpu.memory_space<vmem>>, vector<16xf32>,
        tpu.vector_store %arg12[%swap3A_887, %swap3A_888], %add3A_886 {strides = array<i32>} : memref<128x128xf32, #tpu.memory_space<vmem>>, vector<16xf32>,
        %mul3A_890 = arith.mulf %get3A_880, %get3A_880 : vector<16xf32>
        %mul3A_891 = arith.constant 5.000000e-01 : f32
        %mul3A_892 = vector.broadcast %mul3A_891 : f32 to vector<16xf32>
        %mul3A_893 = arith.mulf %mul3A_892, %mul3A_890 : vector<16xf32>
        %add3A_894 = arith.addf %get3A_877, %mul3A_893 : vector<16xf32>
        %add3A_895 = arith.addf %add3A_874, %add3A_894 : vector<16xf32>
        %get3A_896 = arith.index_cast %add3A_770 : i32 to index
        %get3A_897 = arith.constant 96 : index
        %get3A_898 = tpu.vector_load %arg10[%get3A_896, %get3A_897] {strides = array<i32>} : memref<128x128xf32, #tpu.memory_space<vmem>>, vector<16xf32>,
        %get3A_899 = arith.index_cast %add3A_770 : i32 to index
        %get3A_900 = arith.constant 96 : index
        %get3A_901 = tpu.vector_load %arg11[%get3A_899, %get3A_900] {strides = array<i32>} : memref<128x128xf32, #tpu.memory_space<vmem>>, vector<16xf32>,
        %get3A_902 = arith.index_cast %add3A_770 : i32 to index
        %get3A_903 = arith.constant 96 : index
        %get3A_904 = tpu.vector_load %arg9[%get3A_902, %get3A_903] {strides = array<i32>} : memref<128x128xf32, #tpu.memory_space<vmem>>, vector<16xf32>,
        %exp3A_905 = math.exp %get3A_898 : vector<16xf32>
        %mul3A_906 = arith.mulf %exp3A_905, %get3A_901 : vector<16xf32>
        %add3A_907 = arith.addf %get3A_904, %mul3A_906 : vector<16xf32>
        %swap3A_908 = arith.index_cast %add3A_770 : i32 to index
        %swap3A_909 = arith.constant 96 : index
        %swap3A_910 = tpu.vector_load %arg12[%swap3A_908, %swap3A_909] {strides = array<i32>} : memref<128x128xf32, #tpu.memory_space<vmem>>, vector<16xf32>,
        tpu.vector_store %arg12[%swap3A_908, %swap3A_909], %add3A_907 {strides = array<i32>} : memref<128x128xf32, #tpu.memory_space<vmem>>, vector<16xf32>,
        %mul3A_911 = arith.mulf %get3A_901, %get3A_901 : vector<16xf32>
        %mul3A_912 = arith.constant 5.000000e-01 : f32
        %mul3A_913 = vector.broadcast %mul3A_912 : f32 to vector<16xf32>
        %mul3A_914 = arith.mulf %mul3A_913, %mul3A_911 : vector<16xf32>
        %add3A_915 = arith.addf %get3A_898, %mul3A_914 : vector<16xf32>
        %add3A_916 = arith.addf %add3A_895, %add3A_915 : vector<16xf32>
        %get3A_917 = arith.index_cast %add3A_770 : i32 to index
        %get3A_918 = arith.constant 112 : index
        %get3A_919 = tpu.vector_load %arg10[%get3A_917, %get3A_918] {strides = array<i32>} : memref<128x128xf32, #tpu.memory_space<vmem>>, vector<16xf32>,
        %get3A_920 = arith.index_cast %add3A_770 : i32 to index
        %get3A_921 = arith.constant 112 : index
        %get3A_922 = tpu.vector_load %arg11[%get3A_920, %get3A_921] {strides = array<i32>} : memref<128x128xf32, #tpu.memory_space<vmem>>, vector<16xf32>,
        %get3A_923 = arith.index_cast %add3A_770 : i32 to index
        %get3A_924 = arith.constant 112 : index
        %get3A_925 = tpu.vector_load %arg9[%get3A_923, %get3A_924] {strides = array<i32>} : memref<128x128xf32, #tpu.memory_space<vmem>>, vector<16xf32>,
        %exp3A_926 = math.exp %get3A_919 : vector<16xf32>
        %mul3A_927 = arith.mulf %exp3A_926, %get3A_922 : vector<16xf32>
        %add3A_928 = arith.addf %get3A_925, %mul3A_927 : vector<16xf32>
        %swap3A_929 = arith.index_cast %add3A_770 : i32 to index
        %swap3A_930 = arith.constant 112 : index
        %swap3A_931 = tpu.vector_load %arg12[%swap3A_929, %swap3A_930] {strides = array<i32>} : memref<128x128xf32, #tpu.memory_space<vmem>>, vector<16xf32>,
        tpu.vector_store %arg12[%swap3A_929, %swap3A_930], %add3A_928 {strides = array<i32>} : memref<128x128xf32, #tpu.memory_space<vmem>>, vector<16xf32>,
        %mul3A_932 = arith.mulf %get3A_922, %get3A_922 : vector<16xf32>
        %mul3A_933 = arith.constant 5.000000e-01 : f32
        %mul3A_934 = vector.broadcast %mul3A_933 : f32 to vector<16xf32>
        %mul3A_935 = arith.mulf %mul3A_934, %mul3A_932 : vector<16xf32>
        %add3A_936 = arith.addf %get3A_919, %mul3A_935 : vector<16xf32>
        %add3A_937 = arith.addf %add3A_916, %add3A_936 : vector<16xf32>
        %reduce_sum3A_938 = arith.constant true
        %reduce_sum3A_939 = vector.broadcast %reduce_sum3A_938 : i1 to vector<16xi1>
        %reduce_sum3A_940 = tpu.scan <sum>, %add3A_937 masked %reduce_sum3A_939 : vector<16xf32>, vector<16xi1> -> vector<16xf32>
        %reduce_sum3A_941 = vector.extract %reduce_sum3A_940[15] : f32 from vector<16xf32>
        %sub3A_942 = arith.constant -117.62413 : f32
        %sub3A_943 = arith.subf %sub3A_942, %reduce_sum3A_941 : f32
        %eq3A_944 = arith.constant 4 : i32
        %eq3A_945 = vector.broadcast %eq3A_944 : i32 to vector<16xi32>
        %eq3A_946 = arith.cmpi eq, %iota3A, %eq3A_945 : vector<16xi32>
        %broadcast_in_dim3A_947 = vector.broadcast %sub3A_943 : f32 to vector<16xf32>
        %select_n3A_948 = arith.select %eq3A_946, %broadcast_in_dim3A_947, %select_n3A_768 : vector<16xi1>, vector<16xf32>
        %add3A_949 = arith.constant 5 : i32
        %add3A_950 = arith.addi %mul3A_54, %add3A_949 : i32
        %get3A_951 = arith.index_cast %add3A_950 : i32 to index
        %get3A_952 = arith.constant 0 : index
        %get3A_953 = tpu.vector_load %arg10[%get3A_951, %get3A_952] {strides = array<i32>} : memref<128x128xf32, #tpu.memory_space<vmem>>, vector<16xf32>,
        %get3A_954 = arith.index_cast %add3A_950 : i32 to index
        %get3A_955 = arith.constant 0 : index
        %get3A_956 = tpu.vector_load %arg11[%get3A_954, %get3A_955] {strides = array<i32>} : memref<128x128xf32, #tpu.memory_space<vmem>>, vector<16xf32>,
        %get3A_957 = arith.index_cast %add3A_950 : i32 to index
        %get3A_958 = arith.constant 0 : index
        %get3A_959 = tpu.vector_load %arg9[%get3A_957, %get3A_958] {strides = array<i32>} : memref<128x128xf32, #tpu.memory_space<vmem>>, vector<16xf32>,
        %exp3A_960 = math.exp %get3A_953 : vector<16xf32>
        %mul3A_961 = arith.mulf %exp3A_960, %get3A_956 : vector<16xf32>
        %add3A_962 = arith.addf %get3A_959, %mul3A_961 : vector<16xf32>
        %swap3A_963 = arith.index_cast %add3A_950 : i32 to index
        %swap3A_964 = arith.constant 0 : index
        %swap3A_965 = tpu.vector_load %arg12[%swap3A_963, %swap3A_964] {strides = array<i32>} : memref<128x128xf32, #tpu.memory_space<vmem>>, vector<16xf32>,
        tpu.vector_store %arg12[%swap3A_963, %swap3A_964], %add3A_962 {strides = array<i32>} : memref<128x128xf32, #tpu.memory_space<vmem>>, vector<16xf32>,
        %mul3A_966 = arith.mulf %get3A_956, %get3A_956 : vector<16xf32>
        %mul3A_967 = arith.constant 5.000000e-01 : f32
        %mul3A_968 = vector.broadcast %mul3A_967 : f32 to vector<16xf32>
        %mul3A_969 = arith.mulf %mul3A_968, %mul3A_966 : vector<16xf32>
        %add3A_970 = arith.addf %get3A_953, %mul3A_969 : vector<16xf32>
        %get3A_971 = arith.index_cast %add3A_950 : i32 to index
        %get3A_972 = arith.constant 16 : index
        %get3A_973 = tpu.vector_load %arg10[%get3A_971, %get3A_972] {strides = array<i32>} : memref<128x128xf32, #tpu.memory_space<vmem>>, vector<16xf32>,
        %get3A_974 = arith.index_cast %add3A_950 : i32 to index
        %get3A_975 = arith.constant 16 : index
        %get3A_976 = tpu.vector_load %arg11[%get3A_974, %get3A_975] {strides = array<i32>} : memref<128x128xf32, #tpu.memory_space<vmem>>, vector<16xf32>,
        %get3A_977 = arith.index_cast %add3A_950 : i32 to index
        %get3A_978 = arith.constant 16 : index
        %get3A_979 = tpu.vector_load %arg9[%get3A_977, %get3A_978] {strides = array<i32>} : memref<128x128xf32, #tpu.memory_space<vmem>>, vector<16xf32>,
        %exp3A_980 = math.exp %get3A_973 : vector<16xf32>
        %mul3A_981 = arith.mulf %exp3A_980, %get3A_976 : vector<16xf32>
        %add3A_982 = arith.addf %get3A_979, %mul3A_981 : vector<16xf32>
        %swap3A_983 = arith.index_cast %add3A_950 : i32 to index
        %swap3A_984 = arith.constant 16 : index
        %swap3A_985 = tpu.vector_load %arg12[%swap3A_983, %swap3A_984] {strides = array<i32>} : memref<128x128xf32, #tpu.memory_space<vmem>>, vector<16xf32>,
        tpu.vector_store %arg12[%swap3A_983, %swap3A_984], %add3A_982 {strides = array<i32>} : memref<128x128xf32, #tpu.memory_space<vmem>>, vector<16xf32>,
        %mul3A_986 = arith.mulf %get3A_976, %get3A_976 : vector<16xf32>
        %mul3A_987 = arith.constant 5.000000e-01 : f32
        %mul3A_988 = vector.broadcast %mul3A_987 : f32 to vector<16xf32>
        %mul3A_989 = arith.mulf %mul3A_988, %mul3A_986 : vector<16xf32>
        %add3A_990 = arith.addf %get3A_973, %mul3A_989 : vector<16xf32>
        %add3A_991 = arith.addf %add3A_970, %add3A_990 : vector<16xf32>
        %get3A_992 = arith.index_cast %add3A_950 : i32 to index
        %get3A_993 = arith.constant 32 : index
        %get3A_994 = tpu.vector_load %arg10[%get3A_992, %get3A_993] {strides = array<i32>} : memref<128x128xf32, #tpu.memory_space<vmem>>, vector<16xf32>,
        %get3A_995 = arith.index_cast %add3A_950 : i32 to index
        %get3A_996 = arith.constant 32 : index
        %get3A_997 = tpu.vector_load %arg11[%get3A_995, %get3A_996] {strides = array<i32>} : memref<128x128xf32, #tpu.memory_space<vmem>>, vector<16xf32>,
        %get3A_998 = arith.index_cast %add3A_950 : i32 to index
        %get3A_999 = arith.constant 32 : index
        %get3A_1000 = tpu.vector_load %arg9[%get3A_998, %get3A_999] {strides = array<i32>} : memref<128x128xf32, #tpu.memory_space<vmem>>, vector<16xf32>,
        %exp3A_1001 = math.exp %get3A_994 : vector<16xf32>
        %mul3A_1002 = arith.mulf %exp3A_1001, %get3A_997 : vector<16xf32>
        %add3A_1003 = arith.addf %get3A_1000, %mul3A_1002 : vector<16xf32>
        %swap3A_1004 = arith.index_cast %add3A_950 : i32 to index
        %swap3A_1005 = arith.constant 32 : index
        %swap3A_1006 = tpu.vector_load %arg12[%swap3A_1004, %swap3A_1005] {strides = array<i32>} : memref<128x128xf32, #tpu.memory_space<vmem>>, vector<16xf32>,
        tpu.vector_store %arg12[%swap3A_1004, %swap3A_1005], %add3A_1003 {strides = array<i32>} : memref<128x128xf32, #tpu.memory_space<vmem>>, vector<16xf32>,
        %mul3A_1007 = arith.mulf %get3A_997, %get3A_997 : vector<16xf32>
        %mul3A_1008 = arith.constant 5.000000e-01 : f32
        %mul3A_1009 = vector.broadcast %mul3A_1008 : f32 to vector<16xf32>
        %mul3A_1010 = arith.mulf %mul3A_1009, %mul3A_1007 : vector<16xf32>
        %add3A_1011 = arith.addf %get3A_994, %mul3A_1010 : vector<16xf32>
        %add3A_1012 = arith.addf %add3A_991, %add3A_1011 : vector<16xf32>
        %get3A_1013 = arith.index_cast %add3A_950 : i32 to index
        %get3A_1014 = arith.constant 48 : index
        %get3A_1015 = tpu.vector_load %arg10[%get3A_1013, %get3A_1014] {strides = array<i32>} : memref<128x128xf32, #tpu.memory_space<vmem>>, vector<16xf32>,
        %get3A_1016 = arith.index_cast %add3A_950 : i32 to index
        %get3A_1017 = arith.constant 48 : index
        %get3A_1018 = tpu.vector_load %arg11[%get3A_1016, %get3A_1017] {strides = array<i32>} : memref<128x128xf32, #tpu.memory_space<vmem>>, vector<16xf32>,
        %get3A_1019 = arith.index_cast %add3A_950 : i32 to index
        %get3A_1020 = arith.constant 48 : index
        %get3A_1021 = tpu.vector_load %arg9[%get3A_1019, %get3A_1020] {strides = array<i32>} : memref<128x128xf32, #tpu.memory_space<vmem>>, vector<16xf32>,
        %exp3A_1022 = math.exp %get3A_1015 : vector<16xf32>
        %mul3A_1023 = arith.mulf %exp3A_1022, %get3A_1018 : vector<16xf32>
        %add3A_1024 = arith.addf %get3A_1021, %mul3A_1023 : vector<16xf32>
        %swap3A_1025 = arith.index_cast %add3A_950 : i32 to index
        %swap3A_1026 = arith.constant 48 : index
        %swap3A_1027 = tpu.vector_load %arg12[%swap3A_1025, %swap3A_1026] {strides = array<i32>} : memref<128x128xf32, #tpu.memory_space<vmem>>, vector<16xf32>,
        tpu.vector_store %arg12[%swap3A_1025, %swap3A_1026], %add3A_1024 {strides = array<i32>} : memref<128x128xf32, #tpu.memory_space<vmem>>, vector<16xf32>,
        %mul3A_1028 = arith.mulf %get3A_1018, %get3A_1018 : vector<16xf32>
        %mul3A_1029 = arith.constant 5.000000e-01 : f32
        %mul3A_1030 = vector.broadcast %mul3A_1029 : f32 to vector<16xf32>
        %mul3A_1031 = arith.mulf %mul3A_1030, %mul3A_1028 : vector<16xf32>
        %add3A_1032 = arith.addf %get3A_1015, %mul3A_1031 : vector<16xf32>
        %add3A_1033 = arith.addf %add3A_1012, %add3A_1032 : vector<16xf32>
        %get3A_1034 = arith.index_cast %add3A_950 : i32 to index
        %get3A_1035 = arith.constant 64 : index
        %get3A_1036 = tpu.vector_load %arg10[%get3A_1034, %get3A_1035] {strides = array<i32>} : memref<128x128xf32, #tpu.memory_space<vmem>>, vector<16xf32>,
        %get3A_1037 = arith.index_cast %add3A_950 : i32 to index
        %get3A_1038 = arith.constant 64 : index
        %get3A_1039 = tpu.vector_load %arg11[%get3A_1037, %get3A_1038] {strides = array<i32>} : memref<128x128xf32, #tpu.memory_space<vmem>>, vector<16xf32>,
        %get3A_1040 = arith.index_cast %add3A_950 : i32 to index
        %get3A_1041 = arith.constant 64 : index
        %get3A_1042 = tpu.vector_load %arg9[%get3A_1040, %get3A_1041] {strides = array<i32>} : memref<128x128xf32, #tpu.memory_space<vmem>>, vector<16xf32>,
        %exp3A_1043 = math.exp %get3A_1036 : vector<16xf32>
        %mul3A_1044 = arith.mulf %exp3A_1043, %get3A_1039 : vector<16xf32>
        %add3A_1045 = arith.addf %get3A_1042, %mul3A_1044 : vector<16xf32>
        %swap3A_1046 = arith.index_cast %add3A_950 : i32 to index
        %swap3A_1047 = arith.constant 64 : index
        %swap3A_1048 = tpu.vector_load %arg12[%swap3A_1046, %swap3A_1047] {strides = array<i32>} : memref<128x128xf32, #tpu.memory_space<vmem>>, vector<16xf32>,
        tpu.vector_store %arg12[%swap3A_1046, %swap3A_1047], %add3A_1045 {strides = array<i32>} : memref<128x128xf32, #tpu.memory_space<vmem>>, vector<16xf32>,
        %mul3A_1049 = arith.mulf %get3A_1039, %get3A_1039 : vector<16xf32>
        %mul3A_1050 = arith.constant 5.000000e-01 : f32
        %mul3A_1051 = vector.broadcast %mul3A_1050 : f32 to vector<16xf32>
        %mul3A_1052 = arith.mulf %mul3A_1051, %mul3A_1049 : vector<16xf32>
        %add3A_1053 = arith.addf %get3A_1036, %mul3A_1052 : vector<16xf32>
        %add3A_1054 = arith.addf %add3A_1033, %add3A_1053 : vector<16xf32>
        %get3A_1055 = arith.index_cast %add3A_950 : i32 to index
        %get3A_1056 = arith.constant 80 : index
        %get3A_1057 = tpu.vector_load %arg10[%get3A_1055, %get3A_1056] {strides = array<i32>} : memref<128x128xf32, #tpu.memory_space<vmem>>, vector<16xf32>,
        %get3A_1058 = arith.index_cast %add3A_950 : i32 to index
        %get3A_1059 = arith.constant 80 : index
        %get3A_1060 = tpu.vector_load %arg11[%get3A_1058, %get3A_1059] {strides = array<i32>} : memref<128x128xf32, #tpu.memory_space<vmem>>, vector<16xf32>,
        %get3A_1061 = arith.index_cast %add3A_950 : i32 to index
        %get3A_1062 = arith.constant 80 : index
        %get3A_1063 = tpu.vector_load %arg9[%get3A_1061, %get3A_1062] {strides = array<i32>} : memref<128x128xf32, #tpu.memory_space<vmem>>, vector<16xf32>,
        %exp3A_1064 = math.exp %get3A_1057 : vector<16xf32>
        %mul3A_1065 = arith.mulf %exp3A_1064, %get3A_1060 : vector<16xf32>
        %add3A_1066 = arith.addf %get3A_1063, %mul3A_1065 : vector<16xf32>
        %swap3A_1067 = arith.index_cast %add3A_950 : i32 to index
        %swap3A_1068 = arith.constant 80 : index
        %swap3A_1069 = tpu.vector_load %arg12[%swap3A_1067, %swap3A_1068] {strides = array<i32>} : memref<128x128xf32, #tpu.memory_space<vmem>>, vector<16xf32>,
        tpu.vector_store %arg12[%swap3A_1067, %swap3A_1068], %add3A_1066 {strides = array<i32>} : memref<128x128xf32, #tpu.memory_space<vmem>>, vector<16xf32>,
        %mul3A_1070 = arith.mulf %get3A_1060, %get3A_1060 : vector<16xf32>
        %mul3A_1071 = arith.constant 5.000000e-01 : f32
        %mul3A_1072 = vector.broadcast %mul3A_1071 : f32 to vector<16xf32>
        %mul3A_1073 = arith.mulf %mul3A_1072, %mul3A_1070 : vector<16xf32>
        %add3A_1074 = arith.addf %get3A_1057, %mul3A_1073 : vector<16xf32>
        %add3A_1075 = arith.addf %add3A_1054, %add3A_1074 : vector<16xf32>
        %get3A_1076 = arith.index_cast %add3A_950 : i32 to index
        %get3A_1077 = arith.constant 96 : index
        %get3A_1078 = tpu.vector_load %arg10[%get3A_1076, %get3A_1077] {strides = array<i32>} : memref<128x128xf32, #tpu.memory_space<vmem>>, vector<16xf32>,
        %get3A_1079 = arith.index_cast %add3A_950 : i32 to index
        %get3A_1080 = arith.constant 96 : index
        %get3A_1081 = tpu.vector_load %arg11[%get3A_1079, %get3A_1080] {strides = array<i32>} : memref<128x128xf32, #tpu.memory_space<vmem>>, vector<16xf32>,
        %get3A_1082 = arith.index_cast %add3A_950 : i32 to index
        %get3A_1083 = arith.constant 96 : index
        %get3A_1084 = tpu.vector_load %arg9[%get3A_1082, %get3A_1083] {strides = array<i32>} : memref<128x128xf32, #tpu.memory_space<vmem>>, vector<16xf32>,
        %exp3A_1085 = math.exp %get3A_1078 : vector<16xf32>
        %mul3A_1086 = arith.mulf %exp3A_1085, %get3A_1081 : vector<16xf32>
        %add3A_1087 = arith.addf %get3A_1084, %mul3A_1086 : vector<16xf32>
        %swap3A_1088 = arith.index_cast %add3A_950 : i32 to index
        %swap3A_1089 = arith.constant 96 : index
        %swap3A_1090 = tpu.vector_load %arg12[%swap3A_1088, %swap3A_1089] {strides = array<i32>} : memref<128x128xf32, #tpu.memory_space<vmem>>, vector<16xf32>,
        tpu.vector_store %arg12[%swap3A_1088, %swap3A_1089], %add3A_1087 {strides = array<i32>} : memref<128x128xf32, #tpu.memory_space<vmem>>, vector<16xf32>,
        %mul3A_1091 = arith.mulf %get3A_1081, %get3A_1081 : vector<16xf32>
        %mul3A_1092 = arith.constant 5.000000e-01 : f32
        %mul3A_1093 = vector.broadcast %mul3A_1092 : f32 to vector<16xf32>
        %mul3A_1094 = arith.mulf %mul3A_1093, %mul3A_1091 : vector<16xf32>
        %add3A_1095 = arith.addf %get3A_1078, %mul3A_1094 : vector<16xf32>
        %add3A_1096 = arith.addf %add3A_1075, %add3A_1095 : vector<16xf32>
        %get3A_1097 = arith.index_cast %add3A_950 : i32 to index
        %get3A_1098 = arith.constant 112 : index
        %get3A_1099 = tpu.vector_load %arg10[%get3A_1097, %get3A_1098] {strides = array<i32>} : memref<128x128xf32, #tpu.memory_space<vmem>>, vector<16xf32>,
        %get3A_1100 = arith.index_cast %add3A_950 : i32 to index
        %get3A_1101 = arith.constant 112 : index
        %get3A_1102 = tpu.vector_load %arg11[%get3A_1100, %get3A_1101] {strides = array<i32>} : memref<128x128xf32, #tpu.memory_space<vmem>>, vector<16xf32>,
        %get3A_1103 = arith.index_cast %add3A_950 : i32 to index
        %get3A_1104 = arith.constant 112 : index
        %get3A_1105 = tpu.vector_load %arg9[%get3A_1103, %get3A_1104] {strides = array<i32>} : memref<128x128xf32, #tpu.memory_space<vmem>>, vector<16xf32>,
        %exp3A_1106 = math.exp %get3A_1099 : vector<16xf32>
        %mul3A_1107 = arith.mulf %exp3A_1106, %get3A_1102 : vector<16xf32>
        %add3A_1108 = arith.addf %get3A_1105, %mul3A_1107 : vector<16xf32>
        %swap3A_1109 = arith.index_cast %add3A_950 : i32 to index
        %swap3A_1110 = arith.constant 112 : index
        %swap3A_1111 = tpu.vector_load %arg12[%swap3A_1109, %swap3A_1110] {strides = array<i32>} : memref<128x128xf32, #tpu.memory_space<vmem>>, vector<16xf32>,
        tpu.vector_store %arg12[%swap3A_1109, %swap3A_1110], %add3A_1108 {strides = array<i32>} : memref<128x128xf32, #tpu.memory_space<vmem>>, vector<16xf32>,
        %mul3A_1112 = arith.mulf %get3A_1102, %get3A_1102 : vector<16xf32>
        %mul3A_1113 = arith.constant 5.000000e-01 : f32
        %mul3A_1114 = vector.broadcast %mul3A_1113 : f32 to vector<16xf32>
        %mul3A_1115 = arith.mulf %mul3A_1114, %mul3A_1112 : vector<16xf32>
        %add3A_1116 = arith.addf %get3A_1099, %mul3A_1115 : vector<16xf32>
        %add3A_1117 = arith.addf %add3A_1096, %add3A_1116 : vector<16xf32>
        %reduce_sum3A_1118 = arith.constant true
        %reduce_sum3A_1119 = vector.broadcast %reduce_sum3A_1118 : i1 to vector<16xi1>
        %reduce_sum3A_1120 = tpu.scan <sum>, %add3A_1117 masked %reduce_sum3A_1119 : vector<16xf32>, vector<16xi1> -> vector<16xf32>
        %reduce_sum3A_1121 = vector.extract %reduce_sum3A_1120[15] : f32 from vector<16xf32>
        %sub3A_1122 = arith.constant -117.62413 : f32
        %sub3A_1123 = arith.subf %sub3A_1122, %reduce_sum3A_1121 : f32
        %eq3A_1124 = arith.constant 5 : i32
        %eq3A_1125 = vector.broadcast %eq3A_1124 : i32 to vector<16xi32>
        %eq3A_1126 = arith.cmpi eq, %iota3A, %eq3A_1125 : vector<16xi32>
        %broadcast_in_dim3A_1127 = vector.broadcast %sub3A_1123 : f32 to vector<16xf32>
        %select_n3A_1128 = arith.select %eq3A_1126, %broadcast_in_dim3A_1127, %select_n3A_948 : vector<16xi1>, vector<16xf32>
        %add3A_1129 = arith.constant 6 : i32
        %add3A_1130 = arith.addi %mul3A_54, %add3A_1129 : i32
        %get3A_1131 = arith.index_cast %add3A_1130 : i32 to index
        %get3A_1132 = arith.constant 0 : index
        %get3A_1133 = tpu.vector_load %arg10[%get3A_1131, %get3A_1132] {strides = array<i32>} : memref<128x128xf32, #tpu.memory_space<vmem>>, vector<16xf32>,
        %get3A_1134 = arith.index_cast %add3A_1130 : i32 to index
        %get3A_1135 = arith.constant 0 : index
        %get3A_1136 = tpu.vector_load %arg11[%get3A_1134, %get3A_1135] {strides = array<i32>} : memref<128x128xf32, #tpu.memory_space<vmem>>, vector<16xf32>,
        %get3A_1137 = arith.index_cast %add3A_1130 : i32 to index
        %get3A_1138 = arith.constant 0 : index
        %get3A_1139 = tpu.vector_load %arg9[%get3A_1137, %get3A_1138] {strides = array<i32>} : memref<128x128xf32, #tpu.memory_space<vmem>>, vector<16xf32>,
        %exp3A_1140 = math.exp %get3A_1133 : vector<16xf32>
        %mul3A_1141 = arith.mulf %exp3A_1140, %get3A_1136 : vector<16xf32>
        %add3A_1142 = arith.addf %get3A_1139, %mul3A_1141 : vector<16xf32>
        %swap3A_1143 = arith.index_cast %add3A_1130 : i32 to index
        %swap3A_1144 = arith.constant 0 : index
        %swap3A_1145 = tpu.vector_load %arg12[%swap3A_1143, %swap3A_1144] {strides = array<i32>} : memref<128x128xf32, #tpu.memory_space<vmem>>, vector<16xf32>,
        tpu.vector_store %arg12[%swap3A_1143, %swap3A_1144], %add3A_1142 {strides = array<i32>} : memref<128x128xf32, #tpu.memory_space<vmem>>, vector<16xf32>,
        %mul3A_1146 = arith.mulf %get3A_1136, %get3A_1136 : vector<16xf32>
        %mul3A_1147 = arith.constant 5.000000e-01 : f32
        %mul3A_1148 = vector.broadcast %mul3A_1147 : f32 to vector<16xf32>
        %mul3A_1149 = arith.mulf %mul3A_1148, %mul3A_1146 : vector<16xf32>
        %add3A_1150 = arith.addf %get3A_1133, %mul3A_1149 : vector<16xf32>
        %get3A_1151 = arith.index_cast %add3A_1130 : i32 to index
        %get3A_1152 = arith.constant 16 : index
        %get3A_1153 = tpu.vector_load %arg10[%get3A_1151, %get3A_1152] {strides = array<i32>} : memref<128x128xf32, #tpu.memory_space<vmem>>, vector<16xf32>,
        %get3A_1154 = arith.index_cast %add3A_1130 : i32 to index
        %get3A_1155 = arith.constant 16 : index
        %get3A_1156 = tpu.vector_load %arg11[%get3A_1154, %get3A_1155] {strides = array<i32>} : memref<128x128xf32, #tpu.memory_space<vmem>>, vector<16xf32>,
        %get3A_1157 = arith.index_cast %add3A_1130 : i32 to index
        %get3A_1158 = arith.constant 16 : index
        %get3A_1159 = tpu.vector_load %arg9[%get3A_1157, %get3A_1158] {strides = array<i32>} : memref<128x128xf32, #tpu.memory_space<vmem>>, vector<16xf32>,
        %exp3A_1160 = math.exp %get3A_1153 : vector<16xf32>
        %mul3A_1161 = arith.mulf %exp3A_1160, %get3A_1156 : vector<16xf32>
        %add3A_1162 = arith.addf %get3A_1159, %mul3A_1161 : vector<16xf32>
        %swap3A_1163 = arith.index_cast %add3A_1130 : i32 to index
        %swap3A_1164 = arith.constant 16 : index
        %swap3A_1165 = tpu.vector_load %arg12[%swap3A_1163, %swap3A_1164] {strides = array<i32>} : memref<128x128xf32, #tpu.memory_space<vmem>>, vector<16xf32>,
        tpu.vector_store %arg12[%swap3A_1163, %swap3A_1164], %add3A_1162 {strides = array<i32>} : memref<128x128xf32, #tpu.memory_space<vmem>>, vector<16xf32>,
        %mul3A_1166 = arith.mulf %get3A_1156, %get3A_1156 : vector<16xf32>
        %mul3A_1167 = arith.constant 5.000000e-01 : f32
        %mul3A_1168 = vector.broadcast %mul3A_1167 : f32 to vector<16xf32>
        %mul3A_1169 = arith.mulf %mul3A_1168, %mul3A_1166 : vector<16xf32>
        %add3A_1170 = arith.addf %get3A_1153, %mul3A_1169 : vector<16xf32>
        %add3A_1171 = arith.addf %add3A_1150, %add3A_1170 : vector<16xf32>
        %get3A_1172 = arith.index_cast %add3A_1130 : i32 to index
        %get3A_1173 = arith.constant 32 : index
        %get3A_1174 = tpu.vector_load %arg10[%get3A_1172, %get3A_1173] {strides = array<i32>} : memref<128x128xf32, #tpu.memory_space<vmem>>, vector<16xf32>,
        %get3A_1175 = arith.index_cast %add3A_1130 : i32 to index
        %get3A_1176 = arith.constant 32 : index
        %get3A_1177 = tpu.vector_load %arg11[%get3A_1175, %get3A_1176] {strides = array<i32>} : memref<128x128xf32, #tpu.memory_space<vmem>>, vector<16xf32>,
        %get3A_1178 = arith.index_cast %add3A_1130 : i32 to index
        %get3A_1179 = arith.constant 32 : index
        %get3A_1180 = tpu.vector_load %arg9[%get3A_1178, %get3A_1179] {strides = array<i32>} : memref<128x128xf32, #tpu.memory_space<vmem>>, vector<16xf32>,
        %exp3A_1181 = math.exp %get3A_1174 : vector<16xf32>
        %mul3A_1182 = arith.mulf %exp3A_1181, %get3A_1177 : vector<16xf32>
        %add3A_1183 = arith.addf %get3A_1180, %mul3A_1182 : vector<16xf32>
        %swap3A_1184 = arith.index_cast %add3A_1130 : i32 to index
        %swap3A_1185 = arith.constant 32 : index
        %swap3A_1186 = tpu.vector_load %arg12[%swap3A_1184, %swap3A_1185] {strides = array<i32>} : memref<128x128xf32, #tpu.memory_space<vmem>>, vector<16xf32>,
        tpu.vector_store %arg12[%swap3A_1184, %swap3A_1185], %add3A_1183 {strides = array<i32>} : memref<128x128xf32, #tpu.memory_space<vmem>>, vector<16xf32>,
        %mul3A_1187 = arith.mulf %get3A_1177, %get3A_1177 : vector<16xf32>
        %mul3A_1188 = arith.constant 5.000000e-01 : f32
        %mul3A_1189 = vector.broadcast %mul3A_1188 : f32 to vector<16xf32>
        %mul3A_1190 = arith.mulf %mul3A_1189, %mul3A_1187 : vector<16xf32>
        %add3A_1191 = arith.addf %get3A_1174, %mul3A_1190 : vector<16xf32>
        %add3A_1192 = arith.addf %add3A_1171, %add3A_1191 : vector<16xf32>
        %get3A_1193 = arith.index_cast %add3A_1130 : i32 to index
        %get3A_1194 = arith.constant 48 : index
        %get3A_1195 = tpu.vector_load %arg10[%get3A_1193, %get3A_1194] {strides = array<i32>} : memref<128x128xf32, #tpu.memory_space<vmem>>, vector<16xf32>,
        %get3A_1196 = arith.index_cast %add3A_1130 : i32 to index
        %get3A_1197 = arith.constant 48 : index
        %get3A_1198 = tpu.vector_load %arg11[%get3A_1196, %get3A_1197] {strides = array<i32>} : memref<128x128xf32, #tpu.memory_space<vmem>>, vector<16xf32>,
        %get3A_1199 = arith.index_cast %add3A_1130 : i32 to index
        %get3A_1200 = arith.constant 48 : index
        %get3A_1201 = tpu.vector_load %arg9[%get3A_1199, %get3A_1200] {strides = array<i32>} : memref<128x128xf32, #tpu.memory_space<vmem>>, vector<16xf32>,
        %exp3A_1202 = math.exp %get3A_1195 : vector<16xf32>
        %mul3A_1203 = arith.mulf %exp3A_1202, %get3A_1198 : vector<16xf32>
        %add3A_1204 = arith.addf %get3A_1201, %mul3A_1203 : vector<16xf32>
        %swap3A_1205 = arith.index_cast %add3A_1130 : i32 to index
        %swap3A_1206 = arith.constant 48 : index
        %swap3A_1207 = tpu.vector_load %arg12[%swap3A_1205, %swap3A_1206] {strides = array<i32>} : memref<128x128xf32, #tpu.memory_space<vmem>>, vector<16xf32>,
        tpu.vector_store %arg12[%swap3A_1205, %swap3A_1206], %add3A_1204 {strides = array<i32>} : memref<128x128xf32, #tpu.memory_space<vmem>>, vector<16xf32>,
        %mul3A_1208 = arith.mulf %get3A_1198, %get3A_1198 : vector<16xf32>
        %mul3A_1209 = arith.constant 5.000000e-01 : f32
        %mul3A_1210 = vector.broadcast %mul3A_1209 : f32 to vector<16xf32>
        %mul3A_1211 = arith.mulf %mul3A_1210, %mul3A_1208 : vector<16xf32>
        %add3A_1212 = arith.addf %get3A_1195, %mul3A_1211 : vector<16xf32>
        %add3A_1213 = arith.addf %add3A_1192, %add3A_1212 : vector<16xf32>
        %get3A_1214 = arith.index_cast %add3A_1130 : i32 to index
        %get3A_1215 = arith.constant 64 : index
        %get3A_1216 = tpu.vector_load %arg10[%get3A_1214, %get3A_1215] {strides = array<i32>} : memref<128x128xf32, #tpu.memory_space<vmem>>, vector<16xf32>,
        %get3A_1217 = arith.index_cast %add3A_1130 : i32 to index
        %get3A_1218 = arith.constant 64 : index
        %get3A_1219 = tpu.vector_load %arg11[%get3A_1217, %get3A_1218] {strides = array<i32>} : memref<128x128xf32, #tpu.memory_space<vmem>>, vector<16xf32>,
        %get3A_1220 = arith.index_cast %add3A_1130 : i32 to index
        %get3A_1221 = arith.constant 64 : index
        %get3A_1222 = tpu.vector_load %arg9[%get3A_1220, %get3A_1221] {strides = array<i32>} : memref<128x128xf32, #tpu.memory_space<vmem>>, vector<16xf32>,
        %exp3A_1223 = math.exp %get3A_1216 : vector<16xf32>
        %mul3A_1224 = arith.mulf %exp3A_1223, %get3A_1219 : vector<16xf32>
        %add3A_1225 = arith.addf %get3A_1222, %mul3A_1224 : vector<16xf32>
        %swap3A_1226 = arith.index_cast %add3A_1130 : i32 to index
        %swap3A_1227 = arith.constant 64 : index
        %swap3A_1228 = tpu.vector_load %arg12[%swap3A_1226, %swap3A_1227] {strides = array<i32>} : memref<128x128xf32, #tpu.memory_space<vmem>>, vector<16xf32>,
        tpu.vector_store %arg12[%swap3A_1226, %swap3A_1227], %add3A_1225 {strides = array<i32>} : memref<128x128xf32, #tpu.memory_space<vmem>>, vector<16xf32>,
        %mul3A_1229 = arith.mulf %get3A_1219, %get3A_1219 : vector<16xf32>
        %mul3A_1230 = arith.constant 5.000000e-01 : f32
        %mul3A_1231 = vector.broadcast %mul3A_1230 : f32 to vector<16xf32>
        %mul3A_1232 = arith.mulf %mul3A_1231, %mul3A_1229 : vector<16xf32>
        %add3A_1233 = arith.addf %get3A_1216, %mul3A_1232 : vector<16xf32>
        %add3A_1234 = arith.addf %add3A_1213, %add3A_1233 : vector<16xf32>
        %get3A_1235 = arith.index_cast %add3A_1130 : i32 to index
        %get3A_1236 = arith.constant 80 : index
        %get3A_1237 = tpu.vector_load %arg10[%get3A_1235, %get3A_1236] {strides = array<i32>} : memref<128x128xf32, #tpu.memory_space<vmem>>, vector<16xf32>,
        %get3A_1238 = arith.index_cast %add3A_1130 : i32 to index
        %get3A_1239 = arith.constant 80 : index
        %get3A_1240 = tpu.vector_load %arg11[%get3A_1238, %get3A_1239] {strides = array<i32>} : memref<128x128xf32, #tpu.memory_space<vmem>>, vector<16xf32>,
        %get3A_1241 = arith.index_cast %add3A_1130 : i32 to index
        %get3A_1242 = arith.constant 80 : index
        %get3A_1243 = tpu.vector_load %arg9[%get3A_1241, %get3A_1242] {strides = array<i32>} : memref<128x128xf32, #tpu.memory_space<vmem>>, vector<16xf32>,
        %exp3A_1244 = math.exp %get3A_1237 : vector<16xf32>
        %mul3A_1245 = arith.mulf %exp3A_1244, %get3A_1240 : vector<16xf32>
        %add3A_1246 = arith.addf %get3A_1243, %mul3A_1245 : vector<16xf32>
        %swap3A_1247 = arith.index_cast %add3A_1130 : i32 to index
        %swap3A_1248 = arith.constant 80 : index
        %swap3A_1249 = tpu.vector_load %arg12[%swap3A_1247, %swap3A_1248] {strides = array<i32>} : memref<128x128xf32, #tpu.memory_space<vmem>>, vector<16xf32>,
        tpu.vector_store %arg12[%swap3A_1247, %swap3A_1248], %add3A_1246 {strides = array<i32>} : memref<128x128xf32, #tpu.memory_space<vmem>>, vector<16xf32>,
        %mul3A_1250 = arith.mulf %get3A_1240, %get3A_1240 : vector<16xf32>
        %mul3A_1251 = arith.constant 5.000000e-01 : f32
        %mul3A_1252 = vector.broadcast %mul3A_1251 : f32 to vector<16xf32>
        %mul3A_1253 = arith.mulf %mul3A_1252, %mul3A_1250 : vector<16xf32>
        %add3A_1254 = arith.addf %get3A_1237, %mul3A_1253 : vector<16xf32>
        %add3A_1255 = arith.addf %add3A_1234, %add3A_1254 : vector<16xf32>
        %get3A_1256 = arith.index_cast %add3A_1130 : i32 to index
        %get3A_1257 = arith.constant 96 : index
        %get3A_1258 = tpu.vector_load %arg10[%get3A_1256, %get3A_1257] {strides = array<i32>} : memref<128x128xf32, #tpu.memory_space<vmem>>, vector<16xf32>,
        %get3A_1259 = arith.index_cast %add3A_1130 : i32 to index
        %get3A_1260 = arith.constant 96 : index
        %get3A_1261 = tpu.vector_load %arg11[%get3A_1259, %get3A_1260] {strides = array<i32>} : memref<128x128xf32, #tpu.memory_space<vmem>>, vector<16xf32>,
        %get3A_1262 = arith.index_cast %add3A_1130 : i32 to index
        %get3A_1263 = arith.constant 96 : index
        %get3A_1264 = tpu.vector_load %arg9[%get3A_1262, %get3A_1263] {strides = array<i32>} : memref<128x128xf32, #tpu.memory_space<vmem>>, vector<16xf32>,
        %exp3A_1265 = math.exp %get3A_1258 : vector<16xf32>
        %mul3A_1266 = arith.mulf %exp3A_1265, %get3A_1261 : vector<16xf32>
        %add3A_1267 = arith.addf %get3A_1264, %mul3A_1266 : vector<16xf32>
        %swap3A_1268 = arith.index_cast %add3A_1130 : i32 to index
        %swap3A_1269 = arith.constant 96 : index
        %swap3A_1270 = tpu.vector_load %arg12[%swap3A_1268, %swap3A_1269] {strides = array<i32>} : memref<128x128xf32, #tpu.memory_space<vmem>>, vector<16xf32>,
        tpu.vector_store %arg12[%swap3A_1268, %swap3A_1269], %add3A_1267 {strides = array<i32>} : memref<128x128xf32, #tpu.memory_space<vmem>>, vector<16xf32>,
        %mul3A_1271 = arith.mulf %get3A_1261, %get3A_1261 : vector<16xf32>
        %mul3A_1272 = arith.constant 5.000000e-01 : f32
        %mul3A_1273 = vector.broadcast %mul3A_1272 : f32 to vector<16xf32>
        %mul3A_1274 = arith.mulf %mul3A_1273, %mul3A_1271 : vector<16xf32>
        %add3A_1275 = arith.addf %get3A_1258, %mul3A_1274 : vector<16xf32>
        %add3A_1276 = arith.addf %add3A_1255, %add3A_1275 : vector<16xf32>
        %get3A_1277 = arith.index_cast %add3A_1130 : i32 to index
        %get3A_1278 = arith.constant 112 : index
        %get3A_1279 = tpu.vector_load %arg10[%get3A_1277, %get3A_1278] {strides = array<i32>} : memref<128x128xf32, #tpu.memory_space<vmem>>, vector<16xf32>,
        %get3A_1280 = arith.index_cast %add3A_1130 : i32 to index
        %get3A_1281 = arith.constant 112 : index
        %get3A_1282 = tpu.vector_load %arg11[%get3A_1280, %get3A_1281] {strides = array<i32>} : memref<128x128xf32, #tpu.memory_space<vmem>>, vector<16xf32>,
        %get3A_1283 = arith.index_cast %add3A_1130 : i32 to index
        %get3A_1284 = arith.constant 112 : index
        %get3A_1285 = tpu.vector_load %arg9[%get3A_1283, %get3A_1284] {strides = array<i32>} : memref<128x128xf32, #tpu.memory_space<vmem>>, vector<16xf32>,
        %exp3A_1286 = math.exp %get3A_1279 : vector<16xf32>
        %mul3A_1287 = arith.mulf %exp3A_1286, %get3A_1282 : vector<16xf32>
        %add3A_1288 = arith.addf %get3A_1285, %mul3A_1287 : vector<16xf32>
        %swap3A_1289 = arith.index_cast %add3A_1130 : i32 to index
        %swap3A_1290 = arith.constant 112 : index
        %swap3A_1291 = tpu.vector_load %arg12[%swap3A_1289, %swap3A_1290] {strides = array<i32>} : memref<128x128xf32, #tpu.memory_space<vmem>>, vector<16xf32>,
        tpu.vector_store %arg12[%swap3A_1289, %swap3A_1290], %add3A_1288 {strides = array<i32>} : memref<128x128xf32, #tpu.memory_space<vmem>>, vector<16xf32>,
        %mul3A_1292 = arith.mulf %get3A_1282, %get3A_1282 : vector<16xf32>
        %mul3A_1293 = arith.constant 5.000000e-01 : f32
        %mul3A_1294 = vector.broadcast %mul3A_1293 : f32 to vector<16xf32>
        %mul3A_1295 = arith.mulf %mul3A_1294, %mul3A_1292 : vector<16xf32>
        %add3A_1296 = arith.addf %get3A_1279, %mul3A_1295 : vector<16xf32>
        %add3A_1297 = arith.addf %add3A_1276, %add3A_1296 : vector<16xf32>
        %reduce_sum3A_1298 = arith.constant true
        %reduce_sum3A_1299 = vector.broadcast %reduce_sum3A_1298 : i1 to vector<16xi1>
        %reduce_sum3A_1300 = tpu.scan <sum>, %add3A_1297 masked %reduce_sum3A_1299 : vector<16xf32>, vector<16xi1> -> vector<16xf32>
        %reduce_sum3A_1301 = vector.extract %reduce_sum3A_1300[15] : f32 from vector<16xf32>
        %sub3A_1302 = arith.constant -117.62413 : f32
        %sub3A_1303 = arith.subf %sub3A_1302, %reduce_sum3A_1301 : f32
        %eq3A_1304 = arith.constant 6 : i32
        %eq3A_1305 = vector.broadcast %eq3A_1304 : i32 to vector<16xi32>
        %eq3A_1306 = arith.cmpi eq, %iota3A, %eq3A_1305 : vector<16xi32>
        %broadcast_in_dim3A_1307 = vector.broadcast %sub3A_1303 : f32 to vector<16xf32>
        %select_n3A_1308 = arith.select %eq3A_1306, %broadcast_in_dim3A_1307, %select_n3A_1128 : vector<16xi1>, vector<16xf32>
        %add3A_1309 = arith.constant 7 : i32
        %add3A_1310 = arith.addi %mul3A_54, %add3A_1309 : i32
        %get3A_1311 = arith.index_cast %add3A_1310 : i32 to index
        %get3A_1312 = arith.constant 0 : index
        %get3A_1313 = tpu.vector_load %arg10[%get3A_1311, %get3A_1312] {strides = array<i32>} : memref<128x128xf32, #tpu.memory_space<vmem>>, vector<16xf32>,
        %get3A_1314 = arith.index_cast %add3A_1310 : i32 to index
        %get3A_1315 = arith.constant 0 : index
        %get3A_1316 = tpu.vector_load %arg11[%get3A_1314, %get3A_1315] {strides = array<i32>} : memref<128x128xf32, #tpu.memory_space<vmem>>, vector<16xf32>,
        %get3A_1317 = arith.index_cast %add3A_1310 : i32 to index
        %get3A_1318 = arith.constant 0 : index
        %get3A_1319 = tpu.vector_load %arg9[%get3A_1317, %get3A_1318] {strides = array<i32>} : memref<128x128xf32, #tpu.memory_space<vmem>>, vector<16xf32>,
        %exp3A_1320 = math.exp %get3A_1313 : vector<16xf32>
        %mul3A_1321 = arith.mulf %exp3A_1320, %get3A_1316 : vector<16xf32>
        %add3A_1322 = arith.addf %get3A_1319, %mul3A_1321 : vector<16xf32>
        %swap3A_1323 = arith.index_cast %add3A_1310 : i32 to index
        %swap3A_1324 = arith.constant 0 : index
        %swap3A_1325 = tpu.vector_load %arg12[%swap3A_1323, %swap3A_1324] {strides = array<i32>} : memref<128x128xf32, #tpu.memory_space<vmem>>, vector<16xf32>,
        tpu.vector_store %arg12[%swap3A_1323, %swap3A_1324], %add3A_1322 {strides = array<i32>} : memref<128x128xf32, #tpu.memory_space<vmem>>, vector<16xf32>,
        %mul3A_1326 = arith.mulf %get3A_1316, %get3A_1316 : vector<16xf32>
        %mul3A_1327 = arith.constant 5.000000e-01 : f32
        %mul3A_1328 = vector.broadcast %mul3A_1327 : f32 to vector<16xf32>
        %mul3A_1329 = arith.mulf %mul3A_1328, %mul3A_1326 : vector<16xf32>
        %add3A_1330 = arith.addf %get3A_1313, %mul3A_1329 : vector<16xf32>
        %get3A_1331 = arith.index_cast %add3A_1310 : i32 to index
        %get3A_1332 = arith.constant 16 : index
        %get3A_1333 = tpu.vector_load %arg10[%get3A_1331, %get3A_1332] {strides = array<i32>} : memref<128x128xf32, #tpu.memory_space<vmem>>, vector<16xf32>,
        %get3A_1334 = arith.index_cast %add3A_1310 : i32 to index
        %get3A_1335 = arith.constant 16 : index
        %get3A_1336 = tpu.vector_load %arg11[%get3A_1334, %get3A_1335] {strides = array<i32>} : memref<128x128xf32, #tpu.memory_space<vmem>>, vector<16xf32>,
        %get3A_1337 = arith.index_cast %add3A_1310 : i32 to index
        %get3A_1338 = arith.constant 16 : index
        %get3A_1339 = tpu.vector_load %arg9[%get3A_1337, %get3A_1338] {strides = array<i32>} : memref<128x128xf32, #tpu.memory_space<vmem>>, vector<16xf32>,
        %exp3A_1340 = math.exp %get3A_1333 : vector<16xf32>
        %mul3A_1341 = arith.mulf %exp3A_1340, %get3A_1336 : vector<16xf32>
        %add3A_1342 = arith.addf %get3A_1339, %mul3A_1341 : vector<16xf32>
        %swap3A_1343 = arith.index_cast %add3A_1310 : i32 to index
        %swap3A_1344 = arith.constant 16 : index
        %swap3A_1345 = tpu.vector_load %arg12[%swap3A_1343, %swap3A_1344] {strides = array<i32>} : memref<128x128xf32, #tpu.memory_space<vmem>>, vector<16xf32>,
        tpu.vector_store %arg12[%swap3A_1343, %swap3A_1344], %add3A_1342 {strides = array<i32>} : memref<128x128xf32, #tpu.memory_space<vmem>>, vector<16xf32>,
        %mul3A_1346 = arith.mulf %get3A_1336, %get3A_1336 : vector<16xf32>
        %mul3A_1347 = arith.constant 5.000000e-01 : f32
        %mul3A_1348 = vector.broadcast %mul3A_1347 : f32 to vector<16xf32>
        %mul3A_1349 = arith.mulf %mul3A_1348, %mul3A_1346 : vector<16xf32>
        %add3A_1350 = arith.addf %get3A_1333, %mul3A_1349 : vector<16xf32>
        %add3A_1351 = arith.addf %add3A_1330, %add3A_1350 : vector<16xf32>
        %get3A_1352 = arith.index_cast %add3A_1310 : i32 to index
        %get3A_1353 = arith.constant 32 : index
        %get3A_1354 = tpu.vector_load %arg10[%get3A_1352, %get3A_1353] {strides = array<i32>} : memref<128x128xf32, #tpu.memory_space<vmem>>, vector<16xf32>,
        %get3A_1355 = arith.index_cast %add3A_1310 : i32 to index
        %get3A_1356 = arith.constant 32 : index
        %get3A_1357 = tpu.vector_load %arg11[%get3A_1355, %get3A_1356] {strides = array<i32>} : memref<128x128xf32, #tpu.memory_space<vmem>>, vector<16xf32>,
        %get3A_1358 = arith.index_cast %add3A_1310 : i32 to index
        %get3A_1359 = arith.constant 32 : index
        %get3A_1360 = tpu.vector_load %arg9[%get3A_1358, %get3A_1359] {strides = array<i32>} : memref<128x128xf32, #tpu.memory_space<vmem>>, vector<16xf32>,
        %exp3A_1361 = math.exp %get3A_1354 : vector<16xf32>
        %mul3A_1362 = arith.mulf %exp3A_1361, %get3A_1357 : vector<16xf32>
        %add3A_1363 = arith.addf %get3A_1360, %mul3A_1362 : vector<16xf32>
        %swap3A_1364 = arith.index_cast %add3A_1310 : i32 to index
        %swap3A_1365 = arith.constant 32 : index
        %swap3A_1366 = tpu.vector_load %arg12[%swap3A_1364, %swap3A_1365] {strides = array<i32>} : memref<128x128xf32, #tpu.memory_space<vmem>>, vector<16xf32>,
        tpu.vector_store %arg12[%swap3A_1364, %swap3A_1365], %add3A_1363 {strides = array<i32>} : memref<128x128xf32, #tpu.memory_space<vmem>>, vector<16xf32>,
        %mul3A_1367 = arith.mulf %get3A_1357, %get3A_1357 : vector<16xf32>
        %mul3A_1368 = arith.constant 5.000000e-01 : f32
        %mul3A_1369 = vector.broadcast %mul3A_1368 : f32 to vector<16xf32>
        %mul3A_1370 = arith.mulf %mul3A_1369, %mul3A_1367 : vector<16xf32>
        %add3A_1371 = arith.addf %get3A_1354, %mul3A_1370 : vector<16xf32>
        %add3A_1372 = arith.addf %add3A_1351, %add3A_1371 : vector<16xf32>
        %get3A_1373 = arith.index_cast %add3A_1310 : i32 to index
        %get3A_1374 = arith.constant 48 : index
        %get3A_1375 = tpu.vector_load %arg10[%get3A_1373, %get3A_1374] {strides = array<i32>} : memref<128x128xf32, #tpu.memory_space<vmem>>, vector<16xf32>,
        %get3A_1376 = arith.index_cast %add3A_1310 : i32 to index
        %get3A_1377 = arith.constant 48 : index
        %get3A_1378 = tpu.vector_load %arg11[%get3A_1376, %get3A_1377] {strides = array<i32>} : memref<128x128xf32, #tpu.memory_space<vmem>>, vector<16xf32>,
        %get3A_1379 = arith.index_cast %add3A_1310 : i32 to index
        %get3A_1380 = arith.constant 48 : index
        %get3A_1381 = tpu.vector_load %arg9[%get3A_1379, %get3A_1380] {strides = array<i32>} : memref<128x128xf32, #tpu.memory_space<vmem>>, vector<16xf32>,
        %exp3A_1382 = math.exp %get3A_1375 : vector<16xf32>
        %mul3A_1383 = arith.mulf %exp3A_1382, %get3A_1378 : vector<16xf32>
        %add3A_1384 = arith.addf %get3A_1381, %mul3A_1383 : vector<16xf32>
        %swap3A_1385 = arith.index_cast %add3A_1310 : i32 to index
        %swap3A_1386 = arith.constant 48 : index
        %swap3A_1387 = tpu.vector_load %arg12[%swap3A_1385, %swap3A_1386] {strides = array<i32>} : memref<128x128xf32, #tpu.memory_space<vmem>>, vector<16xf32>,
        tpu.vector_store %arg12[%swap3A_1385, %swap3A_1386], %add3A_1384 {strides = array<i32>} : memref<128x128xf32, #tpu.memory_space<vmem>>, vector<16xf32>,
        %mul3A_1388 = arith.mulf %get3A_1378, %get3A_1378 : vector<16xf32>
        %mul3A_1389 = arith.constant 5.000000e-01 : f32
        %mul3A_1390 = vector.broadcast %mul3A_1389 : f32 to vector<16xf32>
        %mul3A_1391 = arith.mulf %mul3A_1390, %mul3A_1388 : vector<16xf32>
        %add3A_1392 = arith.addf %get3A_1375, %mul3A_1391 : vector<16xf32>
        %add3A_1393 = arith.addf %add3A_1372, %add3A_1392 : vector<16xf32>
        %get3A_1394 = arith.index_cast %add3A_1310 : i32 to index
        %get3A_1395 = arith.constant 64 : index
        %get3A_1396 = tpu.vector_load %arg10[%get3A_1394, %get3A_1395] {strides = array<i32>} : memref<128x128xf32, #tpu.memory_space<vmem>>, vector<16xf32>,
        %get3A_1397 = arith.index_cast %add3A_1310 : i32 to index
        %get3A_1398 = arith.constant 64 : index
        %get3A_1399 = tpu.vector_load %arg11[%get3A_1397, %get3A_1398] {strides = array<i32>} : memref<128x128xf32, #tpu.memory_space<vmem>>, vector<16xf32>,
        %get3A_1400 = arith.index_cast %add3A_1310 : i32 to index
        %get3A_1401 = arith.constant 64 : index
        %get3A_1402 = tpu.vector_load %arg9[%get3A_1400, %get3A_1401] {strides = array<i32>} : memref<128x128xf32, #tpu.memory_space<vmem>>, vector<16xf32>,
        %exp3A_1403 = math.exp %get3A_1396 : vector<16xf32>
        %mul3A_1404 = arith.mulf %exp3A_1403, %get3A_1399 : vector<16xf32>
        %add3A_1405 = arith.addf %get3A_1402, %mul3A_1404 : vector<16xf32>
        %swap3A_1406 = arith.index_cast %add3A_1310 : i32 to index
        %swap3A_1407 = arith.constant 64 : index
        %swap3A_1408 = tpu.vector_load %arg12[%swap3A_1406, %swap3A_1407] {strides = array<i32>} : memref<128x128xf32, #tpu.memory_space<vmem>>, vector<16xf32>,
        tpu.vector_store %arg12[%swap3A_1406, %swap3A_1407], %add3A_1405 {strides = array<i32>} : memref<128x128xf32, #tpu.memory_space<vmem>>, vector<16xf32>,
        %mul3A_1409 = arith.mulf %get3A_1399, %get3A_1399 : vector<16xf32>
        %mul3A_1410 = arith.constant 5.000000e-01 : f32
        %mul3A_1411 = vector.broadcast %mul3A_1410 : f32 to vector<16xf32>
        %mul3A_1412 = arith.mulf %mul3A_1411, %mul3A_1409 : vector<16xf32>
        %add3A_1413 = arith.addf %get3A_1396, %mul3A_1412 : vector<16xf32>
        %add3A_1414 = arith.addf %add3A_1393, %add3A_1413 : vector<16xf32>
        %get3A_1415 = arith.index_cast %add3A_1310 : i32 to index
        %get3A_1416 = arith.constant 80 : index
        %get3A_1417 = tpu.vector_load %arg10[%get3A_1415, %get3A_1416] {strides = array<i32>} : memref<128x128xf32, #tpu.memory_space<vmem>>, vector<16xf32>,
        %get3A_1418 = arith.index_cast %add3A_1310 : i32 to index
        %get3A_1419 = arith.constant 80 : index
        %get3A_1420 = tpu.vector_load %arg11[%get3A_1418, %get3A_1419] {strides = array<i32>} : memref<128x128xf32, #tpu.memory_space<vmem>>, vector<16xf32>,
        %get3A_1421 = arith.index_cast %add3A_1310 : i32 to index
        %get3A_1422 = arith.constant 80 : index
        %get3A_1423 = tpu.vector_load %arg9[%get3A_1421, %get3A_1422] {strides = array<i32>} : memref<128x128xf32, #tpu.memory_space<vmem>>, vector<16xf32>,
        %exp3A_1424 = math.exp %get3A_1417 : vector<16xf32>
        %mul3A_1425 = arith.mulf %exp3A_1424, %get3A_1420 : vector<16xf32>
        %add3A_1426 = arith.addf %get3A_1423, %mul3A_1425 : vector<16xf32>
        %swap3A_1427 = arith.index_cast %add3A_1310 : i32 to index
        %swap3A_1428 = arith.constant 80 : index
        %swap3A_1429 = tpu.vector_load %arg12[%swap3A_1427, %swap3A_1428] {strides = array<i32>} : memref<128x128xf32, #tpu.memory_space<vmem>>, vector<16xf32>,
        tpu.vector_store %arg12[%swap3A_1427, %swap3A_1428], %add3A_1426 {strides = array<i32>} : memref<128x128xf32, #tpu.memory_space<vmem>>, vector<16xf32>,
        %mul3A_1430 = arith.mulf %get3A_1420, %get3A_1420 : vector<16xf32>
        %mul3A_1431 = arith.constant 5.000000e-01 : f32
        %mul3A_1432 = vector.broadcast %mul3A_1431 : f32 to vector<16xf32>
        %mul3A_1433 = arith.mulf %mul3A_1432, %mul3A_1430 : vector<16xf32>
        %add3A_1434 = arith.addf %get3A_1417, %mul3A_1433 : vector<16xf32>
        %add3A_1435 = arith.addf %add3A_1414, %add3A_1434 : vector<16xf32>
        %get3A_1436 = arith.index_cast %add3A_1310 : i32 to index
        %get3A_1437 = arith.constant 96 : index
        %get3A_1438 = tpu.vector_load %arg10[%get3A_1436, %get3A_1437] {strides = array<i32>} : memref<128x128xf32, #tpu.memory_space<vmem>>, vector<16xf32>,
        %get3A_1439 = arith.index_cast %add3A_1310 : i32 to index
        %get3A_1440 = arith.constant 96 : index
        %get3A_1441 = tpu.vector_load %arg11[%get3A_1439, %get3A_1440] {strides = array<i32>} : memref<128x128xf32, #tpu.memory_space<vmem>>, vector<16xf32>,
        %get3A_1442 = arith.index_cast %add3A_1310 : i32 to index
        %get3A_1443 = arith.constant 96 : index
        %get3A_1444 = tpu.vector_load %arg9[%get3A_1442, %get3A_1443] {strides = array<i32>} : memref<128x128xf32, #tpu.memory_space<vmem>>, vector<16xf32>,
        %exp3A_1445 = math.exp %get3A_1438 : vector<16xf32>
        %mul3A_1446 = arith.mulf %exp3A_1445, %get3A_1441 : vector<16xf32>
        %add3A_1447 = arith.addf %get3A_1444, %mul3A_1446 : vector<16xf32>
        %swap3A_1448 = arith.index_cast %add3A_1310 : i32 to index
        %swap3A_1449 = arith.constant 96 : index
        %swap3A_1450 = tpu.vector_load %arg12[%swap3A_1448, %swap3A_1449] {strides = array<i32>} : memref<128x128xf32, #tpu.memory_space<vmem>>, vector<16xf32>,
        tpu.vector_store %arg12[%swap3A_1448, %swap3A_1449], %add3A_1447 {strides = array<i32>} : memref<128x128xf32, #tpu.memory_space<vmem>>, vector<16xf32>,
        %mul3A_1451 = arith.mulf %get3A_1441, %get3A_1441 : vector<16xf32>
        %mul3A_1452 = arith.constant 5.000000e-01 : f32
        %mul3A_1453 = vector.broadcast %mul3A_1452 : f32 to vector<16xf32>
        %mul3A_1454 = arith.mulf %mul3A_1453, %mul3A_1451 : vector<16xf32>
        %add3A_1455 = arith.addf %get3A_1438, %mul3A_1454 : vector<16xf32>
        %add3A_1456 = arith.addf %add3A_1435, %add3A_1455 : vector<16xf32>
        %get3A_1457 = arith.index_cast %add3A_1310 : i32 to index
        %get3A_1458 = arith.constant 112 : index
        %get3A_1459 = tpu.vector_load %arg10[%get3A_1457, %get3A_1458] {strides = array<i32>} : memref<128x128xf32, #tpu.memory_space<vmem>>, vector<16xf32>,
        %get3A_1460 = arith.index_cast %add3A_1310 : i32 to index
        %get3A_1461 = arith.constant 112 : index
        %get3A_1462 = tpu.vector_load %arg11[%get3A_1460, %get3A_1461] {strides = array<i32>} : memref<128x128xf32, #tpu.memory_space<vmem>>, vector<16xf32>,
        %get3A_1463 = arith.index_cast %add3A_1310 : i32 to index
        %get3A_1464 = arith.constant 112 : index
        %get3A_1465 = tpu.vector_load %arg9[%get3A_1463, %get3A_1464] {strides = array<i32>} : memref<128x128xf32, #tpu.memory_space<vmem>>, vector<16xf32>,
        %exp3A_1466 = math.exp %get3A_1459 : vector<16xf32>
        %mul3A_1467 = arith.mulf %exp3A_1466, %get3A_1462 : vector<16xf32>
        %add3A_1468 = arith.addf %get3A_1465, %mul3A_1467 : vector<16xf32>
        %swap3A_1469 = arith.index_cast %add3A_1310 : i32 to index
        %swap3A_1470 = arith.constant 112 : index
        %swap3A_1471 = tpu.vector_load %arg12[%swap3A_1469, %swap3A_1470] {strides = array<i32>} : memref<128x128xf32, #tpu.memory_space<vmem>>, vector<16xf32>,
        tpu.vector_store %arg12[%swap3A_1469, %swap3A_1470], %add3A_1468 {strides = array<i32>} : memref<128x128xf32, #tpu.memory_space<vmem>>, vector<16xf32>,
        %mul3A_1472 = arith.mulf %get3A_1462, %get3A_1462 : vector<16xf32>
        %mul3A_1473 = arith.constant 5.000000e-01 : f32
        %mul3A_1474 = vector.broadcast %mul3A_1473 : f32 to vector<16xf32>
        %mul3A_1475 = arith.mulf %mul3A_1474, %mul3A_1472 : vector<16xf32>
        %add3A_1476 = arith.addf %get3A_1459, %mul3A_1475 : vector<16xf32>
        %add3A_1477 = arith.addf %add3A_1456, %add3A_1476 : vector<16xf32>
        %reduce_sum3A_1478 = arith.constant true
        %reduce_sum3A_1479 = vector.broadcast %reduce_sum3A_1478 : i1 to vector<16xi1>
        %reduce_sum3A_1480 = tpu.scan <sum>, %add3A_1477 masked %reduce_sum3A_1479 : vector<16xf32>, vector<16xi1> -> vector<16xf32>
        %reduce_sum3A_1481 = vector.extract %reduce_sum3A_1480[15] : f32 from vector<16xf32>
        %sub3A_1482 = arith.constant -117.62413 : f32
        %sub3A_1483 = arith.subf %sub3A_1482, %reduce_sum3A_1481 : f32
        %eq3A_1484 = arith.constant 7 : i32
        %eq3A_1485 = vector.broadcast %eq3A_1484 : i32 to vector<16xi32>
        %eq3A_1486 = arith.cmpi eq, %iota3A, %eq3A_1485 : vector<16xi32>
        %broadcast_in_dim3A_1487 = vector.broadcast %sub3A_1483 : f32 to vector<16xf32>
        %select_n3A_1488 = arith.select %eq3A_1486, %broadcast_in_dim3A_1487, %select_n3A_1308 : vector<16xi1>, vector<16xf32>
        %add3A_1489 = arith.constant 8 : i32
        %add3A_1490 = arith.addi %mul3A_54, %add3A_1489 : i32
        %get3A_1491 = arith.index_cast %add3A_1490 : i32 to index
        %get3A_1492 = arith.constant 0 : index
        %get3A_1493 = tpu.vector_load %arg10[%get3A_1491, %get3A_1492] {strides = array<i32>} : memref<128x128xf32, #tpu.memory_space<vmem>>, vector<16xf32>,
        %get3A_1494 = arith.index_cast %add3A_1490 : i32 to index
        %get3A_1495 = arith.constant 0 : index
        %get3A_1496 = tpu.vector_load %arg11[%get3A_1494, %get3A_1495] {strides = array<i32>} : memref<128x128xf32, #tpu.memory_space<vmem>>, vector<16xf32>,
        %get3A_1497 = arith.index_cast %add3A_1490 : i32 to index
        %get3A_1498 = arith.constant 0 : index
        %get3A_1499 = tpu.vector_load %arg9[%get3A_1497, %get3A_1498] {strides = array<i32>} : memref<128x128xf32, #tpu.memory_space<vmem>>, vector<16xf32>,
        %exp3A_1500 = math.exp %get3A_1493 : vector<16xf32>
        %mul3A_1501 = arith.mulf %exp3A_1500, %get3A_1496 : vector<16xf32>
        %add3A_1502 = arith.addf %get3A_1499, %mul3A_1501 : vector<16xf32>
        %swap3A_1503 = arith.index_cast %add3A_1490 : i32 to index
        %swap3A_1504 = arith.constant 0 : index
        %swap3A_1505 = tpu.vector_load %arg12[%swap3A_1503, %swap3A_1504] {strides = array<i32>} : memref<128x128xf32, #tpu.memory_space<vmem>>, vector<16xf32>,
        tpu.vector_store %arg12[%swap3A_1503, %swap3A_1504], %add3A_1502 {strides = array<i32>} : memref<128x128xf32, #tpu.memory_space<vmem>>, vector<16xf32>,
        %mul3A_1506 = arith.mulf %get3A_1496, %get3A_1496 : vector<16xf32>
        %mul3A_1507 = arith.constant 5.000000e-01 : f32
        %mul3A_1508 = vector.broadcast %mul3A_1507 : f32 to vector<16xf32>
        %mul3A_1509 = arith.mulf %mul3A_1508, %mul3A_1506 : vector<16xf32>
        %add3A_1510 = arith.addf %get3A_1493, %mul3A_1509 : vector<16xf32>
        %get3A_1511 = arith.index_cast %add3A_1490 : i32 to index
        %get3A_1512 = arith.constant 16 : index
        %get3A_1513 = tpu.vector_load %arg10[%get3A_1511, %get3A_1512] {strides = array<i32>} : memref<128x128xf32, #tpu.memory_space<vmem>>, vector<16xf32>,
        %get3A_1514 = arith.index_cast %add3A_1490 : i32 to index
        %get3A_1515 = arith.constant 16 : index
        %get3A_1516 = tpu.vector_load %arg11[%get3A_1514, %get3A_1515] {strides = array<i32>} : memref<128x128xf32, #tpu.memory_space<vmem>>, vector<16xf32>,
        %get3A_1517 = arith.index_cast %add3A_1490 : i32 to index
        %get3A_1518 = arith.constant 16 : index
        %get3A_1519 = tpu.vector_load %arg9[%get3A_1517, %get3A_1518] {strides = array<i32>} : memref<128x128xf32, #tpu.memory_space<vmem>>, vector<16xf32>,
        %exp3A_1520 = math.exp %get3A_1513 : vector<16xf32>
        %mul3A_1521 = arith.mulf %exp3A_1520, %get3A_1516 : vector<16xf32>
        %add3A_1522 = arith.addf %get3A_1519, %mul3A_1521 : vector<16xf32>
        %swap3A_1523 = arith.index_cast %add3A_1490 : i32 to index
        %swap3A_1524 = arith.constant 16 : index
        %swap3A_1525 = tpu.vector_load %arg12[%swap3A_1523, %swap3A_1524] {strides = array<i32>} : memref<128x128xf32, #tpu.memory_space<vmem>>, vector<16xf32>,
        tpu.vector_store %arg12[%swap3A_1523, %swap3A_1524], %add3A_1522 {strides = array<i32>} : memref<128x128xf32, #tpu.memory_space<vmem>>, vector<16xf32>,
        %mul3A_1526 = arith.mulf %get3A_1516, %get3A_1516 : vector<16xf32>
        %mul3A_1527 = arith.constant 5.000000e-01 : f32
        %mul3A_1528 = vector.broadcast %mul3A_1527 : f32 to vector<16xf32>
        %mul3A_1529 = arith.mulf %mul3A_1528, %mul3A_1526 : vector<16xf32>
        %add3A_1530 = arith.addf %get3A_1513, %mul3A_1529 : vector<16xf32>
        %add3A_1531 = arith.addf %add3A_1510, %add3A_1530 : vector<16xf32>
        %get3A_1532 = arith.index_cast %add3A_1490 : i32 to index
        %get3A_1533 = arith.constant 32 : index
        %get3A_1534 = tpu.vector_load %arg10[%get3A_1532, %get3A_1533] {strides = array<i32>} : memref<128x128xf32, #tpu.memory_space<vmem>>, vector<16xf32>,
        %get3A_1535 = arith.index_cast %add3A_1490 : i32 to index
        %get3A_1536 = arith.constant 32 : index
        %get3A_1537 = tpu.vector_load %arg11[%get3A_1535, %get3A_1536] {strides = array<i32>} : memref<128x128xf32, #tpu.memory_space<vmem>>, vector<16xf32>,
        %get3A_1538 = arith.index_cast %add3A_1490 : i32 to index
        %get3A_1539 = arith.constant 32 : index
        %get3A_1540 = tpu.vector_load %arg9[%get3A_1538, %get3A_1539] {strides = array<i32>} : memref<128x128xf32, #tpu.memory_space<vmem>>, vector<16xf32>,
        %exp3A_1541 = math.exp %get3A_1534 : vector<16xf32>
        %mul3A_1542 = arith.mulf %exp3A_1541, %get3A_1537 : vector<16xf32>
        %add3A_1543 = arith.addf %get3A_1540, %mul3A_1542 : vector<16xf32>
        %swap3A_1544 = arith.index_cast %add3A_1490 : i32 to index
        %swap3A_1545 = arith.constant 32 : index
        %swap3A_1546 = tpu.vector_load %arg12[%swap3A_1544, %swap3A_1545] {strides = array<i32>} : memref<128x128xf32, #tpu.memory_space<vmem>>, vector<16xf32>,
        tpu.vector_store %arg12[%swap3A_1544, %swap3A_1545], %add3A_1543 {strides = array<i32>} : memref<128x128xf32, #tpu.memory_space<vmem>>, vector<16xf32>,
        %mul3A_1547 = arith.mulf %get3A_1537, %get3A_1537 : vector<16xf32>
        %mul3A_1548 = arith.constant 5.000000e-01 : f32
        %mul3A_1549 = vector.broadcast %mul3A_1548 : f32 to vector<16xf32>
        %mul3A_1550 = arith.mulf %mul3A_1549, %mul3A_1547 : vector<16xf32>
        %add3A_1551 = arith.addf %get3A_1534, %mul3A_1550 : vector<16xf32>
        %add3A_1552 = arith.addf %add3A_1531, %add3A_1551 : vector<16xf32>
        %get3A_1553 = arith.index_cast %add3A_1490 : i32 to index
        %get3A_1554 = arith.constant 48 : index
        %get3A_1555 = tpu.vector_load %arg10[%get3A_1553, %get3A_1554] {strides = array<i32>} : memref<128x128xf32, #tpu.memory_space<vmem>>, vector<16xf32>,
        %get3A_1556 = arith.index_cast %add3A_1490 : i32 to index
        %get3A_1557 = arith.constant 48 : index
        %get3A_1558 = tpu.vector_load %arg11[%get3A_1556, %get3A_1557] {strides = array<i32>} : memref<128x128xf32, #tpu.memory_space<vmem>>, vector<16xf32>,
        %get3A_1559 = arith.index_cast %add3A_1490 : i32 to index
        %get3A_1560 = arith.constant 48 : index
        %get3A_1561 = tpu.vector_load %arg9[%get3A_1559, %get3A_1560] {strides = array<i32>} : memref<128x128xf32, #tpu.memory_space<vmem>>, vector<16xf32>,
        %exp3A_1562 = math.exp %get3A_1555 : vector<16xf32>
        %mul3A_1563 = arith.mulf %exp3A_1562, %get3A_1558 : vector<16xf32>
        %add3A_1564 = arith.addf %get3A_1561, %mul3A_1563 : vector<16xf32>
        %swap3A_1565 = arith.index_cast %add3A_1490 : i32 to index
        %swap3A_1566 = arith.constant 48 : index
        %swap3A_1567 = tpu.vector_load %arg12[%swap3A_1565, %swap3A_1566] {strides = array<i32>} : memref<128x128xf32, #tpu.memory_space<vmem>>, vector<16xf32>,
        tpu.vector_store %arg12[%swap3A_1565, %swap3A_1566], %add3A_1564 {strides = array<i32>} : memref<128x128xf32, #tpu.memory_space<vmem>>, vector<16xf32>,
        %mul3A_1568 = arith.mulf %get3A_1558, %get3A_1558 : vector<16xf32>
        %mul3A_1569 = arith.constant 5.000000e-01 : f32
        %mul3A_1570 = vector.broadcast %mul3A_1569 : f32 to vector<16xf32>
        %mul3A_1571 = arith.mulf %mul3A_1570, %mul3A_1568 : vector<16xf32>
        %add3A_1572 = arith.addf %get3A_1555, %mul3A_1571 : vector<16xf32>
        %add3A_1573 = arith.addf %add3A_1552, %add3A_1572 : vector<16xf32>
        %get3A_1574 = arith.index_cast %add3A_1490 : i32 to index
        %get3A_1575 = arith.constant 64 : index
        %get3A_1576 = tpu.vector_load %arg10[%get3A_1574, %get3A_1575] {strides = array<i32>} : memref<128x128xf32, #tpu.memory_space<vmem>>, vector<16xf32>,
        %get3A_1577 = arith.index_cast %add3A_1490 : i32 to index
        %get3A_1578 = arith.constant 64 : index
        %get3A_1579 = tpu.vector_load %arg11[%get3A_1577, %get3A_1578] {strides = array<i32>} : memref<128x128xf32, #tpu.memory_space<vmem>>, vector<16xf32>,
        %get3A_1580 = arith.index_cast %add3A_1490 : i32 to index
        %get3A_1581 = arith.constant 64 : index
        %get3A_1582 = tpu.vector_load %arg9[%get3A_1580, %get3A_1581] {strides = array<i32>} : memref<128x128xf32, #tpu.memory_space<vmem>>, vector<16xf32>,
        %exp3A_1583 = math.exp %get3A_1576 : vector<16xf32>
        %mul3A_1584 = arith.mulf %exp3A_1583, %get3A_1579 : vector<16xf32>
        %add3A_1585 = arith.addf %get3A_1582, %mul3A_1584 : vector<16xf32>
        %swap3A_1586 = arith.index_cast %add3A_1490 : i32 to index
        %swap3A_1587 = arith.constant 64 : index
        %swap3A_1588 = tpu.vector_load %arg12[%swap3A_1586, %swap3A_1587] {strides = array<i32>} : memref<128x128xf32, #tpu.memory_space<vmem>>, vector<16xf32>,
        tpu.vector_store %arg12[%swap3A_1586, %swap3A_1587], %add3A_1585 {strides = array<i32>} : memref<128x128xf32, #tpu.memory_space<vmem>>, vector<16xf32>,
        %mul3A_1589 = arith.mulf %get3A_1579, %get3A_1579 : vector<16xf32>
        %mul3A_1590 = arith.constant 5.000000e-01 : f32
        %mul3A_1591 = vector.broadcast %mul3A_1590 : f32 to vector<16xf32>
        %mul3A_1592 = arith.mulf %mul3A_1591, %mul3A_1589 : vector<16xf32>
        %add3A_1593 = arith.addf %get3A_1576, %mul3A_1592 : vector<16xf32>
        %add3A_1594 = arith.addf %add3A_1573, %add3A_1593 : vector<16xf32>
        %get3A_1595 = arith.index_cast %add3A_1490 : i32 to index
        %get3A_1596 = arith.constant 80 : index
        %get3A_1597 = tpu.vector_load %arg10[%get3A_1595, %get3A_1596] {strides = array<i32>} : memref<128x128xf32, #tpu.memory_space<vmem>>, vector<16xf32>,
        %get3A_1598 = arith.index_cast %add3A_1490 : i32 to index
        %get3A_1599 = arith.constant 80 : index
        %get3A_1600 = tpu.vector_load %arg11[%get3A_1598, %get3A_1599] {strides = array<i32>} : memref<128x128xf32, #tpu.memory_space<vmem>>, vector<16xf32>,
        %get3A_1601 = arith.index_cast %add3A_1490 : i32 to index
        %get3A_1602 = arith.constant 80 : index
        %get3A_1603 = tpu.vector_load %arg9[%get3A_1601, %get3A_1602] {strides = array<i32>} : memref<128x128xf32, #tpu.memory_space<vmem>>, vector<16xf32>,
        %exp3A_1604 = math.exp %get3A_1597 : vector<16xf32>
        %mul3A_1605 = arith.mulf %exp3A_1604, %get3A_1600 : vector<16xf32>
        %add3A_1606 = arith.addf %get3A_1603, %mul3A_1605 : vector<16xf32>
        %swap3A_1607 = arith.index_cast %add3A_1490 : i32 to index
        %swap3A_1608 = arith.constant 80 : index
        %swap3A_1609 = tpu.vector_load %arg12[%swap3A_1607, %swap3A_1608] {strides = array<i32>} : memref<128x128xf32, #tpu.memory_space<vmem>>, vector<16xf32>,
        tpu.vector_store %arg12[%swap3A_1607, %swap3A_1608], %add3A_1606 {strides = array<i32>} : memref<128x128xf32, #tpu.memory_space<vmem>>, vector<16xf32>,
        %mul3A_1610 = arith.mulf %get3A_1600, %get3A_1600 : vector<16xf32>
        %mul3A_1611 = arith.constant 5.000000e-01 : f32
        %mul3A_1612 = vector.broadcast %mul3A_1611 : f32 to vector<16xf32>
        %mul3A_1613 = arith.mulf %mul3A_1612, %mul3A_1610 : vector<16xf32>
        %add3A_1614 = arith.addf %get3A_1597, %mul3A_1613 : vector<16xf32>
        %add3A_1615 = arith.addf %add3A_1594, %add3A_1614 : vector<16xf32>
        %get3A_1616 = arith.index_cast %add3A_1490 : i32 to index
        %get3A_1617 = arith.constant 96 : index
        %get3A_1618 = tpu.vector_load %arg10[%get3A_1616, %get3A_1617] {strides = array<i32>} : memref<128x128xf32, #tpu.memory_space<vmem>>, vector<16xf32>,
        %get3A_1619 = arith.index_cast %add3A_1490 : i32 to index
        %get3A_1620 = arith.constant 96 : index
        %get3A_1621 = tpu.vector_load %arg11[%get3A_1619, %get3A_1620] {strides = array<i32>} : memref<128x128xf32, #tpu.memory_space<vmem>>, vector<16xf32>,
        %get3A_1622 = arith.index_cast %add3A_1490 : i32 to index
        %get3A_1623 = arith.constant 96 : index
        %get3A_1624 = tpu.vector_load %arg9[%get3A_1622, %get3A_1623] {strides = array<i32>} : memref<128x128xf32, #tpu.memory_space<vmem>>, vector<16xf32>,
        %exp3A_1625 = math.exp %get3A_1618 : vector<16xf32>
        %mul3A_1626 = arith.mulf %exp3A_1625, %get3A_1621 : vector<16xf32>
        %add3A_1627 = arith.addf %get3A_1624, %mul3A_1626 : vector<16xf32>
        %swap3A_1628 = arith.index_cast %add3A_1490 : i32 to index
        %swap3A_1629 = arith.constant 96 : index
        %swap3A_1630 = tpu.vector_load %arg12[%swap3A_1628, %swap3A_1629] {strides = array<i32>} : memref<128x128xf32, #tpu.memory_space<vmem>>, vector<16xf32>,
        tpu.vector_store %arg12[%swap3A_1628, %swap3A_1629], %add3A_1627 {strides = array<i32>} : memref<128x128xf32, #tpu.memory_space<vmem>>, vector<16xf32>,
        %mul3A_1631 = arith.mulf %get3A_1621, %get3A_1621 : vector<16xf32>
        %mul3A_1632 = arith.constant 5.000000e-01 : f32
        %mul3A_1633 = vector.broadcast %mul3A_1632 : f32 to vector<16xf32>
        %mul3A_1634 = arith.mulf %mul3A_1633, %mul3A_1631 : vector<16xf32>
        %add3A_1635 = arith.addf %get3A_1618, %mul3A_1634 : vector<16xf32>
        %add3A_1636 = arith.addf %add3A_1615, %add3A_1635 : vector<16xf32>
        %get3A_1637 = arith.index_cast %add3A_1490 : i32 to index
        %get3A_1638 = arith.constant 112 : index
        %get3A_1639 = tpu.vector_load %arg10[%get3A_1637, %get3A_1638] {strides = array<i32>} : memref<128x128xf32, #tpu.memory_space<vmem>>, vector<16xf32>,
        %get3A_1640 = arith.index_cast %add3A_1490 : i32 to index
        %get3A_1641 = arith.constant 112 : index
        %get3A_1642 = tpu.vector_load %arg11[%get3A_1640, %get3A_1641] {strides = array<i32>} : memref<128x128xf32, #tpu.memory_space<vmem>>, vector<16xf32>,
        %get3A_1643 = arith.index_cast %add3A_1490 : i32 to index
        %get3A_1644 = arith.constant 112 : index
        %get3A_1645 = tpu.vector_load %arg9[%get3A_1643, %get3A_1644] {strides = array<i32>} : memref<128x128xf32, #tpu.memory_space<vmem>>, vector<16xf32>,
        %exp3A_1646 = math.exp %get3A_1639 : vector<16xf32>
        %mul3A_1647 = arith.mulf %exp3A_1646, %get3A_1642 : vector<16xf32>
        %add3A_1648 = arith.addf %get3A_1645, %mul3A_1647 : vector<16xf32>
        %swap3A_1649 = arith.index_cast %add3A_1490 : i32 to index
        %swap3A_1650 = arith.constant 112 : index
        %swap3A_1651 = tpu.vector_load %arg12[%swap3A_1649, %swap3A_1650] {strides = array<i32>} : memref<128x128xf32, #tpu.memory_space<vmem>>, vector<16xf32>,
        tpu.vector_store %arg12[%swap3A_1649, %swap3A_1650], %add3A_1648 {strides = array<i32>} : memref<128x128xf32, #tpu.memory_space<vmem>>, vector<16xf32>,
        %mul3A_1652 = arith.mulf %get3A_1642, %get3A_1642 : vector<16xf32>
        %mul3A_1653 = arith.constant 5.000000e-01 : f32
        %mul3A_1654 = vector.broadcast %mul3A_1653 : f32 to vector<16xf32>
        %mul3A_1655 = arith.mulf %mul3A_1654, %mul3A_1652 : vector<16xf32>
        %add3A_1656 = arith.addf %get3A_1639, %mul3A_1655 : vector<16xf32>
        %add3A_1657 = arith.addf %add3A_1636, %add3A_1656 : vector<16xf32>
        %reduce_sum3A_1658 = arith.constant true
        %reduce_sum3A_1659 = vector.broadcast %reduce_sum3A_1658 : i1 to vector<16xi1>
        %reduce_sum3A_1660 = tpu.scan <sum>, %add3A_1657 masked %reduce_sum3A_1659 : vector<16xf32>, vector<16xi1> -> vector<16xf32>
        %reduce_sum3A_1661 = vector.extract %reduce_sum3A_1660[15] : f32 from vector<16xf32>
        %sub3A_1662 = arith.constant -117.62413 : f32
        %sub3A_1663 = arith.subf %sub3A_1662, %reduce_sum3A_1661 : f32
        %eq3A_1664 = arith.constant 8 : i32
        %eq3A_1665 = vector.broadcast %eq3A_1664 : i32 to vector<16xi32>
        %eq3A_1666 = arith.cmpi eq, %iota3A, %eq3A_1665 : vector<16xi32>
        %broadcast_in_dim3A_1667 = vector.broadcast %sub3A_1663 : f32 to vector<16xf32>
        %select_n3A_1668 = arith.select %eq3A_1666, %broadcast_in_dim3A_1667, %select_n3A_1488 : vector<16xi1>, vector<16xf32>
        %add3A_1669 = arith.constant 9 : i32
        %add3A_1670 = arith.addi %mul3A_54, %add3A_1669 : i32
        %get3A_1671 = arith.index_cast %add3A_1670 : i32 to index
        %get3A_1672 = arith.constant 0 : index
        %get3A_1673 = tpu.vector_load %arg10[%get3A_1671, %get3A_1672] {strides = array<i32>} : memref<128x128xf32, #tpu.memory_space<vmem>>, vector<16xf32>,
        %get3A_1674 = arith.index_cast %add3A_1670 : i32 to index
        %get3A_1675 = arith.constant 0 : index
        %get3A_1676 = tpu.vector_load %arg11[%get3A_1674, %get3A_1675] {strides = array<i32>} : memref<128x128xf32, #tpu.memory_space<vmem>>, vector<16xf32>,
        %get3A_1677 = arith.index_cast %add3A_1670 : i32 to index
        %get3A_1678 = arith.constant 0 : index
        %get3A_1679 = tpu.vector_load %arg9[%get3A_1677, %get3A_1678] {strides = array<i32>} : memref<128x128xf32, #tpu.memory_space<vmem>>, vector<16xf32>,
        %exp3A_1680 = math.exp %get3A_1673 : vector<16xf32>
        %mul3A_1681 = arith.mulf %exp3A_1680, %get3A_1676 : vector<16xf32>
        %add3A_1682 = arith.addf %get3A_1679, %mul3A_1681 : vector<16xf32>
        %swap3A_1683 = arith.index_cast %add3A_1670 : i32 to index
        %swap3A_1684 = arith.constant 0 : index
        %swap3A_1685 = tpu.vector_load %arg12[%swap3A_1683, %swap3A_1684] {strides = array<i32>} : memref<128x128xf32, #tpu.memory_space<vmem>>, vector<16xf32>,
        tpu.vector_store %arg12[%swap3A_1683, %swap3A_1684], %add3A_1682 {strides = array<i32>} : memref<128x128xf32, #tpu.memory_space<vmem>>, vector<16xf32>,
        %mul3A_1686 = arith.mulf %get3A_1676, %get3A_1676 : vector<16xf32>
        %mul3A_1687 = arith.constant 5.000000e-01 : f32
        %mul3A_1688 = vector.broadcast %mul3A_1687 : f32 to vector<16xf32>
        %mul3A_1689 = arith.mulf %mul3A_1688, %mul3A_1686 : vector<16xf32>
        %add3A_1690 = arith.addf %get3A_1673, %mul3A_1689 : vector<16xf32>
        %get3A_1691 = arith.index_cast %add3A_1670 : i32 to index
        %get3A_1692 = arith.constant 16 : index
        %get3A_1693 = tpu.vector_load %arg10[%get3A_1691, %get3A_1692] {strides = array<i32>} : memref<128x128xf32, #tpu.memory_space<vmem>>, vector<16xf32>,
        %get3A_1694 = arith.index_cast %add3A_1670 : i32 to index
        %get3A_1695 = arith.constant 16 : index
        %get3A_1696 = tpu.vector_load %arg11[%get3A_1694, %get3A_1695] {strides = array<i32>} : memref<128x128xf32, #tpu.memory_space<vmem>>, vector<16xf32>,
        %get3A_1697 = arith.index_cast %add3A_1670 : i32 to index
        %get3A_1698 = arith.constant 16 : index
        %get3A_1699 = tpu.vector_load %arg9[%get3A_1697, %get3A_1698] {strides = array<i32>} : memref<128x128xf32, #tpu.memory_space<vmem>>, vector<16xf32>,
        %exp3A_1700 = math.exp %get3A_1693 : vector<16xf32>
        %mul3A_1701 = arith.mulf %exp3A_1700, %get3A_1696 : vector<16xf32>
        %add3A_1702 = arith.addf %get3A_1699, %mul3A_1701 : vector<16xf32>
        %swap3A_1703 = arith.index_cast %add3A_1670 : i32 to index
        %swap3A_1704 = arith.constant 16 : index
        %swap3A_1705 = tpu.vector_load %arg12[%swap3A_1703, %swap3A_1704] {strides = array<i32>} : memref<128x128xf32, #tpu.memory_space<vmem>>, vector<16xf32>,
        tpu.vector_store %arg12[%swap3A_1703, %swap3A_1704], %add3A_1702 {strides = array<i32>} : memref<128x128xf32, #tpu.memory_space<vmem>>, vector<16xf32>,
        %mul3A_1706 = arith.mulf %get3A_1696, %get3A_1696 : vector<16xf32>
        %mul3A_1707 = arith.constant 5.000000e-01 : f32
        %mul3A_1708 = vector.broadcast %mul3A_1707 : f32 to vector<16xf32>
        %mul3A_1709 = arith.mulf %mul3A_1708, %mul3A_1706 : vector<16xf32>
        %add3A_1710 = arith.addf %get3A_1693, %mul3A_1709 : vector<16xf32>
        %add3A_1711 = arith.addf %add3A_1690, %add3A_1710 : vector<16xf32>
        %get3A_1712 = arith.index_cast %add3A_1670 : i32 to index
        %get3A_1713 = arith.constant 32 : index
        %get3A_1714 = tpu.vector_load %arg10[%get3A_1712, %get3A_1713] {strides = array<i32>} : memref<128x128xf32, #tpu.memory_space<vmem>>, vector<16xf32>,
        %get3A_1715 = arith.index_cast %add3A_1670 : i32 to index
        %get3A_1716 = arith.constant 32 : index
        %get3A_1717 = tpu.vector_load %arg11[%get3A_1715, %get3A_1716] {strides = array<i32>} : memref<128x128xf32, #tpu.memory_space<vmem>>, vector<16xf32>,
        %get3A_1718 = arith.index_cast %add3A_1670 : i32 to index
        %get3A_1719 = arith.constant 32 : index
        %get3A_1720 = tpu.vector_load %arg9[%get3A_1718, %get3A_1719] {strides = array<i32>} : memref<128x128xf32, #tpu.memory_space<vmem>>, vector<16xf32>,
        %exp3A_1721 = math.exp %get3A_1714 : vector<16xf32>
        %mul3A_1722 = arith.mulf %exp3A_1721, %get3A_1717 : vector<16xf32>
        %add3A_1723 = arith.addf %get3A_1720, %mul3A_1722 : vector<16xf32>
        %swap3A_1724 = arith.index_cast %add3A_1670 : i32 to index
        %swap3A_1725 = arith.constant 32 : index
        %swap3A_1726 = tpu.vector_load %arg12[%swap3A_1724, %swap3A_1725] {strides = array<i32>} : memref<128x128xf32, #tpu.memory_space<vmem>>, vector<16xf32>,
        tpu.vector_store %arg12[%swap3A_1724, %swap3A_1725], %add3A_1723 {strides = array<i32>} : memref<128x128xf32, #tpu.memory_space<vmem>>, vector<16xf32>,
        %mul3A_1727 = arith.mulf %get3A_1717, %get3A_1717 : vector<16xf32>
        %mul3A_1728 = arith.constant 5.000000e-01 : f32
        %mul3A_1729 = vector.broadcast %mul3A_1728 : f32 to vector<16xf32>
        %mul3A_1730 = arith.mulf %mul3A_1729, %mul3A_1727 : vector<16xf32>
        %add3A_1731 = arith.addf %get3A_1714, %mul3A_1730 : vector<16xf32>
        %add3A_1732 = arith.addf %add3A_1711, %add3A_1731 : vector<16xf32>
        %get3A_1733 = arith.index_cast %add3A_1670 : i32 to index
        %get3A_1734 = arith.constant 48 : index
        %get3A_1735 = tpu.vector_load %arg10[%get3A_1733, %get3A_1734] {strides = array<i32>} : memref<128x128xf32, #tpu.memory_space<vmem>>, vector<16xf32>,
        %get3A_1736 = arith.index_cast %add3A_1670 : i32 to index
        %get3A_1737 = arith.constant 48 : index
        %get3A_1738 = tpu.vector_load %arg11[%get3A_1736, %get3A_1737] {strides = array<i32>} : memref<128x128xf32, #tpu.memory_space<vmem>>, vector<16xf32>,
        %get3A_1739 = arith.index_cast %add3A_1670 : i32 to index
        %get3A_1740 = arith.constant 48 : index
        %get3A_1741 = tpu.vector_load %arg9[%get3A_1739, %get3A_1740] {strides = array<i32>} : memref<128x128xf32, #tpu.memory_space<vmem>>, vector<16xf32>,
        %exp3A_1742 = math.exp %get3A_1735 : vector<16xf32>
        %mul3A_1743 = arith.mulf %exp3A_1742, %get3A_1738 : vector<16xf32>
        %add3A_1744 = arith.addf %get3A_1741, %mul3A_1743 : vector<16xf32>
        %swap3A_1745 = arith.index_cast %add3A_1670 : i32 to index
        %swap3A_1746 = arith.constant 48 : index
        %swap3A_1747 = tpu.vector_load %arg12[%swap3A_1745, %swap3A_1746] {strides = array<i32>} : memref<128x128xf32, #tpu.memory_space<vmem>>, vector<16xf32>,
        tpu.vector_store %arg12[%swap3A_1745, %swap3A_1746], %add3A_1744 {strides = array<i32>} : memref<128x128xf32, #tpu.memory_space<vmem>>, vector<16xf32>,
        %mul3A_1748 = arith.mulf %get3A_1738, %get3A_1738 : vector<16xf32>
        %mul3A_1749 = arith.constant 5.000000e-01 : f32
        %mul3A_1750 = vector.broadcast %mul3A_1749 : f32 to vector<16xf32>
        %mul3A_1751 = arith.mulf %mul3A_1750, %mul3A_1748 : vector<16xf32>
        %add3A_1752 = arith.addf %get3A_1735, %mul3A_1751 : vector<16xf32>
        %add3A_1753 = arith.addf %add3A_1732, %add3A_1752 : vector<16xf32>
        %get3A_1754 = arith.index_cast %add3A_1670 : i32 to index
        %get3A_1755 = arith.constant 64 : index
        %get3A_1756 = tpu.vector_load %arg10[%get3A_1754, %get3A_1755] {strides = array<i32>} : memref<128x128xf32, #tpu.memory_space<vmem>>, vector<16xf32>,
        %get3A_1757 = arith.index_cast %add3A_1670 : i32 to index
        %get3A_1758 = arith.constant 64 : index
        %get3A_1759 = tpu.vector_load %arg11[%get3A_1757, %get3A_1758] {strides = array<i32>} : memref<128x128xf32, #tpu.memory_space<vmem>>, vector<16xf32>,
        %get3A_1760 = arith.index_cast %add3A_1670 : i32 to index
        %get3A_1761 = arith.constant 64 : index
        %get3A_1762 = tpu.vector_load %arg9[%get3A_1760, %get3A_1761] {strides = array<i32>} : memref<128x128xf32, #tpu.memory_space<vmem>>, vector<16xf32>,
        %exp3A_1763 = math.exp %get3A_1756 : vector<16xf32>
        %mul3A_1764 = arith.mulf %exp3A_1763, %get3A_1759 : vector<16xf32>
        %add3A_1765 = arith.addf %get3A_1762, %mul3A_1764 : vector<16xf32>
        %swap3A_1766 = arith.index_cast %add3A_1670 : i32 to index
        %swap3A_1767 = arith.constant 64 : index
        %swap3A_1768 = tpu.vector_load %arg12[%swap3A_1766, %swap3A_1767] {strides = array<i32>} : memref<128x128xf32, #tpu.memory_space<vmem>>, vector<16xf32>,
        tpu.vector_store %arg12[%swap3A_1766, %swap3A_1767], %add3A_1765 {strides = array<i32>} : memref<128x128xf32, #tpu.memory_space<vmem>>, vector<16xf32>,
        %mul3A_1769 = arith.mulf %get3A_1759, %get3A_1759 : vector<16xf32>
        %mul3A_1770 = arith.constant 5.000000e-01 : f32
        %mul3A_1771 = vector.broadcast %mul3A_1770 : f32 to vector<16xf32>
        %mul3A_1772 = arith.mulf %mul3A_1771, %mul3A_1769 : vector<16xf32>
        %add3A_1773 = arith.addf %get3A_1756, %mul3A_1772 : vector<16xf32>
        %add3A_1774 = arith.addf %add3A_1753, %add3A_1773 : vector<16xf32>
        %get3A_1775 = arith.index_cast %add3A_1670 : i32 to index
        %get3A_1776 = arith.constant 80 : index
        %get3A_1777 = tpu.vector_load %arg10[%get3A_1775, %get3A_1776] {strides = array<i32>} : memref<128x128xf32, #tpu.memory_space<vmem>>, vector<16xf32>,
        %get3A_1778 = arith.index_cast %add3A_1670 : i32 to index
        %get3A_1779 = arith.constant 80 : index
        %get3A_1780 = tpu.vector_load %arg11[%get3A_1778, %get3A_1779] {strides = array<i32>} : memref<128x128xf32, #tpu.memory_space<vmem>>, vector<16xf32>,
        %get3A_1781 = arith.index_cast %add3A_1670 : i32 to index
        %get3A_1782 = arith.constant 80 : index
        %get3A_1783 = tpu.vector_load %arg9[%get3A_1781, %get3A_1782] {strides = array<i32>} : memref<128x128xf32, #tpu.memory_space<vmem>>, vector<16xf32>,
        %exp3A_1784 = math.exp %get3A_1777 : vector<16xf32>
        %mul3A_1785 = arith.mulf %exp3A_1784, %get3A_1780 : vector<16xf32>
        %add3A_1786 = arith.addf %get3A_1783, %mul3A_1785 : vector<16xf32>
        %swap3A_1787 = arith.index_cast %add3A_1670 : i32 to index
        %swap3A_1788 = arith.constant 80 : index
        %swap3A_1789 = tpu.vector_load %arg12[%swap3A_1787, %swap3A_1788] {strides = array<i32>} : memref<128x128xf32, #tpu.memory_space<vmem>>, vector<16xf32>,
        tpu.vector_store %arg12[%swap3A_1787, %swap3A_1788], %add3A_1786 {strides = array<i32>} : memref<128x128xf32, #tpu.memory_space<vmem>>, vector<16xf32>,
        %mul3A_1790 = arith.mulf %get3A_1780, %get3A_1780 : vector<16xf32>
        %mul3A_1791 = arith.constant 5.000000e-01 : f32
        %mul3A_1792 = vector.broadcast %mul3A_1791 : f32 to vector<16xf32>
        %mul3A_1793 = arith.mulf %mul3A_1792, %mul3A_1790 : vector<16xf32>
        %add3A_1794 = arith.addf %get3A_1777, %mul3A_1793 : vector<16xf32>
        %add3A_1795 = arith.addf %add3A_1774, %add3A_1794 : vector<16xf32>
        %get3A_1796 = arith.index_cast %add3A_1670 : i32 to index
        %get3A_1797 = arith.constant 96 : index
        %get3A_1798 = tpu.vector_load %arg10[%get3A_1796, %get3A_1797] {strides = array<i32>} : memref<128x128xf32, #tpu.memory_space<vmem>>, vector<16xf32>,
        %get3A_1799 = arith.index_cast %add3A_1670 : i32 to index
        %get3A_1800 = arith.constant 96 : index
        %get3A_1801 = tpu.vector_load %arg11[%get3A_1799, %get3A_1800] {strides = array<i32>} : memref<128x128xf32, #tpu.memory_space<vmem>>, vector<16xf32>,
        %get3A_1802 = arith.index_cast %add3A_1670 : i32 to index
        %get3A_1803 = arith.constant 96 : index
        %get3A_1804 = tpu.vector_load %arg9[%get3A_1802, %get3A_1803] {strides = array<i32>} : memref<128x128xf32, #tpu.memory_space<vmem>>, vector<16xf32>,
        %exp3A_1805 = math.exp %get3A_1798 : vector<16xf32>
        %mul3A_1806 = arith.mulf %exp3A_1805, %get3A_1801 : vector<16xf32>
        %add3A_1807 = arith.addf %get3A_1804, %mul3A_1806 : vector<16xf32>
        %swap3A_1808 = arith.index_cast %add3A_1670 : i32 to index
        %swap3A_1809 = arith.constant 96 : index
        %swap3A_1810 = tpu.vector_load %arg12[%swap3A_1808, %swap3A_1809] {strides = array<i32>} : memref<128x128xf32, #tpu.memory_space<vmem>>, vector<16xf32>,
        tpu.vector_store %arg12[%swap3A_1808, %swap3A_1809], %add3A_1807 {strides = array<i32>} : memref<128x128xf32, #tpu.memory_space<vmem>>, vector<16xf32>,
        %mul3A_1811 = arith.mulf %get3A_1801, %get3A_1801 : vector<16xf32>
        %mul3A_1812 = arith.constant 5.000000e-01 : f32
        %mul3A_1813 = vector.broadcast %mul3A_1812 : f32 to vector<16xf32>
        %mul3A_1814 = arith.mulf %mul3A_1813, %mul3A_1811 : vector<16xf32>
        %add3A_1815 = arith.addf %get3A_1798, %mul3A_1814 : vector<16xf32>
        %add3A_1816 = arith.addf %add3A_1795, %add3A_1815 : vector<16xf32>
        %get3A_1817 = arith.index_cast %add3A_1670 : i32 to index
        %get3A_1818 = arith.constant 112 : index
        %get3A_1819 = tpu.vector_load %arg10[%get3A_1817, %get3A_1818] {strides = array<i32>} : memref<128x128xf32, #tpu.memory_space<vmem>>, vector<16xf32>,
        %get3A_1820 = arith.index_cast %add3A_1670 : i32 to index
        %get3A_1821 = arith.constant 112 : index
        %get3A_1822 = tpu.vector_load %arg11[%get3A_1820, %get3A_1821] {strides = array<i32>} : memref<128x128xf32, #tpu.memory_space<vmem>>, vector<16xf32>,
        %get3A_1823 = arith.index_cast %add3A_1670 : i32 to index
        %get3A_1824 = arith.constant 112 : index
        %get3A_1825 = tpu.vector_load %arg9[%get3A_1823, %get3A_1824] {strides = array<i32>} : memref<128x128xf32, #tpu.memory_space<vmem>>, vector<16xf32>,
        %exp3A_1826 = math.exp %get3A_1819 : vector<16xf32>
        %mul3A_1827 = arith.mulf %exp3A_1826, %get3A_1822 : vector<16xf32>
        %add3A_1828 = arith.addf %get3A_1825, %mul3A_1827 : vector<16xf32>
        %swap3A_1829 = arith.index_cast %add3A_1670 : i32 to index
        %swap3A_1830 = arith.constant 112 : index
        %swap3A_1831 = tpu.vector_load %arg12[%swap3A_1829, %swap3A_1830] {strides = array<i32>} : memref<128x128xf32, #tpu.memory_space<vmem>>, vector<16xf32>,
        tpu.vector_store %arg12[%swap3A_1829, %swap3A_1830], %add3A_1828 {strides = array<i32>} : memref<128x128xf32, #tpu.memory_space<vmem>>, vector<16xf32>,
        %mul3A_1832 = arith.mulf %get3A_1822, %get3A_1822 : vector<16xf32>
        %mul3A_1833 = arith.constant 5.000000e-01 : f32
        %mul3A_1834 = vector.broadcast %mul3A_1833 : f32 to vector<16xf32>
        %mul3A_1835 = arith.mulf %mul3A_1834, %mul3A_1832 : vector<16xf32>
        %add3A_1836 = arith.addf %get3A_1819, %mul3A_1835 : vector<16xf32>
        %add3A_1837 = arith.addf %add3A_1816, %add3A_1836 : vector<16xf32>
        %reduce_sum3A_1838 = arith.constant true
        %reduce_sum3A_1839 = vector.broadcast %reduce_sum3A_1838 : i1 to vector<16xi1>
        %reduce_sum3A_1840 = tpu.scan <sum>, %add3A_1837 masked %reduce_sum3A_1839 : vector<16xf32>, vector<16xi1> -> vector<16xf32>
        %reduce_sum3A_1841 = vector.extract %reduce_sum3A_1840[15] : f32 from vector<16xf32>
        %sub3A_1842 = arith.constant -117.62413 : f32
        %sub3A_1843 = arith.subf %sub3A_1842, %reduce_sum3A_1841 : f32
        %eq3A_1844 = arith.constant 9 : i32
        %eq3A_1845 = vector.broadcast %eq3A_1844 : i32 to vector<16xi32>
        %eq3A_1846 = arith.cmpi eq, %iota3A, %eq3A_1845 : vector<16xi32>
        %broadcast_in_dim3A_1847 = vector.broadcast %sub3A_1843 : f32 to vector<16xf32>
        %select_n3A_1848 = arith.select %eq3A_1846, %broadcast_in_dim3A_1847, %select_n3A_1668 : vector<16xi1>, vector<16xf32>
        %add3A_1849 = arith.constant 10 : i32
        %add3A_1850 = arith.addi %mul3A_54, %add3A_1849 : i32
        %get3A_1851 = arith.index_cast %add3A_1850 : i32 to index
        %get3A_1852 = arith.constant 0 : index
        %get3A_1853 = tpu.vector_load %arg10[%get3A_1851, %get3A_1852] {strides = array<i32>} : memref<128x128xf32, #tpu.memory_space<vmem>>, vector<16xf32>,
        %get3A_1854 = arith.index_cast %add3A_1850 : i32 to index
        %get3A_1855 = arith.constant 0 : index
        %get3A_1856 = tpu.vector_load %arg11[%get3A_1854, %get3A_1855] {strides = array<i32>} : memref<128x128xf32, #tpu.memory_space<vmem>>, vector<16xf32>,
        %get3A_1857 = arith.index_cast %add3A_1850 : i32 to index
        %get3A_1858 = arith.constant 0 : index
        %get3A_1859 = tpu.vector_load %arg9[%get3A_1857, %get3A_1858] {strides = array<i32>} : memref<128x128xf32, #tpu.memory_space<vmem>>, vector<16xf32>,
        %exp3A_1860 = math.exp %get3A_1853 : vector<16xf32>
        %mul3A_1861 = arith.mulf %exp3A_1860, %get3A_1856 : vector<16xf32>
        %add3A_1862 = arith.addf %get3A_1859, %mul3A_1861 : vector<16xf32>
        %swap3A_1863 = arith.index_cast %add3A_1850 : i32 to index
        %swap3A_1864 = arith.constant 0 : index
        %swap3A_1865 = tpu.vector_load %arg12[%swap3A_1863, %swap3A_1864] {strides = array<i32>} : memref<128x128xf32, #tpu.memory_space<vmem>>, vector<16xf32>,
        tpu.vector_store %arg12[%swap3A_1863, %swap3A_1864], %add3A_1862 {strides = array<i32>} : memref<128x128xf32, #tpu.memory_space<vmem>>, vector<16xf32>,
        %mul3A_1866 = arith.mulf %get3A_1856, %get3A_1856 : vector<16xf32>
        %mul3A_1867 = arith.constant 5.000000e-01 : f32
        %mul3A_1868 = vector.broadcast %mul3A_1867 : f32 to vector<16xf32>
        %mul3A_1869 = arith.mulf %mul3A_1868, %mul3A_1866 : vector<16xf32>
        %add3A_1870 = arith.addf %get3A_1853, %mul3A_1869 : vector<16xf32>
        %get3A_1871 = arith.index_cast %add3A_1850 : i32 to index
        %get3A_1872 = arith.constant 16 : index
        %get3A_1873 = tpu.vector_load %arg10[%get3A_1871, %get3A_1872] {strides = array<i32>} : memref<128x128xf32, #tpu.memory_space<vmem>>, vector<16xf32>,
        %get3A_1874 = arith.index_cast %add3A_1850 : i32 to index
        %get3A_1875 = arith.constant 16 : index
        %get3A_1876 = tpu.vector_load %arg11[%get3A_1874, %get3A_1875] {strides = array<i32>} : memref<128x128xf32, #tpu.memory_space<vmem>>, vector<16xf32>,
        %get3A_1877 = arith.index_cast %add3A_1850 : i32 to index
        %get3A_1878 = arith.constant 16 : index
        %get3A_1879 = tpu.vector_load %arg9[%get3A_1877, %get3A_1878] {strides = array<i32>} : memref<128x128xf32, #tpu.memory_space<vmem>>, vector<16xf32>,
        %exp3A_1880 = math.exp %get3A_1873 : vector<16xf32>
        %mul3A_1881 = arith.mulf %exp3A_1880, %get3A_1876 : vector<16xf32>
        %add3A_1882 = arith.addf %get3A_1879, %mul3A_1881 : vector<16xf32>
        %swap3A_1883 = arith.index_cast %add3A_1850 : i32 to index
        %swap3A_1884 = arith.constant 16 : index
        %swap3A_1885 = tpu.vector_load %arg12[%swap3A_1883, %swap3A_1884] {strides = array<i32>} : memref<128x128xf32, #tpu.memory_space<vmem>>, vector<16xf32>,
        tpu.vector_store %arg12[%swap3A_1883, %swap3A_1884], %add3A_1882 {strides = array<i32>} : memref<128x128xf32, #tpu.memory_space<vmem>>, vector<16xf32>,
        %mul3A_1886 = arith.mulf %get3A_1876, %get3A_1876 : vector<16xf32>
        %mul3A_1887 = arith.constant 5.000000e-01 : f32
        %mul3A_1888 = vector.broadcast %mul3A_1887 : f32 to vector<16xf32>
        %mul3A_1889 = arith.mulf %mul3A_1888, %mul3A_1886 : vector<16xf32>
        %add3A_1890 = arith.addf %get3A_1873, %mul3A_1889 : vector<16xf32>
        %add3A_1891 = arith.addf %add3A_1870, %add3A_1890 : vector<16xf32>
        %get3A_1892 = arith.index_cast %add3A_1850 : i32 to index
        %get3A_1893 = arith.constant 32 : index
        %get3A_1894 = tpu.vector_load %arg10[%get3A_1892, %get3A_1893] {strides = array<i32>} : memref<128x128xf32, #tpu.memory_space<vmem>>, vector<16xf32>,
        %get3A_1895 = arith.index_cast %add3A_1850 : i32 to index
        %get3A_1896 = arith.constant 32 : index
        %get3A_1897 = tpu.vector_load %arg11[%get3A_1895, %get3A_1896] {strides = array<i32>} : memref<128x128xf32, #tpu.memory_space<vmem>>, vector<16xf32>,
        %get3A_1898 = arith.index_cast %add3A_1850 : i32 to index
        %get3A_1899 = arith.constant 32 : index
        %get3A_1900 = tpu.vector_load %arg9[%get3A_1898, %get3A_1899] {strides = array<i32>} : memref<128x128xf32, #tpu.memory_space<vmem>>, vector<16xf32>,
        %exp3A_1901 = math.exp %get3A_1894 : vector<16xf32>
        %mul3A_1902 = arith.mulf %exp3A_1901, %get3A_1897 : vector<16xf32>
        %add3A_1903 = arith.addf %get3A_1900, %mul3A_1902 : vector<16xf32>
        %swap3A_1904 = arith.index_cast %add3A_1850 : i32 to index
        %swap3A_1905 = arith.constant 32 : index
        %swap3A_1906 = tpu.vector_load %arg12[%swap3A_1904, %swap3A_1905] {strides = array<i32>} : memref<128x128xf32, #tpu.memory_space<vmem>>, vector<16xf32>,
        tpu.vector_store %arg12[%swap3A_1904, %swap3A_1905], %add3A_1903 {strides = array<i32>} : memref<128x128xf32, #tpu.memory_space<vmem>>, vector<16xf32>,
        %mul3A_1907 = arith.mulf %get3A_1897, %get3A_1897 : vector<16xf32>
        %mul3A_1908 = arith.constant 5.000000e-01 : f32
        %mul3A_1909 = vector.broadcast %mul3A_1908 : f32 to vector<16xf32>
        %mul3A_1910 = arith.mulf %mul3A_1909, %mul3A_1907 : vector<16xf32>
        %add3A_1911 = arith.addf %get3A_1894, %mul3A_1910 : vector<16xf32>
        %add3A_1912 = arith.addf %add3A_1891, %add3A_1911 : vector<16xf32>
        %get3A_1913 = arith.index_cast %add3A_1850 : i32 to index
        %get3A_1914 = arith.constant 48 : index
        %get3A_1915 = tpu.vector_load %arg10[%get3A_1913, %get3A_1914] {strides = array<i32>} : memref<128x128xf32, #tpu.memory_space<vmem>>, vector<16xf32>,
        %get3A_1916 = arith.index_cast %add3A_1850 : i32 to index
        %get3A_1917 = arith.constant 48 : index
        %get3A_1918 = tpu.vector_load %arg11[%get3A_1916, %get3A_1917] {strides = array<i32>} : memref<128x128xf32, #tpu.memory_space<vmem>>, vector<16xf32>,
        %get3A_1919 = arith.index_cast %add3A_1850 : i32 to index
        %get3A_1920 = arith.constant 48 : index
        %get3A_1921 = tpu.vector_load %arg9[%get3A_1919, %get3A_1920] {strides = array<i32>} : memref<128x128xf32, #tpu.memory_space<vmem>>, vector<16xf32>,
        %exp3A_1922 = math.exp %get3A_1915 : vector<16xf32>
        %mul3A_1923 = arith.mulf %exp3A_1922, %get3A_1918 : vector<16xf32>
        %add3A_1924 = arith.addf %get3A_1921, %mul3A_1923 : vector<16xf32>
        %swap3A_1925 = arith.index_cast %add3A_1850 : i32 to index
        %swap3A_1926 = arith.constant 48 : index
        %swap3A_1927 = tpu.vector_load %arg12[%swap3A_1925, %swap3A_1926] {strides = array<i32>} : memref<128x128xf32, #tpu.memory_space<vmem>>, vector<16xf32>,
        tpu.vector_store %arg12[%swap3A_1925, %swap3A_1926], %add3A_1924 {strides = array<i32>} : memref<128x128xf32, #tpu.memory_space<vmem>>, vector<16xf32>,
        %mul3A_1928 = arith.mulf %get3A_1918, %get3A_1918 : vector<16xf32>
        %mul3A_1929 = arith.constant 5.000000e-01 : f32
        %mul3A_1930 = vector.broadcast %mul3A_1929 : f32 to vector<16xf32>
        %mul3A_1931 = arith.mulf %mul3A_1930, %mul3A_1928 : vector<16xf32>
        %add3A_1932 = arith.addf %get3A_1915, %mul3A_1931 : vector<16xf32>
        %add3A_1933 = arith.addf %add3A_1912, %add3A_1932 : vector<16xf32>
        %get3A_1934 = arith.index_cast %add3A_1850 : i32 to index
        %get3A_1935 = arith.constant 64 : index
        %get3A_1936 = tpu.vector_load %arg10[%get3A_1934, %get3A_1935] {strides = array<i32>} : memref<128x128xf32, #tpu.memory_space<vmem>>, vector<16xf32>,
        %get3A_1937 = arith.index_cast %add3A_1850 : i32 to index
        %get3A_1938 = arith.constant 64 : index
        %get3A_1939 = tpu.vector_load %arg11[%get3A_1937, %get3A_1938] {strides = array<i32>} : memref<128x128xf32, #tpu.memory_space<vmem>>, vector<16xf32>,
        %get3A_1940 = arith.index_cast %add3A_1850 : i32 to index
        %get3A_1941 = arith.constant 64 : index
        %get3A_1942 = tpu.vector_load %arg9[%get3A_1940, %get3A_1941] {strides = array<i32>} : memref<128x128xf32, #tpu.memory_space<vmem>>, vector<16xf32>,
        %exp3A_1943 = math.exp %get3A_1936 : vector<16xf32>
        %mul3A_1944 = arith.mulf %exp3A_1943, %get3A_1939 : vector<16xf32>
        %add3A_1945 = arith.addf %get3A_1942, %mul3A_1944 : vector<16xf32>
        %swap3A_1946 = arith.index_cast %add3A_1850 : i32 to index
        %swap3A_1947 = arith.constant 64 : index
        %swap3A_1948 = tpu.vector_load %arg12[%swap3A_1946, %swap3A_1947] {strides = array<i32>} : memref<128x128xf32, #tpu.memory_space<vmem>>, vector<16xf32>,
        tpu.vector_store %arg12[%swap3A_1946, %swap3A_1947], %add3A_1945 {strides = array<i32>} : memref<128x128xf32, #tpu.memory_space<vmem>>, vector<16xf32>,
        %mul3A_1949 = arith.mulf %get3A_1939, %get3A_1939 : vector<16xf32>
        %mul3A_1950 = arith.constant 5.000000e-01 : f32
        %mul3A_1951 = vector.broadcast %mul3A_1950 : f32 to vector<16xf32>
        %mul3A_1952 = arith.mulf %mul3A_1951, %mul3A_1949 : vector<16xf32>
        %add3A_1953 = arith.addf %get3A_1936, %mul3A_1952 : vector<16xf32>
        %add3A_1954 = arith.addf %add3A_1933, %add3A_1953 : vector<16xf32>
        %get3A_1955 = arith.index_cast %add3A_1850 : i32 to index
        %get3A_1956 = arith.constant 80 : index
        %get3A_1957 = tpu.vector_load %arg10[%get3A_1955, %get3A_1956] {strides = array<i32>} : memref<128x128xf32, #tpu.memory_space<vmem>>, vector<16xf32>,
        %get3A_1958 = arith.index_cast %add3A_1850 : i32 to index
        %get3A_1959 = arith.constant 80 : index
        %get3A_1960 = tpu.vector_load %arg11[%get3A_1958, %get3A_1959] {strides = array<i32>} : memref<128x128xf32, #tpu.memory_space<vmem>>, vector<16xf32>,
        %get3A_1961 = arith.index_cast %add3A_1850 : i32 to index
        %get3A_1962 = arith.constant 80 : index
        %get3A_1963 = tpu.vector_load %arg9[%get3A_1961, %get3A_1962] {strides = array<i32>} : memref<128x128xf32, #tpu.memory_space<vmem>>, vector<16xf32>,
        %exp3A_1964 = math.exp %get3A_1957 : vector<16xf32>
        %mul3A_1965 = arith.mulf %exp3A_1964, %get3A_1960 : vector<16xf32>
        %add3A_1966 = arith.addf %get3A_1963, %mul3A_1965 : vector<16xf32>
        %swap3A_1967 = arith.index_cast %add3A_1850 : i32 to index
        %swap3A_1968 = arith.constant 80 : index
        %swap3A_1969 = tpu.vector_load %arg12[%swap3A_1967, %swap3A_1968] {strides = array<i32>} : memref<128x128xf32, #tpu.memory_space<vmem>>, vector<16xf32>,
        tpu.vector_store %arg12[%swap3A_1967, %swap3A_1968], %add3A_1966 {strides = array<i32>} : memref<128x128xf32, #tpu.memory_space<vmem>>, vector<16xf32>,
        %mul3A_1970 = arith.mulf %get3A_1960, %get3A_1960 : vector<16xf32>
        %mul3A_1971 = arith.constant 5.000000e-01 : f32
        %mul3A_1972 = vector.broadcast %mul3A_1971 : f32 to vector<16xf32>
        %mul3A_1973 = arith.mulf %mul3A_1972, %mul3A_1970 : vector<16xf32>
        %add3A_1974 = arith.addf %get3A_1957, %mul3A_1973 : vector<16xf32>
        %add3A_1975 = arith.addf %add3A_1954, %add3A_1974 : vector<16xf32>
        %get3A_1976 = arith.index_cast %add3A_1850 : i32 to index
        %get3A_1977 = arith.constant 96 : index
        %get3A_1978 = tpu.vector_load %arg10[%get3A_1976, %get3A_1977] {strides = array<i32>} : memref<128x128xf32, #tpu.memory_space<vmem>>, vector<16xf32>,
        %get3A_1979 = arith.index_cast %add3A_1850 : i32 to index
        %get3A_1980 = arith.constant 96 : index
        %get3A_1981 = tpu.vector_load %arg11[%get3A_1979, %get3A_1980] {strides = array<i32>} : memref<128x128xf32, #tpu.memory_space<vmem>>, vector<16xf32>,
        %get3A_1982 = arith.index_cast %add3A_1850 : i32 to index
        %get3A_1983 = arith.constant 96 : index
        %get3A_1984 = tpu.vector_load %arg9[%get3A_1982, %get3A_1983] {strides = array<i32>} : memref<128x128xf32, #tpu.memory_space<vmem>>, vector<16xf32>,
        %exp3A_1985 = math.exp %get3A_1978 : vector<16xf32>
        %mul3A_1986 = arith.mulf %exp3A_1985, %get3A_1981 : vector<16xf32>
        %add3A_1987 = arith.addf %get3A_1984, %mul3A_1986 : vector<16xf32>
        %swap3A_1988 = arith.index_cast %add3A_1850 : i32 to index
        %swap3A_1989 = arith.constant 96 : index
        %swap3A_1990 = tpu.vector_load %arg12[%swap3A_1988, %swap3A_1989] {strides = array<i32>} : memref<128x128xf32, #tpu.memory_space<vmem>>, vector<16xf32>,
        tpu.vector_store %arg12[%swap3A_1988, %swap3A_1989], %add3A_1987 {strides = array<i32>} : memref<128x128xf32, #tpu.memory_space<vmem>>, vector<16xf32>,
        %mul3A_1991 = arith.mulf %get3A_1981, %get3A_1981 : vector<16xf32>
        %mul3A_1992 = arith.constant 5.000000e-01 : f32
        %mul3A_1993 = vector.broadcast %mul3A_1992 : f32 to vector<16xf32>
        %mul3A_1994 = arith.mulf %mul3A_1993, %mul3A_1991 : vector<16xf32>
        %add3A_1995 = arith.addf %get3A_1978, %mul3A_1994 : vector<16xf32>
        %add3A_1996 = arith.addf %add3A_1975, %add3A_1995 : vector<16xf32>
        %get3A_1997 = arith.index_cast %add3A_1850 : i32 to index
        %get3A_1998 = arith.constant 112 : index
        %get3A_1999 = tpu.vector_load %arg10[%get3A_1997, %get3A_1998] {strides = array<i32>} : memref<128x128xf32, #tpu.memory_space<vmem>>, vector<16xf32>,
        %get3A_2000 = arith.index_cast %add3A_1850 : i32 to index
        %get3A_2001 = arith.constant 112 : index
        %get3A_2002 = tpu.vector_load %arg11[%get3A_2000, %get3A_2001] {strides = array<i32>} : memref<128x128xf32, #tpu.memory_space<vmem>>, vector<16xf32>,
        %get3A_2003 = arith.index_cast %add3A_1850 : i32 to index
        %get3A_2004 = arith.constant 112 : index
        %get3A_2005 = tpu.vector_load %arg9[%get3A_2003, %get3A_2004] {strides = array<i32>} : memref<128x128xf32, #tpu.memory_space<vmem>>, vector<16xf32>,
        %exp3A_2006 = math.exp %get3A_1999 : vector<16xf32>
        %mul3A_2007 = arith.mulf %exp3A_2006, %get3A_2002 : vector<16xf32>
        %add3A_2008 = arith.addf %get3A_2005, %mul3A_2007 : vector<16xf32>
        %swap3A_2009 = arith.index_cast %add3A_1850 : i32 to index
        %swap3A_2010 = arith.constant 112 : index
        %swap3A_2011 = tpu.vector_load %arg12[%swap3A_2009, %swap3A_2010] {strides = array<i32>} : memref<128x128xf32, #tpu.memory_space<vmem>>, vector<16xf32>,
        tpu.vector_store %arg12[%swap3A_2009, %swap3A_2010], %add3A_2008 {strides = array<i32>} : memref<128x128xf32, #tpu.memory_space<vmem>>, vector<16xf32>,
        %mul3A_2012 = arith.mulf %get3A_2002, %get3A_2002 : vector<16xf32>
        %mul3A_2013 = arith.constant 5.000000e-01 : f32
        %mul3A_2014 = vector.broadcast %mul3A_2013 : f32 to vector<16xf32>
        %mul3A_2015 = arith.mulf %mul3A_2014, %mul3A_2012 : vector<16xf32>
        %add3A_2016 = arith.addf %get3A_1999, %mul3A_2015 : vector<16xf32>
        %add3A_2017 = arith.addf %add3A_1996, %add3A_2016 : vector<16xf32>
        %reduce_sum3A_2018 = arith.constant true
        %reduce_sum3A_2019 = vector.broadcast %reduce_sum3A_2018 : i1 to vector<16xi1>
        %reduce_sum3A_2020 = tpu.scan <sum>, %add3A_2017 masked %reduce_sum3A_2019 : vector<16xf32>, vector<16xi1> -> vector<16xf32>
        %reduce_sum3A_2021 = vector.extract %reduce_sum3A_2020[15] : f32 from vector<16xf32>
        %sub3A_2022 = arith.constant -117.62413 : f32
        %sub3A_2023 = arith.subf %sub3A_2022, %reduce_sum3A_2021 : f32
        %eq3A_2024 = arith.constant 10 : i32
        %eq3A_2025 = vector.broadcast %eq3A_2024 : i32 to vector<16xi32>
        %eq3A_2026 = arith.cmpi eq, %iota3A, %eq3A_2025 : vector<16xi32>
        %broadcast_in_dim3A_2027 = vector.broadcast %sub3A_2023 : f32 to vector<16xf32>
        %select_n3A_2028 = arith.select %eq3A_2026, %broadcast_in_dim3A_2027, %select_n3A_1848 : vector<16xi1>, vector<16xf32>
        %add3A_2029 = arith.constant 11 : i32
        %add3A_2030 = arith.addi %mul3A_54, %add3A_2029 : i32
        %get3A_2031 = arith.index_cast %add3A_2030 : i32 to index
        %get3A_2032 = arith.constant 0 : index
        %get3A_2033 = tpu.vector_load %arg10[%get3A_2031, %get3A_2032] {strides = array<i32>} : memref<128x128xf32, #tpu.memory_space<vmem>>, vector<16xf32>,
        %get3A_2034 = arith.index_cast %add3A_2030 : i32 to index
        %get3A_2035 = arith.constant 0 : index
        %get3A_2036 = tpu.vector_load %arg11[%get3A_2034, %get3A_2035] {strides = array<i32>} : memref<128x128xf32, #tpu.memory_space<vmem>>, vector<16xf32>,
        %get3A_2037 = arith.index_cast %add3A_2030 : i32 to index
        %get3A_2038 = arith.constant 0 : index
        %get3A_2039 = tpu.vector_load %arg9[%get3A_2037, %get3A_2038] {strides = array<i32>} : memref<128x128xf32, #tpu.memory_space<vmem>>, vector<16xf32>,
        %exp3A_2040 = math.exp %get3A_2033 : vector<16xf32>
        %mul3A_2041 = arith.mulf %exp3A_2040, %get3A_2036 : vector<16xf32>
        %add3A_2042 = arith.addf %get3A_2039, %mul3A_2041 : vector<16xf32>
        %swap3A_2043 = arith.index_cast %add3A_2030 : i32 to index
        %swap3A_2044 = arith.constant 0 : index
        %swap3A_2045 = tpu.vector_load %arg12[%swap3A_2043, %swap3A_2044] {strides = array<i32>} : memref<128x128xf32, #tpu.memory_space<vmem>>, vector<16xf32>,
        tpu.vector_store %arg12[%swap3A_2043, %swap3A_2044], %add3A_2042 {strides = array<i32>} : memref<128x128xf32, #tpu.memory_space<vmem>>, vector<16xf32>,
        %mul3A_2046 = arith.mulf %get3A_2036, %get3A_2036 : vector<16xf32>
        %mul3A_2047 = arith.constant 5.000000e-01 : f32
        %mul3A_2048 = vector.broadcast %mul3A_2047 : f32 to vector<16xf32>
        %mul3A_2049 = arith.mulf %mul3A_2048, %mul3A_2046 : vector<16xf32>
        %add3A_2050 = arith.addf %get3A_2033, %mul3A_2049 : vector<16xf32>
        %get3A_2051 = arith.index_cast %add3A_2030 : i32 to index
        %get3A_2052 = arith.constant 16 : index
        %get3A_2053 = tpu.vector_load %arg10[%get3A_2051, %get3A_2052] {strides = array<i32>} : memref<128x128xf32, #tpu.memory_space<vmem>>, vector<16xf32>,
        %get3A_2054 = arith.index_cast %add3A_2030 : i32 to index
        %get3A_2055 = arith.constant 16 : index
        %get3A_2056 = tpu.vector_load %arg11[%get3A_2054, %get3A_2055] {strides = array<i32>} : memref<128x128xf32, #tpu.memory_space<vmem>>, vector<16xf32>,
        %get3A_2057 = arith.index_cast %add3A_2030 : i32 to index
        %get3A_2058 = arith.constant 16 : index
        %get3A_2059 = tpu.vector_load %arg9[%get3A_2057, %get3A_2058] {strides = array<i32>} : memref<128x128xf32, #tpu.memory_space<vmem>>, vector<16xf32>,
        %exp3A_2060 = math.exp %get3A_2053 : vector<16xf32>
        %mul3A_2061 = arith.mulf %exp3A_2060, %get3A_2056 : vector<16xf32>
        %add3A_2062 = arith.addf %get3A_2059, %mul3A_2061 : vector<16xf32>
        %swap3A_2063 = arith.index_cast %add3A_2030 : i32 to index
        %swap3A_2064 = arith.constant 16 : index
        %swap3A_2065 = tpu.vector_load %arg12[%swap3A_2063, %swap3A_2064] {strides = array<i32>} : memref<128x128xf32, #tpu.memory_space<vmem>>, vector<16xf32>,
        tpu.vector_store %arg12[%swap3A_2063, %swap3A_2064], %add3A_2062 {strides = array<i32>} : memref<128x128xf32, #tpu.memory_space<vmem>>, vector<16xf32>,
        %mul3A_2066 = arith.mulf %get3A_2056, %get3A_2056 : vector<16xf32>
        %mul3A_2067 = arith.constant 5.000000e-01 : f32
        %mul3A_2068 = vector.broadcast %mul3A_2067 : f32 to vector<16xf32>
        %mul3A_2069 = arith.mulf %mul3A_2068, %mul3A_2066 : vector<16xf32>
        %add3A_2070 = arith.addf %get3A_2053, %mul3A_2069 : vector<16xf32>
        %add3A_2071 = arith.addf %add3A_2050, %add3A_2070 : vector<16xf32>
        %get3A_2072 = arith.index_cast %add3A_2030 : i32 to index
        %get3A_2073 = arith.constant 32 : index
        %get3A_2074 = tpu.vector_load %arg10[%get3A_2072, %get3A_2073] {strides = array<i32>} : memref<128x128xf32, #tpu.memory_space<vmem>>, vector<16xf32>,
        %get3A_2075 = arith.index_cast %add3A_2030 : i32 to index
        %get3A_2076 = arith.constant 32 : index
        %get3A_2077 = tpu.vector_load %arg11[%get3A_2075, %get3A_2076] {strides = array<i32>} : memref<128x128xf32, #tpu.memory_space<vmem>>, vector<16xf32>,
        %get3A_2078 = arith.index_cast %add3A_2030 : i32 to index
        %get3A_2079 = arith.constant 32 : index
        %get3A_2080 = tpu.vector_load %arg9[%get3A_2078, %get3A_2079] {strides = array<i32>} : memref<128x128xf32, #tpu.memory_space<vmem>>, vector<16xf32>,
        %exp3A_2081 = math.exp %get3A_2074 : vector<16xf32>
        %mul3A_2082 = arith.mulf %exp3A_2081, %get3A_2077 : vector<16xf32>
        %add3A_2083 = arith.addf %get3A_2080, %mul3A_2082 : vector<16xf32>
        %swap3A_2084 = arith.index_cast %add3A_2030 : i32 to index
        %swap3A_2085 = arith.constant 32 : index
        %swap3A_2086 = tpu.vector_load %arg12[%swap3A_2084, %swap3A_2085] {strides = array<i32>} : memref<128x128xf32, #tpu.memory_space<vmem>>, vector<16xf32>,
        tpu.vector_store %arg12[%swap3A_2084, %swap3A_2085], %add3A_2083 {strides = array<i32>} : memref<128x128xf32, #tpu.memory_space<vmem>>, vector<16xf32>,
        %mul3A_2087 = arith.mulf %get3A_2077, %get3A_2077 : vector<16xf32>
        %mul3A_2088 = arith.constant 5.000000e-01 : f32
        %mul3A_2089 = vector.broadcast %mul3A_2088 : f32 to vector<16xf32>
        %mul3A_2090 = arith.mulf %mul3A_2089, %mul3A_2087 : vector<16xf32>
        %add3A_2091 = arith.addf %get3A_2074, %mul3A_2090 : vector<16xf32>
        %add3A_2092 = arith.addf %add3A_2071, %add3A_2091 : vector<16xf32>
        %get3A_2093 = arith.index_cast %add3A_2030 : i32 to index
        %get3A_2094 = arith.constant 48 : index
        %get3A_2095 = tpu.vector_load %arg10[%get3A_2093, %get3A_2094] {strides = array<i32>} : memref<128x128xf32, #tpu.memory_space<vmem>>, vector<16xf32>,
        %get3A_2096 = arith.index_cast %add3A_2030 : i32 to index
        %get3A_2097 = arith.constant 48 : index
        %get3A_2098 = tpu.vector_load %arg11[%get3A_2096, %get3A_2097] {strides = array<i32>} : memref<128x128xf32, #tpu.memory_space<vmem>>, vector<16xf32>,
        %get3A_2099 = arith.index_cast %add3A_2030 : i32 to index
        %get3A_2100 = arith.constant 48 : index
        %get3A_2101 = tpu.vector_load %arg9[%get3A_2099, %get3A_2100] {strides = array<i32>} : memref<128x128xf32, #tpu.memory_space<vmem>>, vector<16xf32>,
        %exp3A_2102 = math.exp %get3A_2095 : vector<16xf32>
        %mul3A_2103 = arith.mulf %exp3A_2102, %get3A_2098 : vector<16xf32>
        %add3A_2104 = arith.addf %get3A_2101, %mul3A_2103 : vector<16xf32>
        %swap3A_2105 = arith.index_cast %add3A_2030 : i32 to index
        %swap3A_2106 = arith.constant 48 : index
        %swap3A_2107 = tpu.vector_load %arg12[%swap3A_2105, %swap3A_2106] {strides = array<i32>} : memref<128x128xf32, #tpu.memory_space<vmem>>, vector<16xf32>,
        tpu.vector_store %arg12[%swap3A_2105, %swap3A_2106], %add3A_2104 {strides = array<i32>} : memref<128x128xf32, #tpu.memory_space<vmem>>, vector<16xf32>,
        %mul3A_2108 = arith.mulf %get3A_2098, %get3A_2098 : vector<16xf32>
        %mul3A_2109 = arith.constant 5.000000e-01 : f32
        %mul3A_2110 = vector.broadcast %mul3A_2109 : f32 to vector<16xf32>
        %mul3A_2111 = arith.mulf %mul3A_2110, %mul3A_2108 : vector<16xf32>
        %add3A_2112 = arith.addf %get3A_2095, %mul3A_2111 : vector<16xf32>
        %add3A_2113 = arith.addf %add3A_2092, %add3A_2112 : vector<16xf32>
        %get3A_2114 = arith.index_cast %add3A_2030 : i32 to index
        %get3A_2115 = arith.constant 64 : index
        %get3A_2116 = tpu.vector_load %arg10[%get3A_2114, %get3A_2115] {strides = array<i32>} : memref<128x128xf32, #tpu.memory_space<vmem>>, vector<16xf32>,
        %get3A_2117 = arith.index_cast %add3A_2030 : i32 to index
        %get3A_2118 = arith.constant 64 : index
        %get3A_2119 = tpu.vector_load %arg11[%get3A_2117, %get3A_2118] {strides = array<i32>} : memref<128x128xf32, #tpu.memory_space<vmem>>, vector<16xf32>,
        %get3A_2120 = arith.index_cast %add3A_2030 : i32 to index
        %get3A_2121 = arith.constant 64 : index
        %get3A_2122 = tpu.vector_load %arg9[%get3A_2120, %get3A_2121] {strides = array<i32>} : memref<128x128xf32, #tpu.memory_space<vmem>>, vector<16xf32>,
        %exp3A_2123 = math.exp %get3A_2116 : vector<16xf32>
        %mul3A_2124 = arith.mulf %exp3A_2123, %get3A_2119 : vector<16xf32>
        %add3A_2125 = arith.addf %get3A_2122, %mul3A_2124 : vector<16xf32>
        %swap3A_2126 = arith.index_cast %add3A_2030 : i32 to index
        %swap3A_2127 = arith.constant 64 : index
        %swap3A_2128 = tpu.vector_load %arg12[%swap3A_2126, %swap3A_2127] {strides = array<i32>} : memref<128x128xf32, #tpu.memory_space<vmem>>, vector<16xf32>,
        tpu.vector_store %arg12[%swap3A_2126, %swap3A_2127], %add3A_2125 {strides = array<i32>} : memref<128x128xf32, #tpu.memory_space<vmem>>, vector<16xf32>,
        %mul3A_2129 = arith.mulf %get3A_2119, %get3A_2119 : vector<16xf32>
        %mul3A_2130 = arith.constant 5.000000e-01 : f32
        %mul3A_2131 = vector.broadcast %mul3A_2130 : f32 to vector<16xf32>
        %mul3A_2132 = arith.mulf %mul3A_2131, %mul3A_2129 : vector<16xf32>
        %add3A_2133 = arith.addf %get3A_2116, %mul3A_2132 : vector<16xf32>
        %add3A_2134 = arith.addf %add3A_2113, %add3A_2133 : vector<16xf32>
        %get3A_2135 = arith.index_cast %add3A_2030 : i32 to index
        %get3A_2136 = arith.constant 80 : index
        %get3A_2137 = tpu.vector_load %arg10[%get3A_2135, %get3A_2136] {strides = array<i32>} : memref<128x128xf32, #tpu.memory_space<vmem>>, vector<16xf32>,
        %get3A_2138 = arith.index_cast %add3A_2030 : i32 to index
        %get3A_2139 = arith.constant 80 : index
        %get3A_2140 = tpu.vector_load %arg11[%get3A_2138, %get3A_2139] {strides = array<i32>} : memref<128x128xf32, #tpu.memory_space<vmem>>, vector<16xf32>,
        %get3A_2141 = arith.index_cast %add3A_2030 : i32 to index
        %get3A_2142 = arith.constant 80 : index
        %get3A_2143 = tpu.vector_load %arg9[%get3A_2141, %get3A_2142] {strides = array<i32>} : memref<128x128xf32, #tpu.memory_space<vmem>>, vector<16xf32>,
        %exp3A_2144 = math.exp %get3A_2137 : vector<16xf32>
        %mul3A_2145 = arith.mulf %exp3A_2144, %get3A_2140 : vector<16xf32>
        %add3A_2146 = arith.addf %get3A_2143, %mul3A_2145 : vector<16xf32>
        %swap3A_2147 = arith.index_cast %add3A_2030 : i32 to index
        %swap3A_2148 = arith.constant 80 : index
        %swap3A_2149 = tpu.vector_load %arg12[%swap3A_2147, %swap3A_2148] {strides = array<i32>} : memref<128x128xf32, #tpu.memory_space<vmem>>, vector<16xf32>,
        tpu.vector_store %arg12[%swap3A_2147, %swap3A_2148], %add3A_2146 {strides = array<i32>} : memref<128x128xf32, #tpu.memory_space<vmem>>, vector<16xf32>,
        %mul3A_2150 = arith.mulf %get3A_2140, %get3A_2140 : vector<16xf32>
        %mul3A_2151 = arith.constant 5.000000e-01 : f32
        %mul3A_2152 = vector.broadcast %mul3A_2151 : f32 to vector<16xf32>
        %mul3A_2153 = arith.mulf %mul3A_2152, %mul3A_2150 : vector<16xf32>
        %add3A_2154 = arith.addf %get3A_2137, %mul3A_2153 : vector<16xf32>
        %add3A_2155 = arith.addf %add3A_2134, %add3A_2154 : vector<16xf32>
        %get3A_2156 = arith.index_cast %add3A_2030 : i32 to index
        %get3A_2157 = arith.constant 96 : index
        %get3A_2158 = tpu.vector_load %arg10[%get3A_2156, %get3A_2157] {strides = array<i32>} : memref<128x128xf32, #tpu.memory_space<vmem>>, vector<16xf32>,
        %get3A_2159 = arith.index_cast %add3A_2030 : i32 to index
        %get3A_2160 = arith.constant 96 : index
        %get3A_2161 = tpu.vector_load %arg11[%get3A_2159, %get3A_2160] {strides = array<i32>} : memref<128x128xf32, #tpu.memory_space<vmem>>, vector<16xf32>,
        %get3A_2162 = arith.index_cast %add3A_2030 : i32 to index
        %get3A_2163 = arith.constant 96 : index
        %get3A_2164 = tpu.vector_load %arg9[%get3A_2162, %get3A_2163] {strides = array<i32>} : memref<128x128xf32, #tpu.memory_space<vmem>>, vector<16xf32>,
        %exp3A_2165 = math.exp %get3A_2158 : vector<16xf32>
        %mul3A_2166 = arith.mulf %exp3A_2165, %get3A_2161 : vector<16xf32>
        %add3A_2167 = arith.addf %get3A_2164, %mul3A_2166 : vector<16xf32>
        %swap3A_2168 = arith.index_cast %add3A_2030 : i32 to index
        %swap3A_2169 = arith.constant 96 : index
        %swap3A_2170 = tpu.vector_load %arg12[%swap3A_2168, %swap3A_2169] {strides = array<i32>} : memref<128x128xf32, #tpu.memory_space<vmem>>, vector<16xf32>,
        tpu.vector_store %arg12[%swap3A_2168, %swap3A_2169], %add3A_2167 {strides = array<i32>} : memref<128x128xf32, #tpu.memory_space<vmem>>, vector<16xf32>,
        %mul3A_2171 = arith.mulf %get3A_2161, %get3A_2161 : vector<16xf32>
        %mul3A_2172 = arith.constant 5.000000e-01 : f32
        %mul3A_2173 = vector.broadcast %mul3A_2172 : f32 to vector<16xf32>
        %mul3A_2174 = arith.mulf %mul3A_2173, %mul3A_2171 : vector<16xf32>
        %add3A_2175 = arith.addf %get3A_2158, %mul3A_2174 : vector<16xf32>
        %add3A_2176 = arith.addf %add3A_2155, %add3A_2175 : vector<16xf32>
        %get3A_2177 = arith.index_cast %add3A_2030 : i32 to index
        %get3A_2178 = arith.constant 112 : index
        %get3A_2179 = tpu.vector_load %arg10[%get3A_2177, %get3A_2178] {strides = array<i32>} : memref<128x128xf32, #tpu.memory_space<vmem>>, vector<16xf32>,
        %get3A_2180 = arith.index_cast %add3A_2030 : i32 to index
        %get3A_2181 = arith.constant 112 : index
        %get3A_2182 = tpu.vector_load %arg11[%get3A_2180, %get3A_2181] {strides = array<i32>} : memref<128x128xf32, #tpu.memory_space<vmem>>, vector<16xf32>,
        %get3A_2183 = arith.index_cast %add3A_2030 : i32 to index
        %get3A_2184 = arith.constant 112 : index
        %get3A_2185 = tpu.vector_load %arg9[%get3A_2183, %get3A_2184] {strides = array<i32>} : memref<128x128xf32, #tpu.memory_space<vmem>>, vector<16xf32>,
        %exp3A_2186 = math.exp %get3A_2179 : vector<16xf32>
        %mul3A_2187 = arith.mulf %exp3A_2186, %get3A_2182 : vector<16xf32>
        %add3A_2188 = arith.addf %get3A_2185, %mul3A_2187 : vector<16xf32>
        %swap3A_2189 = arith.index_cast %add3A_2030 : i32 to index
        %swap3A_2190 = arith.constant 112 : index
        %swap3A_2191 = tpu.vector_load %arg12[%swap3A_2189, %swap3A_2190] {strides = array<i32>} : memref<128x128xf32, #tpu.memory_space<vmem>>, vector<16xf32>,
        tpu.vector_store %arg12[%swap3A_2189, %swap3A_2190], %add3A_2188 {strides = array<i32>} : memref<128x128xf32, #tpu.memory_space<vmem>>, vector<16xf32>,
        %mul3A_2192 = arith.mulf %get3A_2182, %get3A_2182 : vector<16xf32>
        %mul3A_2193 = arith.constant 5.000000e-01 : f32
        %mul3A_2194 = vector.broadcast %mul3A_2193 : f32 to vector<16xf32>
        %mul3A_2195 = arith.mulf %mul3A_2194, %mul3A_2192 : vector<16xf32>
        %add3A_2196 = arith.addf %get3A_2179, %mul3A_2195 : vector<16xf32>
        %add3A_2197 = arith.addf %add3A_2176, %add3A_2196 : vector<16xf32>
        %reduce_sum3A_2198 = arith.constant true
        %reduce_sum3A_2199 = vector.broadcast %reduce_sum3A_2198 : i1 to vector<16xi1>
        %reduce_sum3A_2200 = tpu.scan <sum>, %add3A_2197 masked %reduce_sum3A_2199 : vector<16xf32>, vector<16xi1> -> vector<16xf32>
        %reduce_sum3A_2201 = vector.extract %reduce_sum3A_2200[15] : f32 from vector<16xf32>
        %sub3A_2202 = arith.constant -117.62413 : f32
        %sub3A_2203 = arith.subf %sub3A_2202, %reduce_sum3A_2201 : f32
        %eq3A_2204 = arith.constant 11 : i32
        %eq3A_2205 = vector.broadcast %eq3A_2204 : i32 to vector<16xi32>
        %eq3A_2206 = arith.cmpi eq, %iota3A, %eq3A_2205 : vector<16xi32>
        %broadcast_in_dim3A_2207 = vector.broadcast %sub3A_2203 : f32 to vector<16xf32>
        %select_n3A_2208 = arith.select %eq3A_2206, %broadcast_in_dim3A_2207, %select_n3A_2028 : vector<16xi1>, vector<16xf32>
        %add3A_2209 = arith.constant 12 : i32
        %add3A_2210 = arith.addi %mul3A_54, %add3A_2209 : i32
        %get3A_2211 = arith.index_cast %add3A_2210 : i32 to index
        %get3A_2212 = arith.constant 0 : index
        %get3A_2213 = tpu.vector_load %arg10[%get3A_2211, %get3A_2212] {strides = array<i32>} : memref<128x128xf32, #tpu.memory_space<vmem>>, vector<16xf32>,
        %get3A_2214 = arith.index_cast %add3A_2210 : i32 to index
        %get3A_2215 = arith.constant 0 : index
        %get3A_2216 = tpu.vector_load %arg11[%get3A_2214, %get3A_2215] {strides = array<i32>} : memref<128x128xf32, #tpu.memory_space<vmem>>, vector<16xf32>,
        %get3A_2217 = arith.index_cast %add3A_2210 : i32 to index
        %get3A_2218 = arith.constant 0 : index
        %get3A_2219 = tpu.vector_load %arg9[%get3A_2217, %get3A_2218] {strides = array<i32>} : memref<128x128xf32, #tpu.memory_space<vmem>>, vector<16xf32>,
        %exp3A_2220 = math.exp %get3A_2213 : vector<16xf32>
        %mul3A_2221 = arith.mulf %exp3A_2220, %get3A_2216 : vector<16xf32>
        %add3A_2222 = arith.addf %get3A_2219, %mul3A_2221 : vector<16xf32>
        %swap3A_2223 = arith.index_cast %add3A_2210 : i32 to index
        %swap3A_2224 = arith.constant 0 : index
        %swap3A_2225 = tpu.vector_load %arg12[%swap3A_2223, %swap3A_2224] {strides = array<i32>} : memref<128x128xf32, #tpu.memory_space<vmem>>, vector<16xf32>,
        tpu.vector_store %arg12[%swap3A_2223, %swap3A_2224], %add3A_2222 {strides = array<i32>} : memref<128x128xf32, #tpu.memory_space<vmem>>, vector<16xf32>,
        %mul3A_2226 = arith.mulf %get3A_2216, %get3A_2216 : vector<16xf32>
        %mul3A_2227 = arith.constant 5.000000e-01 : f32
        %mul3A_2228 = vector.broadcast %mul3A_2227 : f32 to vector<16xf32>
        %mul3A_2229 = arith.mulf %mul3A_2228, %mul3A_2226 : vector<16xf32>
        %add3A_2230 = arith.addf %get3A_2213, %mul3A_2229 : vector<16xf32>
        %get3A_2231 = arith.index_cast %add3A_2210 : i32 to index
        %get3A_2232 = arith.constant 16 : index
        %get3A_2233 = tpu.vector_load %arg10[%get3A_2231, %get3A_2232] {strides = array<i32>} : memref<128x128xf32, #tpu.memory_space<vmem>>, vector<16xf32>,
        %get3A_2234 = arith.index_cast %add3A_2210 : i32 to index
        %get3A_2235 = arith.constant 16 : index
        %get3A_2236 = tpu.vector_load %arg11[%get3A_2234, %get3A_2235] {strides = array<i32>} : memref<128x128xf32, #tpu.memory_space<vmem>>, vector<16xf32>,
        %get3A_2237 = arith.index_cast %add3A_2210 : i32 to index
        %get3A_2238 = arith.constant 16 : index
        %get3A_2239 = tpu.vector_load %arg9[%get3A_2237, %get3A_2238] {strides = array<i32>} : memref<128x128xf32, #tpu.memory_space<vmem>>, vector<16xf32>,
        %exp3A_2240 = math.exp %get3A_2233 : vector<16xf32>
        %mul3A_2241 = arith.mulf %exp3A_2240, %get3A_2236 : vector<16xf32>
        %add3A_2242 = arith.addf %get3A_2239, %mul3A_2241 : vector<16xf32>
        %swap3A_2243 = arith.index_cast %add3A_2210 : i32 to index
        %swap3A_2244 = arith.constant 16 : index
        %swap3A_2245 = tpu.vector_load %arg12[%swap3A_2243, %swap3A_2244] {strides = array<i32>} : memref<128x128xf32, #tpu.memory_space<vmem>>, vector<16xf32>,
        tpu.vector_store %arg12[%swap3A_2243, %swap3A_2244], %add3A_2242 {strides = array<i32>} : memref<128x128xf32, #tpu.memory_space<vmem>>, vector<16xf32>,
        %mul3A_2246 = arith.mulf %get3A_2236, %get3A_2236 : vector<16xf32>
        %mul3A_2247 = arith.constant 5.000000e-01 : f32
        %mul3A_2248 = vector.broadcast %mul3A_2247 : f32 to vector<16xf32>
        %mul3A_2249 = arith.mulf %mul3A_2248, %mul3A_2246 : vector<16xf32>
        %add3A_2250 = arith.addf %get3A_2233, %mul3A_2249 : vector<16xf32>
        %add3A_2251 = arith.addf %add3A_2230, %add3A_2250 : vector<16xf32>
        %get3A_2252 = arith.index_cast %add3A_2210 : i32 to index
        %get3A_2253 = arith.constant 32 : index
        %get3A_2254 = tpu.vector_load %arg10[%get3A_2252, %get3A_2253] {strides = array<i32>} : memref<128x128xf32, #tpu.memory_space<vmem>>, vector<16xf32>,
        %get3A_2255 = arith.index_cast %add3A_2210 : i32 to index
        %get3A_2256 = arith.constant 32 : index
        %get3A_2257 = tpu.vector_load %arg11[%get3A_2255, %get3A_2256] {strides = array<i32>} : memref<128x128xf32, #tpu.memory_space<vmem>>, vector<16xf32>,
        %get3A_2258 = arith.index_cast %add3A_2210 : i32 to index
        %get3A_2259 = arith.constant 32 : index
        %get3A_2260 = tpu.vector_load %arg9[%get3A_2258, %get3A_2259] {strides = array<i32>} : memref<128x128xf32, #tpu.memory_space<vmem>>, vector<16xf32>,
        %exp3A_2261 = math.exp %get3A_2254 : vector<16xf32>
        %mul3A_2262 = arith.mulf %exp3A_2261, %get3A_2257 : vector<16xf32>
        %add3A_2263 = arith.addf %get3A_2260, %mul3A_2262 : vector<16xf32>
        %swap3A_2264 = arith.index_cast %add3A_2210 : i32 to index
        %swap3A_2265 = arith.constant 32 : index
        %swap3A_2266 = tpu.vector_load %arg12[%swap3A_2264, %swap3A_2265] {strides = array<i32>} : memref<128x128xf32, #tpu.memory_space<vmem>>, vector<16xf32>,
        tpu.vector_store %arg12[%swap3A_2264, %swap3A_2265], %add3A_2263 {strides = array<i32>} : memref<128x128xf32, #tpu.memory_space<vmem>>, vector<16xf32>,
        %mul3A_2267 = arith.mulf %get3A_2257, %get3A_2257 : vector<16xf32>
        %mul3A_2268 = arith.constant 5.000000e-01 : f32
        %mul3A_2269 = vector.broadcast %mul3A_2268 : f32 to vector<16xf32>
        %mul3A_2270 = arith.mulf %mul3A_2269, %mul3A_2267 : vector<16xf32>
        %add3A_2271 = arith.addf %get3A_2254, %mul3A_2270 : vector<16xf32>
        %add3A_2272 = arith.addf %add3A_2251, %add3A_2271 : vector<16xf32>
        %get3A_2273 = arith.index_cast %add3A_2210 : i32 to index
        %get3A_2274 = arith.constant 48 : index
        %get3A_2275 = tpu.vector_load %arg10[%get3A_2273, %get3A_2274] {strides = array<i32>} : memref<128x128xf32, #tpu.memory_space<vmem>>, vector<16xf32>,
        %get3A_2276 = arith.index_cast %add3A_2210 : i32 to index
        %get3A_2277 = arith.constant 48 : index
        %get3A_2278 = tpu.vector_load %arg11[%get3A_2276, %get3A_2277] {strides = array<i32>} : memref<128x128xf32, #tpu.memory_space<vmem>>, vector<16xf32>,
        %get3A_2279 = arith.index_cast %add3A_2210 : i32 to index
        %get3A_2280 = arith.constant 48 : index
        %get3A_2281 = tpu.vector_load %arg9[%get3A_2279, %get3A_2280] {strides = array<i32>} : memref<128x128xf32, #tpu.memory_space<vmem>>, vector<16xf32>,
        %exp3A_2282 = math.exp %get3A_2275 : vector<16xf32>
        %mul3A_2283 = arith.mulf %exp3A_2282, %get3A_2278 : vector<16xf32>
        %add3A_2284 = arith.addf %get3A_2281, %mul3A_2283 : vector<16xf32>
        %swap3A_2285 = arith.index_cast %add3A_2210 : i32 to index
        %swap3A_2286 = arith.constant 48 : index
        %swap3A_2287 = tpu.vector_load %arg12[%swap3A_2285, %swap3A_2286] {strides = array<i32>} : memref<128x128xf32, #tpu.memory_space<vmem>>, vector<16xf32>,
        tpu.vector_store %arg12[%swap3A_2285, %swap3A_2286], %add3A_2284 {strides = array<i32>} : memref<128x128xf32, #tpu.memory_space<vmem>>, vector<16xf32>,
        %mul3A_2288 = arith.mulf %get3A_2278, %get3A_2278 : vector<16xf32>
        %mul3A_2289 = arith.constant 5.000000e-01 : f32
        %mul3A_2290 = vector.broadcast %mul3A_2289 : f32 to vector<16xf32>
        %mul3A_2291 = arith.mulf %mul3A_2290, %mul3A_2288 : vector<16xf32>
        %add3A_2292 = arith.addf %get3A_2275, %mul3A_2291 : vector<16xf32>
        %add3A_2293 = arith.addf %add3A_2272, %add3A_2292 : vector<16xf32>
        %get3A_2294 = arith.index_cast %add3A_2210 : i32 to index
        %get3A_2295 = arith.constant 64 : index
        %get3A_2296 = tpu.vector_load %arg10[%get3A_2294, %get3A_2295] {strides = array<i32>} : memref<128x128xf32, #tpu.memory_space<vmem>>, vector<16xf32>,
        %get3A_2297 = arith.index_cast %add3A_2210 : i32 to index
        %get3A_2298 = arith.constant 64 : index
        %get3A_2299 = tpu.vector_load %arg11[%get3A_2297, %get3A_2298] {strides = array<i32>} : memref<128x128xf32, #tpu.memory_space<vmem>>, vector<16xf32>,
        %get3A_2300 = arith.index_cast %add3A_2210 : i32 to index
        %get3A_2301 = arith.constant 64 : index
        %get3A_2302 = tpu.vector_load %arg9[%get3A_2300, %get3A_2301] {strides = array<i32>} : memref<128x128xf32, #tpu.memory_space<vmem>>, vector<16xf32>,
        %exp3A_2303 = math.exp %get3A_2296 : vector<16xf32>
        %mul3A_2304 = arith.mulf %exp3A_2303, %get3A_2299 : vector<16xf32>
        %add3A_2305 = arith.addf %get3A_2302, %mul3A_2304 : vector<16xf32>
        %swap3A_2306 = arith.index_cast %add3A_2210 : i32 to index
        %swap3A_2307 = arith.constant 64 : index
        %swap3A_2308 = tpu.vector_load %arg12[%swap3A_2306, %swap3A_2307] {strides = array<i32>} : memref<128x128xf32, #tpu.memory_space<vmem>>, vector<16xf32>,
        tpu.vector_store %arg12[%swap3A_2306, %swap3A_2307], %add3A_2305 {strides = array<i32>} : memref<128x128xf32, #tpu.memory_space<vmem>>, vector<16xf32>,
        %mul3A_2309 = arith.mulf %get3A_2299, %get3A_2299 : vector<16xf32>
        %mul3A_2310 = arith.constant 5.000000e-01 : f32
        %mul3A_2311 = vector.broadcast %mul3A_2310 : f32 to vector<16xf32>
        %mul3A_2312 = arith.mulf %mul3A_2311, %mul3A_2309 : vector<16xf32>
        %add3A_2313 = arith.addf %get3A_2296, %mul3A_2312 : vector<16xf32>
        %add3A_2314 = arith.addf %add3A_2293, %add3A_2313 : vector<16xf32>
        %get3A_2315 = arith.index_cast %add3A_2210 : i32 to index
        %get3A_2316 = arith.constant 80 : index
        %get3A_2317 = tpu.vector_load %arg10[%get3A_2315, %get3A_2316] {strides = array<i32>} : memref<128x128xf32, #tpu.memory_space<vmem>>, vector<16xf32>,
        %get3A_2318 = arith.index_cast %add3A_2210 : i32 to index
        %get3A_2319 = arith.constant 80 : index
        %get3A_2320 = tpu.vector_load %arg11[%get3A_2318, %get3A_2319] {strides = array<i32>} : memref<128x128xf32, #tpu.memory_space<vmem>>, vector<16xf32>,
        %get3A_2321 = arith.index_cast %add3A_2210 : i32 to index
        %get3A_2322 = arith.constant 80 : index
        %get3A_2323 = tpu.vector_load %arg9[%get3A_2321, %get3A_2322] {strides = array<i32>} : memref<128x128xf32, #tpu.memory_space<vmem>>, vector<16xf32>,
        %exp3A_2324 = math.exp %get3A_2317 : vector<16xf32>
        %mul3A_2325 = arith.mulf %exp3A_2324, %get3A_2320 : vector<16xf32>
        %add3A_2326 = arith.addf %get3A_2323, %mul3A_2325 : vector<16xf32>
        %swap3A_2327 = arith.index_cast %add3A_2210 : i32 to index
        %swap3A_2328 = arith.constant 80 : index
        %swap3A_2329 = tpu.vector_load %arg12[%swap3A_2327, %swap3A_2328] {strides = array<i32>} : memref<128x128xf32, #tpu.memory_space<vmem>>, vector<16xf32>,
        tpu.vector_store %arg12[%swap3A_2327, %swap3A_2328], %add3A_2326 {strides = array<i32>} : memref<128x128xf32, #tpu.memory_space<vmem>>, vector<16xf32>,
        %mul3A_2330 = arith.mulf %get3A_2320, %get3A_2320 : vector<16xf32>
        %mul3A_2331 = arith.constant 5.000000e-01 : f32
        %mul3A_2332 = vector.broadcast %mul3A_2331 : f32 to vector<16xf32>
        %mul3A_2333 = arith.mulf %mul3A_2332, %mul3A_2330 : vector<16xf32>
        %add3A_2334 = arith.addf %get3A_2317, %mul3A_2333 : vector<16xf32>
        %add3A_2335 = arith.addf %add3A_2314, %add3A_2334 : vector<16xf32>
        %get3A_2336 = arith.index_cast %add3A_2210 : i32 to index
        %get3A_2337 = arith.constant 96 : index
        %get3A_2338 = tpu.vector_load %arg10[%get3A_2336, %get3A_2337] {strides = array<i32>} : memref<128x128xf32, #tpu.memory_space<vmem>>, vector<16xf32>,
        %get3A_2339 = arith.index_cast %add3A_2210 : i32 to index
        %get3A_2340 = arith.constant 96 : index
        %get3A_2341 = tpu.vector_load %arg11[%get3A_2339, %get3A_2340] {strides = array<i32>} : memref<128x128xf32, #tpu.memory_space<vmem>>, vector<16xf32>,
        %get3A_2342 = arith.index_cast %add3A_2210 : i32 to index
        %get3A_2343 = arith.constant 96 : index
        %get3A_2344 = tpu.vector_load %arg9[%get3A_2342, %get3A_2343] {strides = array<i32>} : memref<128x128xf32, #tpu.memory_space<vmem>>, vector<16xf32>,
        %exp3A_2345 = math.exp %get3A_2338 : vector<16xf32>
        %mul3A_2346 = arith.mulf %exp3A_2345, %get3A_2341 : vector<16xf32>
        %add3A_2347 = arith.addf %get3A_2344, %mul3A_2346 : vector<16xf32>
        %swap3A_2348 = arith.index_cast %add3A_2210 : i32 to index
        %swap3A_2349 = arith.constant 96 : index
        %swap3A_2350 = tpu.vector_load %arg12[%swap3A_2348, %swap3A_2349] {strides = array<i32>} : memref<128x128xf32, #tpu.memory_space<vmem>>, vector<16xf32>,
        tpu.vector_store %arg12[%swap3A_2348, %swap3A_2349], %add3A_2347 {strides = array<i32>} : memref<128x128xf32, #tpu.memory_space<vmem>>, vector<16xf32>,
        %mul3A_2351 = arith.mulf %get3A_2341, %get3A_2341 : vector<16xf32>
        %mul3A_2352 = arith.constant 5.000000e-01 : f32
        %mul3A_2353 = vector.broadcast %mul3A_2352 : f32 to vector<16xf32>
        %mul3A_2354 = arith.mulf %mul3A_2353, %mul3A_2351 : vector<16xf32>
        %add3A_2355 = arith.addf %get3A_2338, %mul3A_2354 : vector<16xf32>
        %add3A_2356 = arith.addf %add3A_2335, %add3A_2355 : vector<16xf32>
        %get3A_2357 = arith.index_cast %add3A_2210 : i32 to index
        %get3A_2358 = arith.constant 112 : index
        %get3A_2359 = tpu.vector_load %arg10[%get3A_2357, %get3A_2358] {strides = array<i32>} : memref<128x128xf32, #tpu.memory_space<vmem>>, vector<16xf32>,
        %get3A_2360 = arith.index_cast %add3A_2210 : i32 to index
        %get3A_2361 = arith.constant 112 : index
        %get3A_2362 = tpu.vector_load %arg11[%get3A_2360, %get3A_2361] {strides = array<i32>} : memref<128x128xf32, #tpu.memory_space<vmem>>, vector<16xf32>,
        %get3A_2363 = arith.index_cast %add3A_2210 : i32 to index
        %get3A_2364 = arith.constant 112 : index
        %get3A_2365 = tpu.vector_load %arg9[%get3A_2363, %get3A_2364] {strides = array<i32>} : memref<128x128xf32, #tpu.memory_space<vmem>>, vector<16xf32>,
        %exp3A_2366 = math.exp %get3A_2359 : vector<16xf32>
        %mul3A_2367 = arith.mulf %exp3A_2366, %get3A_2362 : vector<16xf32>
        %add3A_2368 = arith.addf %get3A_2365, %mul3A_2367 : vector<16xf32>
        %swap3A_2369 = arith.index_cast %add3A_2210 : i32 to index
        %swap3A_2370 = arith.constant 112 : index
        %swap3A_2371 = tpu.vector_load %arg12[%swap3A_2369, %swap3A_2370] {strides = array<i32>} : memref<128x128xf32, #tpu.memory_space<vmem>>, vector<16xf32>,
        tpu.vector_store %arg12[%swap3A_2369, %swap3A_2370], %add3A_2368 {strides = array<i32>} : memref<128x128xf32, #tpu.memory_space<vmem>>, vector<16xf32>,
        %mul3A_2372 = arith.mulf %get3A_2362, %get3A_2362 : vector<16xf32>
        %mul3A_2373 = arith.constant 5.000000e-01 : f32
        %mul3A_2374 = vector.broadcast %mul3A_2373 : f32 to vector<16xf32>
        %mul3A_2375 = arith.mulf %mul3A_2374, %mul3A_2372 : vector<16xf32>
        %add3A_2376 = arith.addf %get3A_2359, %mul3A_2375 : vector<16xf32>
        %add3A_2377 = arith.addf %add3A_2356, %add3A_2376 : vector<16xf32>
        %reduce_sum3A_2378 = arith.constant true
        %reduce_sum3A_2379 = vector.broadcast %reduce_sum3A_2378 : i1 to vector<16xi1>
        %reduce_sum3A_2380 = tpu.scan <sum>, %add3A_2377 masked %reduce_sum3A_2379 : vector<16xf32>, vector<16xi1> -> vector<16xf32>
        %reduce_sum3A_2381 = vector.extract %reduce_sum3A_2380[15] : f32 from vector<16xf32>
        %sub3A_2382 = arith.constant -117.62413 : f32
        %sub3A_2383 = arith.subf %sub3A_2382, %reduce_sum3A_2381 : f32
        %eq3A_2384 = arith.constant 12 : i32
        %eq3A_2385 = vector.broadcast %eq3A_2384 : i32 to vector<16xi32>
        %eq3A_2386 = arith.cmpi eq, %iota3A, %eq3A_2385 : vector<16xi32>
        %broadcast_in_dim3A_2387 = vector.broadcast %sub3A_2383 : f32 to vector<16xf32>
        %select_n3A_2388 = arith.select %eq3A_2386, %broadcast_in_dim3A_2387, %select_n3A_2208 : vector<16xi1>, vector<16xf32>
        %add3A_2389 = arith.constant 13 : i32
        %add3A_2390 = arith.addi %mul3A_54, %add3A_2389 : i32
        %get3A_2391 = arith.index_cast %add3A_2390 : i32 to index
        %get3A_2392 = arith.constant 0 : index
        %get3A_2393 = tpu.vector_load %arg10[%get3A_2391, %get3A_2392] {strides = array<i32>} : memref<128x128xf32, #tpu.memory_space<vmem>>, vector<16xf32>,
        %get3A_2394 = arith.index_cast %add3A_2390 : i32 to index
        %get3A_2395 = arith.constant 0 : index
        %get3A_2396 = tpu.vector_load %arg11[%get3A_2394, %get3A_2395] {strides = array<i32>} : memref<128x128xf32, #tpu.memory_space<vmem>>, vector<16xf32>,
        %get3A_2397 = arith.index_cast %add3A_2390 : i32 to index
        %get3A_2398 = arith.constant 0 : index
        %get3A_2399 = tpu.vector_load %arg9[%get3A_2397, %get3A_2398] {strides = array<i32>} : memref<128x128xf32, #tpu.memory_space<vmem>>, vector<16xf32>,
        %exp3A_2400 = math.exp %get3A_2393 : vector<16xf32>
        %mul3A_2401 = arith.mulf %exp3A_2400, %get3A_2396 : vector<16xf32>
        %add3A_2402 = arith.addf %get3A_2399, %mul3A_2401 : vector<16xf32>
        %swap3A_2403 = arith.index_cast %add3A_2390 : i32 to index
        %swap3A_2404 = arith.constant 0 : index
        %swap3A_2405 = tpu.vector_load %arg12[%swap3A_2403, %swap3A_2404] {strides = array<i32>} : memref<128x128xf32, #tpu.memory_space<vmem>>, vector<16xf32>,
        tpu.vector_store %arg12[%swap3A_2403, %swap3A_2404], %add3A_2402 {strides = array<i32>} : memref<128x128xf32, #tpu.memory_space<vmem>>, vector<16xf32>,
        %mul3A_2406 = arith.mulf %get3A_2396, %get3A_2396 : vector<16xf32>
        %mul3A_2407 = arith.constant 5.000000e-01 : f32
        %mul3A_2408 = vector.broadcast %mul3A_2407 : f32 to vector<16xf32>
        %mul3A_2409 = arith.mulf %mul3A_2408, %mul3A_2406 : vector<16xf32>
        %add3A_2410 = arith.addf %get3A_2393, %mul3A_2409 : vector<16xf32>
        %get3A_2411 = arith.index_cast %add3A_2390 : i32 to index
        %get3A_2412 = arith.constant 16 : index
        %get3A_2413 = tpu.vector_load %arg10[%get3A_2411, %get3A_2412] {strides = array<i32>} : memref<128x128xf32, #tpu.memory_space<vmem>>, vector<16xf32>,
        %get3A_2414 = arith.index_cast %add3A_2390 : i32 to index
        %get3A_2415 = arith.constant 16 : index
        %get3A_2416 = tpu.vector_load %arg11[%get3A_2414, %get3A_2415] {strides = array<i32>} : memref<128x128xf32, #tpu.memory_space<vmem>>, vector<16xf32>,
        %get3A_2417 = arith.index_cast %add3A_2390 : i32 to index
        %get3A_2418 = arith.constant 16 : index
        %get3A_2419 = tpu.vector_load %arg9[%get3A_2417, %get3A_2418] {strides = array<i32>} : memref<128x128xf32, #tpu.memory_space<vmem>>, vector<16xf32>,
        %exp3A_2420 = math.exp %get3A_2413 : vector<16xf32>
        %mul3A_2421 = arith.mulf %exp3A_2420, %get3A_2416 : vector<16xf32>
        %add3A_2422 = arith.addf %get3A_2419, %mul3A_2421 : vector<16xf32>
        %swap3A_2423 = arith.index_cast %add3A_2390 : i32 to index
        %swap3A_2424 = arith.constant 16 : index
        %swap3A_2425 = tpu.vector_load %arg12[%swap3A_2423, %swap3A_2424] {strides = array<i32>} : memref<128x128xf32, #tpu.memory_space<vmem>>, vector<16xf32>,
        tpu.vector_store %arg12[%swap3A_2423, %swap3A_2424], %add3A_2422 {strides = array<i32>} : memref<128x128xf32, #tpu.memory_space<vmem>>, vector<16xf32>,
        %mul3A_2426 = arith.mulf %get3A_2416, %get3A_2416 : vector<16xf32>
        %mul3A_2427 = arith.constant 5.000000e-01 : f32
        %mul3A_2428 = vector.broadcast %mul3A_2427 : f32 to vector<16xf32>
        %mul3A_2429 = arith.mulf %mul3A_2428, %mul3A_2426 : vector<16xf32>
        %add3A_2430 = arith.addf %get3A_2413, %mul3A_2429 : vector<16xf32>
        %add3A_2431 = arith.addf %add3A_2410, %add3A_2430 : vector<16xf32>
        %get3A_2432 = arith.index_cast %add3A_2390 : i32 to index
        %get3A_2433 = arith.constant 32 : index
        %get3A_2434 = tpu.vector_load %arg10[%get3A_2432, %get3A_2433] {strides = array<i32>} : memref<128x128xf32, #tpu.memory_space<vmem>>, vector<16xf32>,
        %get3A_2435 = arith.index_cast %add3A_2390 : i32 to index
        %get3A_2436 = arith.constant 32 : index
        %get3A_2437 = tpu.vector_load %arg11[%get3A_2435, %get3A_2436] {strides = array<i32>} : memref<128x128xf32, #tpu.memory_space<vmem>>, vector<16xf32>,
        %get3A_2438 = arith.index_cast %add3A_2390 : i32 to index
        %get3A_2439 = arith.constant 32 : index
        %get3A_2440 = tpu.vector_load %arg9[%get3A_2438, %get3A_2439] {strides = array<i32>} : memref<128x128xf32, #tpu.memory_space<vmem>>, vector<16xf32>,
        %exp3A_2441 = math.exp %get3A_2434 : vector<16xf32>
        %mul3A_2442 = arith.mulf %exp3A_2441, %get3A_2437 : vector<16xf32>
        %add3A_2443 = arith.addf %get3A_2440, %mul3A_2442 : vector<16xf32>
        %swap3A_2444 = arith.index_cast %add3A_2390 : i32 to index
        %swap3A_2445 = arith.constant 32 : index
        %swap3A_2446 = tpu.vector_load %arg12[%swap3A_2444, %swap3A_2445] {strides = array<i32>} : memref<128x128xf32, #tpu.memory_space<vmem>>, vector<16xf32>,
        tpu.vector_store %arg12[%swap3A_2444, %swap3A_2445], %add3A_2443 {strides = array<i32>} : memref<128x128xf32, #tpu.memory_space<vmem>>, vector<16xf32>,
        %mul3A_2447 = arith.mulf %get3A_2437, %get3A_2437 : vector<16xf32>
        %mul3A_2448 = arith.constant 5.000000e-01 : f32
        %mul3A_2449 = vector.broadcast %mul3A_2448 : f32 to vector<16xf32>
        %mul3A_2450 = arith.mulf %mul3A_2449, %mul3A_2447 : vector<16xf32>
        %add3A_2451 = arith.addf %get3A_2434, %mul3A_2450 : vector<16xf32>
        %add3A_2452 = arith.addf %add3A_2431, %add3A_2451 : vector<16xf32>
        %get3A_2453 = arith.index_cast %add3A_2390 : i32 to index
        %get3A_2454 = arith.constant 48 : index
        %get3A_2455 = tpu.vector_load %arg10[%get3A_2453, %get3A_2454] {strides = array<i32>} : memref<128x128xf32, #tpu.memory_space<vmem>>, vector<16xf32>,
        %get3A_2456 = arith.index_cast %add3A_2390 : i32 to index
        %get3A_2457 = arith.constant 48 : index
        %get3A_2458 = tpu.vector_load %arg11[%get3A_2456, %get3A_2457] {strides = array<i32>} : memref<128x128xf32, #tpu.memory_space<vmem>>, vector<16xf32>,
        %get3A_2459 = arith.index_cast %add3A_2390 : i32 to index
        %get3A_2460 = arith.constant 48 : index
        %get3A_2461 = tpu.vector_load %arg9[%get3A_2459, %get3A_2460] {strides = array<i32>} : memref<128x128xf32, #tpu.memory_space<vmem>>, vector<16xf32>,
        %exp3A_2462 = math.exp %get3A_2455 : vector<16xf32>
        %mul3A_2463 = arith.mulf %exp3A_2462, %get3A_2458 : vector<16xf32>
        %add3A_2464 = arith.addf %get3A_2461, %mul3A_2463 : vector<16xf32>
        %swap3A_2465 = arith.index_cast %add3A_2390 : i32 to index
        %swap3A_2466 = arith.constant 48 : index
        %swap3A_2467 = tpu.vector_load %arg12[%swap3A_2465, %swap3A_2466] {strides = array<i32>} : memref<128x128xf32, #tpu.memory_space<vmem>>, vector<16xf32>,
        tpu.vector_store %arg12[%swap3A_2465, %swap3A_2466], %add3A_2464 {strides = array<i32>} : memref<128x128xf32, #tpu.memory_space<vmem>>, vector<16xf32>,
        %mul3A_2468 = arith.mulf %get3A_2458, %get3A_2458 : vector<16xf32>
        %mul3A_2469 = arith.constant 5.000000e-01 : f32
        %mul3A_2470 = vector.broadcast %mul3A_2469 : f32 to vector<16xf32>
        %mul3A_2471 = arith.mulf %mul3A_2470, %mul3A_2468 : vector<16xf32>
        %add3A_2472 = arith.addf %get3A_2455, %mul3A_2471 : vector<16xf32>
        %add3A_2473 = arith.addf %add3A_2452, %add3A_2472 : vector<16xf32>
        %get3A_2474 = arith.index_cast %add3A_2390 : i32 to index
        %get3A_2475 = arith.constant 64 : index
        %get3A_2476 = tpu.vector_load %arg10[%get3A_2474, %get3A_2475] {strides = array<i32>} : memref<128x128xf32, #tpu.memory_space<vmem>>, vector<16xf32>,
        %get3A_2477 = arith.index_cast %add3A_2390 : i32 to index
        %get3A_2478 = arith.constant 64 : index
        %get3A_2479 = tpu.vector_load %arg11[%get3A_2477, %get3A_2478] {strides = array<i32>} : memref<128x128xf32, #tpu.memory_space<vmem>>, vector<16xf32>,
        %get3A_2480 = arith.index_cast %add3A_2390 : i32 to index
        %get3A_2481 = arith.constant 64 : index
        %get3A_2482 = tpu.vector_load %arg9[%get3A_2480, %get3A_2481] {strides = array<i32>} : memref<128x128xf32, #tpu.memory_space<vmem>>, vector<16xf32>,
        %exp3A_2483 = math.exp %get3A_2476 : vector<16xf32>
        %mul3A_2484 = arith.mulf %exp3A_2483, %get3A_2479 : vector<16xf32>
        %add3A_2485 = arith.addf %get3A_2482, %mul3A_2484 : vector<16xf32>
        %swap3A_2486 = arith.index_cast %add3A_2390 : i32 to index
        %swap3A_2487 = arith.constant 64 : index
        %swap3A_2488 = tpu.vector_load %arg12[%swap3A_2486, %swap3A_2487] {strides = array<i32>} : memref<128x128xf32, #tpu.memory_space<vmem>>, vector<16xf32>,
        tpu.vector_store %arg12[%swap3A_2486, %swap3A_2487], %add3A_2485 {strides = array<i32>} : memref<128x128xf32, #tpu.memory_space<vmem>>, vector<16xf32>,
        %mul3A_2489 = arith.mulf %get3A_2479, %get3A_2479 : vector<16xf32>
        %mul3A_2490 = arith.constant 5.000000e-01 : f32
        %mul3A_2491 = vector.broadcast %mul3A_2490 : f32 to vector<16xf32>
        %mul3A_2492 = arith.mulf %mul3A_2491, %mul3A_2489 : vector<16xf32>
        %add3A_2493 = arith.addf %get3A_2476, %mul3A_2492 : vector<16xf32>
        %add3A_2494 = arith.addf %add3A_2473, %add3A_2493 : vector<16xf32>
        %get3A_2495 = arith.index_cast %add3A_2390 : i32 to index
        %get3A_2496 = arith.constant 80 : index
        %get3A_2497 = tpu.vector_load %arg10[%get3A_2495, %get3A_2496] {strides = array<i32>} : memref<128x128xf32, #tpu.memory_space<vmem>>, vector<16xf32>,
        %get3A_2498 = arith.index_cast %add3A_2390 : i32 to index
        %get3A_2499 = arith.constant 80 : index
        %get3A_2500 = tpu.vector_load %arg11[%get3A_2498, %get3A_2499] {strides = array<i32>} : memref<128x128xf32, #tpu.memory_space<vmem>>, vector<16xf32>,
        %get3A_2501 = arith.index_cast %add3A_2390 : i32 to index
        %get3A_2502 = arith.constant 80 : index
        %get3A_2503 = tpu.vector_load %arg9[%get3A_2501, %get3A_2502] {strides = array<i32>} : memref<128x128xf32, #tpu.memory_space<vmem>>, vector<16xf32>,
        %exp3A_2504 = math.exp %get3A_2497 : vector<16xf32>
        %mul3A_2505 = arith.mulf %exp3A_2504, %get3A_2500 : vector<16xf32>
        %add3A_2506 = arith.addf %get3A_2503, %mul3A_2505 : vector<16xf32>
        %swap3A_2507 = arith.index_cast %add3A_2390 : i32 to index
        %swap3A_2508 = arith.constant 80 : index
        %swap3A_2509 = tpu.vector_load %arg12[%swap3A_2507, %swap3A_2508] {strides = array<i32>} : memref<128x128xf32, #tpu.memory_space<vmem>>, vector<16xf32>,
        tpu.vector_store %arg12[%swap3A_2507, %swap3A_2508], %add3A_2506 {strides = array<i32>} : memref<128x128xf32, #tpu.memory_space<vmem>>, vector<16xf32>,
        %mul3A_2510 = arith.mulf %get3A_2500, %get3A_2500 : vector<16xf32>
        %mul3A_2511 = arith.constant 5.000000e-01 : f32
        %mul3A_2512 = vector.broadcast %mul3A_2511 : f32 to vector<16xf32>
        %mul3A_2513 = arith.mulf %mul3A_2512, %mul3A_2510 : vector<16xf32>
        %add3A_2514 = arith.addf %get3A_2497, %mul3A_2513 : vector<16xf32>
        %add3A_2515 = arith.addf %add3A_2494, %add3A_2514 : vector<16xf32>
        %get3A_2516 = arith.index_cast %add3A_2390 : i32 to index
        %get3A_2517 = arith.constant 96 : index
        %get3A_2518 = tpu.vector_load %arg10[%get3A_2516, %get3A_2517] {strides = array<i32>} : memref<128x128xf32, #tpu.memory_space<vmem>>, vector<16xf32>,
        %get3A_2519 = arith.index_cast %add3A_2390 : i32 to index
        %get3A_2520 = arith.constant 96 : index
        %get3A_2521 = tpu.vector_load %arg11[%get3A_2519, %get3A_2520] {strides = array<i32>} : memref<128x128xf32, #tpu.memory_space<vmem>>, vector<16xf32>,
        %get3A_2522 = arith.index_cast %add3A_2390 : i32 to index
        %get3A_2523 = arith.constant 96 : index
        %get3A_2524 = tpu.vector_load %arg9[%get3A_2522, %get3A_2523] {strides = array<i32>} : memref<128x128xf32, #tpu.memory_space<vmem>>, vector<16xf32>,
        %exp3A_2525 = math.exp %get3A_2518 : vector<16xf32>
        %mul3A_2526 = arith.mulf %exp3A_2525, %get3A_2521 : vector<16xf32>
        %add3A_2527 = arith.addf %get3A_2524, %mul3A_2526 : vector<16xf32>
        %swap3A_2528 = arith.index_cast %add3A_2390 : i32 to index
        %swap3A_2529 = arith.constant 96 : index
        %swap3A_2530 = tpu.vector_load %arg12[%swap3A_2528, %swap3A_2529] {strides = array<i32>} : memref<128x128xf32, #tpu.memory_space<vmem>>, vector<16xf32>,
        tpu.vector_store %arg12[%swap3A_2528, %swap3A_2529], %add3A_2527 {strides = array<i32>} : memref<128x128xf32, #tpu.memory_space<vmem>>, vector<16xf32>,
        %mul3A_2531 = arith.mulf %get3A_2521, %get3A_2521 : vector<16xf32>
        %mul3A_2532 = arith.constant 5.000000e-01 : f32
        %mul3A_2533 = vector.broadcast %mul3A_2532 : f32 to vector<16xf32>
        %mul3A_2534 = arith.mulf %mul3A_2533, %mul3A_2531 : vector<16xf32>
        %add3A_2535 = arith.addf %get3A_2518, %mul3A_2534 : vector<16xf32>
        %add3A_2536 = arith.addf %add3A_2515, %add3A_2535 : vector<16xf32>
        %get3A_2537 = arith.index_cast %add3A_2390 : i32 to index
        %get3A_2538 = arith.constant 112 : index
        %get3A_2539 = tpu.vector_load %arg10[%get3A_2537, %get3A_2538] {strides = array<i32>} : memref<128x128xf32, #tpu.memory_space<vmem>>, vector<16xf32>,
        %get3A_2540 = arith.index_cast %add3A_2390 : i32 to index
        %get3A_2541 = arith.constant 112 : index
        %get3A_2542 = tpu.vector_load %arg11[%get3A_2540, %get3A_2541] {strides = array<i32>} : memref<128x128xf32, #tpu.memory_space<vmem>>, vector<16xf32>,
        %get3A_2543 = arith.index_cast %add3A_2390 : i32 to index
        %get3A_2544 = arith.constant 112 : index
        %get3A_2545 = tpu.vector_load %arg9[%get3A_2543, %get3A_2544] {strides = array<i32>} : memref<128x128xf32, #tpu.memory_space<vmem>>, vector<16xf32>,
        %exp3A_2546 = math.exp %get3A_2539 : vector<16xf32>
        %mul3A_2547 = arith.mulf %exp3A_2546, %get3A_2542 : vector<16xf32>
        %add3A_2548 = arith.addf %get3A_2545, %mul3A_2547 : vector<16xf32>
        %swap3A_2549 = arith.index_cast %add3A_2390 : i32 to index
        %swap3A_2550 = arith.constant 112 : index
        %swap3A_2551 = tpu.vector_load %arg12[%swap3A_2549, %swap3A_2550] {strides = array<i32>} : memref<128x128xf32, #tpu.memory_space<vmem>>, vector<16xf32>,
        tpu.vector_store %arg12[%swap3A_2549, %swap3A_2550], %add3A_2548 {strides = array<i32>} : memref<128x128xf32, #tpu.memory_space<vmem>>, vector<16xf32>,
        %mul3A_2552 = arith.mulf %get3A_2542, %get3A_2542 : vector<16xf32>
        %mul3A_2553 = arith.constant 5.000000e-01 : f32
        %mul3A_2554 = vector.broadcast %mul3A_2553 : f32 to vector<16xf32>
        %mul3A_2555 = arith.mulf %mul3A_2554, %mul3A_2552 : vector<16xf32>
        %add3A_2556 = arith.addf %get3A_2539, %mul3A_2555 : vector<16xf32>
        %add3A_2557 = arith.addf %add3A_2536, %add3A_2556 : vector<16xf32>
        %reduce_sum3A_2558 = arith.constant true
        %reduce_sum3A_2559 = vector.broadcast %reduce_sum3A_2558 : i1 to vector<16xi1>
        %reduce_sum3A_2560 = tpu.scan <sum>, %add3A_2557 masked %reduce_sum3A_2559 : vector<16xf32>, vector<16xi1> -> vector<16xf32>
        %reduce_sum3A_2561 = vector.extract %reduce_sum3A_2560[15] : f32 from vector<16xf32>
        %sub3A_2562 = arith.constant -117.62413 : f32
        %sub3A_2563 = arith.subf %sub3A_2562, %reduce_sum3A_2561 : f32
        %eq3A_2564 = arith.constant 13 : i32
        %eq3A_2565 = vector.broadcast %eq3A_2564 : i32 to vector<16xi32>
        %eq3A_2566 = arith.cmpi eq, %iota3A, %eq3A_2565 : vector<16xi32>
        %broadcast_in_dim3A_2567 = vector.broadcast %sub3A_2563 : f32 to vector<16xf32>
        %select_n3A_2568 = arith.select %eq3A_2566, %broadcast_in_dim3A_2567, %select_n3A_2388 : vector<16xi1>, vector<16xf32>
        %add3A_2569 = arith.constant 14 : i32
        %add3A_2570 = arith.addi %mul3A_54, %add3A_2569 : i32
        %get3A_2571 = arith.index_cast %add3A_2570 : i32 to index
        %get3A_2572 = arith.constant 0 : index
        %get3A_2573 = tpu.vector_load %arg10[%get3A_2571, %get3A_2572] {strides = array<i32>} : memref<128x128xf32, #tpu.memory_space<vmem>>, vector<16xf32>,
        %get3A_2574 = arith.index_cast %add3A_2570 : i32 to index
        %get3A_2575 = arith.constant 0 : index
        %get3A_2576 = tpu.vector_load %arg11[%get3A_2574, %get3A_2575] {strides = array<i32>} : memref<128x128xf32, #tpu.memory_space<vmem>>, vector<16xf32>,
        %get3A_2577 = arith.index_cast %add3A_2570 : i32 to index
        %get3A_2578 = arith.constant 0 : index
        %get3A_2579 = tpu.vector_load %arg9[%get3A_2577, %get3A_2578] {strides = array<i32>} : memref<128x128xf32, #tpu.memory_space<vmem>>, vector<16xf32>,
        %exp3A_2580 = math.exp %get3A_2573 : vector<16xf32>
        %mul3A_2581 = arith.mulf %exp3A_2580, %get3A_2576 : vector<16xf32>
        %add3A_2582 = arith.addf %get3A_2579, %mul3A_2581 : vector<16xf32>
        %swap3A_2583 = arith.index_cast %add3A_2570 : i32 to index
        %swap3A_2584 = arith.constant 0 : index
        %swap3A_2585 = tpu.vector_load %arg12[%swap3A_2583, %swap3A_2584] {strides = array<i32>} : memref<128x128xf32, #tpu.memory_space<vmem>>, vector<16xf32>,
        tpu.vector_store %arg12[%swap3A_2583, %swap3A_2584], %add3A_2582 {strides = array<i32>} : memref<128x128xf32, #tpu.memory_space<vmem>>, vector<16xf32>,
        %mul3A_2586 = arith.mulf %get3A_2576, %get3A_2576 : vector<16xf32>
        %mul3A_2587 = arith.constant 5.000000e-01 : f32
        %mul3A_2588 = vector.broadcast %mul3A_2587 : f32 to vector<16xf32>
        %mul3A_2589 = arith.mulf %mul3A_2588, %mul3A_2586 : vector<16xf32>
        %add3A_2590 = arith.addf %get3A_2573, %mul3A_2589 : vector<16xf32>
        %get3A_2591 = arith.index_cast %add3A_2570 : i32 to index
        %get3A_2592 = arith.constant 16 : index
        %get3A_2593 = tpu.vector_load %arg10[%get3A_2591, %get3A_2592] {strides = array<i32>} : memref<128x128xf32, #tpu.memory_space<vmem>>, vector<16xf32>,
        %get3A_2594 = arith.index_cast %add3A_2570 : i32 to index
        %get3A_2595 = arith.constant 16 : index
        %get3A_2596 = tpu.vector_load %arg11[%get3A_2594, %get3A_2595] {strides = array<i32>} : memref<128x128xf32, #tpu.memory_space<vmem>>, vector<16xf32>,
        %get3A_2597 = arith.index_cast %add3A_2570 : i32 to index
        %get3A_2598 = arith.constant 16 : index
        %get3A_2599 = tpu.vector_load %arg9[%get3A_2597, %get3A_2598] {strides = array<i32>} : memref<128x128xf32, #tpu.memory_space<vmem>>, vector<16xf32>,
        %exp3A_2600 = math.exp %get3A_2593 : vector<16xf32>
        %mul3A_2601 = arith.mulf %exp3A_2600, %get3A_2596 : vector<16xf32>
        %add3A_2602 = arith.addf %get3A_2599, %mul3A_2601 : vector<16xf32>
        %swap3A_2603 = arith.index_cast %add3A_2570 : i32 to index
        %swap3A_2604 = arith.constant 16 : index
        %swap3A_2605 = tpu.vector_load %arg12[%swap3A_2603, %swap3A_2604] {strides = array<i32>} : memref<128x128xf32, #tpu.memory_space<vmem>>, vector<16xf32>,
        tpu.vector_store %arg12[%swap3A_2603, %swap3A_2604], %add3A_2602 {strides = array<i32>} : memref<128x128xf32, #tpu.memory_space<vmem>>, vector<16xf32>,
        %mul3A_2606 = arith.mulf %get3A_2596, %get3A_2596 : vector<16xf32>
        %mul3A_2607 = arith.constant 5.000000e-01 : f32
        %mul3A_2608 = vector.broadcast %mul3A_2607 : f32 to vector<16xf32>
        %mul3A_2609 = arith.mulf %mul3A_2608, %mul3A_2606 : vector<16xf32>
        %add3A_2610 = arith.addf %get3A_2593, %mul3A_2609 : vector<16xf32>
        %add3A_2611 = arith.addf %add3A_2590, %add3A_2610 : vector<16xf32>
        %get3A_2612 = arith.index_cast %add3A_2570 : i32 to index
        %get3A_2613 = arith.constant 32 : index
        %get3A_2614 = tpu.vector_load %arg10[%get3A_2612, %get3A_2613] {strides = array<i32>} : memref<128x128xf32, #tpu.memory_space<vmem>>, vector<16xf32>,
        %get3A_2615 = arith.index_cast %add3A_2570 : i32 to index
        %get3A_2616 = arith.constant 32 : index
        %get3A_2617 = tpu.vector_load %arg11[%get3A_2615, %get3A_2616] {strides = array<i32>} : memref<128x128xf32, #tpu.memory_space<vmem>>, vector<16xf32>,
        %get3A_2618 = arith.index_cast %add3A_2570 : i32 to index
        %get3A_2619 = arith.constant 32 : index
        %get3A_2620 = tpu.vector_load %arg9[%get3A_2618, %get3A_2619] {strides = array<i32>} : memref<128x128xf32, #tpu.memory_space<vmem>>, vector<16xf32>,
        %exp3A_2621 = math.exp %get3A_2614 : vector<16xf32>
        %mul3A_2622 = arith.mulf %exp3A_2621, %get3A_2617 : vector<16xf32>
        %add3A_2623 = arith.addf %get3A_2620, %mul3A_2622 : vector<16xf32>
        %swap3A_2624 = arith.index_cast %add3A_2570 : i32 to index
        %swap3A_2625 = arith.constant 32 : index
        %swap3A_2626 = tpu.vector_load %arg12[%swap3A_2624, %swap3A_2625] {strides = array<i32>} : memref<128x128xf32, #tpu.memory_space<vmem>>, vector<16xf32>,
        tpu.vector_store %arg12[%swap3A_2624, %swap3A_2625], %add3A_2623 {strides = array<i32>} : memref<128x128xf32, #tpu.memory_space<vmem>>, vector<16xf32>,
        %mul3A_2627 = arith.mulf %get3A_2617, %get3A_2617 : vector<16xf32>
        %mul3A_2628 = arith.constant 5.000000e-01 : f32
        %mul3A_2629 = vector.broadcast %mul3A_2628 : f32 to vector<16xf32>
        %mul3A_2630 = arith.mulf %mul3A_2629, %mul3A_2627 : vector<16xf32>
        %add3A_2631 = arith.addf %get3A_2614, %mul3A_2630 : vector<16xf32>
        %add3A_2632 = arith.addf %add3A_2611, %add3A_2631 : vector<16xf32>
        %get3A_2633 = arith.index_cast %add3A_2570 : i32 to index
        %get3A_2634 = arith.constant 48 : index
        %get3A_2635 = tpu.vector_load %arg10[%get3A_2633, %get3A_2634] {strides = array<i32>} : memref<128x128xf32, #tpu.memory_space<vmem>>, vector<16xf32>,
        %get3A_2636 = arith.index_cast %add3A_2570 : i32 to index
        %get3A_2637 = arith.constant 48 : index
        %get3A_2638 = tpu.vector_load %arg11[%get3A_2636, %get3A_2637] {strides = array<i32>} : memref<128x128xf32, #tpu.memory_space<vmem>>, vector<16xf32>,
        %get3A_2639 = arith.index_cast %add3A_2570 : i32 to index
        %get3A_2640 = arith.constant 48 : index
        %get3A_2641 = tpu.vector_load %arg9[%get3A_2639, %get3A_2640] {strides = array<i32>} : memref<128x128xf32, #tpu.memory_space<vmem>>, vector<16xf32>,
        %exp3A_2642 = math.exp %get3A_2635 : vector<16xf32>
        %mul3A_2643 = arith.mulf %exp3A_2642, %get3A_2638 : vector<16xf32>
        %add3A_2644 = arith.addf %get3A_2641, %mul3A_2643 : vector<16xf32>
        %swap3A_2645 = arith.index_cast %add3A_2570 : i32 to index
        %swap3A_2646 = arith.constant 48 : index
        %swap3A_2647 = tpu.vector_load %arg12[%swap3A_2645, %swap3A_2646] {strides = array<i32>} : memref<128x128xf32, #tpu.memory_space<vmem>>, vector<16xf32>,
        tpu.vector_store %arg12[%swap3A_2645, %swap3A_2646], %add3A_2644 {strides = array<i32>} : memref<128x128xf32, #tpu.memory_space<vmem>>, vector<16xf32>,
        %mul3A_2648 = arith.mulf %get3A_2638, %get3A_2638 : vector<16xf32>
        %mul3A_2649 = arith.constant 5.000000e-01 : f32
        %mul3A_2650 = vector.broadcast %mul3A_2649 : f32 to vector<16xf32>
        %mul3A_2651 = arith.mulf %mul3A_2650, %mul3A_2648 : vector<16xf32>
        %add3A_2652 = arith.addf %get3A_2635, %mul3A_2651 : vector<16xf32>
        %add3A_2653 = arith.addf %add3A_2632, %add3A_2652 : vector<16xf32>
        %get3A_2654 = arith.index_cast %add3A_2570 : i32 to index
        %get3A_2655 = arith.constant 64 : index
        %get3A_2656 = tpu.vector_load %arg10[%get3A_2654, %get3A_2655] {strides = array<i32>} : memref<128x128xf32, #tpu.memory_space<vmem>>, vector<16xf32>,
        %get3A_2657 = arith.index_cast %add3A_2570 : i32 to index
        %get3A_2658 = arith.constant 64 : index
        %get3A_2659 = tpu.vector_load %arg11[%get3A_2657, %get3A_2658] {strides = array<i32>} : memref<128x128xf32, #tpu.memory_space<vmem>>, vector<16xf32>,
        %get3A_2660 = arith.index_cast %add3A_2570 : i32 to index
        %get3A_2661 = arith.constant 64 : index
        %get3A_2662 = tpu.vector_load %arg9[%get3A_2660, %get3A_2661] {strides = array<i32>} : memref<128x128xf32, #tpu.memory_space<vmem>>, vector<16xf32>,
        %exp3A_2663 = math.exp %get3A_2656 : vector<16xf32>
        %mul3A_2664 = arith.mulf %exp3A_2663, %get3A_2659 : vector<16xf32>
        %add3A_2665 = arith.addf %get3A_2662, %mul3A_2664 : vector<16xf32>
        %swap3A_2666 = arith.index_cast %add3A_2570 : i32 to index
        %swap3A_2667 = arith.constant 64 : index
        %swap3A_2668 = tpu.vector_load %arg12[%swap3A_2666, %swap3A_2667] {strides = array<i32>} : memref<128x128xf32, #tpu.memory_space<vmem>>, vector<16xf32>,
        tpu.vector_store %arg12[%swap3A_2666, %swap3A_2667], %add3A_2665 {strides = array<i32>} : memref<128x128xf32, #tpu.memory_space<vmem>>, vector<16xf32>,
        %mul3A_2669 = arith.mulf %get3A_2659, %get3A_2659 : vector<16xf32>
        %mul3A_2670 = arith.constant 5.000000e-01 : f32
        %mul3A_2671 = vector.broadcast %mul3A_2670 : f32 to vector<16xf32>
        %mul3A_2672 = arith.mulf %mul3A_2671, %mul3A_2669 : vector<16xf32>
        %add3A_2673 = arith.addf %get3A_2656, %mul3A_2672 : vector<16xf32>
        %add3A_2674 = arith.addf %add3A_2653, %add3A_2673 : vector<16xf32>
        %get3A_2675 = arith.index_cast %add3A_2570 : i32 to index
        %get3A_2676 = arith.constant 80 : index
        %get3A_2677 = tpu.vector_load %arg10[%get3A_2675, %get3A_2676] {strides = array<i32>} : memref<128x128xf32, #tpu.memory_space<vmem>>, vector<16xf32>,
        %get3A_2678 = arith.index_cast %add3A_2570 : i32 to index
        %get3A_2679 = arith.constant 80 : index
        %get3A_2680 = tpu.vector_load %arg11[%get3A_2678, %get3A_2679] {strides = array<i32>} : memref<128x128xf32, #tpu.memory_space<vmem>>, vector<16xf32>,
        %get3A_2681 = arith.index_cast %add3A_2570 : i32 to index
        %get3A_2682 = arith.constant 80 : index
        %get3A_2683 = tpu.vector_load %arg9[%get3A_2681, %get3A_2682] {strides = array<i32>} : memref<128x128xf32, #tpu.memory_space<vmem>>, vector<16xf32>,
        %exp3A_2684 = math.exp %get3A_2677 : vector<16xf32>
        %mul3A_2685 = arith.mulf %exp3A_2684, %get3A_2680 : vector<16xf32>
        %add3A_2686 = arith.addf %get3A_2683, %mul3A_2685 : vector<16xf32>
        %swap3A_2687 = arith.index_cast %add3A_2570 : i32 to index
        %swap3A_2688 = arith.constant 80 : index
        %swap3A_2689 = tpu.vector_load %arg12[%swap3A_2687, %swap3A_2688] {strides = array<i32>} : memref<128x128xf32, #tpu.memory_space<vmem>>, vector<16xf32>,
        tpu.vector_store %arg12[%swap3A_2687, %swap3A_2688], %add3A_2686 {strides = array<i32>} : memref<128x128xf32, #tpu.memory_space<vmem>>, vector<16xf32>,
        %mul3A_2690 = arith.mulf %get3A_2680, %get3A_2680 : vector<16xf32>
        %mul3A_2691 = arith.constant 5.000000e-01 : f32
        %mul3A_2692 = vector.broadcast %mul3A_2691 : f32 to vector<16xf32>
        %mul3A_2693 = arith.mulf %mul3A_2692, %mul3A_2690 : vector<16xf32>
        %add3A_2694 = arith.addf %get3A_2677, %mul3A_2693 : vector<16xf32>
        %add3A_2695 = arith.addf %add3A_2674, %add3A_2694 : vector<16xf32>
        %get3A_2696 = arith.index_cast %add3A_2570 : i32 to index
        %get3A_2697 = arith.constant 96 : index
        %get3A_2698 = tpu.vector_load %arg10[%get3A_2696, %get3A_2697] {strides = array<i32>} : memref<128x128xf32, #tpu.memory_space<vmem>>, vector<16xf32>,
        %get3A_2699 = arith.index_cast %add3A_2570 : i32 to index
        %get3A_2700 = arith.constant 96 : index
        %get3A_2701 = tpu.vector_load %arg11[%get3A_2699, %get3A_2700] {strides = array<i32>} : memref<128x128xf32, #tpu.memory_space<vmem>>, vector<16xf32>,
        %get3A_2702 = arith.index_cast %add3A_2570 : i32 to index
        %get3A_2703 = arith.constant 96 : index
        %get3A_2704 = tpu.vector_load %arg9[%get3A_2702, %get3A_2703] {strides = array<i32>} : memref<128x128xf32, #tpu.memory_space<vmem>>, vector<16xf32>,
        %exp3A_2705 = math.exp %get3A_2698 : vector<16xf32>
        %mul3A_2706 = arith.mulf %exp3A_2705, %get3A_2701 : vector<16xf32>
        %add3A_2707 = arith.addf %get3A_2704, %mul3A_2706 : vector<16xf32>
        %swap3A_2708 = arith.index_cast %add3A_2570 : i32 to index
        %swap3A_2709 = arith.constant 96 : index
        %swap3A_2710 = tpu.vector_load %arg12[%swap3A_2708, %swap3A_2709] {strides = array<i32>} : memref<128x128xf32, #tpu.memory_space<vmem>>, vector<16xf32>,
        tpu.vector_store %arg12[%swap3A_2708, %swap3A_2709], %add3A_2707 {strides = array<i32>} : memref<128x128xf32, #tpu.memory_space<vmem>>, vector<16xf32>,
        %mul3A_2711 = arith.mulf %get3A_2701, %get3A_2701 : vector<16xf32>
        %mul3A_2712 = arith.constant 5.000000e-01 : f32
        %mul3A_2713 = vector.broadcast %mul3A_2712 : f32 to vector<16xf32>
        %mul3A_2714 = arith.mulf %mul3A_2713, %mul3A_2711 : vector<16xf32>
        %add3A_2715 = arith.addf %get3A_2698, %mul3A_2714 : vector<16xf32>
        %add3A_2716 = arith.addf %add3A_2695, %add3A_2715 : vector<16xf32>
        %get3A_2717 = arith.index_cast %add3A_2570 : i32 to index
        %get3A_2718 = arith.constant 112 : index
        %get3A_2719 = tpu.vector_load %arg10[%get3A_2717, %get3A_2718] {strides = array<i32>} : memref<128x128xf32, #tpu.memory_space<vmem>>, vector<16xf32>,
        %get3A_2720 = arith.index_cast %add3A_2570 : i32 to index
        %get3A_2721 = arith.constant 112 : index
        %get3A_2722 = tpu.vector_load %arg11[%get3A_2720, %get3A_2721] {strides = array<i32>} : memref<128x128xf32, #tpu.memory_space<vmem>>, vector<16xf32>,
        %get3A_2723 = arith.index_cast %add3A_2570 : i32 to index
        %get3A_2724 = arith.constant 112 : index
        %get3A_2725 = tpu.vector_load %arg9[%get3A_2723, %get3A_2724] {strides = array<i32>} : memref<128x128xf32, #tpu.memory_space<vmem>>, vector<16xf32>,
        %exp3A_2726 = math.exp %get3A_2719 : vector<16xf32>
        %mul3A_2727 = arith.mulf %exp3A_2726, %get3A_2722 : vector<16xf32>
        %add3A_2728 = arith.addf %get3A_2725, %mul3A_2727 : vector<16xf32>
        %swap3A_2729 = arith.index_cast %add3A_2570 : i32 to index
        %swap3A_2730 = arith.constant 112 : index
        %swap3A_2731 = tpu.vector_load %arg12[%swap3A_2729, %swap3A_2730] {strides = array<i32>} : memref<128x128xf32, #tpu.memory_space<vmem>>, vector<16xf32>,
        tpu.vector_store %arg12[%swap3A_2729, %swap3A_2730], %add3A_2728 {strides = array<i32>} : memref<128x128xf32, #tpu.memory_space<vmem>>, vector<16xf32>,
        %mul3A_2732 = arith.mulf %get3A_2722, %get3A_2722 : vector<16xf32>
        %mul3A_2733 = arith.constant 5.000000e-01 : f32
        %mul3A_2734 = vector.broadcast %mul3A_2733 : f32 to vector<16xf32>
        %mul3A_2735 = arith.mulf %mul3A_2734, %mul3A_2732 : vector<16xf32>
        %add3A_2736 = arith.addf %get3A_2719, %mul3A_2735 : vector<16xf32>
        %add3A_2737 = arith.addf %add3A_2716, %add3A_2736 : vector<16xf32>
        %reduce_sum3A_2738 = arith.constant true
        %reduce_sum3A_2739 = vector.broadcast %reduce_sum3A_2738 : i1 to vector<16xi1>
        %reduce_sum3A_2740 = tpu.scan <sum>, %add3A_2737 masked %reduce_sum3A_2739 : vector<16xf32>, vector<16xi1> -> vector<16xf32>
        %reduce_sum3A_2741 = vector.extract %reduce_sum3A_2740[15] : f32 from vector<16xf32>
        %sub3A_2742 = arith.constant -117.62413 : f32
        %sub3A_2743 = arith.subf %sub3A_2742, %reduce_sum3A_2741 : f32
        %eq3A_2744 = arith.constant 14 : i32
        %eq3A_2745 = vector.broadcast %eq3A_2744 : i32 to vector<16xi32>
        %eq3A_2746 = arith.cmpi eq, %iota3A, %eq3A_2745 : vector<16xi32>
        %broadcast_in_dim3A_2747 = vector.broadcast %sub3A_2743 : f32 to vector<16xf32>
        %select_n3A_2748 = arith.select %eq3A_2746, %broadcast_in_dim3A_2747, %select_n3A_2568 : vector<16xi1>, vector<16xf32>
        %add3A_2749 = arith.constant 15 : i32
        %add3A_2750 = arith.addi %mul3A_54, %add3A_2749 : i32
        %get3A_2751 = arith.index_cast %add3A_2750 : i32 to index
        %get3A_2752 = arith.constant 0 : index
        %get3A_2753 = tpu.vector_load %arg10[%get3A_2751, %get3A_2752] {strides = array<i32>} : memref<128x128xf32, #tpu.memory_space<vmem>>, vector<16xf32>,
        %get3A_2754 = arith.index_cast %add3A_2750 : i32 to index
        %get3A_2755 = arith.constant 0 : index
        %get3A_2756 = tpu.vector_load %arg11[%get3A_2754, %get3A_2755] {strides = array<i32>} : memref<128x128xf32, #tpu.memory_space<vmem>>, vector<16xf32>,
        %get3A_2757 = arith.index_cast %add3A_2750 : i32 to index
        %get3A_2758 = arith.constant 0 : index
        %get3A_2759 = tpu.vector_load %arg9[%get3A_2757, %get3A_2758] {strides = array<i32>} : memref<128x128xf32, #tpu.memory_space<vmem>>, vector<16xf32>,
        %exp3A_2760 = math.exp %get3A_2753 : vector<16xf32>
        %mul3A_2761 = arith.mulf %exp3A_2760, %get3A_2756 : vector<16xf32>
        %add3A_2762 = arith.addf %get3A_2759, %mul3A_2761 : vector<16xf32>
        %swap3A_2763 = arith.index_cast %add3A_2750 : i32 to index
        %swap3A_2764 = arith.constant 0 : index
        %swap3A_2765 = tpu.vector_load %arg12[%swap3A_2763, %swap3A_2764] {strides = array<i32>} : memref<128x128xf32, #tpu.memory_space<vmem>>, vector<16xf32>,
        tpu.vector_store %arg12[%swap3A_2763, %swap3A_2764], %add3A_2762 {strides = array<i32>} : memref<128x128xf32, #tpu.memory_space<vmem>>, vector<16xf32>,
        %mul3A_2766 = arith.mulf %get3A_2756, %get3A_2756 : vector<16xf32>
        %mul3A_2767 = arith.constant 5.000000e-01 : f32
        %mul3A_2768 = vector.broadcast %mul3A_2767 : f32 to vector<16xf32>
        %mul3A_2769 = arith.mulf %mul3A_2768, %mul3A_2766 : vector<16xf32>
        %add3A_2770 = arith.addf %get3A_2753, %mul3A_2769 : vector<16xf32>
        %get3A_2771 = arith.index_cast %add3A_2750 : i32 to index
        %get3A_2772 = arith.constant 16 : index
        %get3A_2773 = tpu.vector_load %arg10[%get3A_2771, %get3A_2772] {strides = array<i32>} : memref<128x128xf32, #tpu.memory_space<vmem>>, vector<16xf32>,
        %get3A_2774 = arith.index_cast %add3A_2750 : i32 to index
        %get3A_2775 = arith.constant 16 : index
        %get3A_2776 = tpu.vector_load %arg11[%get3A_2774, %get3A_2775] {strides = array<i32>} : memref<128x128xf32, #tpu.memory_space<vmem>>, vector<16xf32>,
        %get3A_2777 = arith.index_cast %add3A_2750 : i32 to index
        %get3A_2778 = arith.constant 16 : index
        %get3A_2779 = tpu.vector_load %arg9[%get3A_2777, %get3A_2778] {strides = array<i32>} : memref<128x128xf32, #tpu.memory_space<vmem>>, vector<16xf32>,
        %exp3A_2780 = math.exp %get3A_2773 : vector<16xf32>
        %mul3A_2781 = arith.mulf %exp3A_2780, %get3A_2776 : vector<16xf32>
        %add3A_2782 = arith.addf %get3A_2779, %mul3A_2781 : vector<16xf32>
        %swap3A_2783 = arith.index_cast %add3A_2750 : i32 to index
        %swap3A_2784 = arith.constant 16 : index
        %swap3A_2785 = tpu.vector_load %arg12[%swap3A_2783, %swap3A_2784] {strides = array<i32>} : memref<128x128xf32, #tpu.memory_space<vmem>>, vector<16xf32>,
        tpu.vector_store %arg12[%swap3A_2783, %swap3A_2784], %add3A_2782 {strides = array<i32>} : memref<128x128xf32, #tpu.memory_space<vmem>>, vector<16xf32>,
        %mul3A_2786 = arith.mulf %get3A_2776, %get3A_2776 : vector<16xf32>
        %mul3A_2787 = arith.constant 5.000000e-01 : f32
        %mul3A_2788 = vector.broadcast %mul3A_2787 : f32 to vector<16xf32>
        %mul3A_2789 = arith.mulf %mul3A_2788, %mul3A_2786 : vector<16xf32>
        %add3A_2790 = arith.addf %get3A_2773, %mul3A_2789 : vector<16xf32>
        %add3A_2791 = arith.addf %add3A_2770, %add3A_2790 : vector<16xf32>
        %get3A_2792 = arith.index_cast %add3A_2750 : i32 to index
        %get3A_2793 = arith.constant 32 : index
        %get3A_2794 = tpu.vector_load %arg10[%get3A_2792, %get3A_2793] {strides = array<i32>} : memref<128x128xf32, #tpu.memory_space<vmem>>, vector<16xf32>,
        %get3A_2795 = arith.index_cast %add3A_2750 : i32 to index
        %get3A_2796 = arith.constant 32 : index
        %get3A_2797 = tpu.vector_load %arg11[%get3A_2795, %get3A_2796] {strides = array<i32>} : memref<128x128xf32, #tpu.memory_space<vmem>>, vector<16xf32>,
        %get3A_2798 = arith.index_cast %add3A_2750 : i32 to index
        %get3A_2799 = arith.constant 32 : index
        %get3A_2800 = tpu.vector_load %arg9[%get3A_2798, %get3A_2799] {strides = array<i32>} : memref<128x128xf32, #tpu.memory_space<vmem>>, vector<16xf32>,
        %exp3A_2801 = math.exp %get3A_2794 : vector<16xf32>
        %mul3A_2802 = arith.mulf %exp3A_2801, %get3A_2797 : vector<16xf32>
        %add3A_2803 = arith.addf %get3A_2800, %mul3A_2802 : vector<16xf32>
        %swap3A_2804 = arith.index_cast %add3A_2750 : i32 to index
        %swap3A_2805 = arith.constant 32 : index
        %swap3A_2806 = tpu.vector_load %arg12[%swap3A_2804, %swap3A_2805] {strides = array<i32>} : memref<128x128xf32, #tpu.memory_space<vmem>>, vector<16xf32>,
        tpu.vector_store %arg12[%swap3A_2804, %swap3A_2805], %add3A_2803 {strides = array<i32>} : memref<128x128xf32, #tpu.memory_space<vmem>>, vector<16xf32>,
        %mul3A_2807 = arith.mulf %get3A_2797, %get3A_2797 : vector<16xf32>
        %mul3A_2808 = arith.constant 5.000000e-01 : f32
        %mul3A_2809 = vector.broadcast %mul3A_2808 : f32 to vector<16xf32>
        %mul3A_2810 = arith.mulf %mul3A_2809, %mul3A_2807 : vector<16xf32>
        %add3A_2811 = arith.addf %get3A_2794, %mul3A_2810 : vector<16xf32>
        %add3A_2812 = arith.addf %add3A_2791, %add3A_2811 : vector<16xf32>
        %get3A_2813 = arith.index_cast %add3A_2750 : i32 to index
        %get3A_2814 = arith.constant 48 : index
        %get3A_2815 = tpu.vector_load %arg10[%get3A_2813, %get3A_2814] {strides = array<i32>} : memref<128x128xf32, #tpu.memory_space<vmem>>, vector<16xf32>,
        %get3A_2816 = arith.index_cast %add3A_2750 : i32 to index
        %get3A_2817 = arith.constant 48 : index
        %get3A_2818 = tpu.vector_load %arg11[%get3A_2816, %get3A_2817] {strides = array<i32>} : memref<128x128xf32, #tpu.memory_space<vmem>>, vector<16xf32>,
        %get3A_2819 = arith.index_cast %add3A_2750 : i32 to index
        %get3A_2820 = arith.constant 48 : index
        %get3A_2821 = tpu.vector_load %arg9[%get3A_2819, %get3A_2820] {strides = array<i32>} : memref<128x128xf32, #tpu.memory_space<vmem>>, vector<16xf32>,
        %exp3A_2822 = math.exp %get3A_2815 : vector<16xf32>
        %mul3A_2823 = arith.mulf %exp3A_2822, %get3A_2818 : vector<16xf32>
        %add3A_2824 = arith.addf %get3A_2821, %mul3A_2823 : vector<16xf32>
        %swap3A_2825 = arith.index_cast %add3A_2750 : i32 to index
        %swap3A_2826 = arith.constant 48 : index
        %swap3A_2827 = tpu.vector_load %arg12[%swap3A_2825, %swap3A_2826] {strides = array<i32>} : memref<128x128xf32, #tpu.memory_space<vmem>>, vector<16xf32>,
        tpu.vector_store %arg12[%swap3A_2825, %swap3A_2826], %add3A_2824 {strides = array<i32>} : memref<128x128xf32, #tpu.memory_space<vmem>>, vector<16xf32>,
        %mul3A_2828 = arith.mulf %get3A_2818, %get3A_2818 : vector<16xf32>
        %mul3A_2829 = arith.constant 5.000000e-01 : f32
        %mul3A_2830 = vector.broadcast %mul3A_2829 : f32 to vector<16xf32>
        %mul3A_2831 = arith.mulf %mul3A_2830, %mul3A_2828 : vector<16xf32>
        %add3A_2832 = arith.addf %get3A_2815, %mul3A_2831 : vector<16xf32>
        %add3A_2833 = arith.addf %add3A_2812, %add3A_2832 : vector<16xf32>
        %get3A_2834 = arith.index_cast %add3A_2750 : i32 to index
        %get3A_2835 = arith.constant 64 : index
        %get3A_2836 = tpu.vector_load %arg10[%get3A_2834, %get3A_2835] {strides = array<i32>} : memref<128x128xf32, #tpu.memory_space<vmem>>, vector<16xf32>,
        %get3A_2837 = arith.index_cast %add3A_2750 : i32 to index
        %get3A_2838 = arith.constant 64 : index
        %get3A_2839 = tpu.vector_load %arg11[%get3A_2837, %get3A_2838] {strides = array<i32>} : memref<128x128xf32, #tpu.memory_space<vmem>>, vector<16xf32>,
        %get3A_2840 = arith.index_cast %add3A_2750 : i32 to index
        %get3A_2841 = arith.constant 64 : index
        %get3A_2842 = tpu.vector_load %arg9[%get3A_2840, %get3A_2841] {strides = array<i32>} : memref<128x128xf32, #tpu.memory_space<vmem>>, vector<16xf32>,
        %exp3A_2843 = math.exp %get3A_2836 : vector<16xf32>
        %mul3A_2844 = arith.mulf %exp3A_2843, %get3A_2839 : vector<16xf32>
        %add3A_2845 = arith.addf %get3A_2842, %mul3A_2844 : vector<16xf32>
        %swap3A_2846 = arith.index_cast %add3A_2750 : i32 to index
        %swap3A_2847 = arith.constant 64 : index
        %swap3A_2848 = tpu.vector_load %arg12[%swap3A_2846, %swap3A_2847] {strides = array<i32>} : memref<128x128xf32, #tpu.memory_space<vmem>>, vector<16xf32>,
        tpu.vector_store %arg12[%swap3A_2846, %swap3A_2847], %add3A_2845 {strides = array<i32>} : memref<128x128xf32, #tpu.memory_space<vmem>>, vector<16xf32>,
        %mul3A_2849 = arith.mulf %get3A_2839, %get3A_2839 : vector<16xf32>
        %mul3A_2850 = arith.constant 5.000000e-01 : f32
        %mul3A_2851 = vector.broadcast %mul3A_2850 : f32 to vector<16xf32>
        %mul3A_2852 = arith.mulf %mul3A_2851, %mul3A_2849 : vector<16xf32>
        %add3A_2853 = arith.addf %get3A_2836, %mul3A_2852 : vector<16xf32>
        %add3A_2854 = arith.addf %add3A_2833, %add3A_2853 : vector<16xf32>
        %get3A_2855 = arith.index_cast %add3A_2750 : i32 to index
        %get3A_2856 = arith.constant 80 : index
        %get3A_2857 = tpu.vector_load %arg10[%get3A_2855, %get3A_2856] {strides = array<i32>} : memref<128x128xf32, #tpu.memory_space<vmem>>, vector<16xf32>,
        %get3A_2858 = arith.index_cast %add3A_2750 : i32 to index
        %get3A_2859 = arith.constant 80 : index
        %get3A_2860 = tpu.vector_load %arg11[%get3A_2858, %get3A_2859] {strides = array<i32>} : memref<128x128xf32, #tpu.memory_space<vmem>>, vector<16xf32>,
        %get3A_2861 = arith.index_cast %add3A_2750 : i32 to index
        %get3A_2862 = arith.constant 80 : index
        %get3A_2863 = tpu.vector_load %arg9[%get3A_2861, %get3A_2862] {strides = array<i32>} : memref<128x128xf32, #tpu.memory_space<vmem>>, vector<16xf32>,
        %exp3A_2864 = math.exp %get3A_2857 : vector<16xf32>
        %mul3A_2865 = arith.mulf %exp3A_2864, %get3A_2860 : vector<16xf32>
        %add3A_2866 = arith.addf %get3A_2863, %mul3A_2865 : vector<16xf32>
        %swap3A_2867 = arith.index_cast %add3A_2750 : i32 to index
        %swap3A_2868 = arith.constant 80 : index
        %swap3A_2869 = tpu.vector_load %arg12[%swap3A_2867, %swap3A_2868] {strides = array<i32>} : memref<128x128xf32, #tpu.memory_space<vmem>>, vector<16xf32>,
        tpu.vector_store %arg12[%swap3A_2867, %swap3A_2868], %add3A_2866 {strides = array<i32>} : memref<128x128xf32, #tpu.memory_space<vmem>>, vector<16xf32>,
        %mul3A_2870 = arith.mulf %get3A_2860, %get3A_2860 : vector<16xf32>
        %mul3A_2871 = arith.constant 5.000000e-01 : f32
        %mul3A_2872 = vector.broadcast %mul3A_2871 : f32 to vector<16xf32>
        %mul3A_2873 = arith.mulf %mul3A_2872, %mul3A_2870 : vector<16xf32>
        %add3A_2874 = arith.addf %get3A_2857, %mul3A_2873 : vector<16xf32>
        %add3A_2875 = arith.addf %add3A_2854, %add3A_2874 : vector<16xf32>
        %get3A_2876 = arith.index_cast %add3A_2750 : i32 to index
        %get3A_2877 = arith.constant 96 : index
        %get3A_2878 = tpu.vector_load %arg10[%get3A_2876, %get3A_2877] {strides = array<i32>} : memref<128x128xf32, #tpu.memory_space<vmem>>, vector<16xf32>,
        %get3A_2879 = arith.index_cast %add3A_2750 : i32 to index
        %get3A_2880 = arith.constant 96 : index
        %get3A_2881 = tpu.vector_load %arg11[%get3A_2879, %get3A_2880] {strides = array<i32>} : memref<128x128xf32, #tpu.memory_space<vmem>>, vector<16xf32>,
        %get3A_2882 = arith.index_cast %add3A_2750 : i32 to index
        %get3A_2883 = arith.constant 96 : index
        %get3A_2884 = tpu.vector_load %arg9[%get3A_2882, %get3A_2883] {strides = array<i32>} : memref<128x128xf32, #tpu.memory_space<vmem>>, vector<16xf32>,
        %exp3A_2885 = math.exp %get3A_2878 : vector<16xf32>
        %mul3A_2886 = arith.mulf %exp3A_2885, %get3A_2881 : vector<16xf32>
        %add3A_2887 = arith.addf %get3A_2884, %mul3A_2886 : vector<16xf32>
        %swap3A_2888 = arith.index_cast %add3A_2750 : i32 to index
        %swap3A_2889 = arith.constant 96 : index
        %swap3A_2890 = tpu.vector_load %arg12[%swap3A_2888, %swap3A_2889] {strides = array<i32>} : memref<128x128xf32, #tpu.memory_space<vmem>>, vector<16xf32>,
        tpu.vector_store %arg12[%swap3A_2888, %swap3A_2889], %add3A_2887 {strides = array<i32>} : memref<128x128xf32, #tpu.memory_space<vmem>>, vector<16xf32>,
        %mul3A_2891 = arith.mulf %get3A_2881, %get3A_2881 : vector<16xf32>
        %mul3A_2892 = arith.constant 5.000000e-01 : f32
        %mul3A_2893 = vector.broadcast %mul3A_2892 : f32 to vector<16xf32>
        %mul3A_2894 = arith.mulf %mul3A_2893, %mul3A_2891 : vector<16xf32>
        %add3A_2895 = arith.addf %get3A_2878, %mul3A_2894 : vector<16xf32>
        %add3A_2896 = arith.addf %add3A_2875, %add3A_2895 : vector<16xf32>
        %get3A_2897 = arith.index_cast %add3A_2750 : i32 to index
        %get3A_2898 = arith.constant 112 : index
        %get3A_2899 = tpu.vector_load %arg10[%get3A_2897, %get3A_2898] {strides = array<i32>} : memref<128x128xf32, #tpu.memory_space<vmem>>, vector<16xf32>,
        %get3A_2900 = arith.index_cast %add3A_2750 : i32 to index
        %get3A_2901 = arith.constant 112 : index
        %get3A_2902 = tpu.vector_load %arg11[%get3A_2900, %get3A_2901] {strides = array<i32>} : memref<128x128xf32, #tpu.memory_space<vmem>>, vector<16xf32>,
        %get3A_2903 = arith.index_cast %add3A_2750 : i32 to index
        %get3A_2904 = arith.constant 112 : index
        %get3A_2905 = tpu.vector_load %arg9[%get3A_2903, %get3A_2904] {strides = array<i32>} : memref<128x128xf32, #tpu.memory_space<vmem>>, vector<16xf32>,
        %exp3A_2906 = math.exp %get3A_2899 : vector<16xf32>
        %mul3A_2907 = arith.mulf %exp3A_2906, %get3A_2902 : vector<16xf32>
        %add3A_2908 = arith.addf %get3A_2905, %mul3A_2907 : vector<16xf32>
        %swap3A_2909 = arith.index_cast %add3A_2750 : i32 to index
        %swap3A_2910 = arith.constant 112 : index
        %swap3A_2911 = tpu.vector_load %arg12[%swap3A_2909, %swap3A_2910] {strides = array<i32>} : memref<128x128xf32, #tpu.memory_space<vmem>>, vector<16xf32>,
        tpu.vector_store %arg12[%swap3A_2909, %swap3A_2910], %add3A_2908 {strides = array<i32>} : memref<128x128xf32, #tpu.memory_space<vmem>>, vector<16xf32>,
        %mul3A_2912 = arith.mulf %get3A_2902, %get3A_2902 : vector<16xf32>
        %mul3A_2913 = arith.constant 5.000000e-01 : f32
        %mul3A_2914 = vector.broadcast %mul3A_2913 : f32 to vector<16xf32>
        %mul3A_2915 = arith.mulf %mul3A_2914, %mul3A_2912 : vector<16xf32>
        %add3A_2916 = arith.addf %get3A_2899, %mul3A_2915 : vector<16xf32>
        %add3A_2917 = arith.addf %add3A_2896, %add3A_2916 : vector<16xf32>
        %reduce_sum3A_2918 = arith.constant true
        %reduce_sum3A_2919 = vector.broadcast %reduce_sum3A_2918 : i1 to vector<16xi1>
        %reduce_sum3A_2920 = tpu.scan <sum>, %add3A_2917 masked %reduce_sum3A_2919 : vector<16xf32>, vector<16xi1> -> vector<16xf32>
        %reduce_sum3A_2921 = vector.extract %reduce_sum3A_2920[15] : f32 from vector<16xf32>
        %sub3A_2922 = arith.constant -117.62413 : f32
        %sub3A_2923 = arith.subf %sub3A_2922, %reduce_sum3A_2921 : f32
        %eq3A_2924 = arith.constant 15 : i32
        %eq3A_2925 = vector.broadcast %eq3A_2924 : i32 to vector<16xi32>
        %eq3A_2926 = arith.cmpi eq, %iota3A, %eq3A_2925 : vector<16xi32>
        %broadcast_in_dim3A_2927 = vector.broadcast %sub3A_2923 : f32 to vector<16xf32>
        %select_n3A_2928 = arith.select %eq3A_2926, %broadcast_in_dim3A_2927, %select_n3A_2748 : vector<16xi1>, vector<16xf32>
        %mul3A_2929 = arith.constant 8 : i32
        %mul3A_2930 = arith.muli %scan3A_12, %mul3A_2929 : i32
        %add3A_2931 = arith.addi %mul3A_2930, %scan3A_52 : i32
        %swap3A_2932 = arith.index_cast %add3A_2931 : i32 to index
        %swap3A_2933 = arith.constant 0 : index
        %swap3A_2934 = tpu.vector_load %arg13[%swap3A_2932, %swap3A_2933] {strides = array<i32>} : memref<32x16xf32, #tpu.memory_space<vmem>>, vector<16xf32>,
        tpu.vector_store %arg13[%swap3A_2932, %swap3A_2933], %select_n3A_2928 {strides = array<i32>} : memref<32x16xf32, #tpu.memory_space<vmem>>, vector<16xf32>,
      }
      %scan3A_51 = arith.constant 8 : i32
      "tpu.region"() ({
        %run_scoped3A = tpu.sem_alloc : memref<!tpu.dma_semaphore, #tpu.memory_space<semaphore_mem>>
        %dma_start3A_52 = arith.constant 0 : i32
        %dma_start3A_53 = tpu.memref_slice %arg6[%add3A_15, %dma_start3A_52] : memref<16384x128xf32, #tpu.memory_space<hbm>> -> memref<128x128xf32, #tpu.memory_space<hbm>>
        %dma_start3A_54 = arith.constant 0 : i32
        %dma_start3A_55 = tpu.memref_slice %arg6[%add3A_15, %dma_start3A_54] : memref<16384x128xf32, #tpu.memory_space<hbm>> -> memref<128x128xf32, #tpu.memory_space<hbm>>
        tpu.enqueue_dma source(%arg12 : memref<128x128xf32, #tpu.memory_space<vmem>>) target(%dma_start3A_55 : memref<128x128xf32, #tpu.memory_space<hbm>>) target_semaphore(%run_scoped3A : memref<!tpu.dma_semaphore, #tpu.memory_space<semaphore_mem>>)
        %dma_wait3A_56 = arith.constant 0 : i32
        %dma_wait3A_57 = tpu.memref_slice %arg6[%add3A_15, %dma_wait3A_56] : memref<16384x128xf32, #tpu.memory_space<hbm>> -> memref<128x128xf32, #tpu.memory_space<hbm>>
        %dma_wait3A_58 = arith.constant 0 : i32
        %dma_wait3A_59 = tpu.memref_slice %arg6[%add3A_15, %dma_wait3A_58] : memref<16384x128xf32, #tpu.memory_space<hbm>> -> memref<128x128xf32, #tpu.memory_space<hbm>>
        tpu.wait_dma2 semaphore(%run_scoped3A : memref<!tpu.dma_semaphore, #tpu.memory_space<semaphore_mem>>) src(%arg12 : memref<128x128xf32, #tpu.memory_space<vmem>>) dst(%dma_wait3A_59 : memref<128x128xf32, #tpu.memory_space<hbm>>)
        tpu.yield
      }) : () -> ()
    }
    %scan3A_9 = arith.constant 4 : i32
    %mul3A_10 = arith.constant 32 : i32
    %mul3A_11 = arith.muli %add3A, %mul3A_10 : i32
    "tpu.region"() ({
      %run_scoped3A = tpu.sem_alloc : memref<!tpu.dma_semaphore, #tpu.memory_space<semaphore_mem>>
      %dma_start3A = arith.constant 0 : i32
      %dma_start3A_12 = tpu.memref_slice %arg7[%mul3A_11, %dma_start3A] : memref<1024x16xf32, #tpu.memory_space<hbm>> -> memref<32x16xf32, #tpu.memory_space<hbm>>
      %dma_start3A_13 = arith.constant 0 : i32
      %dma_start3A_14 = tpu.memref_slice %arg7[%mul3A_11, %dma_start3A_13] : memref<1024x16xf32, #tpu.memory_space<hbm>> -> memref<32x16xf32, #tpu.memory_space<hbm>>
      tpu.enqueue_dma source(%arg13 : memref<32x16xf32, #tpu.memory_space<vmem>>) target(%dma_start3A_14 : memref<32x16xf32, #tpu.memory_space<hbm>>) target_semaphore(%run_scoped3A : memref<!tpu.dma_semaphore, #tpu.memory_space<semaphore_mem>>)
      %dma_wait3A = arith.constant 0 : i32
      %dma_wait3A_15 = tpu.memref_slice %arg7[%mul3A_11, %dma_wait3A] : memref<1024x16xf32, #tpu.memory_space<hbm>> -> memref<32x16xf32, #tpu.memory_space<hbm>>
      %dma_wait3A_16 = arith.constant 0 : i32
      %dma_wait3A_17 = tpu.memref_slice %arg7[%mul3A_11, %dma_wait3A_16] : memref<1024x16xf32, #tpu.memory_space<hbm>> -> memref<32x16xf32, #tpu.memory_space<hbm>>
      tpu.wait_dma2 semaphore(%run_scoped3A : memref<!tpu.dma_semaphore, #tpu.memory_space<semaphore_mem>>) src(%arg13 : memref<32x16xf32, #tpu.memory_space<vmem>>) dst(%dma_wait3A_17 : memref<32x16xf32, #tpu.memory_space<hbm>>)
      tpu.yield
    }) : () -> ()
    return
  }
}

</mosaic_0001>

<sc_bundles>
// kernel: kernel.3.cloned.1.call-start
scs
__scs_entry_jumppad:
0x0: {  	(pc) =	sbr.rel $0x88, $3  }
0x1: {  	(tag) =	ssettag $0x0;
	lr =	simm.s32 $0x1  }
0x2: {  	[smem:$0x3F9E] =	sst lr;
	_ =	strace $0xD0000000  }
0x3: {  	_ = 	snop  }
0x4: {  	_ = 	snop  }
0x5: {  	_ = 	snop  }
0x6: {  	_ = 	snop  }
0x7: {  	_ = 	snop  }
__scs_overlays_trampoline_lowered:
0x8: {  	[smem:$0x3FAD] =	sst s0  }
0x9: {  	[smem:$0x3FAE] =	sst s1  }
0xa: {  	[smem:$0x3FAF] =	sst s2  }
0xb: {  	[smem:$0x3FB0] =	sst s3  }
0xc: {  	[smem:$0x3FB1] =	sst s4  }
0xd: {  	[smem:$0x3FB2] =	sst s5  }
0xe: {  	[smem:$0x3FB3] =	sst s6  }
0xf: {  	[smem:$0x3FB4] =	sst s7  }
0x10: {  	[smem:$0x3FB5] =	sst s8  }
0x11: {  	[smem:$0x3FB6] =	sst s9;
	s0 =	simm.s32 @!p0 $0x0  }
0x12: {  	s1 =	sld [smem:$0x3F9C];
	s0 =	simm.s32 @p0 $0x1  }
0x13: {  	[smem:$0x3FB7] =	sst s0;
	s0 =	simm.s32 @!p1 $0x0  }
0x14: {  	s2 =	sld [smem:$0x3F9B];
	s0 =	simm.s32 @p1 $0x1  }
0x15: {  	[smem:$0x3FB8] =	sst s0;
	s0 =	simm.s32 @!p2 $0x0  }
0x16: {  	s3 =	sld [smem:$0x3FDB];
	s0 =	simm.s32 @p2 $0x1  }
0x17: {  	s4 =	simm.s32 $0x1BF5;
	[smem:$0x3FBA] =	sst s0  }
0x18: {  	s0 =	sld [smem:$0x3F9D];
	_ =	swait.ge [sflag:s4], $0x0  }
0x19: {  	s7 =	sld [smem:$0x3F9E]  }
0x1a: {  	s8 =	sadd.s32 $0xFFFFE003, lr  }
0x1b: {  	s9 =	sadd.s32 $0xFFFFFEF7, lr;
	s5 =	simm.s32 $0xFFFFFFFF;
	p2 =	slt.u32 s8, $0xFFFFF086  }
0x1c: {  	p1 =	slt.u32 s9, $0xF7A;
	s5 =	simm.s32 @!p2 $0x0  }
0x1d: {  	s5 =	simm.s32 @p1 $0x1;
	p0 =	seq.s32 s7, s2  }
0x1e: {  	s7 =	smul.u32 @!p0 $0xF7A, s2;
	p2 =	seq.s32 @!p0 s5, $0x0  }
0x1f: {  	s9 =	smul.u32 $0xF7A, s1;
	s8 =	simm.s32 @!p0 $0x1BF5;
	p2 =	por !p2, p0  }
0x20: {  	[sflag:s8] =	ssyncset.s32 @!p0 $0xFFFFF086;
	s6 =	sadd.s32 @!p0 s3, s7;
	s7 =	simm.s32 @!p0 $0x108  }
0x21: {  	s3 =	sadd.s32 s3, s9;
	s6 =	sadd.s32 @!p0 $0x88, s6;
	s7 =	simm.s32 @p2 $0x1082  }
0x22: {  	[simem:s7], [sflag:s8] =	dma.local @!p0 [hbm:s6], $0xF7A  }
0x23: {  	s9 =	sor.u32 $0xD0000000, s2;
	s6 =	simm.s32 $0x108;
	_ =	swait.ge @!p0 [sflag:s8], $0x0  }
0x24: {  	s3 =	sadd.s32 $0x88, s3;
	s6 =	simm.s32 @!p1 $0x1082;
	[sflag:s4] =	ssyncset.s32 $0xFFFFF086  }
0x25: {  	[simem:s6], [sflag:s4] =	dma.local [hbm:s3], $0xF7A  }
0x26: {  	[smem:$0x3F9E] =	sst s1;
	(tag) =	ssettag s2;
	_ =	strace s9  }
0x27: {  	s1 =	sld [smem:$0x3FAE]  }
0x28: {  	s2 =	sld [smem:$0x3FAF]  }
0x29: {  	s4 =	sld [smem:$0x3FB1]  }
0x2a: {  	p0 =	seq.s32 s5, $0x0;
	s5 =	sld [smem:$0x3FB2]  }
0x2b: {  	s6 =	sld [smem:$0x3FB3]  }
0x2c: {  	s7 =	sld [smem:$0x3FB4]  }
0x2d: {  	s3 =	simm.s32 $0x108;
	s8 =	sld [smem:$0x3FB5]  }
0x2e: {  	s3 =	simm.s32 @!p0 $0x1082;
	s9 =	sld [smem:$0x3FB6]  }
0x2f: {  	lr =	sadd.s32 s0, s3;
	s0 =	sld [smem:$0x3FAD]  }
0x30: {  	s3 =	sld [smem:$0x3FB0]  }
0x31: {  	[smem:$0x3FB9] =	sst s10  }
0x32: {  	s10 =	sld [smem:$0x3FB7];
	_ =	sdelay $0x3  }
0x33: {  	p0 =	seq.s32 s10, $0x1;
	s10 =	sld [smem:$0x3FB9];
	_ =	sdelay $0x3  }
0x34: {  	[smem:$0x3FB9] =	sst s10  }
0x35: {  	s10 =	sld [smem:$0x3FB8];
	_ =	sdelay $0x3  }
0x36: {  	p1 =	seq.s32 s10, $0x1;
	s10 =	sld [smem:$0x3FB9];
	_ =	sdelay $0x3  }
0x37: {  	[smem:$0x3FB9] =	sst s10  }
0x38: {  	s10 =	sld [smem:$0x3FBA]  }
0x39: {  	_ = 	snop;
	(pc) =	sbr.ind lr, $3  }
0x3a: {  	_ = 	snop  }
0x3b: {  	_ = 	snop  }
0x3c: {  	p2 =	seq.s32 s10, $0x1;
	s10 =	sld [smem:$0x3FB9]  }
0x3d: {  	_ =	shalt  }
0x3e: {  	_ =	shalt  }
0x3f: {  	_ =	shalt  }
0x40: {  	_ =	shalt  }
0x41: {  	_ =	shalt  }
0x42: {  	_ =	shalt  }
0x43: {  	_ =	shalt  }
0x44: {  	_ =	shalt  }
0x45: {  	_ =	shalt  }
0x46: {  	_ =	shalt  }
0x47: {  	_ =	shalt  }
0x48: {  	_ =	shalt  }
0x49: {  	_ =	shalt  }
0x4a: {  	_ =	shalt  }
0x4b: {  	_ =	shalt  }
0x4c: {  	_ =	shalt  }
0x4d: {  	_ =	shalt  }
0x4e: {  	_ =	shalt  }
0x4f: {  	_ =	shalt  }
0x50: {  	_ =	shalt  }
0x51: {  	_ =	shalt  }
0x52: {  	_ =	shalt  }
0x53: {  	_ =	shalt  }
0x54: {  	_ =	shalt  }
0x55: {  	_ =	shalt  }
0x56: {  	_ =	shalt  }
0x57: {  	_ =	shalt  }
0x58: {  	_ =	shalt  }
0x59: {  	_ =	shalt  }
0x5a: {  	_ =	shalt  }
0x5b: {  	_ =	shalt  }
0x5c: {  	_ =	shalt  }
0x5d: {  	_ =	shalt  }
0x5e: {  	_ =	shalt  }
0x5f: {  	_ =	shalt  }
0x60: {  	_ =	shalt  }
0x61: {  	_ =	shalt  }
0x62: {  	_ =	shalt  }
0x63: {  	_ =	shalt  }
0x64: {  	_ =	shalt  }
0x65: {  	_ =	shalt  }
0x66: {  	_ =	shalt  }
0x67: {  	_ =	shalt  }
0x68: {  	_ =	shalt  }
0x69: {  	_ =	shalt  }
0x6a: {  	_ =	shalt  }
0x6b: {  	_ =	shalt  }
0x6c: {  	_ =	shalt  }
0x6d: {  	_ =	shalt  }
0x6e: {  	_ =	shalt  }
0x6f: {  	_ =	shalt  }
0x70: {  	_ =	shalt  }
0x71: {  	_ =	shalt  }
0x72: {  	_ =	shalt  }
0x73: {  	_ =	shalt  }
0x74: {  	_ =	shalt  }
0x75: {  	_ =	shalt  }
0x76: {  	_ =	shalt  }
0x77: {  	_ =	shalt  }
0x78: {  	_ =	shalt  }
0x79: {  	_ =	shalt  }
0x7a: {  	_ =	shalt  }
0x7b: {  	_ =	shalt  }
0x7c: {  	_ =	shalt  }
0x7d: {  	_ =	shalt  }
0x7e: {  	_ =	shalt  }
0x7f: {  	_ =	shalt  }
0x80: {  	_ =	shalt  }
0x81: {  	_ =	shalt  }
0x82: {  	_ =	shalt  }
0x83: {  	_ =	shalt  }
0x84: {  	_ =	shalt  }
0x85: {  	_ =	shalt  }
0x86: {  	_ =	shalt  }
0x87: {  	_ =	shalt  }
.Lfunc_end0:
.L_simem_size_0:
called_computation_lowered:
.L_overlay_start_0:
0x88: {  	s2 =	sld [smem:$0x3FD9]  }
0x89: {  	s3 =	sld [smem:$0x3FFE];
	_ =	sdelay $0x1  }
0x8a: {  	s1 =	srdreg.scid  }
0x8b: {  	s0 =	sand.u32 $0x1, s1  }
0x8c: {  	s14 =	sshll.u32 s0, $0xA;
	s2 =	sadd.s32 s3, s2  }
0x8d: {  	s2 =	sadd.s32 s2, s14  }
0x8e: {  	[smem:$0x3FC5] =	sst s2  }
0x8f: {  	_ = 	snop  }
0x90: {  	s2 =	sld [smem:$0x3FD0]  }
0x91: {  	s15 =	sld [smem:$0x3FC9]  }
0x92: {  	s4 =	sld [smem:$0x3FC8]  }
0x93: {  	s6 =	simm.s32 $0xA;
	s7 =	simm.s32 $0x10;
	s5 =	sld [smem:$0x3FC7]  }
0x94: {  	[smem:s7], [sflag:s6] =	dma.local [hbm:s2], $0x1  }
0x95: {  	_ =	swait.eq [sflag:s6], $0x1  }
0x96: {  	[sflag:s6] =	ssyncset.done $0x0  }
0x97: {  	[sflag:s6] =	ssyncadd.s32 $0xFFFFFFFF  }
0x98: {  	s16 =	sld [smem:$0x10];
	(tm) =	ssettm $0x1  }
0x99: {  	s17 =	sld [smem:$0x3FFB];
	_ =	sdelay $0x3  }
0x9a: {  	_ =	strace s17  }
0x9b: {  	s6 =	sld [smem:$0x3FFC];
	_ =	sdelay $0x3  }
0x9c: {  	_ =	strace s6  }
0x9d: {  	s6 =	sld [smem:$0x3FFD];
	_ =	sdelay $0x3  }
0x9e: {  	_ =	strace s6  }
0x9f: {  	_ =	strace $0x8FFFFFFF  }
0xa0: {  	s18 =	sld [smem:$0x3FDB];
	_ =	sdelay $0x1  }
0xa1: {  	s19 =	simm.s32 $_scs_section_size  }
0xa2: {  	s8 =	simm.s32 $_size__tile_overlayer_lowered;
	s9 =	simm.s32 $_tile_overlayer_lowered  }
0xa3: {  	s22 =	simm.s32 $0x1BFF;
	s21 =	sshll.u32 s9, $0x1;
	s6 =	sadd.s32 s19, s18  }
0xa4: {  	s10 =	simm.s32 $0x0;
	s20 =	sshll.u32 s8, $0x1;
	s8 =	sadd.s32 s21, s6  }
0xa5: {  	[timem:s10], [sflag:s22] =	dma.local [hbm:s8], s20  }
0xa6: {  	_ =	swait.ge [sflag:s22], s20  }
0xa7: {  	s7 =	ssub.s32 $0x0, s20;
	[sflag:s22] =	ssyncset.done $0x0  }
0xa8: {  	[sflag:s22] =	ssyncadd.s32 s7;
	_ =	sdelay $0x1  }
0xa9: {  	s23 =	simm.s32 $0x1B8B  }
0xaa: {  	_ =	swait.ge [sflag:s23], $0x1  }
0xab: {  	[sflag:s23] =	ssyncset.done $0x0  }
0xac: {  	s25 =	simm.s32 $0x1B8E;
	s24 =	sld [smem:$0x3FFE];
	[sflag:s23] =	ssyncadd.s32 $0xFFFFFFFF  }
0xad: {  	s26 =	simm.s32 $execute0_lowered;
	[smem:$0x3FD2] =	sst s25  }
0xae: {  	s8 =	sshll.u32 s26, $0x1;
	_ =	strace $0x80000046;
	[dreg:$0x1] =	wrdreg $0xFFFFFFFF  }
0xaf: {  	s28 =	simm.s32 $_size_execute0_lowered;
	s6 =	sadd.s32 s6, s8;
	[dreg:$0x0] =	wrdreg $0x0  }
0xb0: {  	s8 =	sshll.u32 s28, $0x1;
	[dreg:$0x2] =	wrdreg s6  }
0xb1: {  	[dreg:$0x3] =	wrdreg s8  }
0xb2: {  	[dreg:$0x4] =	wrdreg $0xC0  }
0xb3: {  	_ =	task [dreg:s10], $0x5FFFF  }
0xb4: {  	[dreg:$0x1] =	wrdreg $0xFFFFFFFF  }
0xb5: {  	[dreg:$0x0] =	wrdreg $0x60  }
0xb6: {  	[dreg:$0x2] =	wrdreg s15  }
0xb7: {  	[dreg:$0x3] =	wrdreg s4  }
0xb8: {  	[dreg:$0x4] =	wrdreg s5  }
0xb9: {  	[dreg:$0x5] =	wrdreg s24  }
0xba: {  	[dreg:$0x6] =	wrdreg s16  }
0xbb: {  	[dreg:$0x7] =	wrdreg $0x9  }
0xbc: {  	_ =	task.clear_ibuf [dreg:s10], $0x8FFFF;
	_ =	strace $0x90000046  }
0xbd: {  	s29 =	simm.s32 $0x9;
	_ =	strace $0x80000048  }
0xbe: {  	_ =	swait.ge [sflag:s29], $0x1  }
0xbf: {  	[sflag:s29] =	ssyncadd.s32 $0xFFFFFFFF  }
0xc0: {  	_ =	strace $0x90000048  }
0xc1: {  	_ =	sfence  }
0xc2: {  	s30 =	sld [smem:$0x0];
	_ =	sdelay $0x2  }
0xc3: {  	s31 =	sshll.u32 s1, $0xD;
	s1 =	sshrl.u32 s1, $0x2  }
0xc4: {  	s3 =	sand.u32 $0x4000, s31;
	s1 =	sadd.s32 s1, s30  }
0xc5: {  	s0 =	sor.u32 s3, s0;
	s1 =	sshll.u32 s1, $0x11  }
0xc6: {  	s0 =	sor.u32 s1, s0  }
0xc7: {  	s0 =	sadd.s32 $0x8F2B, s0  }
0xc8: {  	[sflag:s0] =	ssyncadd.remote.s32 $0x1  }
0xc9: {  	_ =	sfence.sel $0xFFFF  }
0xca: {  	[dreg:$0x0] =	wrdreg $0xFFFFFFFF;
	(pc) =	sbr.abs _section_cstart, $3  }
0xcb: {  	[dreg:$0x1] =	wrdreg $0xFFFFFFFF  }
0xcc: {  	_ =	task.clear_ibuf [dreg:s10], $0x2FFFF;
	_ =	strace $0x9FFFFFFF  }
0xcd: {  	(tm) =	ssettm $0x7FFFFFFF  }
tec
execute0_lowered:
.L_overlay_start_1:
0x0: {  	(tag) =	ssettag $0x1  }
0x1: {  	s0 =	rddreg [dreg:$0x0]  }
0x2: {  	s1 =	rddreg [dreg:$0x3];
	s2 =	srdreg.scid  }
0x3: {  	s3 =	stileid.u32;
	s5 =	simm.s32 $0x0;
	s11 =	simm.s32 $0x4  }
0x4: {  	s12 =	simm.s32 $0x80;
	s14 =	simm.s32 $0x4200;
	s15 =	simm.s32 $0x8200  }
0x5: {  	s16 =	simm.s32 $0x1;
	s17 =	simm.s32 $0x2;
	s18 =	simm.s32 $0x3  }
0x6: {  	s2 =	sand.u32 $0x1, s2;
	s3 =	sshll.u32 s3, $0x1;
	[smem:$0x7FF] =	sst s5  }
0x7: {  	s6 =	sadd.s32 $0xA00, s1;
	s3 =	sor.u32 s2, s3;
	_ =	strace $0x80000047  }
0x8: {  	s7 =	ssub.s32 $0x2, s2;
	s2 =	sshll.u32 s2, $0x9;
	s4 =	sshll.u32 s3, $0x9  }
0x9: {  	vm0 =	vcmask $0x300;
	vm1 =	vcmask $0x704;
	vm2 =	vcmask $0xB08;
	s9 =	sshrl.u32 s7, $0x1;
	s8 =	sand.u32 $0x3C00, s4;
	s1 =	sadd.s32 s4, s1  }
0xa: {  	vm3 =	vcmask $0xF0C;
	vm4 =	vcmask $0x1310;
	vm5 =	vcmask $0x1714;
	s29 =	ssub.s32 s7, s9;
	s2 =	sor.u32 s2, s8;
	s30 =	sadd.s32 $0x40A00, s1  }
0xb: {  	vm6 =	vcmask $0x1B18;
	vm7 =	vcmask $0x1F1C;
	vm8 =	vcmask $0x2320;
	s31 =	smax.u32 s29, $0x1;
	s2 =	sshrl.u32 s2, $0x3;
	[dreg:$0x7] =	wrdreg s30  }
0xc: {  	vm9 =	vcmask $0x2724;
	vm10 =	vcmask $0x2B28;
	vm11 =	vcmask $0x2F2C;
	s19 =	simm.s32 $0xC200;
	[dreg:$0x8] =	wrdreg s31;
	s0 =	sadd.s32 s0, s2  }
0xd: {  	vm12 =	vcmask $0x3330;
	vm13 =	vcmask $0x3734;
	vm14 =	vcmask $0x3B38;
	s8 =	sshll.u32 s3, $0xD;
	s1 =	simm.s32 $0x0;
	[dreg:$0x6] =	wrdreg s0  }
.LBB2_1:
0xe: {  	[dreg:$0x9] =	wrdreg s1  }
0xf: {  	s0 =	rddreg [dreg:$0x6]  }
0x10: {  	[tilespmem:s5], [sflag:$0x4] =	stream.linear.gather [hbm4b:s0+s5], $0x200, $0x38;
	[tilespmem:$0x11200] =	vst v63  }
0x11: {  	_ =	swait.ge [sflag:s11], $0x200  }
0x12: {  	[sflag:s11] =	ssyncset.done $0x0  }
0x13: {  	s22 =	simm.s32 $0x0;
	[sflag:s11] =	ssyncadd.s32 $0xFFFFFE00  }
.LBB2_2:
0x14: {  	s0 =	sshll.u32 s22, $0x7;
	s1 =	rddreg [dreg:$0x1]  }
0x15: {  	s2 =	simm.s32 $0x200;
	s30 =	sshll.u32 s22, $0xB;
	s0 =	sand.u32 $0x3FFFFF80, s0  }
0x16: {  	[tilespmem:s2], [sflag:$0x1] =	stream.indirect.gather [hbm4b:s1+s12], $0x80, s0, s12, $0xb8;
	[tilespmem:$0x11200] =	vst v63  }
0x17: {  	s29 =	rddreg [dreg:$0x2];
	s23 =	sadd.s32 s8, s30  }
0x18: {  	[tilespmem:s14], [sflag:$0x2] =	stream.indirect.gather [hbm4b:s29+s12], $0x80, s0, s12, $0xb8;
	[tilespmem:$0x11200] =	vst v63  }
0x19: {  	s24 =	simm.s32 $0x0;
	s0 =	sadd.s32 s6, s23  }
0x1a: {  	[tilespmem:s15], [sflag:$0x3] =	stream.linear.gather [hbm4b:s0+s24], $0x4000, $0x38;
	[tilespmem:$0x11200] =	vst v63  }
0x1b: {  	_ =	swait.ge [sflag:s16], $0x4000  }
0x1c: {  	[sflag:s16] =	ssyncset.done $0x0  }
0x1d: {  	[sflag:s16] =	ssyncadd.s32 $0xFFFFC000  }
0x1e: {  	_ =	swait.ge [sflag:s17], $0x4000  }
0x1f: {  	s31 =	sshll.u32 s22, $0xA;
	[sflag:s17] =	ssyncset.done $0x0  }
0x20: {  	s0 =	sand.u32 $0x3FFFFC00, s31;
	[sflag:s17] =	ssyncadd.s32 $0xFFFFC000  }
0x21: {  	s0 =	sadd.s32 $0x10200, s0;
	_ =	swait.ge [sflag:s18], $0x4000  }
0x22: {  	v0 =	vmov s0;
	[sflag:s18] =	ssyncset.done $0x0  }
0x23: {  	[tilespmem:$0x1FFF0] =	vst v0;
	[sflag:s18] =	ssyncadd.s32 $0xFFFFC000  }
.LBB2_3:
0x24: {  	s25 =	sshll.u32 s24, $0xB  }
0x25: {  	v0 =	vld [tilespmem:s25+$0x4200]  }
0x26: {  	v1 =	vld [tilespmem:s25+$0x8200]  }
0x27: {  	v2 =	vld [tilespmem:s25+$0x200]  }
0x28: {  	v3 =	vld [tilespmem:s25+$0x4210]  }
0x29: {  	v4 =	vld [tilespmem:s25+$0x8210]  }
0x2a: {  	v5 =	vld [tilespmem:s25+$0x210]  }
0x2b: {  	v6 =	vld [tilespmem:s25+$0x4220]  }
0x2c: {  	v7 =	vld [tilespmem:s25+$0x8220]  }
0x2d: {  	v8 =	vld [tilespmem:s25+$0x220]  }
0x2e: {  	v9 =	vld [tilespmem:s25+$0x4230]  }
0x2f: {  	v13 =	vld [tilespmem:s25+$0x8230]  }
0x30: {  	v15 =	vld [tilespmem:s25+$0x230]  }
0x31: {  	v11 =	vld [tilespmem:s25+$0x4240]  }
0x32: {  	v14 =	vld [tilespmem:s25+$0x8240]  }
0x33: {  	v16 =	vld [tilespmem:s25+$0x240]  }
0x34: {  	v40 =	vld [tilespmem:s25+$0x4250]  }
0x35: {  	v17 =	vld [tilespmem:s25+$0x8250]  }
0x36: {  	v18 =	vld [tilespmem:s25+$0x250]  }
0x37: {  	v20 =	vld [tilespmem:s25+$0x4260]  }
0x38: {  	v21 =	vld [tilespmem:s25+$0x8260]  }
0x39: {  	v22 =	vld [tilespmem:s25+$0x260]  }
0x3a: {  	v25 =	vld [tilespmem:s25+$0x4270]  }
0x3b: {  	v26 =	vld [tilespmem:s25+$0x270];
	v10 =	vmul.f32 $1.442695020e+00, v0  }
0x3c: {  	v27 =	vld [tilespmem:s25+$0x4280];
	v39 =	vmul.f32 $1.442695020e+00, v3;
	v12 =	vmul.f32 v1, v1  }
0x3d: {  	v28 =	vld [tilespmem:s25+$0x280];
	v19 =	vmul.f32 v4, v4;
	v24 =	vmul.f32 v7, v7  }
0x3e: {  	v31 =	vld [tilespmem:s25+$0x42A0];
	v43 =	vmul.f32 v13, v13;
	v44 =	vmul.f32 $1.442695020e+00, v6  }
0x3f: {  	v30 =	vld [tilespmem:s25+$0x290];
	v45 =	vmul.f32 $1.442695020e+00, v9;
	v47 =	vmul.f32 v14, v14  }
0x40: {  	v32 =	vld [tilespmem:s25+$0x42B0];
	v49 =	vmul.f32 $1.442695020e+00, v11;
	v50 =	vmul.f32 $1.442695020e+00, v40  }
0x41: {  	v34 =	vld [tilespmem:s25+$0x82B0];
	v29 =	vmul.f32 v17, v17;
	v51 =	vmul.f32 $1.442695020e+00, v20  }
0x42: {  	v35 =	vld [tilespmem:s25+$0x42C0];
	v53 =	vmul.f32 v21, v21;
	v54 =	vmul.f32 $1.442695020e+00, v25  }
0x43: {  	v36 =	vld [tilespmem:s25+$0x82C0];
	v33 =	vmul.f32 $1.442695020e+00, v27;
	v59 =	vmul.f32 $1.442695020e+00, v31  }
0x44: {  	v37 =	vld [tilespmem:s25+$0x82D0];
	(erf) = vpow2.f32 v10;
	v12 =	vmul.f32 $5.000000000e-01, v12  }
0x45: {  	v38 =	vld [tilespmem:s25+$0x42F0];
	v19 =	vmul.f32 $5.000000000e-01, v19;
	v42 =	vmul.f32 $5.000000000e-01, v24  }
0x46: {  	v46 =	vmul.f32 $5.000000000e-01, v43;
	v24 =	vld [tilespmem:s25+$0x8280];
	(erf) = vpow2.f32 v39  }
0x47: {  	v0 =	vadd.f32 v12, v0;
	v3 =	vadd.f32 v19, v3;
	v19 =	vld [tilespmem:s25+$0x8270];
	(erf) = vpow2.f32 v44  }
0x48: {  	v52 =	vmul.f32 $5.000000000e-01, v29;
	v48 =	vadd.f32 v46, v9;
	v9 =	vld [tilespmem:s25+$0x4290];
	(erf) = vpow2.f32 v45  }
0x49: {  	v29 =	vld [tilespmem:s25+$0x82A0];
	v6 =	vadd.f32 v42, v6;
	v0 =	vadd.f32 v3, v0;
	(erf) = vpow2.f32 v49  }
0x4a: {  	v10 =	vld [tilespmem:s25+$0x2C0];
	v3 =	vmul.f32 $5.000000000e-01, v47;
	(erf) = vpow2.f32 v50  }
0x4b: {  	v12 =	vld [tilespmem:s25+$0x2B0];
	v42 =	vmul.f32 v24, v24;
	v0 =	vadd.f32 v6, v0;
	(erf) = vpow2.f32 v51  }
0x4c: {  	v3 =	vadd.f32 v3, v11;
	v11 =	vld [tilespmem:s25+$0x2A0];
	v55 =	vmul.f32 v19, v19;
	(erf) = vpow2.f32 v54  }
0x4d: {  	v58 =	vmul.f32 $1.442695020e+00, v9;
	v0 =	vadd.f32 v48, v0;
	v48 =	vmul.f32 $5.000000000e-01, v42;
	v42 =	vld [tilespmem:s25+$0x8330]  }
0x4e: {  	(erf) = vpow2.f32 v33;
	v33 =	vld [tilespmem:s25+$0x340];
	v23 =	vpop (erf);
	v56 =	vmul.f32 $5.000000000e-01, v55  }
0x4f: {  	v1 =	vmul.f32 v23, v1;
	v41 =	vpop (erf);
	v23 =	vld [tilespmem:s25+$0x8290];
	v0 =	vadd.f32 v3, v0;
	v3 =	vmul.f32 $5.000000000e-01, v53  }
0x50: {  	v62 =	vmul.f32 $1.442695020e+00, v32;
	v6 =	vadd.f32 v52, v40;
	v57 =	vpop (erf);
	v60 =	vadd.f32 v56, v25;
	v25 =	vld [tilespmem:s25+$0x42D0]  }
0x51: {  	v40 =	vmul.f32 $1.442695020e+00, v35;
	(erf) = vpow2.f32 v58;
	v3 =	vadd.f32 v3, v20;
	v61 =	vpop (erf);
	v20 =	vld [tilespmem:s25+$0x42E0]  }
0x52: {  	v0 =	vadd.f32 v6, v0;
	(erf) = vpow2.f32 v59;
	v6 =	vmul.f32 v61, v13;
	v63 =	vpop (erf);
	v61 =	vld [tilespmem:s25+$0x4310]  }
0x53: {  	(erf) = vpow2.f32 v62;
	v13 =	vmul.f32 v63, v14;
	v14 =	vld [tilespmem:s25+$0x2D0]  }
0x54: {  	v4 =	vmul.f32 v41, v4;
	v0 =	vadd.f32 v3, v0;
	v41 =	vpop (erf);
	(erf) = vpow2.f32 v40;
	v40 =	vld [tilespmem:s25+$0x4320]  }
0x55: {  	v43 =	vmul.f32 v41, v17;
	v17 =	vld [tilespmem:s25+$0x82E0]  }
0x56: {  	v41 =	vld [tilespmem:s25+$0x8320];
	v3 =	vadd.f32 v60, v0  }
0x57: {  	v44 =	vpop (erf);
	v0 =	vadd.f32 v4, v5;
	v4 =	vadd.f32 v13, v16;
	v16 =	vld [tilespmem:s25+$0x2F0]  }
0x58: {  	v50 =	vmul.f32 v29, v29;
	v46 =	vmul.f32 v44, v21;
	v47 =	vpop (erf);
	v21 =	vld [tilespmem:s25+$0x310]  }
0x59: {  	v51 =	vmul.f32 v47, v19;
	v19 =	vld [tilespmem:s25+$0x82F0]  }
0x5a: {  	v54 =	vmul.f32 $5.000000000e-01, v50;
	v58 =	vmul.f32 v36, v36;
	v5 =	vadd.f32 v43, v18;
	v18 =	vld [tilespmem:s25+$0x300]  }
0x5b: {  	v56 =	vmul.f32 v34, v34;
	v7 =	vmul.f32 v57, v7;
	v49 =	vpop (erf);
	(xrf2) =	vadd.scan.msk.f32 $0xffff, v3;
	v3 =	vadd.f32 v6, v15;
	v15 =	vld [tilespmem:s25+$0x2E0]  }
0x5c: {  	v1 =	vadd.f32 v1, v2;
	v63 =	vmul.f32 $5.000000000e-01, v58;
	v13 =	vmul.f32 v49, v24;
	v24 =	vld [tilespmem:s25+$0x4300]  }
0x5d: {  	v45 =	vmul.f32 v23, v23;
	v6 =	vadd.f32 v46, v22;
	v22 =	vmul.f32 $5.000000000e-01, v56;
	v56 =	vld [tilespmem:s25+$0x4340]  }
0x5e: {  	v60 =	vmul.f32 $1.442695020e+00, v25;
	v44 =	vmul.f32 v37, v37;
	[tilespmem:s25+$0xC200] =	vst v1;
	v1 =	vld [tilespmem:s25+$0x8490]  }
0x5f: {  	v2 =	vadd.f32 v7, v8;
	v8 =	vmul.f32 $5.000000000e-01, v45;
	v46 =	vmul.f32 $1.442695020e+00, v20;
	[tilespmem:s25+$0xC210] =	vst v0;
	v0 =	vld [tilespmem:s25+$0x84A0]  }
0x60: {  	v47 =	vmul.f32 $1.442695020e+00, v38;
	(erf) = vpow2.f32 v60;
	v7 =	vadd.f32 v51, v26;
	v26 =	vld [tilespmem:s25+$0x8310];
	v53 =	vpop (erf)  }
0x61: {  	v52 =	vadd.f32 v48, v27;
	v39 =	vmul.f32 v17, v17;
	(erf) = vpow2.f32 v46;
	v46 =	vld [tilespmem:s25+$0x8360];
	v55 =	vpop (erf)  }
0x62: {  	v8 =	vadd.f32 v8, v9;
	v58 =	vmul.f32 $1.442695020e+00, v40;
	v27 =	vmul.f32 v55, v29;
	v29 =	vld [tilespmem:s25+$0x8300]  }
0x63: {  	v9 =	vadd.f32 v54, v31;
	v43 =	vmul.f32 v41, v41;
	v48 =	vmul.f32 $5.000000000e-01, v39;
	v39 =	vld [tilespmem:s25+$0x8340]  }
0x64: {  	v23 =	vmul.f32 v53, v23;
	v8 =	vadd.f32 v8, v52;
	(erf) = vpow2.f32 v47;
	v57 =	vpop (erf);
	[tilespmem:s25+$0xC220] =	vst v2;
	v2 =	vld [tilespmem:s25+$0x84B0]  }
0x65: {  	v22 =	vadd.f32 v22, v32;
	v50 =	vmul.f32 v19, v19;
	[tilespmem:s25+$0xC230] =	vst v3;
	v3 =	vld [tilespmem:s25+$0x84C0];
	v31 =	vmul.f32 v57, v34  }
0x66: {  	[tilespmem:s25+$0xC270] =	vst v7;
	v7 =	vld [tilespmem:s25+$0x8470];
	v8 =	vadd.f32 v9, v8;
	v34 =	vmul.f32 $5.000000000e-01, v44;
	v51 =	vmul.f32 $1.442695020e+00, v24  }
0x67: {  	v59 =	vpop (erf);
	v9 =	vadd.f32 v63, v35;
	v35 =	vld [tilespmem:s25+$0x330];
	v57 =	vmul.f32 $1.442695020e+00, v61;
	v63 =	vmul.f32 $1.442695020e+00, v56  }
0x68: {  	v44 =	vld [tilespmem:s25+$0x4350];
	v32 =	vmul.f32 v59, v36;
	v53 =	vmul.f32 $5.000000000e-01, v50;
	v11 =	vadd.f32 v27, v11  }
0x69: {  	v36 =	vld [tilespmem:s25+$0x4330];
	v54 =	vmul.f32 v26, v26;
	v45 =	vadd.f32 v22, v8;
	v8 =	vadd.f32 v13, v28  }
0x6a: {  	v27 =	vld [tilespmem:s25+$0x8380];
	v25 =	vadd.f32 v34, v25;
	(erf) = vpow2.f32 v51;
	v13 =	vadd.f32 v48, v20  }
0x6b: {  	v22 =	vld [tilespmem:s25+$0x320];
	v12 =	vadd.f32 v31, v12;
	(erf) = vpow2.f32 v57;
	v49 =	vadd.f32 v9, v45  }
0x6c: {  	v28 =	vld [tilespmem:s25+$0x4360];
	v52 =	vmul.f32 v29, v29;
	v9 =	vadd.f32 v23, v30;
	v30 =	vmul.f32 $5.000000000e-01, v54;
	v51 =	vpop (erf)  }
0x6d: {  	v34 =	vld [tilespmem:s25+$0x4380];
	(erf) = vpow2.f32 v58;
	v48 =	vmul.f32 v39, v39;
	v23 =	vadd.f32 v53, v38;
	v62, _, _ =	vpop (xrf2)  }
0x6e: {  	v31 =	vld [tilespmem:s25+$0x4390];
	v58 =	vmul.f32 v46, v46;
	v37 =	vmul.f32 v51, v37;
	(v2sf) =	vpush v62, $0xF  }
0x6f: {  	v45 =	vld [tilespmem:s25+$0x350];
	v25 =	vadd.f32 v25, v49;
	v55 =	vmul.f32 $5.000000000e-01, v52;
	v60 =	vmul.f32 $1.442695020e+00, v36  }
0x70: {  	v38 =	vld [tilespmem:s25+$0x8370];
	v59 =	vadd.f32 v30, v61;
	v61 =	vmul.f32 $5.000000000e-01, v43;
	v50 =	vmul.f32 $5.000000000e-01, v48  }
0x71: {  	v54 =	vld [tilespmem:s25+$0x4370];
	v62 =	vmul.f32 v42, v42;
	v49 =	vmul.f32 $1.442695020e+00, v44;
	v47 =	vpop (erf);
	v24 =	vadd.f32 v55, v24  }
0x72: {  	v30 =	vld [tilespmem:s25+$0x8350];
	v13 =	vadd.f32 v13, v25;
	(erf) = vpow2.f32 v60;
	v55 =	vadd.f32 v50, v56;
	v56 =	vpop (erf)  }
0x73: {  	[tilespmem:s25+$0xC2B0] =	vst v12;
	v12 =	vld [tilespmem:s25+$0x44F0];
	v25 =	vadd.f32 v61, v40;
	(erf) = vpow2.f32 v63;
	v19 =	vmul.f32 v56, v19  }
0x74: {  	v43 =	vld [tilespmem:s25+$0x43A0];
	v20 =	vadd.f32 v59, v24;
	v24 =	vmul.f32 $5.000000000e-01, v62;
	(erf) = vpow2.f32 v49  }
0x75: {  	v40 =	vld [tilespmem:s25+$0x360];
	v13 =	vadd.f32 v23, v13;
	v59 =	vmul.f32 v47, v17;
	v23 =	vmul.f32 $5.000000000e-01, v58  }
0x76: {  	v62 =	vmul.f32 v38, v38;
	v47 =	vld [tilespmem:s25+$0x380];
	v17 =	vadd.f32 v37, v14;
	v19 =	vadd.f32 v19, v16  }
0x77: {  	v37 =	vld [tilespmem:s25+$0x43B0];
	v53 =	vmul.f32 v30, v30;
	v60 =	vpop (erf);
	v20 =	vadd.f32 v25, v20;
	v24 =	vadd.f32 v24, v36  }
0x78: {  	v25 =	vld [tilespmem:s25+$0x370];
	v29 =	vmul.f32 v60, v29;
	v49 =	vmul.f32 $5.000000000e-01, v62  }
0x79: {  	v23 =	vadd.f32 v23, v28;
	v57 =	vmul.f32 $5.000000000e-01, v53;
	[tilespmem:s25+$0xC2F0] =	vst v19;
	v19 =	vld [tilespmem:s25+$0x3C0];
	v20 =	vadd.f32 v24, v20  }
0x7a: {  	v52 =	vmul.f32 $1.442695020e+00, v28;
	v28 =	vadd.f32 v49, v54;
	v24 =	vadd.f32 v29, v18;
	v49 =	vld [tilespmem:s25+$0x83B0]  }
0x7b: {  	(xrf2) =	vadd.scan.msk.f32 $0xffff, v13;
	v61 =	vpop (erf);
	v13 =	vadd.f32 v57, v44;
	v44 =	vld [tilespmem:s25+$0x8390];
	v20 =	vadd.f32 v55, v20  }
0x7c: {  	(erf) = vpow2.f32 v52;
	v52 =	vmul.f32 $1.442695020e+00, v54;
	v63 =	vpop (erf);
	[tilespmem:s25+$0xC300] =	vst v24;
	v24 =	vld [tilespmem:s25+$0x44E0]  }
0x7d: {  	v48 =	vpop (erf);
	v20 =	vadd.f32 v13, v20;
	v13 =	vadd.f32 v32, v10;
	v10 =	vmul.f32 v63, v41;
	v41 =	vld [tilespmem:s25+$0x390]  }
0x7e: {  	v56 =	vmul.f32 $1.442695020e+00, v34;
	v32 =	vmul.f32 v48, v42;
	v42 =	vld [tilespmem:s25+$0x43D0]  }
0x7f: {  	v26 =	vmul.f32 v61, v26;
	(erf) = vpow2.f32 v52;
	v50 =	vpop (erf);
	v48 =	vld [tilespmem:s25+$0x3A0]  }
0x80: {  	v61 =	vmul.f32 $1.442695020e+00, v43;
	v53 =	vmul.f32 v50, v39;
	v39 =	vld [tilespmem:s25+$0x43C0]  }
0x81: {  	(erf) = vpow2.f32 v56;
	v20 =	vadd.f32 v23, v20;
	v22 =	vadd.f32 v10, v22;
	v10 =	vld [tilespmem:s25+$0x3B0]  }
0x82: {  	v57 =	vmul.f32 v27, v27;
	v62 =	vmul.f32 $1.442695020e+00, v37;
	v18 =	vadd.f32 v32, v35;
	v32 =	vld [tilespmem:s25+$0x83C0]  }
0x83: {  	v35 =	vld [tilespmem:s25+$0x83D0];
	v55 =	vadd.f32 v28, v20;
	v20 =	vadd.f32 v59, v15;
	v59 =	vmul.f32 $1.442695020e+00, v31  }
0x84: {  	v60 =	vmul.f32 $5.000000000e-01, v57;
	v51 =	vpop (erf);
	v56 =	vmul.f32 v49, v49;
	[tilespmem:s25+$0xC2C0] =	vst v13;
	v13 =	vld [tilespmem:s25+$0x4470]  }
0x85: {  	v54 =	vpop (erf);
	v50 =	vmul.f32 v44, v44;
	v28 =	vld [tilespmem:s25+$0x83A0];
	(xrf2) =	vadd.scan.msk.f32 $0xffff, v55;
	(erf) = vpow2.f32 v59  }
0x86: {  	v30 =	vmul.f32 v51, v30;
	v23 =	vadd.f32 v26, v21;
	v36 =	vmul.f32 v54, v46;
	v46 =	vld [tilespmem:s25+$0x43E0]  }
0x87: {  	v54 =	vadd.f32 v60, v34;
	v34 =	vld [tilespmem:s25+$0x8420];
	v26 =	vmul.f32 $5.000000000e-01, v50;
	(erf) = vpow2.f32 v61  }
0x88: {  	v14 =	vadd.f32 v30, v45;
	v45 =	vld [tilespmem:s25+$0x83E0];
	v29 =	vmul.f32 $1.442695020e+00, v42;
	v63 =	vmul.f32 $1.442695020e+00, v39  }
0x89: {  	v15 =	vadd.f32 v53, v33;
	v50 =	vld [tilespmem:s25+$0x43F0];
	v59 =	vmul.f32 $5.000000000e-01, v56;
	(erf) = vpow2.f32 v62  }
0x8a: {  	v58, _, _ =	vpop (xrf2);
	v31 =	vadd.f32 v26, v31;
	v26 =	vld [tilespmem:s25+$0x83F0];
	(erf) = vpow2.f32 v63;
	v53 =	vmul.f32 v28, v28  }
0x8b: {  	[tilespmem:s25+$0xC240] =	vst v4;
	v52 =	vpop (erf);
	v33 =	vld [tilespmem:s25+$0x8410];
	(v2sf) =	vpush v58, $0xF;
	v51 =	vmul.f32 $1.442695020e+00, v46;
	v62 =	vmul.f32 v32, v32  }
0x8c: {  	[tilespmem:s25+$0xC330] =	vst v18;
	v18 =	vld [tilespmem:s25+$0x3E0];
	v55 =	vpop (erf);
	v31 =	vadd.f32 v31, v54;
	v54 =	vmul.f32 v35, v35;
	v30 =	vmul.f32 $5.000000000e-01, v53  }
0x8d: {  	[tilespmem:s25+$0xC320] =	vst v22;
	v22 =	vld [tilespmem:s25+$0x530];
	v21 =	vadd.f32 v36, v40;
	v27 =	vmul.f32 v55, v27;
	(erf) = vpow2.f32 v29  }
0x8e: {  	[tilespmem:s25+$0xC250] =	vst v5;
	v40 =	vld [tilespmem:s25+$0x4400];
	v29 =	vmul.f32 v52, v38;
	v36 =	vmul.f32 $5.000000000e-01, v62;
	v30 =	vadd.f32 v30, v43;
	v58 =	vpop (erf)  }
0x8f: {  	[tilespmem:s25+$0xC340] =	vst v15;
	v15 =	vld [tilespmem:s25+$0x3F0];
	v52 =	vadd.f32 v59, v37;
	(erf) = vpow2.f32 v51;
	v62 =	vmul.f32 v26, v26;
	v57, _, _ =	vpop (xrf2)  }
0x90: {  	[tilespmem:s25+$0xC260] =	vst v6;
	v16 =	vadd.f32 v29, v25;
	v29 =	vld [tilespmem:s25+$0x8400];
	v30 =	vadd.f32 v30, v31;
	v60 =	vmul.f32 v58, v44;
	v61 =	vpop (erf)  }
0x91: {  	[tilespmem:s25+$0xC2A0] =	vst v11;
	v43 =	vld [tilespmem:s25+$0x4410];
	v58 =	vmul.f32 $5.000000000e-01, v54;
	(v2sf) =	vpush v57, $0xF;
	v63 =	vmul.f32 v61, v28  }
0x92: {  	[tilespmem:s25+$0xC360] =	vst v21;
	v21 =	vld [tilespmem:s25+$0x410];
	v51 =	vpop (erf);
	v28 =	vadd.f32 v27, v47;
	v55 =	vadd.f32 v52, v30;
	v61 =	vmul.f32 $1.442695020e+00, v50  }
0x93: {  	[tilespmem:s25+$0xC280] =	vst v8;
	v37 =	vld [tilespmem:s25+$0x8440];
	v53 =	vpop (erf);
	v47 =	vmul.f32 v51, v49;
	v25 =	vadd.f32 v60, v41;
	v60 =	vmul.f32 v45, v45  }
0x94: {  	[tilespmem:s25+$0xC290] =	vst v9;
	v38 =	vld [tilespmem:s25+$0x8450];
	v57 =	vadd.f32 v36, v39;
	v41 =	vmul.f32 $5.000000000e-01, v62;
	v30 =	vmul.f32 v53, v32  }
0x95: {  	[tilespmem:s25+$0xC2D0] =	vst v17;
	v44 =	vld [tilespmem:s25+$0x4420];
	(erf) = vpow2.f32 v61;
	v32 =	vadd.f32 v63, v48;
	v63 =	vmul.f32 $1.442695020e+00, v40  }
0x96: {  	[tilespmem:s25+$0xC310] =	vst v23;
	v36 =	vld [tilespmem:s25+$0x8430];
	v56 =	vpop (erf);
	v51 =	vadd.f32 v57, v55;
	v57 =	vmul.f32 v29, v29;
	v53 =	vmul.f32 $1.442695020e+00, v43  }
0x97: {  	[tilespmem:s25+$0xC2E0] =	vst v20;
	v52 =	vld [tilespmem:s25+$0x4440];
	v61 =	vmul.f32 v34, v34;
	v27 =	vmul.f32 v56, v35  }
0x98: {  	[tilespmem:s25+$0xC350] =	vst v14;
	v49 =	vld [tilespmem:s25+$0x4430];
	v59 =	vpop (erf);
	v35 =	vadd.f32 v58, v42;
	v39 =	vmul.f32 $5.000000000e-01, v60;
	v58 =	vmul.f32 v33, v33  }
0x99: {  	[tilespmem:s25+$0xC370] =	vst v16;
	v16 =	vld [tilespmem:s25+$0x4630];
	v31 =	vmul.f32 v59, v45;
	(erf) = vpow2.f32 v63  }
0x9a: {  	[tilespmem:s25+$0xC390] =	vst v25;
	v25 =	vld [tilespmem:s25+$0x550];
	v59 =	vmul.f32 $5.000000000e-01, v57;
	v60 =	vmul.f32 $1.442695020e+00, v44;
	v56 =	vadd.f32 v35, v51  }
0x9b: {  	v45 =	vld [tilespmem:s25+$0x4450];
	v39 =	vadd.f32 v39, v46;
	(erf) = vpow2.f32 v53;
	v42 =	vmul.f32 $5.000000000e-01, v58  }
0x9c: {  	[tilespmem:s25+$0xC3A0] =	vst v32;
	v32 =	vld [tilespmem:s25+$0x4570];
	v35 =	vadd.f32 v47, v10;
	v54 =	vmul.f32 v36, v36;
	v58 =	vmul.f32 $1.442695020e+00, v52  }
0x9d: {  	v10 =	vld [tilespmem:s25+$0x8480];
	v53 =	vmul.f32 v0, v0;
	v47 =	vadd.f32 v59, v40;
	v62 =	vmul.f32 $1.442695020e+00, v49  }
0x9e: {  	v46 =	vld [tilespmem:s25+$0x4460];
	(erf) = vpow2.f32 v60;
	v48 =	vadd.f32 v39, v56;
	v56 =	vmul.f32 $5.000000000e-01, v61  }
0x9f: {  	v40 =	vld [tilespmem:s25+$0x4480];
	v63 =	vadd.f32 v42, v43;
	v42 =	vmul.f32 $5.000000000e-01, v54;
	v61 =	vmul.f32 v1, v1  }
0xa0: {  	v55 =	vadd.f32 v41, v50;
	v39 =	vld [tilespmem:s25+$0x8460];
	(erf) = vpow2.f32 v62;
	v62 =	vmul.f32 v37, v37  }
0xa1: {  	v57 =	vadd.f32 v63, v47;
	v47 =	vld [tilespmem:s25+$0x4490];
	v59 =	vadd.f32 v56, v44;
	(erf) = vpow2.f32 v58  }
0xa2: {  	v43 =	vld [tilespmem:s25+$0x44A0];
	v48 =	vadd.f32 v55, v48;
	v60 =	vmul.f32 v10, v10;
	v6 =	vmul.f32 $5.000000000e-01, v62  }
0xa3: {  	v51 =	vadd.f32 v42, v49;
	v44 =	vld [tilespmem:s25+$0x44B0];
	v4 =	vadd.f32 v59, v57;
	v57 =	vmul.f32 v38, v38  }
0xa4: {  	v50 =	vmul.f32 $5.000000000e-01, v61;
	v63 =	vmul.f32 $5.000000000e-01, v60;
	v61 =	vadd.f32 v6, v52;
	v6 =	vld [tilespmem:s25+$0x84F0]  }
0xa5: {  	v56 =	vmul.f32 v2, v2;
	v8 =	vadd.f32 v51, v4;
	v4 =	vld [tilespmem:s25+$0x84D0];
	v9 =	vmul.f32 $5.000000000e-01, v57  }
0xa6: {  	v60 =	vmul.f32 v3, v3;
	v5 =	vadd.f32 v63, v40;
	v41 =	vadd.f32 v50, v47;
	v50 =	vld [tilespmem:s25+$0x44D0]  }
0xa7: {  	v54 =	vmul.f32 $1.442695020e+00, v45;
	v55 =	vmul.f32 $5.000000000e-01, v53;
	v9 =	vadd.f32 v9, v45;
	v45 =	vld [tilespmem:s25+$0x470]  }
0xa8: {  	v59 =	vmul.f32 $5.000000000e-01, v56;
	v52 =	vmul.f32 v39, v39;
	v58 =	vadd.f32 v41, v5;
	v41 =	vld [tilespmem:s25+$0x44C0]  }
0xa9: {  	v11 =	vadd.f32 v55, v43;
	v55 =	vmul.f32 v7, v7;
	v42 =	vmul.f32 $5.000000000e-01, v60;
	v57 =	vpop (erf);
	v5 =	vld [tilespmem:s25+$0x84E0]  }
0xaa: {  	v63 =	vadd.f32 v59, v44;
	v20 =	vmul.f32 $5.000000000e-01, v52;
	v60 =	vpop (erf);
	v14 =	vmul.f32 v57, v26;
	v26 =	vld [tilespmem:s25+$0x400]  }
0xab: {  	(xrf2) =	vadd.scan.msk.f32 $0xffff, v48;
	v59 =	vmul.f32 $5.000000000e-01, v55;
	v48 =	vmul.f32 v60, v29;
	v60 =	vld [tilespmem:s25+$0x440];
	v11 =	vadd.f32 v11, v58  }
0xac: {  	v62 =	vmul.f32 $1.442695020e+00, v46;
	v58 =	vadd.f32 v20, v46;
	v15 =	vadd.f32 v14, v15;
	v14 =	vld [tilespmem:s25+$0x4510]  }
0xad: {  	v56 =	vmul.f32 v6, v6;
	v46 =	vadd.f32 v59, v13;
	v59 =	vadd.f32 v30, v19;
	v19 =	vld [tilespmem:s25+$0x4550]  }
0xae: {  	(erf) = vpow2.f32 v54;
	v13 =	vmul.f32 $1.442695020e+00, v13;
	v20 =	vld [tilespmem:s25+$0x85C0]  }
0xaf: {  	(erf) = vpow2.f32 v62;
	v62 =	vmul.f32 $5.000000000e-01, v56;
	v56 =	vld [tilespmem:s25+$0x430]  }
0xb0: {  	v8 =	vadd.f32 v61, v8;
	(erf) = vpow2.f32 v13;
	v13 =	vld [tilespmem:s25+$0x4500]  }
0xb1: {  	[tilespmem:s25+$0xC3C0] =	vst v59;
	v59 =	vld [tilespmem:s25+$0x4A0]  }
0xb2: {  	v8 =	vadd.f32 v9, v8;
	[tilespmem:s25+$0xC3F0] =	vst v15;
	v15 =	vld [tilespmem:s25+$0x570]  }
0xb3: {  	v51 =	vmul.f32 v4, v4;
	v11 =	vadd.f32 v63, v11;
	v63 =	vpop (erf);
	v53 =	vadd.f32 v42, v41;
	v42 =	vld [tilespmem:s25+$0x3D0]  }
0xb4: {  	v52 =	vmul.f32 v63, v33;
	v63 =	vld [tilespmem:s25+$0x450]  }
0xb5: {  	v17 =	vmul.f32 $5.000000000e-01, v51;
	v8 =	vadd.f32 v58, v8;
	v49 =	vpop (erf);
	v48 =	vadd.f32 v48, v26;
	v26 =	vld [tilespmem:s25+$0x4C0]  }
0xb6: {  	v54 =	vmul.f32 v5, v5;
	v55 =	vmul.f32 v49, v34;
	v34 =	vld [tilespmem:s25+$0x4E0]  }
0xb7: {  	v8 =	vadd.f32 v46, v8;
	v11 =	vadd.f32 v53, v11;
	v53 =	vld [tilespmem:s25+$0x420]  }
0xb8: {  	v17 =	vadd.f32 v17, v50;
	v49 =	vmul.f32 $1.442695020e+00, v41;
	v41 =	vld [tilespmem:s25+$0x4580];
	v23 =	vmul.f32 $5.000000000e-01, v54  }
0xb9: {  	(xrf2) =	vadd.scan.msk.f32 $0xffff, v8;
	v8 =	vld [tilespmem:s25+$0x590]  }
0xba: {  	v11 =	vadd.f32 v17, v11;
	v61 =	vadd.f32 v23, v24;
	v54 =	vpop (erf);
	v23 =	vld [tilespmem:s25+$0x85A0]  }
0xbb: {  	v51 =	vadd.f32 v62, v12;
	v17 =	vld [tilespmem:s25+$0x4610];
	v57 =	vmul.f32 v54, v36  }
0xbc: {  	v58 =	vpop (erf);
	v11 =	vadd.f32 v61, v11;
	v9 =	vadd.f32 v55, v53;
	v53 =	vld [tilespmem:s25+$0x480]  }
0xbd: {  	v29 =	vmul.f32 v58, v37;
	v55 =	vadd.f32 v57, v56;
	v56 =	vld [tilespmem:s25+$0x490]  }
0xbe: {  	v37 =	vmul.f32 $1.442695020e+00, v40;
	v11 =	vadd.f32 v51, v11;
	v61 =	vpop (erf);
	v51 =	vadd.f32 v52, v21;
	v21 =	vld [tilespmem:s25+$0x8550]  }
0xbf: {  	v40 =	vmul.f32 $1.442695020e+00, v47;
	v30 =	vmul.f32 v61, v38;
	v38 =	vld [tilespmem:s25+$0x460]  }
0xc0: {  	(erf) = vpow2.f32 v37;
	[tilespmem:s25+$0xC430] =	vst v55;
	v55 =	vld [tilespmem:s25+$0x510]  }
0xc1: {  	(erf) = vpow2.f32 v40;
	v40 =	vld [tilespmem:s25+$0x8570]  }
0xc2: {  	v46 =	vmul.f32 $1.442695020e+00, v43;
	[tilespmem:s25+$0xC420] =	vst v9;
	v9 =	vld [tilespmem:s25+$0x5D0]  }
0xc3: {  	v47 =	vmul.f32 $1.442695020e+00, v44;
	v36 =	vpop (erf);
	(xrf2) =	vadd.scan.msk.f32 $0xffff, v11;
	v11 =	vld [tilespmem:s25+$0x4520]  }
0xc4: {  	v39 =	vmul.f32 v36, v39;
	(erf) = vpow2.f32 v46;
	v36 =	vld [tilespmem:s25+$0x4F0]  }
0xc5: {  	v12 =	vmul.f32 $1.442695020e+00, v12;
	v52 =	vmul.f32 $1.442695020e+00, v50;
	v58 =	vpop (erf);
	v61 =	vadd.f32 v30, v63;
	v63 =	vld [tilespmem:s25+$0x4B0]  }
0xc6: {  	v62 =	vadd.f32 v27, v42;
	(erf) = vpow2.f32 v47;
	v7 =	vmul.f32 v58, v7;
	v30 =	vld [tilespmem:s25+$0x4D0]  }
0xc7: {  	v18 =	vadd.f32 v31, v18;
	v54 =	vmul.f32 $1.442695020e+00, v24;
	v47 =	vld [tilespmem:s25+$0x500];
	(erf) = vpow2.f32 v49  }
0xc8: {  	(erf) = vpow2.f32 v52;
	v7 =	vadd.f32 v7, v45;
	v31 =	vadd.f32 v39, v38;
	v38 =	vld [tilespmem:s25+$0x8500]  }
0xc9: {  	v42, _, _ =	vpop (xrf2);
	[tilespmem:s25+$0xC3D0] =	vst v62;
	v57 =	vadd.f32 v29, v60;
	v60 =	vmul.f32 $1.442695020e+00, v13;
	(erf) = vpow2.f32 v54;
	v39 =	vld [tilespmem:s25+$0x8600]  }
0xca: {  	v24 =	vmul.f32 $1.442695020e+00, v14;
	v62, _, _ =	vpop (xrf2);
	(erf) = vpow2.f32 v12;
	[tilespmem:s25+$0xC470] =	vst v7;
	v7 =	vld [tilespmem:s25+$0x8520]  }
0xcb: {  	[tilespmem:s25+$0xC380] =	vst v28;
	v12 =	vld [tilespmem:s25+$0x580];
	(erf) = vpow2.f32 v60;
	v29 =	vpop (erf)  }
0xcc: {  	v28 =	vmul.f32 $1.442695020e+00, v11;
	[tilespmem:s25+$0xC460] =	vst v31;
	v31 =	vld [tilespmem:s25+$0x45F0];
	(erf) = vpow2.f32 v24;
	v33 =	vpop (erf)  }
0xcd: {  	[tilespmem:s25+$0xC3B0] =	vst v35;
	v24 =	vld [tilespmem:s25+$0x85B0];
	v10 =	vmul.f32 v29, v10;
	v35 =	vpop (erf)  }
0xce: {  	(erf) = vpow2.f32 v28;
	v28 =	vld [tilespmem:s25+$0x540];
	v27, _, _ =	vpop (xrf2)  }
0xcf: {  	v29 =	vld [tilespmem:s25+$0x4560];
	v10 =	vadd.f32 v10, v53;
	v37 =	vpop (erf)  }
0xd0: {  	[tilespmem:s25+$0xC400] =	vst v48;
	(v2sf) =	vpush v42, $0xF;
	v1 =	vmul.f32 v33, v1;
	v33 =	vld [tilespmem:s25+$0x8590];
	v46 =	vpop (erf)  }
0xd1: {  	(v2sf) =	vpush v62, $0xF;
	v2 =	vmul.f32 v37, v2;
	[tilespmem:s25+$0xC480] =	vst v10;
	v3 =	vmul.f32 v46, v3;
	v48 =	vpop (erf);
	v10 =	vld [tilespmem:s25+$0x8510]  }
0xd2: {  	[tilespmem:s25+$0xC410] =	vst v51;
	v0 =	vmul.f32 v35, v0;
	v35 =	vld [tilespmem:s25+$0x45D0];
	(v2sf) =	vpush v27, $0xF;
	v51 =	vpop (erf)  }
0xd3: {  	[tilespmem:s25+$0xC440] =	vst v57;
	v49 =	vadd.f32 v2, v63;
	v50 =	vmul.f32 v48, v4;
	v63 =	vld [tilespmem:s25+$0x4530];
	v52 =	vadd.f32 v3, v26;
	v54 =	vpop (erf)  }
0xd4: {  	[tilespmem:s25+$0xC450] =	vst v61;
	v1 =	vadd.f32 v1, v56;
	v27 =	vld [tilespmem:s25+$0x560];
	v53 =	vmul.f32 v51, v5;
	v57 =	vmul.f32 v54, v6;
	v58 =	vpop (erf)  }
0xd5: {  	v0 =	vadd.f32 v0, v59;
	v2 =	vld [tilespmem:s25+$0x8540];
	[tilespmem:s25+$0xC4C0] =	vst v52;
	v61 =	vmul.f32 v58, v38;
	v62 =	vpop (erf);
	v52 =	vmul.f32 v38, v38  }
0xd6: {  	v51 =	vld [tilespmem:s25+$0x4540];
	v60 =	vadd.f32 v53, v34;
	v58 =	vmul.f32 $1.442695020e+00, v29;
	v43 =	vmul.f32 v62, v10  }
0xd7: {  	v59 =	vld [tilespmem:s25+$0x520];
	v42 =	vadd.f32 v57, v36;
	v44 =	vpop (erf);
	v53 =	vmul.f32 v10, v10;
	v57 =	vmul.f32 $1.442695020e+00, v19  }
0xd8: {  	[tilespmem:s25+$0xC4B0] =	vst v49;
	v56 =	vadd.f32 v50, v30;
	v49 =	vld [tilespmem:s25+$0x8530];
	v46 =	vmul.f32 v44, v7;
	v50 =	vmul.f32 $1.442695020e+00, v63  }
0xd9: {  	v37 =	vld [tilespmem:s25+$0x45C0];
	v54 =	vmul.f32 $5.000000000e-01, v52;
	v7 =	vmul.f32 v7, v7  }
0xda: {  	[tilespmem:s25+$0xC490] =	vst v1;
	v30 =	vld [tilespmem:s25+$0x8560];
	v45 =	vadd.f32 v61, v47;
	v61 =	vmul.f32 $1.442695020e+00, v41;
	v62 =	vmul.f32 v2, v2  }
0xdb: {  	v4 =	vld [tilespmem:s25+$0x5A0];
	[tilespmem:s25+$0xC4D0] =	vst v56;
	v47 =	vadd.f32 v43, v55;
	v6 =	vmul.f32 $5.000000000e-01, v53;
	v55 =	vmul.f32 $1.442695020e+00, v51  }
0xdc: {  	v1 =	vld [tilespmem:s25+$0x610];
	[tilespmem:s25+$0xC4E0] =	vst v60;
	(erf) = vpow2.f32 v50;
	v56 =	vmul.f32 $5.000000000e-01, v7  }
0xdd: {  	[tilespmem:s25+$0xC4F0] =	vst v42;
	v42 =	vld [tilespmem:s25+$0x8580];
	v48 =	vadd.f32 v46, v59;
	v59 =	vmul.f32 $1.442695020e+00, v32;
	v60 =	vmul.f32 v49, v49  }
0xde: {  	v43 =	vld [tilespmem:s25+$0x4590];
	v44 =	vmul.f32 $5.000000000e-01, v62;
	(erf) = vpow2.f32 v55  }
0xdf: {  	[tilespmem:s25+$0xC500] =	vst v45;
	v45 =	vld [tilespmem:s25+$0x45A0];
	v55 =	vmul.f32 v30, v30;
	(erf) = vpow2.f32 v57  }
0xe0: {  	v46 =	vld [tilespmem:s25+$0x45B0];
	v10 =	vadd.f32 v54, v13;
	[tilespmem:s25+$0xC520] =	vst v48;
	v13 =	vmul.f32 $5.000000000e-01, v60;
	v48 =	vmul.f32 v21, v21  }
0xe1: {  	v62 =	vld [tilespmem:s25+$0x620];
	v57 =	vmul.f32 v40, v40;
	(erf) = vpow2.f32 v58  }
0xe2: {  	v3 =	vld [tilespmem:s25+$0x5B0];
	v51 =	vadd.f32 v44, v51;
	v44 =	vmul.f32 v33, v33;
	(erf) = vpow2.f32 v59  }
0xe3: {  	v5 =	vld [tilespmem:s25+$0x5C0];
	v6 =	vadd.f32 v6, v14;
	v53 =	vmul.f32 $5.000000000e-01, v48;
	v58 =	vmul.f32 $5.000000000e-01, v57  }
0xe4: {  	v26 =	vld [tilespmem:s25+$0x85D0];
	v11 =	vadd.f32 v56, v11;
	v60 =	vmul.f32 v42, v42;
	(erf) = vpow2.f32 v61  }
0xe5: {  	[tilespmem:s25+$0xC4A0] =	vst v0;
	v0 =	vld [tilespmem:s25+$0x600];
	v10 =	vadd.f32 v6, v10;
	v61 =	vmul.f32 $1.442695020e+00, v43;
	v57 =	vmul.f32 $1.442695020e+00, v46  }
0xe6: {  	v34 =	vld [tilespmem:s25+$0x45E0];
	[tilespmem:$0x1FB10] =	vst v62;
	v62 =	vmul.f32 $1.442695020e+00, v35;
	v14 =	vadd.f32 v53, v19;
	v53 =	vmul.f32 $1.442695020e+00, v45  }
0xe7: {  	v38 =	vld [tilespmem:s25+$0x85F0];
	v63 =	vadd.f32 v13, v63;
	(erf) = vpow2.f32 v61;
	v61 =	vmul.f32 v20, v20  }
0xe8: {  	v36 =	vld [tilespmem:s25+$0x85E0];
	[tilespmem:s25+$0xC510] =	vst v47;
	v10 =	vadd.f32 v11, v10;
	(erf) = vpow2.f32 v53;
	v53 =	vmul.f32 $1.442695020e+00, v31;
	v47 =	vpop (erf)  }
0xe9: {  	[tilespmem:s25+$0xC3E0] =	vst v18;
	v7 =	vld [tilespmem:s25+$0x5E0];
	(erf) = vpow2.f32 v57;
	v18 =	vmul.f32 v47, v49  }
0xea: {  	v6 =	vld [tilespmem:s25+$0x5F0];
	v49 =	vadd.f32 v63, v10;
	v50 =	vpop (erf);
	v10 =	vmul.f32 $5.000000000e-01, v55;
	v63 =	vmul.f32 $5.000000000e-01, v60  }
0xeb: {  	v13 =	vld [tilespmem:s25+$0x4600];
	v55 =	vmul.f32 v23, v23;
	v2 =	vmul.f32 v50, v2;
	v52 =	vpop (erf)  }
0xec: {  	v48 =	vld [tilespmem:s25+$0x8610];
	v11 =	vadd.f32 v51, v49;
	v47 =	vmul.f32 v52, v21;
	v10 =	vadd.f32 v10, v29  }
0xed: {  	v19 =	vld [tilespmem:s25+$0x4620];
	v54 =	vpop (erf);
	v41 =	vadd.f32 v63, v41;
	v63 =	vmul.f32 $5.000000000e-01, v61;
	v52 =	vmul.f32 $1.442695020e+00, v34  }
0xee: {  	v49 =	vld [tilespmem:s25+$0x8620];
	v18 =	vadd.f32 v18, v22;
	v30 =	vmul.f32 v54, v30;
	v56 =	vpop (erf);
	v54 =	vmul.f32 $5.000000000e-01, v44  }
0xef: {  	v21 =	vld [tilespmem:s25+$0x8630];
	v2 =	vadd.f32 v2, v28;
	v40 =	vmul.f32 v56, v40;
	v11 =	vadd.f32 v14, v11  }
0xf0: {  	v22 =	vld [tilespmem:s25+$0x8640];
	v59 =	vpop (erf);
	v14 =	vadd.f32 v58, v32;
	v32 =	vmul.f32 $5.000000000e-01, v55;
	v58 =	vmul.f32 v24, v24  }
0xf1: {  	v29 =	vld [tilespmem:s25+$0x8650];
	v25 =	vadd.f32 v47, v25;
	v55 =	vmul.f32 $1.442695020e+00, v17;
	v42 =	vmul.f32 v59, v42  }
0xf2: {  	v28 =	vld [tilespmem:s25+$0x8660];
	v59 =	vmul.f32 $1.442695020e+00, v37;
	v43 =	vadd.f32 v54, v43;
	v27 =	vadd.f32 v30, v27  }
0xf3: {  	v56 =	vld [tilespmem:s25+$0x630];
	v54 =	vmul.f32 $1.442695020e+00, v13;
	v37 =	vadd.f32 v63, v37;
	v10 =	vadd.f32 v10, v11  }
0xf4: {  	v44 =	vld [tilespmem:s25+$0x86D0];
	v60 =	vmul.f32 $5.000000000e-01, v58;
	v32 =	vadd.f32 v32, v45;
	v58 =	vmul.f32 $1.442695020e+00, v19  }
0xf5: {  	[tilespmem:$0x1FB30] =	vst v18;
	v18 =	vld [tilespmem:s25+$0x4640];
	v57 =	vpop (erf);
	v15 =	vadd.f32 v40, v15;
	(erf) = vpow2.f32 v59;
	v41 =	vadd.f32 v43, v41  }
0xf6: {  	[tilespmem:$0x1FB60] =	vst v2;
	v2 =	vld [tilespmem:s25+$0x4670];
	v47 =	vmul.f32 v57, v33;
	v12 =	vadd.f32 v42, v12;
	(erf) = vpow2.f32 v62  }
0xf7: {  	v30 =	vld [tilespmem:s25+$0x4690];
	[tilespmem:$0x1FB90] =	vst v27;
	v10 =	vadd.f32 v14, v10;
	v62 =	vmul.f32 v36, v36;
	(erf) = vpow2.f32 v52  }
0xf8: {  	v27 =	vld [tilespmem:s25+$0x46A0];
	v46 =	vadd.f32 v60, v46;
	[tilespmem:$0x1FB40] =	vst v56;
	v56 =	vmul.f32 v26, v26;
	v59 =	vpop (erf);
	(erf) = vpow2.f32 v53  }
0xf9: {  	v11 =	vld [tilespmem:s25+$0x8670];
	v41 =	vadd.f32 v32, v41;
	v45 =	vmul.f32 v59, v23;
	v43 =	vmul.f32 $5.000000000e-01, v62  }
0xfa: {  	[tilespmem:$0x1FB80] =	vst v25;
	v25 =	vld [tilespmem:s25+$0x4680];
	v8 =	vadd.f32 v47, v8;
	v61 =	vpop (erf);
	(erf) = vpow2.f32 v54;
	v60 =	vmul.f32 $5.000000000e-01, v56  }
0xfb: {  	v33 =	vld [tilespmem:s25+$0x8690];
	v41 =	vadd.f32 v46, v41;
	v50 =	vmul.f32 v61, v24;
	v61 =	vmul.f32 v39, v39  }
0xfc: {  	v14 =	vld [tilespmem:s25+$0x4650];
	(xrf2) =	vadd.scan.msk.f32 $0xffff, v10;
	(erf) = vpow2.f32 v55;
	v55 =	vmul.f32 v38, v38;
	v34 =	vadd.f32 v43, v34  }
0xfd: {  	v24 =	vld [tilespmem:s25+$0x46B0];
	v4 =	vadd.f32 v45, v4;
	v47 =	vmul.f32 $1.442695020e+00, v27;
	(erf) = vpow2.f32 v58  }
0xfe: {  	[tilespmem:$0x1FBA0] =	vst v15;
	v15 =	vld [tilespmem:s25+$0x86A0];
	v37 =	vadd.f32 v37, v41;
	v53 =	vadd.f32 v60, v35;
	v59 =	vmul.f32 $5.000000000e-01, v55  }
0xff: {  	[tilespmem:$0x1FC50] =	vst v44;
	v46 =	vld [tilespmem:s25+$0x86E0];
	v41 =	vmul.f32 $5.000000000e-01, v61;
	v3 =	vadd.f32 v50, v3;
	v55 =	vmul.f32 v49, v49  }
0x100: {  	[tilespmem:$0x1FBC0] =	vst v12;
	v43 =	vld [tilespmem:s25+$0x86C0];
	v56 =	vadd.f32 v53, v37;
	v53 =	vmul.f32 $1.442695020e+00, v16;
	v31 =	vadd.f32 v59, v31  }
0x101: {  	v45 =	vld [tilespmem:s25+$0x86F0];
	[tilespmem:$0x1FBF0] =	vst v4;
	v4 =	vmul.f32 $5.000000000e-01, v55;
	v59 =	vadd.f32 v41, v13;
	v41 =	vmul.f32 $1.442695020e+00, v30  }
0x102: {  	v32 =	vld [tilespmem:s25+$0x8680];
	[tilespmem:$0x1FBD0] =	vst v8;
	v52 =	vpop (erf);
	v50 =	vmul.f32 $1.442695020e+00, v24;
	v55 =	vmul.f32 v29, v29  }
0x103: {  	v12 =	vld [tilespmem:s25+$0x46E0];
	[tilespmem:$0x1FC00] =	vst v3;
	v40 =	vmul.f32 v52, v20;
	v54 =	vpop (erf);
	v34 =	vadd.f32 v34, v56;
	(erf) = vpow2.f32 v53  }
0x104: {  	v10 =	vld [tilespmem:s25+$0x4660];
	[tilespmem:$0x1FC80] =	vst v46;
	v56 =	vmul.f32 $1.442695020e+00, v18;
	v26 =	vmul.f32 v54, v26;
	v57 =	vpop (erf);
	v4 =	vadd.f32 v4, v19  }
0x105: {  	v23 =	vld [tilespmem:s25+$0x46C0];
	[tilespmem:$0x1FC40] =	vst v43;
	v36 =	vmul.f32 v57, v36;
	v58 =	vpop (erf);
	v31 =	vadd.f32 v31, v34;
	v57 =	vmul.f32 $1.442695020e+00, v14  }
0x106: {  	[tilespmem:$0x1FC90] =	vst v45;
	v19 =	vld [tilespmem:s25+$0x8730];
	v5 =	vadd.f32 v40, v5;
	(erf) = vpow2.f32 v56;
	v63, _, _ =	vpop (xrf2);
	v38 =	vmul.f32 v58, v38  }
0x107: {  	s0 =	spop (v2sf);
	v40 =	vld [tilespmem:s25+$0x8700];
	v60 =	vpop (erf);
	v9 =	vadd.f32 v26, v9;
	v58 =	vmul.f32 v21, v21;
	(v2sf) =	vpush v63, $0xF;
	(xrf2) =	vadd.scan.msk.f32 $0xffff, v31  }
0x108: {  	v34 =	vld [tilespmem:s25+$0x8710];
	v37 =	vmul.f32 v60, v39;
	v63 =	vmul.f32 v48, v48;
	[tilespmem:$0x1FC20] =	vst v5;
	v7 =	vadd.f32 v36, v7  }
0x109: {  	v8 =	vld [tilespmem:s25+$0x46F0];
	v62 =	vpop (erf);
	(erf) = vpow2.f32 v57;
	v60 =	vmul.f32 $1.442695020e+00, v10;
	[tilespmem:$0x1FC30] =	vst v9  }
0x10a: {  	v35 =	vld [tilespmem:s25+$0x86B0];
	v42 =	vmul.f32 v62, v48;
	v51 =	vmul.f32 $5.000000000e-01, v63;
	[tilespmem:$0x1FC60] =	vst v7  }
0x10b: {  	v36 =	vld [tilespmem:s25+$0x8720];
	v52 =	vpop (erf);
	v61 =	vmul.f32 $5.000000000e-01, v58;
	v62 =	vmul.f32 $1.442695020e+00, v2;
	[tilespmem:$0x1FD10] =	vst v19  }
0x10c: {  	v6 =	vadd.f32 v38, v6;
	v38 =	vld [tilespmem:s25+$0x8740];
	v54 =	vmul.f32 v52, v49;
	[tilespmem:$0x1FCC0] =	vst v40;
	v17 =	vadd.f32 v51, v17  }
0x10d: {  	v13 =	vld [tilespmem:s25+$0x4720];
	(erf) = vpow2.f32 v60;
	v63 =	vmul.f32 $1.442695020e+00, v25;
	[tilespmem:$0x1FCD0] =	vst v34  }
0x10e: {  	s31 =	spop (v2sf);
	v20 =	vld [tilespmem:s25+$0x46D0];
	v48 =	vmul.f32 v22, v22;
	(erf) = vpow2.f32 v62;
	[tilespmem:$0x1FCA0] =	vst v6;
	v3 =	vadd.f32 v17, v59  }
0x10f: {  	s30 =	spop (v2sf);
	v31 =	vld [tilespmem:s25+$0x4700];
	v60 =	vmul.f32 $5.000000000e-01, v55;
	[tilespmem:$0x1FB20] =	vst v54;
	(erf) = vpow2.f32 v63;
	v49 =	vpop (erf)  }
0x110: {  	s29 =	spop (v2sf);
	v39 =	vld [tilespmem:s25+$0x4710];
	[tilespmem:$0x1FD00] =	vst v36;
	(erf) = vpow2.f32 v41;
	v3 =	vadd.f32 v4, v3;
	v4 =	vmul.f32 v49, v21  }
0x111: {  	s28 =	spop (v2sf);
	v9 =	vld [tilespmem:s25+$0x4730];
	v53 =	vmul.f32 $5.000000000e-01, v48;
	(erf) = vpow2.f32 v47;
	[tilespmem:$0x1FD30] =	vst v38;
	v51, _, _ =	vpop (xrf2)  }
0x112: {  	s26 =	spop (v2sf);
	v6 =	vld [tilespmem:s25+$0x4740];
	v63 =	vmul.f32 v32, v32;
	v54 =	vpop (erf);
	(erf) = vpow2.f32 v50;
	[tilespmem:$0x1FB50] =	vst v4;
	(v2sf) =	vpush v51, $0xF  }
0x113: {  	v52 =	vadd.f32 v61, v16;
	v62 =	vmul.f32 v28, v28;
	v48 =	vmul.f32 $1.442695020e+00, v8;
	v26 =	vld [tilespmem:s25+$0x4750]  }
0x114: {  	v57 =	vadd.f32 v53, v18;
	v53 =	vmul.f32 v15, v15;
	v7 =	vmul.f32 $5.000000000e-01, v63;
	v41 =	vld [tilespmem:s25+$0x8750]  }
0x115: {  	v56 =	vmul.f32 v54, v22;
	v54 =	vmul.f32 $1.442695020e+00, v23;
	v3 =	vadd.f32 v52, v3;
	v22 =	vld [tilespmem:s25+$0x4760]  }
0x116: {  	v0 =	vadd.f32 v37, v0;
	v21 =	vmul.f32 v33, v33;
	v49 =	vmul.f32 v44, v44;
	v37 =	vld [tilespmem:s25+$0x8760]  }
0x117: {  	v3 =	vadd.f32 v57, v3;
	v18 =	vld [tilespmem:s25+$0x4770];
	v57 =	vmul.f32 $5.000000000e-01, v53;
	(erf) = vpow2.f32 v54  }
0x118: {  	v1 =	vadd.f32 v42, v1;
	v58 =	vpop (erf);
	v42 =	vld [tilespmem:s25+$0x8770];
	v53 =	vmul.f32 v34, v34;
	v54 =	vmul.f32 $1.442695020e+00, v31  }
0x119: {  	v50 =	vld [tilespmem:s25+$0x4780];
	v34 =	vmul.f32 $1.442695020e+00, v13;
	v59 =	vmul.f32 v58, v29;
	v61 =	vpop (erf)  }
0x11a: {  	v51 =	vadd.f32 v7, v25;
	[tilespmem:$0x1FCE0] =	vst v0;
	v7 =	vld [tilespmem:s25+$0x8790];
	v4 =	vmul.f32 v61, v28;
	v28 =	vmul.f32 $5.000000000e-01, v62  }
0x11b: {  	v0 =	vadd.f32 v60, v14;
	v25 =	vld [tilespmem:s25+$0x47A0];
	v14 =	vpop (erf);
	v62 =	vmul.f32 $1.442695020e+00, v20;
	[tilespmem:$0x1FBB0] =	vst v59;
	v59 =	vmul.f32 v35, v35  }
0x11c: {  	v29 =	vpop (erf);
	v60 =	vmul.f32 v14, v11;
	v14 =	vmul.f32 $5.000000000e-01, v53;
	v53 =	vld [tilespmem:s25+$0x4840]  }
0x11d: {  	[tilespmem:$0x1FD20] =	vst v1;
	v0 =	vadd.f32 v0, v3;
	v11 =	vmul.f32 v11, v11;
	v63 =	vmul.f32 v29, v32;
	v32 =	vld [tilespmem:s25+$0x8780]  }
0x11e: {  	[tilespmem:$0x1FBE0] =	vst v4;
	v47 =	vpop (erf);
	v4 =	vmul.f32 $5.000000000e-01, v21;
	v21 =	vld [tilespmem:s25+$0x4790];
	v1 =	vadd.f32 v28, v10;
	(erf) = vpow2.f32 v62  }
0x11f: {  	v10 =	vadd.f32 v57, v27;
	v27 =	vld [tilespmem:s25+$0x47B0];
	v62 =	vmul.f32 v36, v36;
	v3 =	vmul.f32 v47, v33  }
0x120: {  	v28 =	vld [tilespmem:s25+$0x47C0];
	v52 =	vpop (erf);
	v61 =	vmul.f32 $5.000000000e-01, v59;
	v11 =	vmul.f32 $5.000000000e-01, v11  }
0x121: {  	[tilespmem:$0x1FB70] =	vst v56;
	v57 =	vld [tilespmem:s25+$0x4800];
	v17 =	vmul.f32 v37, v37;
	v56 =	vmul.f32 v52, v15  }
0x122: {  	v33 =	vld [tilespmem:s25+$0x87A0];
	v55 =	vadd.f32 v4, v30;
	v58 =	vpop (erf);
	v52 =	vmul.f32 $5.000000000e-01, v49;
	v5 =	vmul.f32 $5.000000000e-01, v62  }
0x123: {  	[tilespmem:$0x1FC10] =	vst v60;
	v60 =	vld [tilespmem:s25+$0x87E0];
	v0 =	vadd.f32 v1, v0;
	v62 =	vmul.f32 v7, v7;
	v4 =	vmul.f32 v58, v35  }
0x124: {  	v59 =	vld [tilespmem:s25+$0x87F0];
	v1 =	vadd.f32 v61, v24;
	v24 =	vmul.f32 $1.442695020e+00, v12;
	v2 =	vadd.f32 v11, v2  }
0x125: {  	v30 =	vld [tilespmem:s25+$0x47F0];
	[tilespmem:$0x1FC70] =	vst v3;
	v3 =	vadd.f32 v55, v51;
	v51 =	vmul.f32 v40, v40;
	v55 =	vmul.f32 $1.442695020e+00, v39  }
0x126: {  	[tilespmem:$0x1FD80] =	vst v7;
	v14 =	vadd.f32 v14, v39;
	v7 =	vld [tilespmem:s25+$0x8850];
	v39 =	vmul.f32 v38, v38;
	v40 =	vmul.f32 v45, v45  }
0x127: {  	v35 =	vld [tilespmem:s25+$0x87B0];
	[tilespmem:$0x1FCF0] =	vst v4;
	(erf) = vpow2.f32 v24;
	v29 =	vadd.f32 v2, v0;
	v4 =	vmul.f32 v46, v46  }
0x128: {  	v61 =	vld [tilespmem:s25+$0x87D0];
	v0 =	vadd.f32 v52, v20;
	v20 =	vmul.f32 v19, v19;
	v46 =	vmul.f32 v41, v41  }
0x129: {  	[tilespmem:$0x1FCB0] =	vst v56;
	v56 =	vld [tilespmem:s25+$0x4810];
	v49 =	vmul.f32 v32, v32;
	v19 =	vmul.f32 $5.000000000e-01, v62  }
0x12a: {  	[tilespmem:$0x1FD70] =	vst v32;
	v24 =	vld [tilespmem:s25+$0x47D0];
	v32 =	vmul.f32 $5.000000000e-01, v17;
	v3 =	vadd.f32 v10, v3;
	v10 =	vmul.f32 v43, v43  }
0x12b: {  	v2 =	vld [tilespmem:s25+$0x8810];
	(erf) = vpow2.f32 v48;
	v15 =	vmul.f32 $5.000000000e-01, v51  }
0x12c: {  	v52 =	vld [tilespmem:s25+$0x4850];
	v44 =	vmul.f32 $5.000000000e-01, v39;
	v45 =	vmul.f32 $5.000000000e-01, v40  }
0x12d: {  	v43 =	vld [tilespmem:s25+$0x87C0];
	(erf) = vpow2.f32 v54;
	v36 =	vmul.f32 $5.000000000e-01, v20  }
0x12e: {  	v51 =	vld [tilespmem:s25+$0x4860];
	v48 =	vmul.f32 $5.000000000e-01, v46;
	v16 =	vmul.f32 $5.000000000e-01, v49  }
0x12f: {  	v54 =	vld [tilespmem:s25+$0x4830];
	v20 =	vmul.f32 v33, v33;
	v47 =	vmul.f32 $5.000000000e-01, v10;
	v1 =	vadd.f32 v1, v3  }
0x130: {  	v49 =	vld [tilespmem:s25+$0x4870];
	v15 =	vadd.f32 v15, v31;
	(erf) = vpow2.f32 v55;
	v31 =	vmul.f32 $5.000000000e-01, v4  }
0x131: {  	v46 =	vld [tilespmem:s25+$0x48A0];
	v8 =	vadd.f32 v45, v8;
	(erf) = vpow2.f32 v34;
	v11 =	vadd.f32 v47, v23  }
0x132: {  	[tilespmem:$0x1FD90] =	vst v33;
	v4 =	vld [tilespmem:s25+$0x8830];
	v33 =	vadd.f32 v16, v50;
	v34 =	vmul.f32 v42, v42;
	v14 =	vadd.f32 v14, v15  }
0x133: {  	[tilespmem:$0x1FD40] =	vst v41;
	v55 =	vld [tilespmem:s25+$0x4820];
	v62 =	vmul.f32 v61, v61;
	v12 =	vadd.f32 v31, v12;
	v11 =	vadd.f32 v11, v1  }
0x134: {  	[tilespmem:$0x1FD50] =	vst v37;
	v3 =	vld [tilespmem:s25+$0x8820];
	v47 =	vadd.f32 v44, v6;
	v6 =	vmul.f32 $1.442695020e+00, v6;
	v37 =	vmul.f32 $5.000000000e-01, v34  }
0x135: {  	[tilespmem:$0x1FDB0] =	vst v43;
	v41 =	vmul.f32 v43, v43;
	v43 =	vmul.f32 v2, v2;
	v1 =	vld [tilespmem:s25+$0x8800];
	v0 =	vadd.f32 v0, v11  }
0x136: {  	v10 =	vld [tilespmem:s25+$0x8860];
	v11 =	vadd.f32 v5, v13;
	v13 =	vadd.f32 v36, v9;
	v9 =	vmul.f32 $1.442695020e+00, v9  }
0x137: {  	v45 =	vld [tilespmem:s25+$0x48B0];
	v40 =	vadd.f32 v37, v18;
	v34 =	vmul.f32 v4, v4;
	v36 =	vmul.f32 v35, v35  }
0x138: {  	v23 =	vld [tilespmem:s25+$0x47E0];
	v11 =	vadd.f32 v11, v14;
	v0 =	vadd.f32 v12, v0;
	(erf) = vpow2.f32 v9  }
0x139: {  	v15 =	vld [tilespmem:s25+$0x8870];
	v12 =	vadd.f32 v48, v26;
	v39 =	vmul.f32 $5.000000000e-01, v36;
	v36 =	vmul.f32 v59, v59  }
0x13a: {  	[tilespmem:$0x1FD60] =	vst v42;
	v44 =	vld [tilespmem:s25+$0x48C0];
	(erf) = vpow2.f32 v6;
	v42 =	vmul.f32 v1, v1;
	v11 =	vadd.f32 v13, v11  }
0x13b: {  	[tilespmem:$0x1FDD0] =	vst v2;
	v2 =	vld [tilespmem:s25+$0x88A0];
	v31 =	vadd.f32 v8, v0;
	v0 =	vadd.f32 v19, v21;
	v8 =	vmul.f32 $5.000000000e-01, v20  }
0x13c: {  	[tilespmem:$0x1FDF0] =	vst v4;
	v4 =	vld [tilespmem:s25+$0x88C0];
	v19 =	vmul.f32 $5.000000000e-01, v43;
	v20 =	vmul.f32 v3, v3;
	v58 =	vadd.f32 v47, v11  }
0x13d: {  	[tilespmem:$0x1FDC0] =	vst v1;
	v1 =	vld [tilespmem:s25+$0x8890];
	v16 =	vmul.f32 $5.000000000e-01, v42;
	v0 =	vadd.f32 v0, v33;
	v8 =	vadd.f32 v8, v25  }
0x13e: {  	v5 =	vld [tilespmem:s25+$0x8840];
	v11 =	vadd.f32 v32, v22;
	v32 =	vmul.f32 v60, v60;
	v9 =	vadd.f32 v12, v58  }
0x13f: {  	v14 =	vld [tilespmem:s25+$0x8880];
	v33 =	vmul.f32 $5.000000000e-01, v20;
	v0 =	vadd.f32 v8, v0;
	v58 =	vmul.f32 $5.000000000e-01, v41  }
0x140: {  	[tilespmem:$0x1FDA0] =	vst v35;
	v48 =	vld [tilespmem:s25+$0x4880];
	v8 =	vmul.f32 $5.000000000e-01, v62;
	v35 =	vmul.f32 $5.000000000e-01, v32;
	v38 =	vadd.f32 v11, v9  }
0x141: {  	[tilespmem:$0x1FDE0] =	vst v3;
	v3 =	vld [tilespmem:s25+$0x88B0];
	v12 =	vmul.f32 $5.000000000e-01, v34;
	v9 =	vadd.f32 v39, v27;
	v6 =	vadd.f32 v58, v28  }
0x142: {  	v13 =	vld [tilespmem:s25+$0x88D0];
	v42 =	vmul.f32 v1, v1;
	v11 =	vadd.f32 v19, v56;
	v8 =	vadd.f32 v8, v24  }
0x143: {  	v47 =	vld [tilespmem:s25+$0x4890];
	v37 =	vadd.f32 v35, v23;
	v58 =	vmul.f32 $5.000000000e-01, v36;
	v12 =	vadd.f32 v12, v54  }
0x144: {  	v41 =	vld [tilespmem:s25+$0x48D0];
	v19 =	vmul.f32 v14, v14;
	v17 =	vadd.f32 v40, v38;
	v0 =	vadd.f32 v9, v0  }
0x145: {  	v32 =	vld [tilespmem:s25+$0x4920];
	v9 =	vadd.f32 v16, v57;
	v38 =	vmul.f32 v5, v5;
	v16 =	vmul.f32 v7, v7  }
0x146: {  	[tilespmem:$0x1FE00] =	vst v5;
	v34 =	vld [tilespmem:s25+$0x4930];
	v43 =	vmul.f32 $5.000000000e-01, v19;
	v5 =	vmul.f32 v2, v2;
	v0 =	vadd.f32 v6, v0  }
0x147: {  	v19 =	vld [tilespmem:s25+$0x8910];
	v9 =	vadd.f32 v11, v9;
	v6 =	vadd.f32 v33, v55;
	v62 =	vmul.f32 $5.000000000e-01, v38  }
0x148: {  	v36 =	vld [tilespmem:s25+$0x48F0];
	v20 =	vmul.f32 $5.000000000e-01, v16;
	v39 =	vmul.f32 $5.000000000e-01, v5;
	v0 =	vadd.f32 v8, v0  }
0x149: {  	[tilespmem:$0x1FE40] =	vst v14;
	v14 =	vld [tilespmem:s25+$0x88F0];
	v16 =	vmul.f32 v15, v15;
	v6 =	vadd.f32 v6, v9;
	v9 =	vadd.f32 v58, v30  }
0x14a: {  	[tilespmem:$0x1FE10] =	vst v7;
	v35 =	vld [tilespmem:s25+$0x4900];
	v8 =	vadd.f32 v62, v53;
	v58 =	vmul.f32 v10, v10;
	v62 =	vmul.f32 $5.000000000e-01, v42  }
0x14b: {  	[tilespmem:$0x1FE20] =	vst v10;
	v38 =	vadd.f32 v20, v52;
	v20 =	vmul.f32 v3, v3;
	v39 =	vadd.f32 v39, v46;
	v10 =	vld [tilespmem:s25+$0x8950]  }
0x14c: {  	[tilespmem:$0x1FE50] =	vst v1;
	v40 =	vld [tilespmem:s25+$0x48E0];
	v1 =	vmul.f32 v19, v19;
	v0 =	vadd.f32 v37, v0;
	v6 =	vadd.f32 v12, v6  }
0x14d: {  	(xrf2) =	vadd.scan.msk.f32 $0xffff, v29;
	v37 =	vmul.f32 $5.000000000e-01, v58;
	v11 =	vadd.f32 v62, v47;
	v58 =	vmul.f32 $5.000000000e-01, v16;
	v62 =	vld [tilespmem:s25+$0x8920]  }
0x14e: {  	[tilespmem:$0x1FE30] =	vst v15;
	v16 =	vmul.f32 v4, v4;
	v7 =	vadd.f32 v9, v0;
	v6 =	vadd.f32 v8, v6;
	v0 =	vld [tilespmem:s25+$0x8900]  }
0x14f: {  	[tilespmem:$0x1FE60] =	vst v2;
	v33 =	vld [tilespmem:s25+$0x4910];
	v1 =	vmul.f32 $5.000000000e-01, v1;
	v9 =	vadd.f32 v43, v48;
	v37 =	vadd.f32 v37, v51  }
0x150: {  	(xrf2) =	vadd.scan.msk.f32 $0xffff, v31;
	v15 =	vld [tilespmem:s25+$0x4950];
	v42 =	vadd.f32 v58, v49;
	v43 =	vmul.f32 $5.000000000e-01, v16;
	v31 =	vmul.f32 v10, v10  }
0x151: {  	(xrf2) =	vadd.scan.msk.f32 $0xffff, v17;
	v17 =	vld [tilespmem:$0x1FB10];
	v6 =	vadd.f32 v38, v6;
	v9 =	vadd.f32 v11, v9;
	v38 =	vmul.f32 $5.000000000e-01, v20  }
0x152: {  	[tilespmem:$0x1FE80] =	vst v4;
	v12 =	vld [tilespmem:s25+$0x88E0];
	v20 =	vmul.f32 v13, v13;
	v43 =	vadd.f32 v43, v44;
	v58 =	vmul.f32 v62, v62  }
0x153: {  	v8 =	vld [tilespmem:s25+$0x8930];
	v4 =	vmul.f32 $5.000000000e-01, v31;
	v37 =	vadd.f32 v37, v6;
	[tilespmem:$0x1FEC0] =	vst v0;
	v0 =	vmul.f32 v0, v0  }
0x154: {  	[tilespmem:$0x1FE70] =	vst v3;
	v39 =	vadd.f32 v39, v9;
	v38 =	vadd.f32 v38, v45;
	v6 =	vld [tilespmem:s25+$0x8940];
	v3 =	vmul.f32 $5.000000000e-01, v58  }
0x155: {  	[tilespmem:$0x1FED0] =	vst v19;
	v16 =	vld [tilespmem:s25+$0x8980];
	v58 =	vmul.f32 v14, v14;
	v5 =	vadd.f32 v42, v37;
	v19 =	vmul.f32 $5.000000000e-01, v0  }
0x156: {  	[tilespmem:$0x1FE90] =	vst v13;
	v13 =	vld [tilespmem:s25+$0x4940];
	v38 =	vadd.f32 v38, v39;
	v37 =	vmul.f32 $5.000000000e-01, v20;
	v3 =	vadd.f32 v3, v32  }
0x157: {  	[tilespmem:$0x1FEE0] =	vst v62;
	v31 =	vld [tilespmem:s25+$0x89B0];
	v20 =	vmul.f32 v12, v12;
	v62 =	vadd.f32 v19, v35;
	v19 =	vadd.f32 v1, v33  }
0x158: {  	[tilespmem:$0x1FEB0] =	vst v14;
	v9 =	vld [tilespmem:s25+$0x8960];
	v43 =	vadd.f32 v43, v38;
	v37 =	vadd.f32 v37, v41;
	v38 =	vmul.f32 v8, v8  }
0x159: {  	[tilespmem:$0x1FEA0] =	vst v12;
	v12 =	vld [tilespmem:s25+$0x4960];
	v0 =	vmul.f32 $5.000000000e-01, v20;
	v14 =	vmul.f32 v6, v6;
	v2 =	vadd.f32 v19, v62  }
0x15a: {  	v26 =	vmul.f32 $1.442695020e+00, v26;
	v20 =	vld [tilespmem:s25+$0x8990];
	v39 =	vadd.f32 v37, v43;
	v1 =	vmul.f32 $5.000000000e-01, v38  }
0x15b: {  	v0 =	vadd.f32 v0, v40;
	v37 =	vld [tilespmem:s25+$0x8970];
	v2 =	vadd.f32 v3, v2;
	v3 =	vmul.f32 $5.000000000e-01, v14  }
0x15c: {  	(erf) = vpow2.f32 v26;
	v19 =	vmul.f32 $5.000000000e-01, v58;
	v58 =	vld [tilespmem:s25+$0x4980];
	v1 =	vadd.f32 v1, v34  }
0x15d: {  	v26 =	vmul.f32 v16, v16;
	[tilespmem:$0x1FEF0] =	vst v13;
	v0 =	vadd.f32 v0, v39;
	v3 =	vadd.f32 v3, v13;
	v13 =	vld [tilespmem:s25+$0x89A0]  }
0x15e: {  	v43 =	vld [tilespmem:s25+$0x4990];
	v39 =	vmul.f32 $1.442695020e+00, v22;
	v22 =	vmul.f32 v9, v9;
	v38 =	vadd.f32 v19, v36  }
0x15f: {  	(xrf2) =	vadd.scan.msk.f32 $0xffff, v7;
	v29 =	vmul.f32 v20, v20;
	v14 =	vmul.f32 $5.000000000e-01, v26;
	v19 =	vld [tilespmem:$0x1FB20];
	v1 =	vadd.f32 v1, v2  }
0x160: {  	v4 =	vadd.f32 v4, v15;
	(xrf2) =	vadd.scan.msk.f32 $0xffff, v5;
	v62 =	vld [tilespmem:s25+$0x4970];
	(erf) = vpow2.f32 v39;
	v2 =	vmul.f32 $5.000000000e-01, v22  }
0x161: {  	v42 =	vld [tilespmem:s25+$0x49A0];
	[tilespmem:$0x1FF80] =	vst v20;
	v20 =	vmul.f32 v37, v37;
	v5 =	vadd.f32 v14, v58;
	v1 =	vadd.f32 v3, v1  }
0x162: {  	v39 =	vld [tilespmem:s25+$0x49B0];
	v3 =	vmul.f32 $5.000000000e-01, v29;
	v2 =	vadd.f32 v2, v12;
	v22 =	vmul.f32 v13, v13  }
0x163: {  	v7 =	vmul.f32 $5.000000000e-01, v20;
	v29 =	vmul.f32 v31, v31;
	v1 =	vadd.f32 v4, v1  }
0x164: {  	v26 =	vadd.f32 v19, v17;
	v3 =	vadd.f32 v3, v43;
	v17 =	vmul.f32 $5.000000000e-01, v22  }
0x165: {  	[tilespmem:$0x1FF40] =	vst v10;
	v7 =	vadd.f32 v7, v62;
	v10 =	vmul.f32 $5.000000000e-01, v29;
	v4 =	vadd.f32 v2, v1  }
0x166: {  	v5 =	vadd.f32 v3, v5;
	v17 =	vadd.f32 v17, v42  }
0x167: {  	v0 =	vadd.f32 v38, v0;
	[tilespmem:$0x1FF90] =	vst v13;
	v13 =	vadd.f32 v10, v39  }
0x168: {  	[tilespmem:$0x1FF50] =	vst v9;
	v9 =	vld [tilespmem:s25+$0x89C0];
	v4 =	vadd.f32 v7, v4;
	v5 =	vadd.f32 v17, v5  }
0x169: {  	[tilespmem:$0x1FF30] =	vst v6;
	v6 =	vld [tilespmem:s25+$0x640];
	(xrf2) =	vadd.scan.msk.f32 $0xffff, v0  }
0x16a: {  	[tilespmem:$0x1FF20] =	vst v12;
	v12, _, _ =	vpop (xrf2);
	(xrf2) =	vadd.scan.msk.f32 $0xffff, v4;
	v4 =	vadd.f32 v13, v5;
	v13 =	vld [tilespmem:$0x1FB70];
	_ =	sdelay $0x2  }
0x16b: {  	[tilespmem:$0x1FFB0] =	vst v9;
	v11 =	vmul.f32 v9, v9;
	v9 =	vld [tilespmem:$0x1FB60]  }
0x16c: {  	[tilespmem:$0x1FFA0] =	vst v31;
	v31 =	vmul.f32 $1.442695020e+00, v18  }
0x16d: {  	v21 =	vmul.f32 $1.442695020e+00, v21;
	[tilespmem:$0x1FF10] =	vst v15;
	v7 =	vmul.f32 $1.442695020e+00, v50;
	v15 =	vadd.f32 v13, v6;
	v13 =	vld [tilespmem:$0x1FB90]  }
0x16e: {  	(erf) = vpow2.f32 v31  }
0x16f: {  	v10 =	vpop (erf);
	(erf) = vpow2.f32 v7;
	v17 =	vmul.f32 $1.442695020e+00, v25  }
0x170: {  	[tilespmem:s25+$0xC540] =	vst v9;
	v9 =	vpop (erf);
	(erf) = vpow2.f32 v21;
	v5 =	vld [tilespmem:s25+$0x660]  }
0x171: {  	v21 =	vpop (erf);
	(erf) = vpow2.f32 v17;
	v17 =	vmul.f32 $1.442695020e+00, v27;
	v27 =	vld [tilespmem:$0x1FBE0]  }
0x172: {  	[tilespmem:s25+$0xC560] =	vst v13;
	v13 =	vld [tilespmem:$0x1FBD0];
	_ =	sdelay $0x3  }
0x173: {  	[tilespmem:$0x1FF00] =	vst v8;
	v8 =	vld [tilespmem:s25+$0x89D0]  }
0x174: {  	[tilespmem:s25+$0xC590] =	vst v13;
	v13 =	vadd.f32 v27, v5;
	v27 =	vld [tilespmem:s25+$0x680];
	_ =	sdelay $0x1  }
0x175: {  	v38 =	vld [tilespmem:s25+$0x49C0];
	_ =	sdelay $0x1  }
0x176: {  	[tilespmem:$0x1FF60] =	vst v37;
	v37 =	vld [tilespmem:s25+$0x49D0]  }
0x177: {  	[tilespmem:$0x1FFC0] =	vst v8;
	v8 =	vmul.f32 v8, v8;
	v14 =	vmul.f32 $5.000000000e-01, v11;
	v27 =	vadd.f32 v63, v27;
	v63 =	vld [tilespmem:$0x1FC60];
	_ =	sdelay $0x1  }
0x178: {  	v3 =	vld [tilespmem:s25+$0x89E0];
	v1 =	vadd.f32 v14, v38;
	v14 =	vmul.f32 $5.000000000e-01, v8  }
0x179: {  	v8 =	vld [tilespmem:$0x1FB80]  }
0x17a: {  	v2 =	vadd.f32 v14, v37;
	v14 =	vld [tilespmem:$0x1FBA0]  }
0x17b: {  	[tilespmem:s25+$0xC5E0] =	vst v63;
	v63 =	vld [tilespmem:$0x1FC80]  }
0x17c: {  	v7 =	vld [tilespmem:s25+$0x650]  }
0x17d: {  	v25 =	vld [tilespmem:$0x1FBB0];
	_ =	sdelay $0x1  }
0x17e: {  	v6 =	vmul.f32 v3, v3  }
0x17f: {  	v21 =	vmul.f32 v21, v63;
	v63 =	vld [tilespmem:$0x1FCA0]  }
0x180: {  	[tilespmem:s25+$0xC550] =	vst v8;
	v8 =	vpop (erf)  }
0x181: {  	[tilespmem:s25+$0xC570] =	vst v14;
	v14 =	vadd.f32 v25, v7;
	v25 =	vpop (erf);
	(erf) = vpow2.f32 v17;
	v17 =	vmul.f32 $1.442695020e+00, v28  }
0x182: {  	[tilespmem:$0x1FFD0] =	vst v3;
	v3 =	vadd.f32 v1, v4;
	v1 =	vmul.f32 $5.000000000e-01, v6;
	v6 =	vpop (erf)  }
0x183: {  	v5 =	vpop (erf);
	(erf) = vpow2.f32 v17;
	v17 =	vmul.f32 $1.442695020e+00, v23;
	v23 =	vld [tilespmem:s25+$0x6A0]  }
0x184: {  	[tilespmem:s25+$0xC5F0] =	vst v63;
	v63 =	vld [tilespmem:$0x1FCB0];
	_ =	sdelay $0x4  }
0x185: {  	v23 =	vadd.f32 v63, v23;
	v63 =	vld [tilespmem:$0x1FCC0];
	_ =	sdelay $0x4  }
0x186: {  	v25 =	vmul.f32 v25, v63;
	v63 =	vld [tilespmem:$0x1FCD0];
	_ =	sdelay $0x4  }
0x187: {  	v6 =	vmul.f32 v6, v63;
	v63 =	vld [tilespmem:$0x1FCE0];
	_ =	sdelay $0x2  }
0x188: {  	v7 =	vld [tilespmem:$0x1FC00]  }
0x189: {  	v2 =	vadd.f32 v2, v3;
	v3 =	vld [tilespmem:s25+$0x6B0]  }
0x18a: {  	[tilespmem:s25+$0xC600] =	vst v63;
	v63 =	vld [tilespmem:$0x1FCF0]  }
0x18b: {  	v29 =	vld [tilespmem:$0x1FB40]  }
0x18c: {  	v31 =	vld [tilespmem:$0x1FB50]  }
0x18d: {  	v19 =	vld [tilespmem:$0x1FB30]  }
0x18e: {  	[tilespmem:s25+$0xC5B0] =	vst v7;
	v7 =	vld [tilespmem:$0x1FC20]  }
0x18f: {  	v3 =	vadd.f32 v63, v3;
	v63 =	vld [tilespmem:$0x1FD00]  }
0x190: {  	v11 =	vld [tilespmem:s25+$0x89F0]  }
0x191: {  	[tilespmem:$0x1FF70] =	vst v16;
	v16 =	vadd.f32 v31, v29;
	v31 =	vld [tilespmem:s25+$0x49E0]  }
0x192: {  	v28 =	vld [tilespmem:$0x1FBF0]  }
0x193: {  	[tilespmem:s25+$0xC5C0] =	vst v7;
	v7 =	vld [tilespmem:$0x1FC30]  }
0x194: {  	v5 =	vmul.f32 v5, v63;
	v63 =	vld [tilespmem:$0x1FD10]  }
0x195: {  	[tilespmem:$0x1FFE0] =	vst v11;
	v0 =	vmul.f32 v11, v11;
	v11 =	vld [tilespmem:$0x1FBC0]  }
0x196: {  	(v2sf) =	vpush v12, $0xF;
	v12 =	vld [tilespmem:$0x1FC40]  }
0x197: {  	v29 =	vld [tilespmem:s25+$0x49F0];
	[tilespmem:s25+$0xC5A0] =	vst v28  }
0x198: {  	v28 =	vpop (erf);
	[tilespmem:s25+$0xC5D0] =	vst v7;
	v7 =	vld [tilespmem:$0x1FC50]  }
0x199: {  	v28 =	vmul.f32 v28, v63;
	v63 =	vld [tilespmem:$0x1FD20]  }
0x19a: {  	[tilespmem:s25+$0xC580] =	vst v11;
	v11 =	vld [tilespmem:$0x1FC10];
	v1 =	vadd.f32 v1, v31  }
0x19b: {  	v4 =	vld [tilespmem:s25+$0x670]  }
0x19c: {  	v1 =	vadd.f32 v1, v2;
	v2 =	vmul.f32 $1.442695020e+00, v24;
	v24 =	vld [tilespmem:s25+$0x690]  }
0x19d: {  	v9 =	vmul.f32 v9, v7;
	v7 =	vld [tilespmem:$0x1FC70]  }
0x19e: {  	v20, _, _ =	vpop (xrf2);
	[tilespmem:s25+$0xC610] =	vst v63;
	v63 =	vld [tilespmem:$0x1FD30]  }
0x19f: {  	v22, _, _ =	vpop (xrf2);
	v0 =	vmul.f32 $5.000000000e-01, v0  }
0x1a0: {  	[tilespmem:s25+$0xC620] =	vst v26;
	v26 =	vld [tilespmem:$0x1FD50];
	v50, _, _ =	vpop (xrf2)  }
0x1a1: {  	(v2sf) =	vpush v20, $0xF;
	[tilespmem:s25+$0xC530] =	vst v19;
	v10 =	vmul.f32 v10, v12;
	v12 =	vld [tilespmem:s25+$0x6C0];
	v19, _, _ =	vpop (xrf2);
	v0 =	vadd.f32 v0, v29  }
0x1a2: {  	v11 =	vadd.f32 v11, v4;
	v4 =	vpop (erf);
	v7 =	vadd.f32 v7, v24;
	v24 =	vld [tilespmem:$0x1FC90]  }
0x1a3: {  	v0 =	vadd.f32 v0, v1;
	v1 =	vmul.f32 $1.442695020e+00, v30;
	v30 =	vpop (erf);
	v4 =	vmul.f32 v4, v63;
	v63 =	vld [tilespmem:$0x1FD40]  }
0x1a4: {  	(v2sf) =	vpush v22, $0xF;
	v22 =	vld [tilespmem:$0x1FD70];
	(erf) = vpow2.f32 v2;
	v2 =	vpop (erf)  }
0x1a5: {  	v18, _, _ =	vpop (xrf2);
	v2 =	vmul.f32 v2, v26;
	v26 =	vld [tilespmem:$0x1FD80]  }
0x1a6: {  	(erf) = vpow2.f32 v17;
	v17, _, _ =	vpop (xrf2)  }
0x1a7: {  	v8 =	vmul.f32 v8, v24;
	v24 =	vpop (erf)  }
0x1a8: {  	v10 =	vadd.f32 v10, v12;
	(erf) = vpow2.f32 v1;
	v1 =	vpop (erf);
	v12 =	vmul.f32 v30, v63;
	v63 =	vld [tilespmem:$0x1FD60]  }
0x1a9: {  	(xrf2) =	vadd.scan.msk.f32 $0xffff, v0;
	v0 =	vpop (erf);
	v1 =	vmul.f32 v1, v22;
	v22 =	vld [tilespmem:$0x1FD90]  }
0x1aa: {  	v0 =	vmul.f32 v0, v26;
	v26 =	vld [tilespmem:$0x1FDA0];
	_ =	sdelay $0x1  }
0x1ab: {  	(v2sf) =	vpush v50, $0xF;
	v50 =	vld [tilespmem:$0x1FDB0];
	v30 =	vpop (erf)  }
0x1ac: {  	(v2sf) =	vpush v19, $0xF;
	v19 =	vld [tilespmem:s25+$0x6E0];
	v20 =	vmul.f32 v24, v63;
	v24 =	vpop (erf)  }
0x1ad: {  	[tilespmem:s25+$0xC680] =	vst v27;
	v27 =	vld [tilespmem:s25+$0x710];
	v63 =	vpop (erf)  }
0x1ae: {  	[tilespmem:s25+$0xC640] =	vst v15;
	v15 =	vmul.f32 v30, v22;
	v22 =	vmul.f32 v24, v26;
	v24 =	vld [tilespmem:s25+$0x6D0];
	v30 =	vpop (erf)  }
0x1af: {  	[tilespmem:s25+$0xC630] =	vst v16;
	v26 =	vld [tilespmem:s25+$0x6F0];
	v16 =	vmul.f32 v30, v61;
	v61 =	vpop (erf)  }
0x1b0: {  	[tilespmem:s25+$0xC650] =	vst v14;
	v14 =	vmul.f32 v63, v50;
	v63 =	vmul.f32 $1.442695020e+00, v57;
	v30 =	vld [tilespmem:s25+$0x780];
	v50 =	vpop (erf)  }
0x1b1: {  	[tilespmem:s25+$0xC670] =	vst v11;
	v57 =	vmul.f32 $1.442695020e+00, v56;
	v11 =	vmul.f32 v50, v59;
	v59 =	vld [tilespmem:s25+$0x700]  }
0x1b2: {  	(v2sf) =	vpush v18, $0xF;
	(erf) = vpow2.f32 v63;
	v50 =	vld [tilespmem:s25+$0x720]  }
0x1b3: {  	[tilespmem:s25+$0xC660] =	vst v13;
	(v2sf) =	vpush v17, $0xF;
	v13 =	vmul.f32 v61, v60;
	v60, _, _ =	vpop (xrf2);
	(erf) = vpow2.f32 v57;
	v57 =	vld [tilespmem:s25+$0x740]  }
0x1b4: {  	v61 =	vmul.f32 $1.442695020e+00, v55;
	(v2sf) =	vpush v60, $0xF;
	v60 =	vmul.f32 $1.442695020e+00, v51;
	v51 =	vld [tilespmem:s25+$0x7A0]  }
0x1b5: {  	v63 =	vadd.f32 v9, v24;
	v24 =	vmul.f32 $1.442695020e+00, v54;
	v54 =	vld [tilespmem:s25+$0x730]  }
0x1b6: {  	(erf) = vpow2.f32 v61;
	v61 =	vld [tilespmem:s25+$0x750]  }
0x1b7: {  	v53 =	vmul.f32 $1.442695020e+00, v53;
	v55 =	vadd.f32 v8, v26;
	v26 =	vld [tilespmem:s25+$0x770]  }
0x1b8: {  	(erf) = vpow2.f32 v24;
	v24 =	vld [tilespmem:s25+$0x760]  }
0x1b9: {  	(erf) = vpow2.f32 v53;
	v53 =	vmul.f32 $1.442695020e+00, v44;
	v44 =	vld [tilespmem:s25+$0x800]  }
0x1ba: {  	v59 =	vadd.f32 v25, v59;
	v25 =	vmul.f32 $1.442695020e+00, v48;
	v48 =	vld [tilespmem:s25+$0x790]  }
0x1bb: {  	v4 =	vadd.f32 v4, v57;
	v57 =	vmul.f32 $1.442695020e+00, v41;
	v41 =	vmul.f32 $1.442695020e+00, v32;
	v32 =	vld [tilespmem:$0x1FE30]  }
0x1bc: {  	v6 =	vadd.f32 v6, v27;
	v56 =	vmul.f32 $1.442695020e+00, v52;
	v27 =	vadd.f32 v28, v54;
	v54 =	vld [tilespmem:s25+$0x7B0]  }
0x1bd: {  	[tilespmem:s25+$0xC6D0] =	vst v63;
	v63 =	vmul.f32 $1.442695020e+00, v49;
	v49 =	vadd.f32 v12, v61;
	v61 =	vld [tilespmem:s25+$0x7D0]  }
0x1be: {  	(erf) = vpow2.f32 v56;
	v56 =	vadd.f32 v20, v26;
	v26 =	vmul.f32 $1.442695020e+00, v35;
	v35 =	vld [tilespmem:s25+$0x7F0]  }
0x1bf: {  	v28 =	vmul.f32 $1.442695020e+00, v47;
	v47 =	vmul.f32 $1.442695020e+00, v46;
	v46 =	vld [tilespmem:s25+$0x810]  }
0x1c0: {  	(erf) = vpow2.f32 v60;
	[tilespmem:s25+$0xC700] =	vst v59;
	v59 =	vld [tilespmem:s25+$0x7C0]  }
0x1c1: {  	(erf) = vpow2.f32 v63;
	[tilespmem:s25+$0xC730] =	vst v27;
	v27 =	vld [tilespmem:s25+$0x7E0]  }
0x1c2: {  	(erf) = vpow2.f32 v25;
	[tilespmem:s25+$0xC750] =	vst v49;
	v25 =	vadd.f32 v15, v51;
	v49 =	vld [tilespmem:$0x1FDC0]  }
0x1c3: {  	[tilespmem:s25+$0xC770] =	vst v56;
	v56 =	vld [tilespmem:s25+$0x830]  }
0x1c4: {  	v5 =	vadd.f32 v5, v50;
	[tilespmem:s25+$0xC7A0] =	vst v25;
	v25 =	vld [tilespmem:$0x1FE10]  }
0x1c5: {  	v1 =	vadd.f32 v1, v30;
	v30 =	vadd.f32 v22, v54;
	v54 =	vld [tilespmem:$0x1FDD0]  }
0x1c6: {  	[tilespmem:s25+$0xC720] =	vst v5;
	v5 =	vadd.f32 v16, v61;
	v61 =	vld [tilespmem:s25+$0x840]  }
0x1c7: {  	v50 =	vmul.f32 $1.442695020e+00, v45;
	(erf) = vpow2.f32 v28;
	v22 =	vld [tilespmem:s25+$0x970]  }
0x1c8: {  	v60 =	vmul.f32 $1.442695020e+00, v40;
	v52 =	vpop (erf);
	(erf) = vpow2.f32 v47;
	v40 =	vadd.f32 v14, v59;
	v59 =	vld [tilespmem:$0x1FDE0]  }
0x1c9: {  	[tilespmem:s25+$0xC6F0] =	vst v55;
	v55 =	vpop (erf);
	(erf) = vpow2.f32 v50;
	v50 =	vmul.f32 v52, v49;
	v52 =	vld [tilespmem:s25+$0x820]  }
0x1ca: {  	v20 =	vpop (erf);
	(erf) = vpow2.f32 v53;
	[tilespmem:s25+$0xC7B0] =	vst v30;
	v30 =	vld [tilespmem:s25+$0x860]  }
0x1cb: {  	v63 =	vpop (erf);
	(erf) = vpow2.f32 v57;
	v57 =	vadd.f32 v11, v35;
	v35 =	vld [tilespmem:$0x1FE40]  }
0x1cc: {  	[tilespmem:s25+$0xC6A0] =	vst v23;
	v23 =	vmul.f32 $1.442695020e+00, v36;
	v2 =	vadd.f32 v2, v24;
	v24 =	vpop (erf);
	(erf) = vpow2.f32 v60;
	v60 =	vld [tilespmem:$0x1FDF0]  }
0x1cd: {  	[tilespmem:s25+$0xC7C0] =	vst v40;
	v40 =	vld [tilespmem:$0x1FE50]  }
0x1ce: {  	v28 =	vpop (erf);
	(erf) = vpow2.f32 v23;
	v23 =	vld [tilespmem:$0x1FE00]  }
0x1cf: {  	v12 =	vmul.f32 v28, v25;
	v28 =	vld [tilespmem:$0x1FE20]  }
0x1d0: {  	v33 =	vmul.f32 $1.442695020e+00, v33;
	[tilespmem:s25+$0xC760] =	vst v2;
	v47 =	vmul.f32 $1.442695020e+00, v34;
	v36 =	vpop (erf);
	v2 =	vadd.f32 v50, v44;
	v50 =	vld [tilespmem:$0x1FE80]  }
0x1d1: {  	[tilespmem:s25+$0xC7F0] =	vst v57;
	v57 =	vld [tilespmem:$0x1FEB0];
	(erf) = vpow2.f32 v26;
	v45 =	vpop (erf);
	v9 =	vmul.f32 v55, v54  }
0x1d2: {  	v0 =	vadd.f32 v0, v48;
	(erf) = vpow2.f32 v33;
	v48 =	vpop (erf);
	v15 =	vmul.f32 v45, v32;
	v45 =	vld [tilespmem:$0x1FE60]  }
0x1d3: {  	v53 =	vadd.f32 v13, v27;
	(erf) = vpow2.f32 v41;
	v51 =	vpop (erf);
	v27 =	vadd.f32 v9, v46;
	v46 =	vld [tilespmem:s25+$0x880]  }
0x1d4: {  	v8 =	vmul.f32 v20, v59;
	v55 =	vpop (erf);
	(erf) = vpow2.f32 v47;
	v47 =	vld [tilespmem:$0x1FE70]  }
0x1d5: {  	[tilespmem:s25+$0xC740] =	vst v4;
	v4 =	vmul.f32 v51, v40;
	v51 =	vld [tilespmem:s25+$0x890]  }
0x1d6: {  	v34 =	vadd.f32 v8, v52;
	v52 =	vld [tilespmem:$0x1FE90]  }
0x1d7: {  	v8 =	vmul.f32 v48, v35;
	v35 =	vld [tilespmem:$0x1FF10]  }
0x1d8: {  	v40 =	vld [tilespmem:s25+$0x8E0]  }
0x1d9: {  	[tilespmem:s25+$0xC7D0] =	vst v5;
	v5 =	vmul.f32 v24, v23;
	v24 =	vld [tilespmem:s25+$0x850]  }
0x1da: {  	[tilespmem:s25+$0xC710] =	vst v6;
	v6 =	vmul.f32 v36, v28;
	v36 =	vld [tilespmem:s25+$0x870]  }
0x1db: {  	v11 =	vmul.f32 v63, v60;
	v23 =	vld [tilespmem:$0x1FED0]  }
0x1dc: {  	[tilespmem:s25+$0xC810] =	vst v27;
	v27 =	vld [tilespmem:$0x1FEE0]  }
0x1dd: {  	v44 =	vadd.f32 v11, v56;
	v56 =	vld [tilespmem:s25+$0x8A0]  }
0x1de: {  	[tilespmem:s25+$0xC820] =	vst v34;
	v34 =	vld [tilespmem:s25+$0x8D0]  }
0x1df: {  	[tilespmem:s25+$0xC6C0] =	vst v10;
	v63 =	vpop (erf);
	v10 =	vmul.f32 v55, v45;
	v55 =	vld [tilespmem:$0x1FEA0]  }
0x1e0: {  	v26 =	vpop (erf);
	v49 =	vadd.f32 v5, v61;
	v61 =	vld [tilespmem:$0x1FEC0]  }
0x1e1: {  	v5 =	vmul.f32 v26, v50;
	v26 =	vld [tilespmem:s25+$0x8C0]  }
0x1e2: {  	v60 =	vadd.f32 v6, v30;
	v30 =	vld [tilespmem:$0x1FEF0]  }
0x1e3: {  	v45 =	vld [tilespmem:s25+$0x8F0]  }
0x1e4: {  	v32 =	vadd.f32 v8, v46;
	v46 =	vmul.f32 $1.442695020e+00, v62;
	v62 =	vld [tilespmem:s25+$0x940]  }
0x1e5: {  	v19 =	vadd.f32 v21, v19;
	v33 =	vpop (erf);
	v13 =	vmul.f32 v63, v47;
	v63 =	vld [tilespmem:s25+$0x8B0]  }
0x1e6: {  	s1 =	spop (v2sf);
	[tilespmem:s25+$0xC690] =	vst v7;
	v16 =	vmul.f32 v33, v52;
	v33 =	vld [tilespmem:$0x1FF00]  }
0x1e7: {  	s21 =	spop (v2sf);
	[tilespmem:s25+$0xC6E0] =	vst v19;
	v20 =	vmul.f32 $1.442695020e+00, v35;
	v35 =	vld [tilespmem:$0x1FF70]  }
0x1e8: {  	s7 =	spop (v2sf);
	v41 =	vpop (erf);
	[tilespmem:s25+$0xC840] =	vst v49;
	v49 =	vmul.f32 $1.442695020e+00, v58;
	v58 =	vmul.f32 $1.442695020e+00, v39;
	v39 =	vld [tilespmem:$0x1FF80]  }
0x1e9: {  	s20 =	spop (v2sf);
	[tilespmem:s25+$0xC6B0] =	vst v3;
	v48 =	vpop (erf);
	v52 =	vmul.f32 $1.442695020e+00, v43;
	v43 =	vld [tilespmem:$0x1FF90]  }
0x1ea: {  	s3 =	spop (v2sf);
	[tilespmem:s25+$0xC780] =	vst v1;
	v19 =	vmul.f32 v48, v57;
	v48 =	vld [tilespmem:s25+$0x900]  }
0x1eb: {  	s9 =	spop (v2sf);
	[tilespmem:s25+$0xC790] =	vst v0;
	v7 =	vmul.f32 v41, v55;
	v41 =	vld [tilespmem:$0x1FF20]  }
0x1ec: {  	s10 =	spop (v2sf);
	[tilespmem:s25+$0xC7E0] =	vst v53;
	v25 =	vadd.f32 v15, v36;
	v36 =	vadd.f32 v4, v51;
	v51 =	vld [tilespmem:s25+$0x910]  }
0x1ed: {  	s2 =	spop (v2sf);
	[tilespmem:s25+$0xC830] =	vst v44;
	v53 =	vpop (erf);
	v54 =	vadd.f32 v12, v24;
	v57 =	vld [tilespmem:s25+$0x930]  }
0x1ee: {  	s4 =	spop (v2sf);
	[tilespmem:s25+$0xC880] =	vst v32;
	v32 =	vld [tilespmem:s25+$0x9A0];
	v59 =	vpop (erf);
	v21 =	vmul.f32 $1.442695020e+00, v30  }
0x1ef: {  	s13 =	spop (v2sf);
	v18 =	vmul.f32 v59, v23;
	[tilespmem:s25+$0xC850] =	vst v54;
	v54 =	vld [tilespmem:s25+$0x920]  }
0x1f0: {  	s13 =	ssub.f32 $-1.176241300e+02, s13;
	[tilespmem:s25+$0xC860] =	vst v60;
	v23 =	vld [tilespmem:$0x1FF40];
	(erf) = vpow2.f32 v21;
	v14 =	vmul.f32 $1.442695020e+00, v41  }
0x1f1: {  	v60 =	vmul.f32 $1.442695020e+00, v38;
	v44 =	vadd.f32 v10, v56;
	[tilespmem:s25+$0xC870] =	vst v25;
	v25 =	vld [tilespmem:s25+$0x980];
	(erf) = vpow2.f32 v20  }
0x1f2: {  	v0 =	vmov s13;
	v6 =	vmul.f32 v53, v61;
	[tilespmem:s25+$0xC890] =	vst v36;
	v36 =	vld [tilespmem:s25+$0x9B0];
	(erf) = vpow2.f32 v14  }
0x1f3: {  	v50 =	vadd.f32 v5, v26;
	v53 =	vadd.f32 v16, v34;
	[tilespmem:s25+$0xC8A0] =	vst v44;
	v44 =	vld [tilespmem:s25+$0x9D0];
	(erf) = vpow2.f32 v46  }
0x1f4: {  	[tilespmem:s25+$0xC800] =	vst v2;
	v24 =	vpop (erf);
	v55 =	vmul.f32 $1.442695020e+00, v42;
	v47 =	vadd.f32 v13, v63;
	v13 =	vld [tilespmem:s25+$0x950];
	(erf) = vpow2.f32 v49  }
0x1f5: {  	v59 =	vadd.f32 v19, v45;
	v17 =	vmul.f32 v24, v27;
	v28 =	vpop (erf);
	[tilespmem:s25+$0xC8C0] =	vst v50;
	v20 =	vld [tilespmem:$0x1FF30];
	(erf) = vpow2.f32 v52  }
0x1f6: {  	v8 =	vmul.f32 v28, v33;
	v56 =	vadd.f32 v7, v40;
	[tilespmem:s25+$0xC8D0] =	vst v53;
	v28 =	vld [tilespmem:$0x1FF50];
	(erf) = vpow2.f32 v55  }
0x1f7: {  	v63 =	vmul.f32 $1.442695020e+00, v37;
	[tilespmem:s25+$0xC8F0] =	vst v59;
	v40 =	vld [tilespmem:s25+$0x9C0];
	v61 =	vadd.f32 v6, v48;
	(erf) = vpow2.f32 v58  }
0x1f8: {  	v12 =	vadd.f32 v18, v51;
	[tilespmem:s25+$0xC8B0] =	vst v47;
	v14 =	vmul.f32 $1.442695020e+00, v31;
	v31 =	vld [tilespmem:$0x1FF60];
	(erf) = vpow2.f32 v60  }
0x1f9: {  	s0 =	ssub.f32 $-1.176241300e+02, s0;
	v18 =	vmul.f32 $1.442695020e+00, v29;
	[tilespmem:s25+$0xC8E0] =	vst v56;
	v15 =	vadd.f32 v17, v54;
	v17 =	vld [tilespmem:s25+$0x960];
	v16 =	vpop (erf);
	(erf) = vpow2.f32 v63  }
0x1fa: {  	s31 =	ssub.f32 $-1.176241300e+02, s31;
	v29 =	vld [tilespmem:s25+$0x990];
	v19 =	vadd.f32 v8, v57;
	[tilespmem:s25+$0xC900] =	vst v61;
	v4 =	vmul.f32 v16, v20;
	v21 =	vpop (erf);
	(erf) = vpow2.f32 v14  }
0x1fb: {  	s30 =	ssub.f32 $-1.176241300e+02, s30;
	v0 =	vsel vm0, s0, v0;
	v48 =	vld [tilespmem:s25+$0x9E0];
	[tilespmem:s25+$0xC910] =	vst v12;
	v1 =	vmul.f32 v21, v23;
	v24 =	vpop (erf);
	(erf) = vpow2.f32 v18  }
0x1fc: {  	s29 =	ssub.f32 $-1.176241300e+02, s29;
	v0 =	vsel vm1, s31, v0;
	v47 =	vld [tilespmem:$0x1FFA0];
	[tilespmem:s25+$0xC930] =	vst v19;
	v27 =	vadd.f32 v4, v62;
	v26 =	vpop (erf);
	v4 =	vmul.f32 v24, v28  }
0x1fd: {  	s31 =	ssub.f32 $-1.176241300e+02, s28;
	v0 =	vsel vm2, s30, v0;
	v51 =	vld [tilespmem:$0x1FFB0];
	[tilespmem:s25+$0xC920] =	vst v15;
	v1 =	vadd.f32 v1, v13;
	v30 =	vpop (erf);
	v3 =	vmul.f32 v26, v31  }
0x1fe: {  	s26 =	ssub.f32 $-1.176241300e+02, s26;
	v0 =	vsel vm3, s29, v0;
	v55 =	vld [tilespmem:$0x1FFC0];
	[tilespmem:s25+$0xC940] =	vst v27;
	v33 =	vpop (erf);
	v34 =	vadd.f32 v4, v17;
	v4 =	vmul.f32 v30, v35  }
0x1ff: {  	s1 =	ssub.f32 $-1.176241300e+02, s1;
	v0 =	vsel vm4, s31, v0;
	v57 =	vld [tilespmem:$0x1FFD0];
	[tilespmem:s25+$0xC950] =	vst v1;
	v37 =	vpop (erf);
	v38 =	vadd.f32 v3, v22;
	v3 =	vmul.f32 v33, v39  }
0x200: {  	s13 =	ssub.f32 $-1.176241300e+02, s21;
	v0 =	vsel vm5, s26, v0;
	v60 =	vld [tilespmem:$0x1FFE0];
	v41 =	vpop (erf);
	[tilespmem:s25+$0xC960] =	vst v34;
	v42 =	vadd.f32 v4, v25;
	v4 =	vmul.f32 v37, v43  }
0x201: {  	s7 =	ssub.f32 $-1.176241300e+02, s7;
	v0 =	vsel vm6, s1, v0;
	v52 =	vld [tilespmem:s25+$0x9F0];
	v45 =	vpop (erf);
	[tilespmem:s25+$0xC970] =	vst v38;
	v46 =	vadd.f32 v3, v29;
	v3 =	vmul.f32 v41, v47  }
0x202: {  	s20 =	ssub.f32 $-1.176241300e+02, s20;
	v0 =	vsel vm7, s13, v0;
	v63 =	vld [tilespmem:$0x1FFF0];
	v49 =	vpop (erf);
	[tilespmem:s25+$0xC980] =	vst v42;
	v50 =	vadd.f32 v4, v32;
	v4 =	vmul.f32 v45, v51  }
0x203: {  	s21 =	ssub.f32 $-1.176241300e+02, s3;
	v0 =	vsel vm8, s7, v0;
	v53 =	vpop (erf);
	[tilespmem:s25+$0xC990] =	vst v46;
	v54 =	vadd.f32 v3, v36;
	v3 =	vmul.f32 v49, v55  }
0x204: {  	s26 =	ssub.f32 $-1.176241300e+02, s9;
	v0 =	vsel vm9, s20, v0;
	[tilespmem:s25+$0xC9A0] =	vst v50;
	v56 =	vadd.f32 v4, v40;
	v4 =	vmul.f32 v53, v57;
	v58 =	vpop (erf)  }
0x205: {  	p0 =	sne.s32 s24, $0x7;
	s28 =	ssub.f32 $-1.176241300e+02, s10;
	v0 =	vsel vm10, s21, v0;
	[tilespmem:s25+$0xC9B0] =	vst v54;
	v59 =	vadd.f32 v3, v44;
	v3 =	vmul.f32 v58, v60  }
.Ltmp0:
0x206: {  	s29 =	ssub.f32 $-1.176241300e+02, s2;
	v0 =	vsel vm11, s26, v0;
	[tilespmem:s25+$0xC9C0] =	vst v56;
	v61 =	vadd.f32 v4, v48;
	(pc) =	sbr.rel @p0 .LBB2_3-.Ltmp0, $4  }
0x207: {  	s30 =	ssub.f32 $-1.176241300e+02, s4;
	v0 =	vsel vm12, s28, v0;
	[tilespmem:s25+$0xC9D0] =	vst v59;
	v62 =	vadd.f32 v3, v52  }
0x208: {  	s31 =	sshll.u32 s24, $0x7;
	v0 =	vsel vm13, s29, v0;
	[tilespmem:s25+$0xC9E0] =	vst v61  }
0x209: {  	s0 =	sand.u32 $0x3FFFFF80, s31;
	v0 =	vsel vm14, s30, v0;
	[tilespmem:s25+$0xC9F0] =	vst v62  }
0x20a: {  	s24 =	sadd.s32 $0x1, s24;
	[tilespmem:v63+s0+$0x0 ss:$0x1] =	vst.idx.msk $0xffff, v0  }
0x20b: {  	s22 =	sadd.s32 $0x1, s22  }
0x20c: {  	s0 =	rddreg [dreg:$0x4];
	p0 =	sne.s32 s22, $0x4  }
.Ltmp1:
0x20d: {  	s0 =	sadd.s32 s0, s23;
	(pc) =	sbr.rel @p0 .LBB2_2-.Ltmp1, $4  }
0x20e: {  	[hbm4b:s0+s5] =	stream.linear.scatter [tilespmem:s19], [sflag:$0x4], $0x4000, $0x38;
	[tilespmem:$0x11200] =	vst v63  }
0x20f: {  	_ =	swait.ge [sflag:s11], $0x4000  }
0x210: {  	[sflag:s11] =	ssyncset.done $0x0  }
0x211: {  	[sflag:s11] =	ssyncadd.s32 $0xFFFFC000  }
0x212: {  	s0 =	rddreg [dreg:$0x7];
	s1 =	simm.s32 $0x10200  }
0x213: {  	[hbm4b:s0+s5] =	stream.linear.scatter [tilespmem:s1], [sflag:$0x4], $0x1000, $0x38;
	[tilespmem:$0x11200] =	vst v63  }
0x214: {  	_ =	swait.ge [sflag:s11], $0x1000  }
0x215: {  	s30 =	rddreg [dreg:$0x9]  }
0x216: {  	s31 =	rddreg [dreg:$0x8];
	s1 =	sadd.s32 $0x1, s30  }
0x217: {  	p0 =	sne.s32 s1, s31  }
.Ltmp2:
0x218: {  	_ = 	snop;
	(pc) =	sbr.rel @p0 .LBB2_1-.Ltmp2, $3  }
0x219: {  	_ =	sdelay $0x1  }
0x21a: {  	[sflag:s11] =	ssyncset.done $0x0  }
0x21b: {  	[sflag:s11] =	ssyncadd.s32 $0xFFFFF000  }
0x21c: {  	_ =	sfence.sel $0x180000  }
0x21d: {  	[bflag:$0x0] =	sbarrier.arrive $0xFFFF  }
0x21e: {  	_ =	strace $0x90000047  }
0x21f: {  	s0 =	stileid.u32;
	[bflag:$0x2] =	sbarrier.arrive $0xFFFF  }
0x220: {  	p0 =	sne.s32 s0, $0x0;
	s0 =	rddreg [dreg:$0x5]  }
0x221: {  	s0 =	sadd.s32 @!p0 $0x100000, s0  }
0x222: {  	[sflag:s0] =	ssyncadd.tile.s32 @!p0 $0x1;
	_ =	shalt  }
.Lfunc_end2:
_tile_overlayer_lowered:
.L_overlay_start_2:
0x223: {  	(tag) =	ssettag $0x2  }
0x224: {  	s0 =	rddreg [dreg:$0x0];
	s2 =	stileid.u32  }
0x225: {  	s1 =	rddreg [dreg:$0x1];
	p0 =	sne.s32 s2, $0x0  }
0x226: {  	s3 =	rddreg [dreg:$0x2];
	[bflag:$0x3] =	sbarrier.arrive $0xFFFF;
	s2 =	simm.s32 @!p0 $0x1C04  }
0x227: {  	[timem:s3], [sflag:s2] =	dma.local @!p0 [hbm:s0], s1  }
0x228: {  	s0 =	simm.s32 @!p0 $0x4  }
0x229: {  	_ =	swait.ge @!p0 [sflag:s0], s1  }
0x22a: {  	s1 =	ssub.s32 @!p0 $0x0, s1;
	[sflag:s0] =	ssyncset.done @!p0 $0x0  }
0x22b: {  	[sflag:s0] =	ssyncadd.s32 @!p0 s1  }
0x22c: {  	[bflag:$0x3] =	sbarrier.arrive $0xFFFF  }
0x22d: {  	_ =	shalt  }

</sc_bundles>
